<compile_context>
chip_gen: v7x
topology: tpu7x:2x2x1
jax: 0.10.2.dev20260603
libtpu: 0.0.44.dev20260713+nightly
codegen_flags: <defaults>
</compile_context>

<pallas_src>
import functools

import jax
import jax.numpy as jnp
from jax import lax
from jax.experimental import pallas as pl
from jax.experimental.pallas import tpu as pltpu
from jax.experimental.pallas import tpu_sc as plsc

N = 10000
E = 320000
D = 128

NC = 2
NS = 16
LANE = 16

CHUNK = 80
PER_TILE = E // (NC * NS)
NCHUNK = PER_TILE // CHUNK
GROUPS = CHUNK // LANE
QG = D // LANE
NSLOT = 4
NMAIN = (NCHUNK // NSLOT) * NSLOT



_BLK = 1000


def _dense_body(x_ref, w_ref, a_ref, b_ref, h_ref, wh_ref):
    h = jnp.dot(x_ref[...], w_ref[...], preferred_element_type=jnp.float32)
    h = h + b_ref[...]
    h_ref[...] = h
    wh_ref[...] = jnp.dot(h, a_ref[...], preferred_element_type=jnp.float32)


def _dense_stage(x, W, a2, bias2d):
    return pl.pallas_call(
        _dense_body,
        grid=(N // _BLK,),
        in_specs=[
            pl.BlockSpec((_BLK, D), lambda i: (i, 0)),
            pl.BlockSpec((D, D), lambda i: (0, 0)),
            pl.BlockSpec((D, 2), lambda i: (0, 0)),
            pl.BlockSpec((1, D), lambda i: (0, 0)),
        ],
        out_specs=[
            pl.BlockSpec((_BLK, D), lambda i: (i, 0)),
            pl.BlockSpec((_BLK, 2), lambda i: (i, 0)),
        ],
        out_shape=[
            jax.ShapeDtypeStruct((N, D), jnp.float32),
            jax.ShapeDtypeStruct((N, 2), jnp.float32),
        ],
    )(x, W, a2, bias2d)




def _sc_body(src_hbm, dst_hbm, wh1_hbm, wh2_hbm, h_hbm, acc_hbm, den_hbm,
             idxs_v, didx_v, e1r_v, e2r_v, attr_v, gbuf,
             den_sh, acc_sh,
             semi0, semi1, semi2, semi3,
             seme0, seme1, seme2, seme3,
             semr0, semr1, semr2, semr3,
             sema0, sema1, sema2, sema3,
             semd0, semd1, semd2, semd3):
    c = lax.axis_index("c")
    s = lax.axis_index("s")
    semi = (semi0, semi1, semi2, semi3)
    seme = (seme0, seme1, seme2, seme3)
    semr = (semr0, semr1, semr2, semr3)
    sema = (sema0, sema1, sema2, sema3)
    semd = (semd0, semd1, semd2, semd3)

    zeros16 = jnp.zeros((LANE,), jnp.float32)

    @pl.loop(0, CHUNK)
    def _(i):
        for q in range(QG):
            gbuf[0, i, pl.ds(q * LANE, LANE)] = zeros16

    dbase = s * 640
    dchunks = jnp.minimum(8, (N - dbase) // CHUNK)

    @pl.loop(0, dchunks)
    def _(t):
        pltpu.sync_copy(gbuf.at[0], acc_sh.at[pl.ds(dbase + t * CHUNK, CHUNK)])
        pltpu.sync_copy(gbuf.at[0, 0, pl.ds(0, CHUNK)],
                        den_sh.at[pl.ds(dbase + t * CHUNK, CHUNK)])

    plsc.subcore_barrier()

    ebase = (c * NS + s) * PER_TILE

    def i_start(j, b):
        pltpu.async_copy(src_hbm.at[pl.ds(ebase + j * CHUNK, CHUNK)],
                         idxs_v.at[b], semi[b])
        pltpu.async_copy(dst_hbm.at[pl.ds(ebase + j * CHUNK, CHUNK)],
                         didx_v.at[b], semi[b])

    def i_wait(b):
        pltpu.make_async_copy(src_hbm.at[pl.ds(0, CHUNK)], idxs_v.at[b],
                              semi[b]).wait()
        pltpu.make_async_copy(dst_hbm.at[pl.ds(0, CHUNK)], didx_v.at[b],
                              semi[b]).wait()

    def er_start(b):
        pltpu.async_copy(wh1_hbm.at[idxs_v.at[b]], e1r_v.at[b], seme[b])
        pltpu.async_copy(wh2_hbm.at[didx_v.at[b]], e2r_v.at[b], seme[b])
        pltpu.async_copy(h_hbm.at[didx_v.at[b]], gbuf.at[b], semr[b])

    def er_wait(b):
        pltpu.make_async_copy(wh1_hbm.at[idxs_v.at[b]], e1r_v.at[b],
                              seme[b]).wait()
        pltpu.make_async_copy(wh2_hbm.at[didx_v.at[b]], e2r_v.at[b],
                              seme[b]).wait()
        pltpu.make_async_copy(h_hbm.at[didx_v.at[b]], gbuf.at[b],
                              semr[b]).wait()

    def a_start(b):
        pltpu.async_copy(gbuf.at[b], acc_sh.at[idxs_v.at[b]], sema[b],
                         add=True)

    def a_wait(b):
        pltpu.make_async_copy(gbuf.at[b], acc_sh.at[idxs_v.at[b]],
                              sema[b]).wait()

    def d_start(b):
        pltpu.async_copy(attr_v.at[pl.ds(b * CHUNK, CHUNK)],
                         den_sh.at[idxs_v.at[b]], semd[b], add=True)

    def d_wait(b):
        pltpu.make_async_copy(attr_v.at[pl.ds(b * CHUNK, CHUNK)],
                              den_sh.at[idxs_v.at[b]], semd[b]).wait()

    i_start(0, 0)
    i_start(1, 1)
    i_wait(0)
    er_start(0)

    def chunk_body(j, b):
        bn = (b + 1) % NSLOT
        bn2 = (b + 2) % NSLOT
        jn2 = jnp.minimum(j + 2, NCHUNK - 1)

        @pl.when(j + 2 < NCHUNK)
        def _():
            @pl.when(j >= 2)
            def _():
                a_wait(bn2)
                d_wait(bn2)

            i_start(jn2, bn2)

        @pl.when(j + 1 < NCHUNK)
        def _():
            i_wait(bn)
            er_start(bn)

        er_wait(b)

        for k in range(GROUPS):
            sl = pl.ds(k * LANE, LANE)
            e = e1r_v[b, sl] + e2r_v[b, sl]
            e = jnp.where(e > 0.0, e, 0.2 * e)
            attr_v[pl.ds(b * CHUNK + k * LANE, LANE)] = jnp.exp(e)

        d_start(b)

        @pl.loop(0, CHUNK, unroll=2)
        def _(i):
            spl = plsc.load_gather(
                attr_v, [jnp.full((LANE,), b * CHUNK, jnp.int32) + i])
            for q in range(QG):
                csl = pl.ds(q * LANE, LANE)
                gbuf[b, i, csl] = gbuf[b, i, csl] * spl

        a_start(b)

    @pl.loop(0, NMAIN // NSLOT)
    def _(jj):
        for b in range(NSLOT):
            chunk_body(jj * NSLOT + b, b)

    for j in range(NMAIN, NCHUNK):
        chunk_body(j, j % NSLOT)

    for b in range(NSLOT):
        a_wait(b)
        d_wait(b)

    plsc.subcore_barrier()

    @pl.loop(0, dchunks)
    def _(t):
        rb = dbase + t * CHUNK
        pltpu.sync_copy(acc_sh.at[pl.ds(rb, CHUNK)],
                        acc_hbm.at[c, pl.ds(rb, CHUNK)])
        pltpu.sync_copy(den_sh.at[pl.ds(rb, CHUNK)],
                        attr_v.at[pl.ds(0, CHUNK)])
        pltpu.sync_copy(attr_v.at[pl.ds(0, CHUNK)],
                        den_hbm.at[pl.ds(c * N + rb, CHUNK)])


def _sc_stage(src, dst, wh1, wh2, h):
    mesh = plsc.VectorSubcoreMesh(core_axis_name="c", subcore_axis_name="s")
    kern = functools.partial(
        pl.kernel,
        out_type=[
            jax.ShapeDtypeStruct((NC, N, D), jnp.float32),
            jax.ShapeDtypeStruct((NC * N,), jnp.float32),
        ],
        mesh=mesh,
        compiler_params=pltpu.CompilerParams(needs_layout_passes=False),
        scratch_types=[
            pltpu.VMEM((NSLOT, CHUNK), jnp.int32),
            pltpu.VMEM((NSLOT, CHUNK), jnp.int32),
            pltpu.VMEM((NSLOT, CHUNK), jnp.float32),
            pltpu.VMEM((NSLOT, CHUNK), jnp.float32),
            pltpu.VMEM((NSLOT * CHUNK,), jnp.float32),
            pltpu.VMEM((NSLOT, CHUNK, D), jnp.float32),
            pltpu.VMEM_SHARED((N,), jnp.float32),
            pltpu.VMEM_SHARED((N, D), jnp.float32),
        ] + [pltpu.SemaphoreType.DMA] * (5 * NSLOT),
    )(_sc_body)
    return kern(src, dst, wh1, wh2, h)




def _comb_body(p_ref, d_ref, o_ref):
    den = d_ref[0] + d_ref[1]
    num = p_ref[0] + p_ref[1]
    o_ref[...] = jnp.where(den > 0.0, num / den, 0.0)


def _comb_stage(partials, denp):
    return pl.pallas_call(
        _comb_body,
        grid=(N // _BLK,),
        in_specs=[
            pl.BlockSpec((NC, _BLK, D), lambda i: (0, i, 0)),
            pl.BlockSpec((NC, _BLK, 1), lambda i: (0, i, 0)),
        ],
        out_specs=pl.BlockSpec((_BLK, D), lambda i: (i, 0)),
        out_shape=jax.ShapeDtypeStruct((N, D), jnp.float32),
    )(partials, denp)




def kernel(input, adj, W, a, bias):
    x = input.astype(jnp.float32)
    a2 = jnp.concatenate([a[:D], a[D:]], axis=1)
    bias2d = bias.reshape(1, D)
    h, wh = _dense_stage(x, W, a2, bias2d)
    wh1 = wh[:, 0]
    wh2 = wh[:, 1]
    src = adj[0]
    dst = adj[1]
    acc, den = _sc_stage(src, dst, wh1, wh2, h)
    return _comb_stage(acc, den.reshape(NC, N, 1))

# --- scband reference (transcript-rebuilt; emitter-appended) ---
"""Pipeline reference for scband-gatlayer-25546465476890 (READ-ONLY COPY).

The authoritative reference and input builder live on the scoring server;
editing this copy changes nothing except your own understanding.
"""

import jax, jax.numpy as jnp
import numpy as np

N = 10000
E = 320000
D_IN = 128
D_OUT = 128


def setup_inputs(seed: int = 0) -> dict:
    key = jax.random.key(seed)
    k1, k2, k3, k4, k5 = jax.random.split(key, 5)
    x = jax.random.normal(k1, (N, D_IN), dtype=jnp.float32)
    # COO indices of the sparse adjacency matrix: row (dst-of-softmax) = adj[0], col = adj[1]
    adj = jax.random.randint(k2, (2, E), 0, N, dtype=jnp.int32)
    stdv = 1.0 / np.sqrt(D_OUT)
    W = jax.random.uniform(k3, (D_IN, D_OUT), minval=-stdv, maxval=stdv, dtype=jnp.float32)
    a = jax.random.uniform(k4, (2 * D_OUT, 1), minval=-stdv, maxval=stdv, dtype=jnp.float32)
    bias = jax.random.uniform(k5, (D_OUT,), minval=-stdv, maxval=stdv, dtype=jnp.float32)
    return {"input": x, "adj": adj, "W": W, "a": a, "bias": bias}


def reference(input, adj, W, a, bias):
    # h = spmm(input, W) + bias  (input is dense here; spmm == matmul)
    h = input @ W + bias  # [N, D_OUT]
    Wh1 = h @ a[:D_OUT]   # [N, 1]
    Wh2 = h @ a[D_OUT:]   # [N, 1]
    src = adj[0]
    dst = adj[1]
    # e[i, j] = leakyrelu(Wh1[i] + Wh2[j], 0.2), evaluated only on the sparsity pattern
    e = Wh1[src, 0] + Wh2[dst, 0]  # [E]
    e = jnp.where(e > 0, e, 0.2 * e)
    # sparse softmax over dim=1 (per source row)
    row_max = jax.ops.segment_max(e, src, num_segments=N)
    ex = jnp.exp(e - row_max[src])
    denom = jax.ops.segment_sum(ex, src, num_segments=N)
    att = ex / denom[src]  # [E]
    # out = attention @ h  (sparse-dense matmul as edge gather + segment scatter-add)
    out = jax.ops.segment_sum(att[:, None] * h[dst], src, num_segments=N)  # [N, D_OUT]
    return out

if __name__ == "__main__":
    import jax
    _d = setup_inputs()
    print(jax.jit(kernel)(*tuple(_d.values())))

</pallas_src>

<mosaic_0001>
#map = affine_map<(d0, d1) -> (0)>
#map1 = affine_map<(d0, d1) -> (0, 0)>
#map2 = affine_map<(d0, d1) -> (0, 0, 0)>
module attributes {stable_mosaic.version = 14 : i64} {
  func.func @_sc_body(%arg0: i32, %arg1: i32, %arg2: memref<320000xi32, #tpu.memory_space<hbm>>, %arg3: memref<320000xi32, #tpu.memory_space<hbm>>, %arg4: memref<10000xf32, #tpu.memory_space<hbm>>, %arg5: memref<10000xf32, #tpu.memory_space<hbm>>, %arg6: memref<10000x128xf32, #tpu.memory_space<hbm>>, %arg7: memref<2x10000x128xf32, #tpu.memory_space<hbm>>, %arg8: memref<20000xf32, #tpu.memory_space<hbm>>, %arg9: memref<4x80xi32, #tpu.memory_space<vmem>>, %arg10: memref<4x80xi32, #tpu.memory_space<vmem>>, %arg11: memref<4x80xf32, #tpu.memory_space<vmem>>, %arg12: memref<4x80xf32, #tpu.memory_space<vmem>>, %arg13: memref<320xf32, #tpu.memory_space<vmem>>, %arg14: memref<4x80x128xf32, #tpu.memory_space<vmem>>, %arg15: memref<10000xf32, #tpu.memory_space<vmem_shared>>, %arg16: memref<10000x128xf32, #tpu.memory_space<vmem_shared>>, %arg17: memref<!tpu.dma_semaphore, #tpu.memory_space<semaphore_mem>>, %arg18: memref<!tpu.dma_semaphore, #tpu.memory_space<semaphore_mem>>, %arg19: memref<!tpu.dma_semaphore, #tpu.memory_space<semaphore_mem>>, %arg20: memref<!tpu.dma_semaphore, #tpu.memory_space<semaphore_mem>>, %arg21: memref<!tpu.dma_semaphore, #tpu.memory_space<semaphore_mem>>, %arg22: memref<!tpu.dma_semaphore, #tpu.memory_space<semaphore_mem>>, %arg23: memref<!tpu.dma_semaphore, #tpu.memory_space<semaphore_mem>>, %arg24: memref<!tpu.dma_semaphore, #tpu.memory_space<semaphore_mem>>, %arg25: memref<!tpu.dma_semaphore, #tpu.memory_space<semaphore_mem>>, %arg26: memref<!tpu.dma_semaphore, #tpu.memory_space<semaphore_mem>>, %arg27: memref<!tpu.dma_semaphore, #tpu.memory_space<semaphore_mem>>, %arg28: memref<!tpu.dma_semaphore, #tpu.memory_space<semaphore_mem>>, %arg29: memref<!tpu.dma_semaphore, #tpu.memory_space<semaphore_mem>>, %arg30: memref<!tpu.dma_semaphore, #tpu.memory_space<semaphore_mem>>, %arg31: memref<!tpu.dma_semaphore, #tpu.memory_space<semaphore_mem>>, %arg32: memref<!tpu.dma_semaphore, #tpu.memory_space<semaphore_mem>>, %arg33: memref<!tpu.dma_semaphore, #tpu.memory_space<semaphore_mem>>, %arg34: memref<!tpu.dma_semaphore, #tpu.memory_space<semaphore_mem>>, %arg35: memref<!tpu.dma_semaphore, #tpu.memory_space<semaphore_mem>>, %arg36: memref<!tpu.dma_semaphore, #tpu.memory_space<semaphore_mem>>) attributes {dimension_semantics = [#tpu.dimension_semantics<core_parallel>, #tpu.dimension_semantics<subcore_parallel>], iteration_bounds = array<i64: 2, 16>, scalar_prefetch = 0 : i64, scratch_operands = 28 : i64, tpu.core_type = #tpu.core_type<sc_vector_subcore>, window_params = [{transform_indices = #map}, {transform_indices = #map}, {transform_indices = #map}, {transform_indices = #map}, {transform_indices = #map1}, {transform_indices = #map2}, {transform_indices = #map}]} {
    %broadcast_in_dim3A = arith.constant 0.000000e+00 : f32
    %broadcast_in_dim3A_0 = vector.broadcast %broadcast_in_dim3A : f32 to vector<16xf32>
    %scan3A = arith.constant 0 : i32
    %scan3A_1 = arith.constant 80 : i32
    %scan3A_2 = arith.addi %scan3A, %scan3A_1 : i32
    %scan3A_3 = arith.constant 1 : i32
    scf.for %scan3A_399 = %scan3A to %scan3A_2 step %scan3A_3  : i32 {
      %mul3A_400 = arith.constant 1 : i32
      %mul3A_401 = arith.muli %scan3A_399, %mul3A_400 : i32
      %add3A_402 = arith.constant 0 : i32
      %add3A_403 = arith.addi %add3A_402, %mul3A_401 : i32
      %swap3A_404 = arith.constant 0 : i32
      %swap3A_405 = arith.index_cast %swap3A_404 : i32 to index
      %swap3A_406 = arith.index_cast %add3A_403 : i32 to index
      %swap3A_407 = arith.constant 0 : index
      %swap3A_408 = tpu.vector_load %arg14[%swap3A_405, %swap3A_406, %swap3A_407] {strides = array<i32>} : memref<4x80x128xf32, #tpu.memory_space<vmem>>, vector<16xf32>,
      tpu.vector_store %arg14[%swap3A_405, %swap3A_406, %swap3A_407], %broadcast_in_dim3A_0 {strides = array<i32>} : memref<4x80x128xf32, #tpu.memory_space<vmem>>, vector<16xf32>,
      %swap3A_409 = arith.constant 0 : i32
      %swap3A_410 = arith.index_cast %swap3A_409 : i32 to index
      %swap3A_411 = arith.index_cast %add3A_403 : i32 to index
      %swap3A_412 = arith.constant 16 : index
      %swap3A_413 = tpu.vector_load %arg14[%swap3A_410, %swap3A_411, %swap3A_412] {strides = array<i32>} : memref<4x80x128xf32, #tpu.memory_space<vmem>>, vector<16xf32>,
      tpu.vector_store %arg14[%swap3A_410, %swap3A_411, %swap3A_412], %broadcast_in_dim3A_0 {strides = array<i32>} : memref<4x80x128xf32, #tpu.memory_space<vmem>>, vector<16xf32>,
      %swap3A_414 = arith.constant 0 : i32
      %swap3A_415 = arith.index_cast %swap3A_414 : i32 to index
      %swap3A_416 = arith.index_cast %add3A_403 : i32 to index
      %swap3A_417 = arith.constant 32 : index
      %swap3A_418 = tpu.vector_load %arg14[%swap3A_415, %swap3A_416, %swap3A_417] {strides = array<i32>} : memref<4x80x128xf32, #tpu.memory_space<vmem>>, vector<16xf32>,
      tpu.vector_store %arg14[%swap3A_415, %swap3A_416, %swap3A_417], %broadcast_in_dim3A_0 {strides = array<i32>} : memref<4x80x128xf32, #tpu.memory_space<vmem>>, vector<16xf32>,
      %swap3A_419 = arith.constant 0 : i32
      %swap3A_420 = arith.index_cast %swap3A_419 : i32 to index
      %swap3A_421 = arith.index_cast %add3A_403 : i32 to index
      %swap3A_422 = arith.constant 48 : index
      %swap3A_423 = tpu.vector_load %arg14[%swap3A_420, %swap3A_421, %swap3A_422] {strides = array<i32>} : memref<4x80x128xf32, #tpu.memory_space<vmem>>, vector<16xf32>,
      tpu.vector_store %arg14[%swap3A_420, %swap3A_421, %swap3A_422], %broadcast_in_dim3A_0 {strides = array<i32>} : memref<4x80x128xf32, #tpu.memory_space<vmem>>, vector<16xf32>,
      %swap3A_424 = arith.constant 0 : i32
      %swap3A_425 = arith.index_cast %swap3A_424 : i32 to index
      %swap3A_426 = arith.index_cast %add3A_403 : i32 to index
      %swap3A_427 = arith.constant 64 : index
      %swap3A_428 = tpu.vector_load %arg14[%swap3A_425, %swap3A_426, %swap3A_427] {strides = array<i32>} : memref<4x80x128xf32, #tpu.memory_space<vmem>>, vector<16xf32>,
      tpu.vector_store %arg14[%swap3A_425, %swap3A_426, %swap3A_427], %broadcast_in_dim3A_0 {strides = array<i32>} : memref<4x80x128xf32, #tpu.memory_space<vmem>>, vector<16xf32>,
      %swap3A_429 = arith.constant 0 : i32
      %swap3A_430 = arith.index_cast %swap3A_429 : i32 to index
      %swap3A_431 = arith.index_cast %add3A_403 : i32 to index
      %swap3A_432 = arith.constant 80 : index
      %swap3A_433 = tpu.vector_load %arg14[%swap3A_430, %swap3A_431, %swap3A_432] {strides = array<i32>} : memref<4x80x128xf32, #tpu.memory_space<vmem>>, vector<16xf32>,
      tpu.vector_store %arg14[%swap3A_430, %swap3A_431, %swap3A_432], %broadcast_in_dim3A_0 {strides = array<i32>} : memref<4x80x128xf32, #tpu.memory_space<vmem>>, vector<16xf32>,
      %swap3A_434 = arith.constant 0 : i32
      %swap3A_435 = arith.index_cast %swap3A_434 : i32 to index
      %swap3A_436 = arith.index_cast %add3A_403 : i32 to index
      %swap3A_437 = arith.constant 96 : index
      %swap3A_438 = tpu.vector_load %arg14[%swap3A_435, %swap3A_436, %swap3A_437] {strides = array<i32>} : memref<4x80x128xf32, #tpu.memory_space<vmem>>, vector<16xf32>,
      tpu.vector_store %arg14[%swap3A_435, %swap3A_436, %swap3A_437], %broadcast_in_dim3A_0 {strides = array<i32>} : memref<4x80x128xf32, #tpu.memory_space<vmem>>, vector<16xf32>,
      %swap3A_439 = arith.constant 0 : i32
      %swap3A_440 = arith.index_cast %swap3A_439 : i32 to index
      %swap3A_441 = arith.index_cast %add3A_403 : i32 to index
      %swap3A_442 = arith.constant 112 : index
      %swap3A_443 = tpu.vector_load %arg14[%swap3A_440, %swap3A_441, %swap3A_442] {strides = array<i32>} : memref<4x80x128xf32, #tpu.memory_space<vmem>>, vector<16xf32>,
      tpu.vector_store %arg14[%swap3A_440, %swap3A_441, %swap3A_442], %broadcast_in_dim3A_0 {strides = array<i32>} : memref<4x80x128xf32, #tpu.memory_space<vmem>>, vector<16xf32>,
    }
    %scan3A_4 = arith.constant 80 : i32
    %mul3A = arith.constant 640 : i32
    %mul3A_5 = arith.muli %arg1, %mul3A : i32
    %sub3A = arith.constant 10000 : i32
    %sub3A_6 = arith.subi %sub3A, %mul3A_5 : i32
    %jit3A = arith.constant 80 : i32
    %div3A = arith.divsi %sub3A_6, %jit3A : i32
    %sign3A = arith.constant 0 : i32
    %sign3A_7 = arith.cmpi sgt, %sub3A_6, %sign3A : i32
    %sign3A_8 = arith.extui %sign3A_7 : i1 to i32
    %sign3A_9 = arith.constant 0 : i32
    %sign3A_10 = arith.cmpi slt, %sub3A_6, %sign3A_9 : i32
    %sign3A_11 = arith.extui %sign3A_10 : i1 to i32
    %sign3A_12 = arith.subi %sign3A_8, %sign3A_11 : i32
    %sign3A_13 = arith.constant 0 : i32
    %sign3A_14 = arith.cmpi sgt, %jit3A, %sign3A_13 : i32
    %sign3A_15 = arith.extui %sign3A_14 : i1 to i32
    %sign3A_16 = arith.constant 0 : i32
    %sign3A_17 = arith.cmpi slt, %jit3A, %sign3A_16 : i32
    %sign3A_18 = arith.extui %sign3A_17 : i1 to i32
    %sign3A_19 = arith.subi %sign3A_15, %sign3A_18 : i32
    %ne3A = arith.cmpi ne, %sign3A_12, %sign3A_19 : i32
    %rem3A = arith.remsi %sub3A_6, %jit3A : i32
    %ne3A_20 = arith.constant 0 : i32
    %ne3A_21 = arith.cmpi ne, %rem3A, %ne3A_20 : i32
    %and3A = arith.andi %ne3A, %ne3A_21 : i1
    %sub3A_22 = arith.constant 1 : i32
    %sub3A_23 = arith.subi %div3A, %sub3A_22 : i32
    %select_n3A = arith.select %and3A, %sub3A_23, %div3A : i32
    %min3A = arith.constant 8 : i32
    %min3A_24 = arith.minsi %min3A, %select_n3A : i32
    %sub3A_25 = arith.constant 0 : i32
    %sub3A_26 = arith.subi %min3A_24, %sub3A_25 : i32
    %sub3A_27 = arith.constant 1 : i32
    %sub3A_28 = arith.constant 1 : i32
    %sub3A_29 = arith.subi %sub3A_27, %sub3A_28 : i32
    %add3A = arith.addi %sub3A_26, %sub3A_29 : i32
    %div3A_30 = arith.constant 1 : i32
    %div3A_31 = arith.divsi %add3A, %div3A_30 : i32
    %while3A = arith.constant 1 : i32
    %while3A_32 = arith.constant 0 : i32
    %while3A_33 = arith.constant 0 : i32
    %while3A_34 = arith.subi %div3A_31, %while3A_33 : i32
    %while3A_35 = arith.addi %while3A_33, %while3A_34 : i32
    %while3A_36 = arith.constant 1 : i32
    %while3A_37 = arith.divsi %while3A_34, %while3A_36 : i32
    %while3A_38 = arith.muli %while3A_37, %while3A_36 : i32
    %while3A_39 = arith.addi %while3A_33, %while3A_38 : i32
    %while3A_40 = arith.constant 1 : i32
    scf.for %while3A_399 = %while3A_33 to %while3A_39 step %while3A_40  : i32 {
      %mul3A_400 = arith.muli %while3A_399, %while3A : i32
      %add3A_401 = arith.addi %while3A_32, %mul3A_400 : i32
      %mul3A_402 = arith.constant 80 : i32
      %mul3A_403 = arith.muli %add3A_401, %mul3A_402 : i32
      %add3A_404 = arith.addi %mul3A_5, %mul3A_403 : i32
      %run_scoped3A = arith.constant 0 : i32
      "tpu.region"() ({
        %run_scoped3A_410 = tpu.sem_alloc : memref<!tpu.dma_semaphore, #tpu.memory_space<semaphore_mem>>
        %dma_start3A_411 = arith.constant 0 : i32
        %dma_start3A_412 = arith.constant 0 : i32
        %dma_start3A_413 = tpu.memref_slice %arg14[%run_scoped3A, %dma_start3A_411, %dma_start3A_412] : memref<4x80x128xf32, #tpu.memory_space<vmem>> -> memref<1x80x128xf32, #tpu.memory_space<vmem>>
        %dma_start3A_414 = tpu.memref_squeeze %dma_start3A_413 : memref<1x80x128xf32, #tpu.memory_space<vmem>> -> memref<80x128xf32, #tpu.memory_space<vmem>>
        %dma_start3A_415 = arith.constant 0 : i32
        %dma_start3A_416 = tpu.memref_slice %arg16[%add3A_404, %dma_start3A_415] : memref<10000x128xf32, #tpu.memory_space<vmem_shared>> -> memref<80x128xf32, #tpu.memory_space<vmem_shared>>
        %dma_start3A_417 = arith.constant 0 : i32
        %dma_start3A_418 = tpu.memref_slice %arg16[%add3A_404, %dma_start3A_417] : memref<10000x128xf32, #tpu.memory_space<vmem_shared>> -> memref<80x128xf32, #tpu.memory_space<vmem_shared>>
        %dma_start3A_419 = arith.constant 0 : i32
        %dma_start3A_420 = arith.constant 0 : i32
        %dma_start3A_421 = tpu.memref_slice %arg14[%run_scoped3A, %dma_start3A_419, %dma_start3A_420] : memref<4x80x128xf32, #tpu.memory_space<vmem>> -> memref<1x80x128xf32, #tpu.memory_space<vmem>>
        %dma_start3A_422 = tpu.memref_squeeze %dma_start3A_421 : memref<1x80x128xf32, #tpu.memory_space<vmem>> -> memref<80x128xf32, #tpu.memory_space<vmem>>
        tpu.enqueue_dma source(%dma_start3A_422 : memref<80x128xf32, #tpu.memory_space<vmem>>) target(%dma_start3A_418 : memref<80x128xf32, #tpu.memory_space<vmem_shared>>) target_semaphore(%run_scoped3A_410 : memref<!tpu.dma_semaphore, #tpu.memory_space<semaphore_mem>>)
        %dma_wait3A_423 = arith.constant 0 : i32
        %dma_wait3A_424 = arith.constant 0 : i32
        %dma_wait3A_425 = tpu.memref_slice %arg14[%run_scoped3A, %dma_wait3A_423, %dma_wait3A_424] : memref<4x80x128xf32, #tpu.memory_space<vmem>> -> memref<1x80x128xf32, #tpu.memory_space<vmem>>
        %dma_wait3A_426 = tpu.memref_squeeze %dma_wait3A_425 : memref<1x80x128xf32, #tpu.memory_space<vmem>> -> memref<80x128xf32, #tpu.memory_space<vmem>>
        %dma_wait3A_427 = arith.constant 0 : i32
        %dma_wait3A_428 = tpu.memref_slice %arg16[%add3A_404, %dma_wait3A_427] : memref<10000x128xf32, #tpu.memory_space<vmem_shared>> -> memref<80x128xf32, #tpu.memory_space<vmem_shared>>
        %dma_wait3A_429 = arith.constant 0 : i32
        %dma_wait3A_430 = tpu.memref_slice %arg16[%add3A_404, %dma_wait3A_429] : memref<10000x128xf32, #tpu.memory_space<vmem_shared>> -> memref<80x128xf32, #tpu.memory_space<vmem_shared>>
        %dma_wait3A_431 = arith.constant 0 : i32
        %dma_wait3A_432 = arith.constant 0 : i32
        %dma_wait3A_433 = tpu.memref_slice %arg14[%run_scoped3A, %dma_wait3A_431, %dma_wait3A_432] : memref<4x80x128xf32, #tpu.memory_space<vmem>> -> memref<1x80x128xf32, #tpu.memory_space<vmem>>
        %dma_wait3A_434 = tpu.memref_squeeze %dma_wait3A_433 : memref<1x80x128xf32, #tpu.memory_space<vmem>> -> memref<80x128xf32, #tpu.memory_space<vmem>>
        tpu.wait_dma2 semaphore(%run_scoped3A_410 : memref<!tpu.dma_semaphore, #tpu.memory_space<semaphore_mem>>) src(%dma_wait3A_434 : memref<80x128xf32, #tpu.memory_space<vmem>>) dst(%dma_wait3A_430 : memref<80x128xf32, #tpu.memory_space<vmem_shared>>)
        tpu.yield
      }) : () -> ()
      %mul3A_405 = arith.constant 80 : i32
      %mul3A_406 = arith.muli %add3A_401, %mul3A_405 : i32
      %add3A_407 = arith.addi %mul3A_5, %mul3A_406 : i32
      %run_scoped3A_408 = arith.constant 0 : i32
      %run_scoped3A_409 = arith.constant 0 : i32
      "tpu.region"() ({
        %run_scoped3A_410 = tpu.sem_alloc : memref<!tpu.dma_semaphore, #tpu.memory_space<semaphore_mem>>
        %dma_start3A_411 = arith.constant 0 : i32
        %dma_start3A_412 = tpu.memref_slice %arg14[%run_scoped3A_408, %run_scoped3A_409, %dma_start3A_411] : memref<4x80x128xf32, #tpu.memory_space<vmem>> -> memref<1x1x80xf32, #tpu.memory_space<vmem>>
        %dma_start3A_413 = tpu.memref_squeeze %dma_start3A_412 : memref<1x1x80xf32, #tpu.memory_space<vmem>> -> memref<80xf32, #tpu.memory_space<vmem>>
        %dma_start3A_414 = tpu.memref_slice %arg15[%add3A_407] : memref<10000xf32, #tpu.memory_space<vmem_shared>> -> memref<80xf32, #tpu.memory_space<vmem_shared>>
        %dma_start3A_415 = tpu.memref_slice %arg15[%add3A_407] : memref<10000xf32, #tpu.memory_space<vmem_shared>> -> memref<80xf32, #tpu.memory_space<vmem_shared>>
        %dma_start3A_416 = arith.constant 0 : i32
        %dma_start3A_417 = tpu.memref_slice %arg14[%run_scoped3A_408, %run_scoped3A_409, %dma_start3A_416] : memref<4x80x128xf32, #tpu.memory_space<vmem>> -> memref<1x1x80xf32, #tpu.memory_space<vmem>>
        %dma_start3A_418 = tpu.memref_squeeze %dma_start3A_417 : memref<1x1x80xf32, #tpu.memory_space<vmem>> -> memref<80xf32, #tpu.memory_space<vmem>>
        tpu.enqueue_dma source(%dma_start3A_418 : memref<80xf32, #tpu.memory_space<vmem>>) target(%dma_start3A_415 : memref<80xf32, #tpu.memory_space<vmem_shared>>) target_semaphore(%run_scoped3A_410 : memref<!tpu.dma_semaphore, #tpu.memory_space<semaphore_mem>>)
        %dma_wait3A_419 = arith.constant 0 : i32
        %dma_wait3A_420 = tpu.memref_slice %arg14[%run_scoped3A_408, %run_scoped3A_409, %dma_wait3A_419] : memref<4x80x128xf32, #tpu.memory_space<vmem>> -> memref<1x1x80xf32, #tpu.memory_space<vmem>>
        %dma_wait3A_421 = tpu.memref_squeeze %dma_wait3A_420 : memref<1x1x80xf32, #tpu.memory_space<vmem>> -> memref<80xf32, #tpu.memory_space<vmem>>
        %dma_wait3A_422 = tpu.memref_slice %arg15[%add3A_407] : memref<10000xf32, #tpu.memory_space<vmem_shared>> -> memref<80xf32, #tpu.memory_space<vmem_shared>>
        %dma_wait3A_423 = tpu.memref_slice %arg15[%add3A_407] : memref<10000xf32, #tpu.memory_space<vmem_shared>> -> memref<80xf32, #tpu.memory_space<vmem_shared>>
        %dma_wait3A_424 = arith.constant 0 : i32
        %dma_wait3A_425 = tpu.memref_slice %arg14[%run_scoped3A_408, %run_scoped3A_409, %dma_wait3A_424] : memref<4x80x128xf32, #tpu.memory_space<vmem>> -> memref<1x1x80xf32, #tpu.memory_space<vmem>>
        %dma_wait3A_426 = tpu.memref_squeeze %dma_wait3A_425 : memref<1x1x80xf32, #tpu.memory_space<vmem>> -> memref<80xf32, #tpu.memory_space<vmem>>
        tpu.wait_dma2 semaphore(%run_scoped3A_410 : memref<!tpu.dma_semaphore, #tpu.memory_space<semaphore_mem>>) src(%dma_wait3A_426 : memref<80xf32, #tpu.memory_space<vmem>>) dst(%dma_wait3A_423 : memref<80xf32, #tpu.memory_space<vmem_shared>>)
        tpu.yield
      }) : () -> ()
    }
    %while3A_41 = arith.constant 1 : i32
    scf.for %while3A_399 = %while3A_39 to %while3A_35 step %while3A_41  : i32 {
      %mul3A_400 = arith.muli %while3A_399, %while3A : i32
      %add3A_401 = arith.addi %while3A_32, %mul3A_400 : i32
      %mul3A_402 = arith.constant 80 : i32
      %mul3A_403 = arith.muli %add3A_401, %mul3A_402 : i32
      %add3A_404 = arith.addi %mul3A_5, %mul3A_403 : i32
      %run_scoped3A = arith.constant 0 : i32
      "tpu.region"() ({
        %run_scoped3A_410 = tpu.sem_alloc : memref<!tpu.dma_semaphore, #tpu.memory_space<semaphore_mem>>
        %dma_start3A_411 = arith.constant 0 : i32
        %dma_start3A_412 = arith.constant 0 : i32
        %dma_start3A_413 = tpu.memref_slice %arg14[%run_scoped3A, %dma_start3A_411, %dma_start3A_412] : memref<4x80x128xf32, #tpu.memory_space<vmem>> -> memref<1x80x128xf32, #tpu.memory_space<vmem>>
        %dma_start3A_414 = tpu.memref_squeeze %dma_start3A_413 : memref<1x80x128xf32, #tpu.memory_space<vmem>> -> memref<80x128xf32, #tpu.memory_space<vmem>>
        %dma_start3A_415 = arith.constant 0 : i32
        %dma_start3A_416 = tpu.memref_slice %arg16[%add3A_404, %dma_start3A_415] : memref<10000x128xf32, #tpu.memory_space<vmem_shared>> -> memref<80x128xf32, #tpu.memory_space<vmem_shared>>
        %dma_start3A_417 = arith.constant 0 : i32
        %dma_start3A_418 = tpu.memref_slice %arg16[%add3A_404, %dma_start3A_417] : memref<10000x128xf32, #tpu.memory_space<vmem_shared>> -> memref<80x128xf32, #tpu.memory_space<vmem_shared>>
        %dma_start3A_419 = arith.constant 0 : i32
        %dma_start3A_420 = arith.constant 0 : i32
        %dma_start3A_421 = tpu.memref_slice %arg14[%run_scoped3A, %dma_start3A_419, %dma_start3A_420] : memref<4x80x128xf32, #tpu.memory_space<vmem>> -> memref<1x80x128xf32, #tpu.memory_space<vmem>>
        %dma_start3A_422 = tpu.memref_squeeze %dma_start3A_421 : memref<1x80x128xf32, #tpu.memory_space<vmem>> -> memref<80x128xf32, #tpu.memory_space<vmem>>
        tpu.enqueue_dma source(%dma_start3A_422 : memref<80x128xf32, #tpu.memory_space<vmem>>) target(%dma_start3A_418 : memref<80x128xf32, #tpu.memory_space<vmem_shared>>) target_semaphore(%run_scoped3A_410 : memref<!tpu.dma_semaphore, #tpu.memory_space<semaphore_mem>>)
        %dma_wait3A_423 = arith.constant 0 : i32
        %dma_wait3A_424 = arith.constant 0 : i32
        %dma_wait3A_425 = tpu.memref_slice %arg14[%run_scoped3A, %dma_wait3A_423, %dma_wait3A_424] : memref<4x80x128xf32, #tpu.memory_space<vmem>> -> memref<1x80x128xf32, #tpu.memory_space<vmem>>
        %dma_wait3A_426 = tpu.memref_squeeze %dma_wait3A_425 : memref<1x80x128xf32, #tpu.memory_space<vmem>> -> memref<80x128xf32, #tpu.memory_space<vmem>>
        %dma_wait3A_427 = arith.constant 0 : i32
        %dma_wait3A_428 = tpu.memref_slice %arg16[%add3A_404, %dma_wait3A_427] : memref<10000x128xf32, #tpu.memory_space<vmem_shared>> -> memref<80x128xf32, #tpu.memory_space<vmem_shared>>
        %dma_wait3A_429 = arith.constant 0 : i32
        %dma_wait3A_430 = tpu.memref_slice %arg16[%add3A_404, %dma_wait3A_429] : memref<10000x128xf32, #tpu.memory_space<vmem_shared>> -> memref<80x128xf32, #tpu.memory_space<vmem_shared>>
        %dma_wait3A_431 = arith.constant 0 : i32
        %dma_wait3A_432 = arith.constant 0 : i32
        %dma_wait3A_433 = tpu.memref_slice %arg14[%run_scoped3A, %dma_wait3A_431, %dma_wait3A_432] : memref<4x80x128xf32, #tpu.memory_space<vmem>> -> memref<1x80x128xf32, #tpu.memory_space<vmem>>
        %dma_wait3A_434 = tpu.memref_squeeze %dma_wait3A_433 : memref<1x80x128xf32, #tpu.memory_space<vmem>> -> memref<80x128xf32, #tpu.memory_space<vmem>>
        tpu.wait_dma2 semaphore(%run_scoped3A_410 : memref<!tpu.dma_semaphore, #tpu.memory_space<semaphore_mem>>) src(%dma_wait3A_434 : memref<80x128xf32, #tpu.memory_space<vmem>>) dst(%dma_wait3A_430 : memref<80x128xf32, #tpu.memory_space<vmem_shared>>)
        tpu.yield
      }) : () -> ()
      %mul3A_405 = arith.constant 80 : i32
      %mul3A_406 = arith.muli %add3A_401, %mul3A_405 : i32
      %add3A_407 = arith.addi %mul3A_5, %mul3A_406 : i32
      %run_scoped3A_408 = arith.constant 0 : i32
      %run_scoped3A_409 = arith.constant 0 : i32
      "tpu.region"() ({
        %run_scoped3A_410 = tpu.sem_alloc : memref<!tpu.dma_semaphore, #tpu.memory_space<semaphore_mem>>
        %dma_start3A_411 = arith.constant 0 : i32
        %dma_start3A_412 = tpu.memref_slice %arg14[%run_scoped3A_408, %run_scoped3A_409, %dma_start3A_411] : memref<4x80x128xf32, #tpu.memory_space<vmem>> -> memref<1x1x80xf32, #tpu.memory_space<vmem>>
        %dma_start3A_413 = tpu.memref_squeeze %dma_start3A_412 : memref<1x1x80xf32, #tpu.memory_space<vmem>> -> memref<80xf32, #tpu.memory_space<vmem>>
        %dma_start3A_414 = tpu.memref_slice %arg15[%add3A_407] : memref<10000xf32, #tpu.memory_space<vmem_shared>> -> memref<80xf32, #tpu.memory_space<vmem_shared>>
        %dma_start3A_415 = tpu.memref_slice %arg15[%add3A_407] : memref<10000xf32, #tpu.memory_space<vmem_shared>> -> memref<80xf32, #tpu.memory_space<vmem_shared>>
        %dma_start3A_416 = arith.constant 0 : i32
        %dma_start3A_417 = tpu.memref_slice %arg14[%run_scoped3A_408, %run_scoped3A_409, %dma_start3A_416] : memref<4x80x128xf32, #tpu.memory_space<vmem>> -> memref<1x1x80xf32, #tpu.memory_space<vmem>>
        %dma_start3A_418 = tpu.memref_squeeze %dma_start3A_417 : memref<1x1x80xf32, #tpu.memory_space<vmem>> -> memref<80xf32, #tpu.memory_space<vmem>>
        tpu.enqueue_dma source(%dma_start3A_418 : memref<80xf32, #tpu.memory_space<vmem>>) target(%dma_start3A_415 : memref<80xf32, #tpu.memory_space<vmem_shared>>) target_semaphore(%run_scoped3A_410 : memref<!tpu.dma_semaphore, #tpu.memory_space<semaphore_mem>>)
        %dma_wait3A_419 = arith.constant 0 : i32
        %dma_wait3A_420 = tpu.memref_slice %arg14[%run_scoped3A_408, %run_scoped3A_409, %dma_wait3A_419] : memref<4x80x128xf32, #tpu.memory_space<vmem>> -> memref<1x1x80xf32, #tpu.memory_space<vmem>>
        %dma_wait3A_421 = tpu.memref_squeeze %dma_wait3A_420 : memref<1x1x80xf32, #tpu.memory_space<vmem>> -> memref<80xf32, #tpu.memory_space<vmem>>
        %dma_wait3A_422 = tpu.memref_slice %arg15[%add3A_407] : memref<10000xf32, #tpu.memory_space<vmem_shared>> -> memref<80xf32, #tpu.memory_space<vmem_shared>>
        %dma_wait3A_423 = tpu.memref_slice %arg15[%add3A_407] : memref<10000xf32, #tpu.memory_space<vmem_shared>> -> memref<80xf32, #tpu.memory_space<vmem_shared>>
        %dma_wait3A_424 = arith.constant 0 : i32
        %dma_wait3A_425 = tpu.memref_slice %arg14[%run_scoped3A_408, %run_scoped3A_409, %dma_wait3A_424] : memref<4x80x128xf32, #tpu.memory_space<vmem>> -> memref<1x1x80xf32, #tpu.memory_space<vmem>>
        %dma_wait3A_426 = tpu.memref_squeeze %dma_wait3A_425 : memref<1x1x80xf32, #tpu.memory_space<vmem>> -> memref<80xf32, #tpu.memory_space<vmem>>
        tpu.wait_dma2 semaphore(%run_scoped3A_410 : memref<!tpu.dma_semaphore, #tpu.memory_space<semaphore_mem>>) src(%dma_wait3A_426 : memref<80xf32, #tpu.memory_space<vmem>>) dst(%dma_wait3A_423 : memref<80xf32, #tpu.memory_space<vmem_shared>>)
        tpu.yield
      }) : () -> ()
    }
    %barrier3A = arith.constant 0 : index
    tpu.barrier barrier_id(%barrier3A)
    %mul3A_42 = arith.constant 16 : i32
    %mul3A_43 = arith.muli %arg0, %mul3A_42 : i32
    %add3A_44 = arith.addi %mul3A_43, %arg1 : i32
    %mul3A_45 = arith.constant 10000 : i32
    %mul3A_46 = arith.muli %add3A_44, %mul3A_45 : i32
    %add3A_47 = arith.constant 0 : i32
    %add3A_48 = arith.addi %mul3A_46, %add3A_47 : i32
    %dma_start3A = arith.constant 0 : i32
    %dma_start3A_49 = arith.constant 0 : i32
    %dma_start3A_50 = tpu.memref_slice %arg9[%dma_start3A, %dma_start3A_49] : memref<4x80xi32, #tpu.memory_space<vmem>> -> memref<1x80xi32, #tpu.memory_space<vmem>>
    %dma_start3A_51 = tpu.memref_squeeze %dma_start3A_50 : memref<1x80xi32, #tpu.memory_space<vmem>> -> memref<80xi32, #tpu.memory_space<vmem>>
    %dma_start3A_52 = tpu.memref_slice %arg2[%add3A_48] : memref<320000xi32, #tpu.memory_space<hbm>> -> memref<80xi32, #tpu.memory_space<hbm>>
    %dma_start3A_53 = arith.constant 0 : i32
    %dma_start3A_54 = tpu.memref_slice %arg9[%dma_start3A, %dma_start3A_53] : memref<4x80xi32, #tpu.memory_space<vmem>> -> memref<1x80xi32, #tpu.memory_space<vmem>>
    %dma_start3A_55 = tpu.memref_squeeze %dma_start3A_54 : memref<1x80xi32, #tpu.memory_space<vmem>> -> memref<80xi32, #tpu.memory_space<vmem>>
    %dma_start3A_56 = tpu.memref_slice %arg2[%add3A_48] : memref<320000xi32, #tpu.memory_space<hbm>> -> memref<80xi32, #tpu.memory_space<hbm>>
    tpu.enqueue_dma source(%dma_start3A_56 : memref<80xi32, #tpu.memory_space<hbm>>) target(%dma_start3A_55 : memref<80xi32, #tpu.memory_space<vmem>>) target_semaphore(%arg17 : memref<!tpu.dma_semaphore, #tpu.memory_space<semaphore_mem>>)
    %add3A_57 = arith.constant 0 : i32
    %add3A_58 = arith.addi %mul3A_46, %add3A_57 : i32
    %dma_start3A_59 = arith.constant 0 : i32
    %dma_start3A_60 = arith.constant 0 : i32
    %dma_start3A_61 = tpu.memref_slice %arg10[%dma_start3A_59, %dma_start3A_60] : memref<4x80xi32, #tpu.memory_space<vmem>> -> memref<1x80xi32, #tpu.memory_space<vmem>>
    %dma_start3A_62 = tpu.memref_squeeze %dma_start3A_61 : memref<1x80xi32, #tpu.memory_space<vmem>> -> memref<80xi32, #tpu.memory_space<vmem>>
    %dma_start3A_63 = tpu.memref_slice %arg3[%add3A_58] : memref<320000xi32, #tpu.memory_space<hbm>> -> memref<80xi32, #tpu.memory_space<hbm>>
    %dma_start3A_64 = arith.constant 0 : i32
    %dma_start3A_65 = tpu.memref_slice %arg10[%dma_start3A_59, %dma_start3A_64] : memref<4x80xi32, #tpu.memory_space<vmem>> -> memref<1x80xi32, #tpu.memory_space<vmem>>
    %dma_start3A_66 = tpu.memref_squeeze %dma_start3A_65 : memref<1x80xi32, #tpu.memory_space<vmem>> -> memref<80xi32, #tpu.memory_space<vmem>>
    %dma_start3A_67 = tpu.memref_slice %arg3[%add3A_58] : memref<320000xi32, #tpu.memory_space<hbm>> -> memref<80xi32, #tpu.memory_space<hbm>>
    tpu.enqueue_dma source(%dma_start3A_67 : memref<80xi32, #tpu.memory_space<hbm>>) target(%dma_start3A_66 : memref<80xi32, #tpu.memory_space<vmem>>) target_semaphore(%arg17 : memref<!tpu.dma_semaphore, #tpu.memory_space<semaphore_mem>>)
    %add3A_68 = arith.constant 80 : i32
    %add3A_69 = arith.addi %mul3A_46, %add3A_68 : i32
    %dma_start3A_70 = arith.constant 1 : i32
    %dma_start3A_71 = arith.constant 0 : i32
    %dma_start3A_72 = tpu.memref_slice %arg9[%dma_start3A_70, %dma_start3A_71] : memref<4x80xi32, #tpu.memory_space<vmem>> -> memref<1x80xi32, #tpu.memory_space<vmem>>
    %dma_start3A_73 = tpu.memref_squeeze %dma_start3A_72 : memref<1x80xi32, #tpu.memory_space<vmem>> -> memref<80xi32, #tpu.memory_space<vmem>>
    %dma_start3A_74 = tpu.memref_slice %arg2[%add3A_69] : memref<320000xi32, #tpu.memory_space<hbm>> -> memref<80xi32, #tpu.memory_space<hbm>>
    %dma_start3A_75 = arith.constant 0 : i32
    %dma_start3A_76 = tpu.memref_slice %arg9[%dma_start3A_70, %dma_start3A_75] : memref<4x80xi32, #tpu.memory_space<vmem>> -> memref<1x80xi32, #tpu.memory_space<vmem>>
    %dma_start3A_77 = tpu.memref_squeeze %dma_start3A_76 : memref<1x80xi32, #tpu.memory_space<vmem>> -> memref<80xi32, #tpu.memory_space<vmem>>
    %dma_start3A_78 = tpu.memref_slice %arg2[%add3A_69] : memref<320000xi32, #tpu.memory_space<hbm>> -> memref<80xi32, #tpu.memory_space<hbm>>
    tpu.enqueue_dma source(%dma_start3A_78 : memref<80xi32, #tpu.memory_space<hbm>>) target(%dma_start3A_77 : memref<80xi32, #tpu.memory_space<vmem>>) target_semaphore(%arg18 : memref<!tpu.dma_semaphore, #tpu.memory_space<semaphore_mem>>)
    %add3A_79 = arith.constant 80 : i32
    %add3A_80 = arith.addi %mul3A_46, %add3A_79 : i32
    %dma_start3A_81 = arith.constant 1 : i32
    %dma_start3A_82 = arith.constant 0 : i32
    %dma_start3A_83 = tpu.memref_slice %arg10[%dma_start3A_81, %dma_start3A_82] : memref<4x80xi32, #tpu.memory_space<vmem>> -> memref<1x80xi32, #tpu.memory_space<vmem>>
    %dma_start3A_84 = tpu.memref_squeeze %dma_start3A_83 : memref<1x80xi32, #tpu.memory_space<vmem>> -> memref<80xi32, #tpu.memory_space<vmem>>
    %dma_start3A_85 = tpu.memref_slice %arg3[%add3A_80] : memref<320000xi32, #tpu.memory_space<hbm>> -> memref<80xi32, #tpu.memory_space<hbm>>
    %dma_start3A_86 = arith.constant 0 : i32
    %dma_start3A_87 = tpu.memref_slice %arg10[%dma_start3A_81, %dma_start3A_86] : memref<4x80xi32, #tpu.memory_space<vmem>> -> memref<1x80xi32, #tpu.memory_space<vmem>>
    %dma_start3A_88 = tpu.memref_squeeze %dma_start3A_87 : memref<1x80xi32, #tpu.memory_space<vmem>> -> memref<80xi32, #tpu.memory_space<vmem>>
    %dma_start3A_89 = tpu.memref_slice %arg3[%add3A_80] : memref<320000xi32, #tpu.memory_space<hbm>> -> memref<80xi32, #tpu.memory_space<hbm>>
    tpu.enqueue_dma source(%dma_start3A_89 : memref<80xi32, #tpu.memory_space<hbm>>) target(%dma_start3A_88 : memref<80xi32, #tpu.memory_space<vmem>>) target_semaphore(%arg18 : memref<!tpu.dma_semaphore, #tpu.memory_space<semaphore_mem>>)
    %dma_wait3A = arith.constant 0 : i32
    %dma_wait3A_90 = arith.constant 0 : i32
    %dma_wait3A_91 = tpu.memref_slice %arg9[%dma_wait3A, %dma_wait3A_90] : memref<4x80xi32, #tpu.memory_space<vmem>> -> memref<1x80xi32, #tpu.memory_space<vmem>>
    %dma_wait3A_92 = tpu.memref_squeeze %dma_wait3A_91 : memref<1x80xi32, #tpu.memory_space<vmem>> -> memref<80xi32, #tpu.memory_space<vmem>>
    %dma_wait3A_93 = arith.constant 0 : i32
    %dma_wait3A_94 = tpu.memref_slice %arg2[%dma_wait3A_93] : memref<320000xi32, #tpu.memory_space<hbm>> -> memref<80xi32, #tpu.memory_space<hbm>>
    %dma_wait3A_95 = arith.constant 0 : i32
    %dma_wait3A_96 = tpu.memref_slice %arg9[%dma_wait3A, %dma_wait3A_95] : memref<4x80xi32, #tpu.memory_space<vmem>> -> memref<1x80xi32, #tpu.memory_space<vmem>>
    %dma_wait3A_97 = tpu.memref_squeeze %dma_wait3A_96 : memref<1x80xi32, #tpu.memory_space<vmem>> -> memref<80xi32, #tpu.memory_space<vmem>>
    %dma_wait3A_98 = arith.constant 0 : i32
    %dma_wait3A_99 = tpu.memref_slice %arg2[%dma_wait3A_98] : memref<320000xi32, #tpu.memory_space<hbm>> -> memref<80xi32, #tpu.memory_space<hbm>>
    tpu.wait_dma2 semaphore(%arg17 : memref<!tpu.dma_semaphore, #tpu.memory_space<semaphore_mem>>) src(%dma_wait3A_99 : memref<80xi32, #tpu.memory_space<hbm>>) dst(%dma_wait3A_97 : memref<80xi32, #tpu.memory_space<vmem>>)
    %dma_wait3A_100 = arith.constant 0 : i32
    %dma_wait3A_101 = arith.constant 0 : i32
    %dma_wait3A_102 = tpu.memref_slice %arg10[%dma_wait3A_100, %dma_wait3A_101] : memref<4x80xi32, #tpu.memory_space<vmem>> -> memref<1x80xi32, #tpu.memory_space<vmem>>
    %dma_wait3A_103 = tpu.memref_squeeze %dma_wait3A_102 : memref<1x80xi32, #tpu.memory_space<vmem>> -> memref<80xi32, #tpu.memory_space<vmem>>
    %dma_wait3A_104 = arith.constant 0 : i32
    %dma_wait3A_105 = tpu.memref_slice %arg3[%dma_wait3A_104] : memref<320000xi32, #tpu.memory_space<hbm>> -> memref<80xi32, #tpu.memory_space<hbm>>
    %dma_wait3A_106 = arith.constant 0 : i32
    %dma_wait3A_107 = tpu.memref_slice %arg10[%dma_wait3A_100, %dma_wait3A_106] : memref<4x80xi32, #tpu.memory_space<vmem>> -> memref<1x80xi32, #tpu.memory_space<vmem>>
    %dma_wait3A_108 = tpu.memref_squeeze %dma_wait3A_107 : memref<1x80xi32, #tpu.memory_space<vmem>> -> memref<80xi32, #tpu.memory_space<vmem>>
    %dma_wait3A_109 = arith.constant 0 : i32
    %dma_wait3A_110 = tpu.memref_slice %arg3[%dma_wait3A_109] : memref<320000xi32, #tpu.memory_space<hbm>> -> memref<80xi32, #tpu.memory_space<hbm>>
    tpu.wait_dma2 semaphore(%arg17 : memref<!tpu.dma_semaphore, #tpu.memory_space<semaphore_mem>>) src(%dma_wait3A_110 : memref<80xi32, #tpu.memory_space<hbm>>) dst(%dma_wait3A_108 : memref<80xi32, #tpu.memory_space<vmem>>)
    %dma_start3A_111 = arith.constant 0 : i32
    %dma_start3A_112 = arith.constant 0 : i32
    %dma_start3A_113 = arith.constant 0 : i32
    %dma_start3A_114 = tpu.memref_slice %arg11[%dma_start3A_112, %dma_start3A_113] : memref<4x80xf32, #tpu.memory_space<vmem>> -> memref<1x80xf32, #tpu.memory_space<vmem>>
    %dma_start3A_115 = tpu.memref_squeeze %dma_start3A_114 : memref<1x80xf32, #tpu.memory_space<vmem>> -> memref<80xf32, #tpu.memory_space<vmem>>
    %dma_start3A_116 = arith.constant 0 : i32
    %dma_start3A_117 = tpu.memref_slice %arg9[%dma_start3A_111, %dma_start3A_116] : memref<4x80xi32, #tpu.memory_space<vmem>> -> memref<1x80xi32, #tpu.memory_space<vmem>>
    %dma_start3A_118 = tpu.memref_squeeze %dma_start3A_117 : memref<1x80xi32, #tpu.memory_space<vmem>> -> memref<80xi32, #tpu.memory_space<vmem>>
    %dma_start3A_119 = arith.constant 0 : i32
    %dma_start3A_120 = tpu.memref_slice %arg4[%dma_start3A_119] : memref<10000xf32, #tpu.memory_space<hbm>> -> memref<10000xf32, #tpu.memory_space<hbm>>
    tpu.enqueue_indirect_dma source(%dma_start3A_120 : memref<10000xf32, #tpu.memory_space<hbm>>) target(%dma_start3A_115 : memref<80xf32, #tpu.memory_space<vmem>>) offsets(%dma_start3A_118 : memref<80xi32, #tpu.memory_space<vmem>>) semaphore(%arg21 : memref<!tpu.dma_semaphore, #tpu.memory_space<semaphore_mem>>)
    %dma_start3A_121 = arith.constant 0 : i32
    %dma_start3A_122 = arith.constant 0 : i32
    %dma_start3A_123 = arith.constant 0 : i32
    %dma_start3A_124 = tpu.memref_slice %arg12[%dma_start3A_122, %dma_start3A_123] : memref<4x80xf32, #tpu.memory_space<vmem>> -> memref<1x80xf32, #tpu.memory_space<vmem>>
    %dma_start3A_125 = tpu.memref_squeeze %dma_start3A_124 : memref<1x80xf32, #tpu.memory_space<vmem>> -> memref<80xf32, #tpu.memory_space<vmem>>
    %dma_start3A_126 = arith.constant 0 : i32
    %dma_start3A_127 = tpu.memref_slice %arg10[%dma_start3A_121, %dma_start3A_126] : memref<4x80xi32, #tpu.memory_space<vmem>> -> memref<1x80xi32, #tpu.memory_space<vmem>>
    %dma_start3A_128 = tpu.memref_squeeze %dma_start3A_127 : memref<1x80xi32, #tpu.memory_space<vmem>> -> memref<80xi32, #tpu.memory_space<vmem>>
    %dma_start3A_129 = arith.constant 0 : i32
    %dma_start3A_130 = tpu.memref_slice %arg5[%dma_start3A_129] : memref<10000xf32, #tpu.memory_space<hbm>> -> memref<10000xf32, #tpu.memory_space<hbm>>
    tpu.enqueue_indirect_dma source(%dma_start3A_130 : memref<10000xf32, #tpu.memory_space<hbm>>) target(%dma_start3A_125 : memref<80xf32, #tpu.memory_space<vmem>>) offsets(%dma_start3A_128 : memref<80xi32, #tpu.memory_space<vmem>>) semaphore(%arg21 : memref<!tpu.dma_semaphore, #tpu.memory_space<semaphore_mem>>)
    %dma_start3A_131 = arith.constant 0 : i32
    %dma_start3A_132 = arith.constant 0 : i32
    %dma_start3A_133 = arith.constant 0 : i32
    %dma_start3A_134 = arith.constant 0 : i32
    %dma_start3A_135 = tpu.memref_slice %arg14[%dma_start3A_132, %dma_start3A_133, %dma_start3A_134] : memref<4x80x128xf32, #tpu.memory_space<vmem>> -> memref<1x80x128xf32, #tpu.memory_space<vmem>>
    %dma_start3A_136 = tpu.memref_squeeze %dma_start3A_135 : memref<1x80x128xf32, #tpu.memory_space<vmem>> -> memref<80x128xf32, #tpu.memory_space<vmem>>
    %dma_start3A_137 = arith.constant 0 : i32
    %dma_start3A_138 = tpu.memref_slice %arg10[%dma_start3A_131, %dma_start3A_137] : memref<4x80xi32, #tpu.memory_space<vmem>> -> memref<1x80xi32, #tpu.memory_space<vmem>>
    %dma_start3A_139 = tpu.memref_squeeze %dma_start3A_138 : memref<1x80xi32, #tpu.memory_space<vmem>> -> memref<80xi32, #tpu.memory_space<vmem>>
    %dma_start3A_140 = arith.constant 0 : i32
    %dma_start3A_141 = arith.constant 0 : i32
    %dma_start3A_142 = tpu.memref_slice %arg6[%dma_start3A_140, %dma_start3A_141] : memref<10000x128xf32, #tpu.memory_space<hbm>> -> memref<10000x128xf32, #tpu.memory_space<hbm>>
    tpu.enqueue_indirect_dma source(%dma_start3A_142 : memref<10000x128xf32, #tpu.memory_space<hbm>>) target(%dma_start3A_136 : memref<80x128xf32, #tpu.memory_space<vmem>>) offsets(%dma_start3A_139 : memref<80xi32, #tpu.memory_space<vmem>>) semaphore(%arg25 : memref<!tpu.dma_semaphore, #tpu.memory_space<semaphore_mem>>)
    %scan3A_143 = arith.constant 0 : i32
    %scan3A_144 = arith.constant 31 : i32
    %scan3A_145 = arith.addi %scan3A_143, %scan3A_144 : i32
    %scan3A_146 = arith.constant 1 : i32
    scf.for %scan3A_399 = %scan3A_143 to %scan3A_145 step %scan3A_146  : i32 {
      %mul3A_400 = arith.constant 1 : i32
      %mul3A_401 = arith.muli %scan3A_399, %mul3A_400 : i32
      %add3A_402 = arith.constant 0 : i32
      %add3A_403 = arith.addi %add3A_402, %mul3A_401 : i32
      %mul3A_404 = arith.constant 4 : i32
      %mul3A_405 = arith.muli %add3A_403, %mul3A_404 : i32
      %add3A_406 = arith.constant 0 : i32
      %add3A_407 = arith.addi %mul3A_405, %add3A_406 : i32
      %add3A_408 = arith.constant 2 : i32
      %add3A_409 = arith.addi %add3A_407, %add3A_408 : i32
      %min3A_410 = arith.constant 124 : i32
      %min3A_411 = arith.minsi %add3A_409, %min3A_410 : i32
      %add3A_412 = arith.constant 2 : i32
      %add3A_413 = arith.addi %add3A_407, %add3A_412 : i32
      %lt3A = arith.constant 125 : i32
      %lt3A_414 = arith.cmpi slt, %add3A_413, %lt3A : i32
      %convert_element_type3A = arith.extui %lt3A_414 : i1 to i32
      %cond3A = arith.constant 0 : i32
      %cond3A_415 = arith.cmpi ne, %convert_element_type3A, %cond3A : i32
      scf.if %cond3A_415 {
        %ge3A = arith.constant 2 : i32
        %ge3A_1097 = arith.cmpi sge, %add3A_407, %ge3A : i32
        %convert_element_type3A_1098 = arith.extui %ge3A_1097 : i1 to i32
        %cond3A_1099 = arith.constant 0 : i32
        %cond3A_1100 = arith.cmpi ne, %convert_element_type3A_1098, %cond3A_1099 : i32
        scf.if %cond3A_1100 {
          %dma_wait3A_1125 = arith.constant 2 : i32
          %dma_wait3A_1126 = arith.constant 2 : i32
          %dma_wait3A_1127 = arith.constant 0 : i32
          %dma_wait3A_1128 = arith.constant 0 : i32
          %dma_wait3A_1129 = tpu.memref_slice %arg14[%dma_wait3A_1125, %dma_wait3A_1127, %dma_wait3A_1128] : memref<4x80x128xf32, #tpu.memory_space<vmem>> -> memref<1x80x128xf32, #tpu.memory_space<vmem>>
          %dma_wait3A_1130 = tpu.memref_squeeze %dma_wait3A_1129 : memref<1x80x128xf32, #tpu.memory_space<vmem>> -> memref<80x128xf32, #tpu.memory_space<vmem>>
          %dma_wait3A_1131 = arith.constant 0 : i32
          %dma_wait3A_1132 = tpu.memref_slice %arg9[%dma_wait3A_1126, %dma_wait3A_1131] : memref<4x80xi32, #tpu.memory_space<vmem>> -> memref<1x80xi32, #tpu.memory_space<vmem>>
          %dma_wait3A_1133 = tpu.memref_squeeze %dma_wait3A_1132 : memref<1x80xi32, #tpu.memory_space<vmem>> -> memref<80xi32, #tpu.memory_space<vmem>>
          %dma_wait3A_1134 = arith.constant 0 : i32
          %dma_wait3A_1135 = arith.constant 0 : i32
          %dma_wait3A_1136 = tpu.memref_slice %arg16[%dma_wait3A_1134, %dma_wait3A_1135] : memref<10000x128xf32, #tpu.memory_space<vmem_shared>> -> memref<10000x128xf32, #tpu.memory_space<vmem_shared>>
          tpu.wait_indirect_dma semaphore(%arg31 : memref<!tpu.dma_semaphore, #tpu.memory_space<semaphore_mem>>) src(%dma_wait3A_1130 : memref<80x128xf32, #tpu.memory_space<vmem>>) dst(%dma_wait3A_1136 : memref<10000x128xf32, #tpu.memory_space<vmem_shared>>)
          %dma_wait3A_1137 = arith.constant 2 : i32
          %dma_wait3A_1138 = arith.constant 160 : i32
          %dma_wait3A_1139 = tpu.memref_slice %arg13[%dma_wait3A_1138] : memref<320xf32, #tpu.memory_space<vmem>> -> memref<80xf32, #tpu.memory_space<vmem>>
          %dma_wait3A_1140 = arith.constant 0 : i32
          %dma_wait3A_1141 = tpu.memref_slice %arg9[%dma_wait3A_1137, %dma_wait3A_1140] : memref<4x80xi32, #tpu.memory_space<vmem>> -> memref<1x80xi32, #tpu.memory_space<vmem>>
          %dma_wait3A_1142 = tpu.memref_squeeze %dma_wait3A_1141 : memref<1x80xi32, #tpu.memory_space<vmem>> -> memref<80xi32, #tpu.memory_space<vmem>>
          %dma_wait3A_1143 = arith.constant 0 : i32
          %dma_wait3A_1144 = tpu.memref_slice %arg15[%dma_wait3A_1143] : memref<10000xf32, #tpu.memory_space<vmem_shared>> -> memref<10000xf32, #tpu.memory_space<vmem_shared>>
          tpu.wait_indirect_dma semaphore(%arg35 : memref<!tpu.dma_semaphore, #tpu.memory_space<semaphore_mem>>) src(%dma_wait3A_1139 : memref<80xf32, #tpu.memory_space<vmem>>) dst(%dma_wait3A_1144 : memref<10000xf32, #tpu.memory_space<vmem_shared>>)
        } else {
        }
        %mul3A_1101 = arith.constant 80 : i32
        %mul3A_1102 = arith.muli %min3A_411, %mul3A_1101 : i32
        %add3A_1103 = arith.addi %mul3A_46, %mul3A_1102 : i32
        %dma_start3A_1104 = arith.constant 2 : i32
        %dma_start3A_1105 = arith.constant 0 : i32
        %dma_start3A_1106 = tpu.memref_slice %arg9[%dma_start3A_1104, %dma_start3A_1105] : memref<4x80xi32, #tpu.memory_space<vmem>> -> memref<1x80xi32, #tpu.memory_space<vmem>>
        %dma_start3A_1107 = tpu.memref_squeeze %dma_start3A_1106 : memref<1x80xi32, #tpu.memory_space<vmem>> -> memref<80xi32, #tpu.memory_space<vmem>>
        %dma_start3A_1108 = tpu.memref_slice %arg2[%add3A_1103] : memref<320000xi32, #tpu.memory_space<hbm>> -> memref<80xi32, #tpu.memory_space<hbm>>
        %dma_start3A_1109 = arith.constant 0 : i32
        %dma_start3A_1110 = tpu.memref_slice %arg9[%dma_start3A_1104, %dma_start3A_1109] : memref<4x80xi32, #tpu.memory_space<vmem>> -> memref<1x80xi32, #tpu.memory_space<vmem>>
        %dma_start3A_1111 = tpu.memref_squeeze %dma_start3A_1110 : memref<1x80xi32, #tpu.memory_space<vmem>> -> memref<80xi32, #tpu.memory_space<vmem>>
        %dma_start3A_1112 = tpu.memref_slice %arg2[%add3A_1103] : memref<320000xi32, #tpu.memory_space<hbm>> -> memref<80xi32, #tpu.memory_space<hbm>>
        tpu.enqueue_dma source(%dma_start3A_1112 : memref<80xi32, #tpu.memory_space<hbm>>) target(%dma_start3A_1111 : memref<80xi32, #tpu.memory_space<vmem>>) target_semaphore(%arg19 : memref<!tpu.dma_semaphore, #tpu.memory_space<semaphore_mem>>)
        %mul3A_1113 = arith.constant 80 : i32
        %mul3A_1114 = arith.muli %min3A_411, %mul3A_1113 : i32
        %add3A_1115 = arith.addi %mul3A_46, %mul3A_1114 : i32
        %dma_start3A_1116 = arith.constant 2 : i32
        %dma_start3A_1117 = arith.constant 0 : i32
        %dma_start3A_1118 = tpu.memref_slice %arg10[%dma_start3A_1116, %dma_start3A_1117] : memref<4x80xi32, #tpu.memory_space<vmem>> -> memref<1x80xi32, #tpu.memory_space<vmem>>
        %dma_start3A_1119 = tpu.memref_squeeze %dma_start3A_1118 : memref<1x80xi32, #tpu.memory_space<vmem>> -> memref<80xi32, #tpu.memory_space<vmem>>
        %dma_start3A_1120 = tpu.memref_slice %arg3[%add3A_1115] : memref<320000xi32, #tpu.memory_space<hbm>> -> memref<80xi32, #tpu.memory_space<hbm>>
        %dma_start3A_1121 = arith.constant 0 : i32
        %dma_start3A_1122 = tpu.memref_slice %arg10[%dma_start3A_1116, %dma_start3A_1121] : memref<4x80xi32, #tpu.memory_space<vmem>> -> memref<1x80xi32, #tpu.memory_space<vmem>>
        %dma_start3A_1123 = tpu.memref_squeeze %dma_start3A_1122 : memref<1x80xi32, #tpu.memory_space<vmem>> -> memref<80xi32, #tpu.memory_space<vmem>>
        %dma_start3A_1124 = tpu.memref_slice %arg3[%add3A_1115] : memref<320000xi32, #tpu.memory_space<hbm>> -> memref<80xi32, #tpu.memory_space<hbm>>
        tpu.enqueue_dma source(%dma_start3A_1124 : memref<80xi32, #tpu.memory_space<hbm>>) target(%dma_start3A_1123 : memref<80xi32, #tpu.memory_space<vmem>>) target_semaphore(%arg19 : memref<!tpu.dma_semaphore, #tpu.memory_space<semaphore_mem>>)
      } else {
      }
      %add3A_416 = arith.constant 1 : i32
      %add3A_417 = arith.addi %add3A_407, %add3A_416 : i32
      %lt3A_418 = arith.constant 125 : i32
      %lt3A_419 = arith.cmpi slt, %add3A_417, %lt3A_418 : i32
      %convert_element_type3A_420 = arith.extui %lt3A_419 : i1 to i32
      %cond3A_421 = arith.constant 0 : i32
      %cond3A_422 = arith.cmpi ne, %convert_element_type3A_420, %cond3A_421 : i32
      scf.if %cond3A_422 {
        %dma_wait3A_1097 = arith.constant 1 : i32
        %dma_wait3A_1098 = arith.constant 0 : i32
        %dma_wait3A_1099 = tpu.memref_slice %arg9[%dma_wait3A_1097, %dma_wait3A_1098] : memref<4x80xi32, #tpu.memory_space<vmem>> -> memref<1x80xi32, #tpu.memory_space<vmem>>
        %dma_wait3A_1100 = tpu.memref_squeeze %dma_wait3A_1099 : memref<1x80xi32, #tpu.memory_space<vmem>> -> memref<80xi32, #tpu.memory_space<vmem>>
        %dma_wait3A_1101 = arith.constant 0 : i32
        %dma_wait3A_1102 = tpu.memref_slice %arg2[%dma_wait3A_1101] : memref<320000xi32, #tpu.memory_space<hbm>> -> memref<80xi32, #tpu.memory_space<hbm>>
        %dma_wait3A_1103 = arith.constant 0 : i32
        %dma_wait3A_1104 = tpu.memref_slice %arg9[%dma_wait3A_1097, %dma_wait3A_1103] : memref<4x80xi32, #tpu.memory_space<vmem>> -> memref<1x80xi32, #tpu.memory_space<vmem>>
        %dma_wait3A_1105 = tpu.memref_squeeze %dma_wait3A_1104 : memref<1x80xi32, #tpu.memory_space<vmem>> -> memref<80xi32, #tpu.memory_space<vmem>>
        %dma_wait3A_1106 = arith.constant 0 : i32
        %dma_wait3A_1107 = tpu.memref_slice %arg2[%dma_wait3A_1106] : memref<320000xi32, #tpu.memory_space<hbm>> -> memref<80xi32, #tpu.memory_space<hbm>>
        tpu.wait_dma2 semaphore(%arg18 : memref<!tpu.dma_semaphore, #tpu.memory_space<semaphore_mem>>) src(%dma_wait3A_1107 : memref<80xi32, #tpu.memory_space<hbm>>) dst(%dma_wait3A_1105 : memref<80xi32, #tpu.memory_space<vmem>>)
        %dma_wait3A_1108 = arith.constant 1 : i32
        %dma_wait3A_1109 = arith.constant 0 : i32
        %dma_wait3A_1110 = tpu.memref_slice %arg10[%dma_wait3A_1108, %dma_wait3A_1109] : memref<4x80xi32, #tpu.memory_space<vmem>> -> memref<1x80xi32, #tpu.memory_space<vmem>>
        %dma_wait3A_1111 = tpu.memref_squeeze %dma_wait3A_1110 : memref<1x80xi32, #tpu.memory_space<vmem>> -> memref<80xi32, #tpu.memory_space<vmem>>
        %dma_wait3A_1112 = arith.constant 0 : i32
        %dma_wait3A_1113 = tpu.memref_slice %arg3[%dma_wait3A_1112] : memref<320000xi32, #tpu.memory_space<hbm>> -> memref<80xi32, #tpu.memory_space<hbm>>
        %dma_wait3A_1114 = arith.constant 0 : i32
        %dma_wait3A_1115 = tpu.memref_slice %arg10[%dma_wait3A_1108, %dma_wait3A_1114] : memref<4x80xi32, #tpu.memory_space<vmem>> -> memref<1x80xi32, #tpu.memory_space<vmem>>
        %dma_wait3A_1116 = tpu.memref_squeeze %dma_wait3A_1115 : memref<1x80xi32, #tpu.memory_space<vmem>> -> memref<80xi32, #tpu.memory_space<vmem>>
        %dma_wait3A_1117 = arith.constant 0 : i32
        %dma_wait3A_1118 = tpu.memref_slice %arg3[%dma_wait3A_1117] : memref<320000xi32, #tpu.memory_space<hbm>> -> memref<80xi32, #tpu.memory_space<hbm>>
        tpu.wait_dma2 semaphore(%arg18 : memref<!tpu.dma_semaphore, #tpu.memory_space<semaphore_mem>>) src(%dma_wait3A_1118 : memref<80xi32, #tpu.memory_space<hbm>>) dst(%dma_wait3A_1116 : memref<80xi32, #tpu.memory_space<vmem>>)
        %dma_start3A_1119 = arith.constant 1 : i32
        %dma_start3A_1120 = arith.constant 1 : i32
        %dma_start3A_1121 = arith.constant 0 : i32
        %dma_start3A_1122 = tpu.memref_slice %arg11[%dma_start3A_1120, %dma_start3A_1121] : memref<4x80xf32, #tpu.memory_space<vmem>> -> memref<1x80xf32, #tpu.memory_space<vmem>>
        %dma_start3A_1123 = tpu.memref_squeeze %dma_start3A_1122 : memref<1x80xf32, #tpu.memory_space<vmem>> -> memref<80xf32, #tpu.memory_space<vmem>>
        %dma_start3A_1124 = arith.constant 0 : i32
        %dma_start3A_1125 = tpu.memref_slice %arg9[%dma_start3A_1119, %dma_start3A_1124] : memref<4x80xi32, #tpu.memory_space<vmem>> -> memref<1x80xi32, #tpu.memory_space<vmem>>
        %dma_start3A_1126 = tpu.memref_squeeze %dma_start3A_1125 : memref<1x80xi32, #tpu.memory_space<vmem>> -> memref<80xi32, #tpu.memory_space<vmem>>
        %dma_start3A_1127 = arith.constant 0 : i32
        %dma_start3A_1128 = tpu.memref_slice %arg4[%dma_start3A_1127] : memref<10000xf32, #tpu.memory_space<hbm>> -> memref<10000xf32, #tpu.memory_space<hbm>>
        tpu.enqueue_indirect_dma source(%dma_start3A_1128 : memref<10000xf32, #tpu.memory_space<hbm>>) target(%dma_start3A_1123 : memref<80xf32, #tpu.memory_space<vmem>>) offsets(%dma_start3A_1126 : memref<80xi32, #tpu.memory_space<vmem>>) semaphore(%arg22 : memref<!tpu.dma_semaphore, #tpu.memory_space<semaphore_mem>>)
        %dma_start3A_1129 = arith.constant 1 : i32
        %dma_start3A_1130 = arith.constant 1 : i32
        %dma_start3A_1131 = arith.constant 0 : i32
        %dma_start3A_1132 = tpu.memref_slice %arg12[%dma_start3A_1130, %dma_start3A_1131] : memref<4x80xf32, #tpu.memory_space<vmem>> -> memref<1x80xf32, #tpu.memory_space<vmem>>
        %dma_start3A_1133 = tpu.memref_squeeze %dma_start3A_1132 : memref<1x80xf32, #tpu.memory_space<vmem>> -> memref<80xf32, #tpu.memory_space<vmem>>
        %dma_start3A_1134 = arith.constant 0 : i32
        %dma_start3A_1135 = tpu.memref_slice %arg10[%dma_start3A_1129, %dma_start3A_1134] : memref<4x80xi32, #tpu.memory_space<vmem>> -> memref<1x80xi32, #tpu.memory_space<vmem>>
        %dma_start3A_1136 = tpu.memref_squeeze %dma_start3A_1135 : memref<1x80xi32, #tpu.memory_space<vmem>> -> memref<80xi32, #tpu.memory_space<vmem>>
        %dma_start3A_1137 = arith.constant 0 : i32
        %dma_start3A_1138 = tpu.memref_slice %arg5[%dma_start3A_1137] : memref<10000xf32, #tpu.memory_space<hbm>> -> memref<10000xf32, #tpu.memory_space<hbm>>
        tpu.enqueue_indirect_dma source(%dma_start3A_1138 : memref<10000xf32, #tpu.memory_space<hbm>>) target(%dma_start3A_1133 : memref<80xf32, #tpu.memory_space<vmem>>) offsets(%dma_start3A_1136 : memref<80xi32, #tpu.memory_space<vmem>>) semaphore(%arg22 : memref<!tpu.dma_semaphore, #tpu.memory_space<semaphore_mem>>)
        %dma_start3A_1139 = arith.constant 1 : i32
        %dma_start3A_1140 = arith.constant 1 : i32
        %dma_start3A_1141 = arith.constant 0 : i32
        %dma_start3A_1142 = arith.constant 0 : i32
        %dma_start3A_1143 = tpu.memref_slice %arg14[%dma_start3A_1140, %dma_start3A_1141, %dma_start3A_1142] : memref<4x80x128xf32, #tpu.memory_space<vmem>> -> memref<1x80x128xf32, #tpu.memory_space<vmem>>
        %dma_start3A_1144 = tpu.memref_squeeze %dma_start3A_1143 : memref<1x80x128xf32, #tpu.memory_space<vmem>> -> memref<80x128xf32, #tpu.memory_space<vmem>>
        %dma_start3A_1145 = arith.constant 0 : i32
        %dma_start3A_1146 = tpu.memref_slice %arg10[%dma_start3A_1139, %dma_start3A_1145] : memref<4x80xi32, #tpu.memory_space<vmem>> -> memref<1x80xi32, #tpu.memory_space<vmem>>
        %dma_start3A_1147 = tpu.memref_squeeze %dma_start3A_1146 : memref<1x80xi32, #tpu.memory_space<vmem>> -> memref<80xi32, #tpu.memory_space<vmem>>
        %dma_start3A_1148 = arith.constant 0 : i32
        %dma_start3A_1149 = arith.constant 0 : i32
        %dma_start3A_1150 = tpu.memref_slice %arg6[%dma_start3A_1148, %dma_start3A_1149] : memref<10000x128xf32, #tpu.memory_space<hbm>> -> memref<10000x128xf32, #tpu.memory_space<hbm>>
        tpu.enqueue_indirect_dma source(%dma_start3A_1150 : memref<10000x128xf32, #tpu.memory_space<hbm>>) target(%dma_start3A_1144 : memref<80x128xf32, #tpu.memory_space<vmem>>) offsets(%dma_start3A_1147 : memref<80xi32, #tpu.memory_space<vmem>>) semaphore(%arg26 : memref<!tpu.dma_semaphore, #tpu.memory_space<semaphore_mem>>)
      } else {
      }
      %dma_wait3A_423 = arith.constant 0 : i32
      %dma_wait3A_424 = arith.constant 0 : i32
      %dma_wait3A_425 = arith.constant 0 : i32
      %dma_wait3A_426 = tpu.memref_slice %arg11[%dma_wait3A_424, %dma_wait3A_425] : memref<4x80xf32, #tpu.memory_space<vmem>> -> memref<1x80xf32, #tpu.memory_space<vmem>>
      %dma_wait3A_427 = tpu.memref_squeeze %dma_wait3A_426 : memref<1x80xf32, #tpu.memory_space<vmem>> -> memref<80xf32, #tpu.memory_space<vmem>>
      %dma_wait3A_428 = arith.constant 0 : i32
      %dma_wait3A_429 = tpu.memref_slice %arg9[%dma_wait3A_423, %dma_wait3A_428] : memref<4x80xi32, #tpu.memory_space<vmem>> -> memref<1x80xi32, #tpu.memory_space<vmem>>
      %dma_wait3A_430 = tpu.memref_squeeze %dma_wait3A_429 : memref<1x80xi32, #tpu.memory_space<vmem>> -> memref<80xi32, #tpu.memory_space<vmem>>
      %dma_wait3A_431 = arith.constant 0 : i32
      %dma_wait3A_432 = tpu.memref_slice %arg4[%dma_wait3A_431] : memref<10000xf32, #tpu.memory_space<hbm>> -> memref<10000xf32, #tpu.memory_space<hbm>>
      tpu.wait_indirect_dma semaphore(%arg21 : memref<!tpu.dma_semaphore, #tpu.memory_space<semaphore_mem>>) src(%dma_wait3A_432 : memref<10000xf32, #tpu.memory_space<hbm>>) dst(%dma_wait3A_427 : memref<80xf32, #tpu.memory_space<vmem>>)
      %dma_wait3A_433 = arith.constant 0 : i32
      %dma_wait3A_434 = arith.constant 0 : i32
      %dma_wait3A_435 = arith.constant 0 : i32
      %dma_wait3A_436 = tpu.memref_slice %arg12[%dma_wait3A_434, %dma_wait3A_435] : memref<4x80xf32, #tpu.memory_space<vmem>> -> memref<1x80xf32, #tpu.memory_space<vmem>>
      %dma_wait3A_437 = tpu.memref_squeeze %dma_wait3A_436 : memref<1x80xf32, #tpu.memory_space<vmem>> -> memref<80xf32, #tpu.memory_space<vmem>>
      %dma_wait3A_438 = arith.constant 0 : i32
      %dma_wait3A_439 = tpu.memref_slice %arg10[%dma_wait3A_433, %dma_wait3A_438] : memref<4x80xi32, #tpu.memory_space<vmem>> -> memref<1x80xi32, #tpu.memory_space<vmem>>
      %dma_wait3A_440 = tpu.memref_squeeze %dma_wait3A_439 : memref<1x80xi32, #tpu.memory_space<vmem>> -> memref<80xi32, #tpu.memory_space<vmem>>
      %dma_wait3A_441 = arith.constant 0 : i32
      %dma_wait3A_442 = tpu.memref_slice %arg5[%dma_wait3A_441] : memref<10000xf32, #tpu.memory_space<hbm>> -> memref<10000xf32, #tpu.memory_space<hbm>>
      tpu.wait_indirect_dma semaphore(%arg21 : memref<!tpu.dma_semaphore, #tpu.memory_space<semaphore_mem>>) src(%dma_wait3A_442 : memref<10000xf32, #tpu.memory_space<hbm>>) dst(%dma_wait3A_437 : memref<80xf32, #tpu.memory_space<vmem>>)
      %dma_wait3A_443 = arith.constant 0 : i32
      %dma_wait3A_444 = arith.constant 0 : i32
      %dma_wait3A_445 = arith.constant 0 : i32
      %dma_wait3A_446 = arith.constant 0 : i32
      %dma_wait3A_447 = tpu.memref_slice %arg14[%dma_wait3A_444, %dma_wait3A_445, %dma_wait3A_446] : memref<4x80x128xf32, #tpu.memory_space<vmem>> -> memref<1x80x128xf32, #tpu.memory_space<vmem>>
      %dma_wait3A_448 = tpu.memref_squeeze %dma_wait3A_447 : memref<1x80x128xf32, #tpu.memory_space<vmem>> -> memref<80x128xf32, #tpu.memory_space<vmem>>
      %dma_wait3A_449 = arith.constant 0 : i32
      %dma_wait3A_450 = tpu.memref_slice %arg10[%dma_wait3A_443, %dma_wait3A_449] : memref<4x80xi32, #tpu.memory_space<vmem>> -> memref<1x80xi32, #tpu.memory_space<vmem>>
      %dma_wait3A_451 = tpu.memref_squeeze %dma_wait3A_450 : memref<1x80xi32, #tpu.memory_space<vmem>> -> memref<80xi32, #tpu.memory_space<vmem>>
      %dma_wait3A_452 = arith.constant 0 : i32
      %dma_wait3A_453 = arith.constant 0 : i32
      %dma_wait3A_454 = tpu.memref_slice %arg6[%dma_wait3A_452, %dma_wait3A_453] : memref<10000x128xf32, #tpu.memory_space<hbm>> -> memref<10000x128xf32, #tpu.memory_space<hbm>>
      tpu.wait_indirect_dma semaphore(%arg25 : memref<!tpu.dma_semaphore, #tpu.memory_space<semaphore_mem>>) src(%dma_wait3A_454 : memref<10000x128xf32, #tpu.memory_space<hbm>>) dst(%dma_wait3A_448 : memref<80x128xf32, #tpu.memory_space<vmem>>)
      %get3A_455 = arith.constant 0 : i32
      %get3A_456 = arith.index_cast %get3A_455 : i32 to index
      %get3A_457 = arith.constant 0 : index
      %get3A_458 = tpu.vector_load %arg11[%get3A_456, %get3A_457] {strides = array<i32>} : memref<4x80xf32, #tpu.memory_space<vmem>>, vector<16xf32>,
      %get3A_459 = arith.constant 0 : i32
      %get3A_460 = arith.index_cast %get3A_459 : i32 to index
      %get3A_461 = arith.constant 0 : index
      %get3A_462 = tpu.vector_load %arg12[%get3A_460, %get3A_461] {strides = array<i32>} : memref<4x80xf32, #tpu.memory_space<vmem>>, vector<16xf32>,
      %add3A_463 = arith.addf %get3A_458, %get3A_462 : vector<16xf32>
      %gt3A_464 = arith.constant 0.000000e+00 : f32
      %gt3A_465 = vector.broadcast %gt3A_464 : f32 to vector<16xf32>
      %gt3A_466 = arith.cmpf ogt, %add3A_463, %gt3A_465 : vector<16xf32>
      %mul3A_467 = arith.constant 2.000000e-01 : f32
      %mul3A_468 = vector.broadcast %mul3A_467 : f32 to vector<16xf32>
      %mul3A_469 = arith.mulf %mul3A_468, %add3A_463 : vector<16xf32>
      %select_n3A_470 = arith.select %gt3A_466, %add3A_463, %mul3A_469 : vector<16xi1>, vector<16xf32>
      %exp3A_471 = math.exp %select_n3A_470 : vector<16xf32>
      %swap3A_472 = arith.constant 0 : index
      %swap3A_473 = tpu.vector_load %arg13[%swap3A_472] {strides = array<i32>} : memref<320xf32, #tpu.memory_space<vmem>>, vector<16xf32>,
      tpu.vector_store %arg13[%swap3A_472], %exp3A_471 {strides = array<i32>} : memref<320xf32, #tpu.memory_space<vmem>>, vector<16xf32>,
      %get3A_474 = arith.constant 0 : i32
      %get3A_475 = arith.index_cast %get3A_474 : i32 to index
      %get3A_476 = arith.constant 16 : index
      %get3A_477 = tpu.vector_load %arg11[%get3A_475, %get3A_476] {strides = array<i32>} : memref<4x80xf32, #tpu.memory_space<vmem>>, vector<16xf32>,
      %get3A_478 = arith.constant 0 : i32
      %get3A_479 = arith.index_cast %get3A_478 : i32 to index
      %get3A_480 = arith.constant 16 : index
      %get3A_481 = tpu.vector_load %arg12[%get3A_479, %get3A_480] {strides = array<i32>} : memref<4x80xf32, #tpu.memory_space<vmem>>, vector<16xf32>,
      %add3A_482 = arith.addf %get3A_477, %get3A_481 : vector<16xf32>
      %gt3A_483 = arith.constant 0.000000e+00 : f32
      %gt3A_484 = vector.broadcast %gt3A_483 : f32 to vector<16xf32>
      %gt3A_485 = arith.cmpf ogt, %add3A_482, %gt3A_484 : vector<16xf32>
      %mul3A_486 = arith.constant 2.000000e-01 : f32
      %mul3A_487 = vector.broadcast %mul3A_486 : f32 to vector<16xf32>
      %mul3A_488 = arith.mulf %mul3A_487, %add3A_482 : vector<16xf32>
      %select_n3A_489 = arith.select %gt3A_485, %add3A_482, %mul3A_488 : vector<16xi1>, vector<16xf32>
      %exp3A_490 = math.exp %select_n3A_489 : vector<16xf32>
      %swap3A_491 = arith.constant 16 : index
      %swap3A_492 = tpu.vector_load %arg13[%swap3A_491] {strides = array<i32>} : memref<320xf32, #tpu.memory_space<vmem>>, vector<16xf32>,
      tpu.vector_store %arg13[%swap3A_491], %exp3A_490 {strides = array<i32>} : memref<320xf32, #tpu.memory_space<vmem>>, vector<16xf32>,
      %get3A_493 = arith.constant 0 : i32
      %get3A_494 = arith.index_cast %get3A_493 : i32 to index
      %get3A_495 = arith.constant 32 : index
      %get3A_496 = tpu.vector_load %arg11[%get3A_494, %get3A_495] {strides = array<i32>} : memref<4x80xf32, #tpu.memory_space<vmem>>, vector<16xf32>,
      %get3A_497 = arith.constant 0 : i32
      %get3A_498 = arith.index_cast %get3A_497 : i32 to index
      %get3A_499 = arith.constant 32 : index
      %get3A_500 = tpu.vector_load %arg12[%get3A_498, %get3A_499] {strides = array<i32>} : memref<4x80xf32, #tpu.memory_space<vmem>>, vector<16xf32>,
      %add3A_501 = arith.addf %get3A_496, %get3A_500 : vector<16xf32>
      %gt3A_502 = arith.constant 0.000000e+00 : f32
      %gt3A_503 = vector.broadcast %gt3A_502 : f32 to vector<16xf32>
      %gt3A_504 = arith.cmpf ogt, %add3A_501, %gt3A_503 : vector<16xf32>
      %mul3A_505 = arith.constant 2.000000e-01 : f32
      %mul3A_506 = vector.broadcast %mul3A_505 : f32 to vector<16xf32>
      %mul3A_507 = arith.mulf %mul3A_506, %add3A_501 : vector<16xf32>
      %select_n3A_508 = arith.select %gt3A_504, %add3A_501, %mul3A_507 : vector<16xi1>, vector<16xf32>
      %exp3A_509 = math.exp %select_n3A_508 : vector<16xf32>
      %swap3A_510 = arith.constant 32 : index
      %swap3A_511 = tpu.vector_load %arg13[%swap3A_510] {strides = array<i32>} : memref<320xf32, #tpu.memory_space<vmem>>, vector<16xf32>,
      tpu.vector_store %arg13[%swap3A_510], %exp3A_509 {strides = array<i32>} : memref<320xf32, #tpu.memory_space<vmem>>, vector<16xf32>,
      %get3A_512 = arith.constant 0 : i32
      %get3A_513 = arith.index_cast %get3A_512 : i32 to index
      %get3A_514 = arith.constant 48 : index
      %get3A_515 = tpu.vector_load %arg11[%get3A_513, %get3A_514] {strides = array<i32>} : memref<4x80xf32, #tpu.memory_space<vmem>>, vector<16xf32>,
      %get3A_516 = arith.constant 0 : i32
      %get3A_517 = arith.index_cast %get3A_516 : i32 to index
      %get3A_518 = arith.constant 48 : index
      %get3A_519 = tpu.vector_load %arg12[%get3A_517, %get3A_518] {strides = array<i32>} : memref<4x80xf32, #tpu.memory_space<vmem>>, vector<16xf32>,
      %add3A_520 = arith.addf %get3A_515, %get3A_519 : vector<16xf32>
      %gt3A_521 = arith.constant 0.000000e+00 : f32
      %gt3A_522 = vector.broadcast %gt3A_521 : f32 to vector<16xf32>
      %gt3A_523 = arith.cmpf ogt, %add3A_520, %gt3A_522 : vector<16xf32>
      %mul3A_524 = arith.constant 2.000000e-01 : f32
      %mul3A_525 = vector.broadcast %mul3A_524 : f32 to vector<16xf32>
      %mul3A_526 = arith.mulf %mul3A_525, %add3A_520 : vector<16xf32>
      %select_n3A_527 = arith.select %gt3A_523, %add3A_520, %mul3A_526 : vector<16xi1>, vector<16xf32>
      %exp3A_528 = math.exp %select_n3A_527 : vector<16xf32>
      %swap3A_529 = arith.constant 48 : index
      %swap3A_530 = tpu.vector_load %arg13[%swap3A_529] {strides = array<i32>} : memref<320xf32, #tpu.memory_space<vmem>>, vector<16xf32>,
      tpu.vector_store %arg13[%swap3A_529], %exp3A_528 {strides = array<i32>} : memref<320xf32, #tpu.memory_space<vmem>>, vector<16xf32>,
      %get3A_531 = arith.constant 0 : i32
      %get3A_532 = arith.index_cast %get3A_531 : i32 to index
      %get3A_533 = arith.constant 64 : index
      %get3A_534 = tpu.vector_load %arg11[%get3A_532, %get3A_533] {strides = array<i32>} : memref<4x80xf32, #tpu.memory_space<vmem>>, vector<16xf32>,
      %get3A_535 = arith.constant 0 : i32
      %get3A_536 = arith.index_cast %get3A_535 : i32 to index
      %get3A_537 = arith.constant 64 : index
      %get3A_538 = tpu.vector_load %arg12[%get3A_536, %get3A_537] {strides = array<i32>} : memref<4x80xf32, #tpu.memory_space<vmem>>, vector<16xf32>,
      %add3A_539 = arith.addf %get3A_534, %get3A_538 : vector<16xf32>
      %gt3A_540 = arith.constant 0.000000e+00 : f32
      %gt3A_541 = vector.broadcast %gt3A_540 : f32 to vector<16xf32>
      %gt3A_542 = arith.cmpf ogt, %add3A_539, %gt3A_541 : vector<16xf32>
      %mul3A_543 = arith.constant 2.000000e-01 : f32
      %mul3A_544 = vector.broadcast %mul3A_543 : f32 to vector<16xf32>
      %mul3A_545 = arith.mulf %mul3A_544, %add3A_539 : vector<16xf32>
      %select_n3A_546 = arith.select %gt3A_542, %add3A_539, %mul3A_545 : vector<16xi1>, vector<16xf32>
      %exp3A_547 = math.exp %select_n3A_546 : vector<16xf32>
      %swap3A_548 = arith.constant 64 : index
      %swap3A_549 = tpu.vector_load %arg13[%swap3A_548] {strides = array<i32>} : memref<320xf32, #tpu.memory_space<vmem>>, vector<16xf32>,
      tpu.vector_store %arg13[%swap3A_548], %exp3A_547 {strides = array<i32>} : memref<320xf32, #tpu.memory_space<vmem>>, vector<16xf32>,
      %dma_start3A_550 = arith.constant 0 : i32
      %dma_start3A_551 = arith.constant 0 : i32
      %dma_start3A_552 = tpu.memref_slice %arg13[%dma_start3A_551] : memref<320xf32, #tpu.memory_space<vmem>> -> memref<80xf32, #tpu.memory_space<vmem>>
      %dma_start3A_553 = arith.constant 0 : i32
      %dma_start3A_554 = tpu.memref_slice %arg9[%dma_start3A_550, %dma_start3A_553] : memref<4x80xi32, #tpu.memory_space<vmem>> -> memref<1x80xi32, #tpu.memory_space<vmem>>
      %dma_start3A_555 = tpu.memref_squeeze %dma_start3A_554 : memref<1x80xi32, #tpu.memory_space<vmem>> -> memref<80xi32, #tpu.memory_space<vmem>>
      %dma_start3A_556 = arith.constant 0 : i32
      %dma_start3A_557 = tpu.memref_slice %arg15[%dma_start3A_556] : memref<10000xf32, #tpu.memory_space<vmem_shared>> -> memref<10000xf32, #tpu.memory_space<vmem_shared>>
      tpu.enqueue_indirect_dma source(%dma_start3A_552 : memref<80xf32, #tpu.memory_space<vmem>>) target(%dma_start3A_557 : memref<10000xf32, #tpu.memory_space<vmem_shared>>) offsets(%dma_start3A_555 : memref<80xi32, #tpu.memory_space<vmem>>) semaphore(%arg33 : memref<!tpu.dma_semaphore, #tpu.memory_space<semaphore_mem>>) {add = true}
      %scan3A_558 = arith.constant 0 : i32
      %scan3A_559 = arith.constant 80 : i32
      %scan3A_560 = arith.addi %scan3A_558, %scan3A_559 : i32
      %scan3A_561 = arith.constant 2 : i32
      scf.for %scan3A_1097 = %scan3A_558 to %scan3A_560 step %scan3A_561  : i32 {
        %mul3A_1098 = arith.constant 1 : i32
        %mul3A_1099 = arith.muli %scan3A_1097, %mul3A_1098 : i32
        %add3A_1100 = arith.constant 0 : i32
        %add3A_1101 = arith.addi %add3A_1100, %mul3A_1099 : i32
        %broadcast_in_dim3A_1102 = arith.constant 0 : i32
        %broadcast_in_dim3A_1103 = vector.broadcast %broadcast_in_dim3A_1102 : i32 to vector<16xi32>
        %add3A_1104 = vector.broadcast %add3A_1101 : i32 to vector<16xi32>
        %add3A_1105 = arith.addi %broadcast_in_dim3A_1103, %add3A_1104 : vector<16xi32>
        %gather3A = tpu.vector_load_idx %arg13[%add3A_1105] : memref<320xf32, #tpu.memory_space<vmem>>[vector<16xi32>], vector<16xf32>,
        %get3A_1106 = arith.constant 0 : i32
        %get3A_1107 = arith.index_cast %get3A_1106 : i32 to index
        %get3A_1108 = arith.index_cast %add3A_1101 : i32 to index
        %get3A_1109 = arith.constant 0 : index
        %get3A_1110 = tpu.vector_load %arg14[%get3A_1107, %get3A_1108, %get3A_1109] {strides = array<i32>} : memref<4x80x128xf32, #tpu.memory_space<vmem>>, vector<16xf32>,
        %mul3A_1111 = arith.mulf %get3A_1110, %gather3A : vector<16xf32>
        %swap3A_1112 = arith.constant 0 : i32
        %swap3A_1113 = arith.index_cast %swap3A_1112 : i32 to index
        %swap3A_1114 = arith.index_cast %add3A_1101 : i32 to index
        %swap3A_1115 = arith.constant 0 : index
        %swap3A_1116 = tpu.vector_load %arg14[%swap3A_1113, %swap3A_1114, %swap3A_1115] {strides = array<i32>} : memref<4x80x128xf32, #tpu.memory_space<vmem>>, vector<16xf32>,
        tpu.vector_store %arg14[%swap3A_1113, %swap3A_1114, %swap3A_1115], %mul3A_1111 {strides = array<i32>} : memref<4x80x128xf32, #tpu.memory_space<vmem>>, vector<16xf32>,
        %get3A_1117 = arith.constant 0 : i32
        %get3A_1118 = arith.index_cast %get3A_1117 : i32 to index
        %get3A_1119 = arith.index_cast %add3A_1101 : i32 to index
        %get3A_1120 = arith.constant 16 : index
        %get3A_1121 = tpu.vector_load %arg14[%get3A_1118, %get3A_1119, %get3A_1120] {strides = array<i32>} : memref<4x80x128xf32, #tpu.memory_space<vmem>>, vector<16xf32>,
        %mul3A_1122 = arith.mulf %get3A_1121, %gather3A : vector<16xf32>
        %swap3A_1123 = arith.constant 0 : i32
        %swap3A_1124 = arith.index_cast %swap3A_1123 : i32 to index
        %swap3A_1125 = arith.index_cast %add3A_1101 : i32 to index
        %swap3A_1126 = arith.constant 16 : index
        %swap3A_1127 = tpu.vector_load %arg14[%swap3A_1124, %swap3A_1125, %swap3A_1126] {strides = array<i32>} : memref<4x80x128xf32, #tpu.memory_space<vmem>>, vector<16xf32>,
        tpu.vector_store %arg14[%swap3A_1124, %swap3A_1125, %swap3A_1126], %mul3A_1122 {strides = array<i32>} : memref<4x80x128xf32, #tpu.memory_space<vmem>>, vector<16xf32>,
        %get3A_1128 = arith.constant 0 : i32
        %get3A_1129 = arith.index_cast %get3A_1128 : i32 to index
        %get3A_1130 = arith.index_cast %add3A_1101 : i32 to index
        %get3A_1131 = arith.constant 32 : index
        %get3A_1132 = tpu.vector_load %arg14[%get3A_1129, %get3A_1130, %get3A_1131] {strides = array<i32>} : memref<4x80x128xf32, #tpu.memory_space<vmem>>, vector<16xf32>,
        %mul3A_1133 = arith.mulf %get3A_1132, %gather3A : vector<16xf32>
        %swap3A_1134 = arith.constant 0 : i32
        %swap3A_1135 = arith.index_cast %swap3A_1134 : i32 to index
        %swap3A_1136 = arith.index_cast %add3A_1101 : i32 to index
        %swap3A_1137 = arith.constant 32 : index
        %swap3A_1138 = tpu.vector_load %arg14[%swap3A_1135, %swap3A_1136, %swap3A_1137] {strides = array<i32>} : memref<4x80x128xf32, #tpu.memory_space<vmem>>, vector<16xf32>,
        tpu.vector_store %arg14[%swap3A_1135, %swap3A_1136, %swap3A_1137], %mul3A_1133 {strides = array<i32>} : memref<4x80x128xf32, #tpu.memory_space<vmem>>, vector<16xf32>,
        %get3A_1139 = arith.constant 0 : i32
        %get3A_1140 = arith.index_cast %get3A_1139 : i32 to index
        %get3A_1141 = arith.index_cast %add3A_1101 : i32 to index
        %get3A_1142 = arith.constant 48 : index
        %get3A_1143 = tpu.vector_load %arg14[%get3A_1140, %get3A_1141, %get3A_1142] {strides = array<i32>} : memref<4x80x128xf32, #tpu.memory_space<vmem>>, vector<16xf32>,
        %mul3A_1144 = arith.mulf %get3A_1143, %gather3A : vector<16xf32>
        %swap3A_1145 = arith.constant 0 : i32
        %swap3A_1146 = arith.index_cast %swap3A_1145 : i32 to index
        %swap3A_1147 = arith.index_cast %add3A_1101 : i32 to index
        %swap3A_1148 = arith.constant 48 : index
        %swap3A_1149 = tpu.vector_load %arg14[%swap3A_1146, %swap3A_1147, %swap3A_1148] {strides = array<i32>} : memref<4x80x128xf32, #tpu.memory_space<vmem>>, vector<16xf32>,
        tpu.vector_store %arg14[%swap3A_1146, %swap3A_1147, %swap3A_1148], %mul3A_1144 {strides = array<i32>} : memref<4x80x128xf32, #tpu.memory_space<vmem>>, vector<16xf32>,
        %get3A_1150 = arith.constant 0 : i32
        %get3A_1151 = arith.index_cast %get3A_1150 : i32 to index
        %get3A_1152 = arith.index_cast %add3A_1101 : i32 to index
        %get3A_1153 = arith.constant 64 : index
        %get3A_1154 = tpu.vector_load %arg14[%get3A_1151, %get3A_1152, %get3A_1153] {strides = array<i32>} : memref<4x80x128xf32, #tpu.memory_space<vmem>>, vector<16xf32>,
        %mul3A_1155 = arith.mulf %get3A_1154, %gather3A : vector<16xf32>
        %swap3A_1156 = arith.constant 0 : i32
        %swap3A_1157 = arith.index_cast %swap3A_1156 : i32 to index
        %swap3A_1158 = arith.index_cast %add3A_1101 : i32 to index
        %swap3A_1159 = arith.constant 64 : index
        %swap3A_1160 = tpu.vector_load %arg14[%swap3A_1157, %swap3A_1158, %swap3A_1159] {strides = array<i32>} : memref<4x80x128xf32, #tpu.memory_space<vmem>>, vector<16xf32>,
        tpu.vector_store %arg14[%swap3A_1157, %swap3A_1158, %swap3A_1159], %mul3A_1155 {strides = array<i32>} : memref<4x80x128xf32, #tpu.memory_space<vmem>>, vector<16xf32>,
        %get3A_1161 = arith.constant 0 : i32
        %get3A_1162 = arith.index_cast %get3A_1161 : i32 to index
        %get3A_1163 = arith.index_cast %add3A_1101 : i32 to index
        %get3A_1164 = arith.constant 80 : index
        %get3A_1165 = tpu.vector_load %arg14[%get3A_1162, %get3A_1163, %get3A_1164] {strides = array<i32>} : memref<4x80x128xf32, #tpu.memory_space<vmem>>, vector<16xf32>,
        %mul3A_1166 = arith.mulf %get3A_1165, %gather3A : vector<16xf32>
        %swap3A_1167 = arith.constant 0 : i32
        %swap3A_1168 = arith.index_cast %swap3A_1167 : i32 to index
        %swap3A_1169 = arith.index_cast %add3A_1101 : i32 to index
        %swap3A_1170 = arith.constant 80 : index
        %swap3A_1171 = tpu.vector_load %arg14[%swap3A_1168, %swap3A_1169, %swap3A_1170] {strides = array<i32>} : memref<4x80x128xf32, #tpu.memory_space<vmem>>, vector<16xf32>,
        tpu.vector_store %arg14[%swap3A_1168, %swap3A_1169, %swap3A_1170], %mul3A_1166 {strides = array<i32>} : memref<4x80x128xf32, #tpu.memory_space<vmem>>, vector<16xf32>,
        %get3A_1172 = arith.constant 0 : i32
        %get3A_1173 = arith.index_cast %get3A_1172 : i32 to index
        %get3A_1174 = arith.index_cast %add3A_1101 : i32 to index
        %get3A_1175 = arith.constant 96 : index
        %get3A_1176 = tpu.vector_load %arg14[%get3A_1173, %get3A_1174, %get3A_1175] {strides = array<i32>} : memref<4x80x128xf32, #tpu.memory_space<vmem>>, vector<16xf32>,
        %mul3A_1177 = arith.mulf %get3A_1176, %gather3A : vector<16xf32>
        %swap3A_1178 = arith.constant 0 : i32
        %swap3A_1179 = arith.index_cast %swap3A_1178 : i32 to index
        %swap3A_1180 = arith.index_cast %add3A_1101 : i32 to index
        %swap3A_1181 = arith.constant 96 : index
        %swap3A_1182 = tpu.vector_load %arg14[%swap3A_1179, %swap3A_1180, %swap3A_1181] {strides = array<i32>} : memref<4x80x128xf32, #tpu.memory_space<vmem>>, vector<16xf32>,
        tpu.vector_store %arg14[%swap3A_1179, %swap3A_1180, %swap3A_1181], %mul3A_1177 {strides = array<i32>} : memref<4x80x128xf32, #tpu.memory_space<vmem>>, vector<16xf32>,
        %get3A_1183 = arith.constant 0 : i32
        %get3A_1184 = arith.index_cast %get3A_1183 : i32 to index
        %get3A_1185 = arith.index_cast %add3A_1101 : i32 to index
        %get3A_1186 = arith.constant 112 : index
        %get3A_1187 = tpu.vector_load %arg14[%get3A_1184, %get3A_1185, %get3A_1186] {strides = array<i32>} : memref<4x80x128xf32, #tpu.memory_space<vmem>>, vector<16xf32>,
        %mul3A_1188 = arith.mulf %get3A_1187, %gather3A : vector<16xf32>
        %swap3A_1189 = arith.constant 0 : i32
        %swap3A_1190 = arith.index_cast %swap3A_1189 : i32 to index
        %swap3A_1191 = arith.index_cast %add3A_1101 : i32 to index
        %swap3A_1192 = arith.constant 112 : index
        %swap3A_1193 = tpu.vector_load %arg14[%swap3A_1190, %swap3A_1191, %swap3A_1192] {strides = array<i32>} : memref<4x80x128xf32, #tpu.memory_space<vmem>>, vector<16xf32>,
        tpu.vector_store %arg14[%swap3A_1190, %swap3A_1191, %swap3A_1192], %mul3A_1188 {strides = array<i32>} : memref<4x80x128xf32, #tpu.memory_space<vmem>>, vector<16xf32>,
        %scan3A_1194 = arith.constant 1 : i32
        %scan3A_1195 = arith.addi %scan3A_1097, %scan3A_1194 : i32
        %mul3A_1196 = arith.constant 1 : i32
        %mul3A_1197 = arith.muli %scan3A_1195, %mul3A_1196 : i32
        %add3A_1198 = arith.constant 0 : i32
        %add3A_1199 = arith.addi %add3A_1198, %mul3A_1197 : i32
        %broadcast_in_dim3A_1200 = arith.constant 0 : i32
        %broadcast_in_dim3A_1201 = vector.broadcast %broadcast_in_dim3A_1200 : i32 to vector<16xi32>
        %add3A_1202 = vector.broadcast %add3A_1199 : i32 to vector<16xi32>
        %add3A_1203 = arith.addi %broadcast_in_dim3A_1201, %add3A_1202 : vector<16xi32>
        %gather3A_1204 = tpu.vector_load_idx %arg13[%add3A_1203] : memref<320xf32, #tpu.memory_space<vmem>>[vector<16xi32>], vector<16xf32>,
        %get3A_1205 = arith.constant 0 : i32
        %get3A_1206 = arith.index_cast %get3A_1205 : i32 to index
        %get3A_1207 = arith.index_cast %add3A_1199 : i32 to index
        %get3A_1208 = arith.constant 0 : index
        %get3A_1209 = tpu.vector_load %arg14[%get3A_1206, %get3A_1207, %get3A_1208] {strides = array<i32>} : memref<4x80x128xf32, #tpu.memory_space<vmem>>, vector<16xf32>,
        %mul3A_1210 = arith.mulf %get3A_1209, %gather3A_1204 : vector<16xf32>
        %swap3A_1211 = arith.constant 0 : i32
        %swap3A_1212 = arith.index_cast %swap3A_1211 : i32 to index
        %swap3A_1213 = arith.index_cast %add3A_1199 : i32 to index
        %swap3A_1214 = arith.constant 0 : index
        %swap3A_1215 = tpu.vector_load %arg14[%swap3A_1212, %swap3A_1213, %swap3A_1214] {strides = array<i32>} : memref<4x80x128xf32, #tpu.memory_space<vmem>>, vector<16xf32>,
        tpu.vector_store %arg14[%swap3A_1212, %swap3A_1213, %swap3A_1214], %mul3A_1210 {strides = array<i32>} : memref<4x80x128xf32, #tpu.memory_space<vmem>>, vector<16xf32>,
        %get3A_1216 = arith.constant 0 : i32
        %get3A_1217 = arith.index_cast %get3A_1216 : i32 to index
        %get3A_1218 = arith.index_cast %add3A_1199 : i32 to index
        %get3A_1219 = arith.constant 16 : index
        %get3A_1220 = tpu.vector_load %arg14[%get3A_1217, %get3A_1218, %get3A_1219] {strides = array<i32>} : memref<4x80x128xf32, #tpu.memory_space<vmem>>, vector<16xf32>,
        %mul3A_1221 = arith.mulf %get3A_1220, %gather3A_1204 : vector<16xf32>
        %swap3A_1222 = arith.constant 0 : i32
        %swap3A_1223 = arith.index_cast %swap3A_1222 : i32 to index
        %swap3A_1224 = arith.index_cast %add3A_1199 : i32 to index
        %swap3A_1225 = arith.constant 16 : index
        %swap3A_1226 = tpu.vector_load %arg14[%swap3A_1223, %swap3A_1224, %swap3A_1225] {strides = array<i32>} : memref<4x80x128xf32, #tpu.memory_space<vmem>>, vector<16xf32>,
        tpu.vector_store %arg14[%swap3A_1223, %swap3A_1224, %swap3A_1225], %mul3A_1221 {strides = array<i32>} : memref<4x80x128xf32, #tpu.memory_space<vmem>>, vector<16xf32>,
        %get3A_1227 = arith.constant 0 : i32
        %get3A_1228 = arith.index_cast %get3A_1227 : i32 to index
        %get3A_1229 = arith.index_cast %add3A_1199 : i32 to index
        %get3A_1230 = arith.constant 32 : index
        %get3A_1231 = tpu.vector_load %arg14[%get3A_1228, %get3A_1229, %get3A_1230] {strides = array<i32>} : memref<4x80x128xf32, #tpu.memory_space<vmem>>, vector<16xf32>,
        %mul3A_1232 = arith.mulf %get3A_1231, %gather3A_1204 : vector<16xf32>
        %swap3A_1233 = arith.constant 0 : i32
        %swap3A_1234 = arith.index_cast %swap3A_1233 : i32 to index
        %swap3A_1235 = arith.index_cast %add3A_1199 : i32 to index
        %swap3A_1236 = arith.constant 32 : index
        %swap3A_1237 = tpu.vector_load %arg14[%swap3A_1234, %swap3A_1235, %swap3A_1236] {strides = array<i32>} : memref<4x80x128xf32, #tpu.memory_space<vmem>>, vector<16xf32>,
        tpu.vector_store %arg14[%swap3A_1234, %swap3A_1235, %swap3A_1236], %mul3A_1232 {strides = array<i32>} : memref<4x80x128xf32, #tpu.memory_space<vmem>>, vector<16xf32>,
        %get3A_1238 = arith.constant 0 : i32
        %get3A_1239 = arith.index_cast %get3A_1238 : i32 to index
        %get3A_1240 = arith.index_cast %add3A_1199 : i32 to index
        %get3A_1241 = arith.constant 48 : index
        %get3A_1242 = tpu.vector_load %arg14[%get3A_1239, %get3A_1240, %get3A_1241] {strides = array<i32>} : memref<4x80x128xf32, #tpu.memory_space<vmem>>, vector<16xf32>,
        %mul3A_1243 = arith.mulf %get3A_1242, %gather3A_1204 : vector<16xf32>
        %swap3A_1244 = arith.constant 0 : i32
        %swap3A_1245 = arith.index_cast %swap3A_1244 : i32 to index
        %swap3A_1246 = arith.index_cast %add3A_1199 : i32 to index
        %swap3A_1247 = arith.constant 48 : index
        %swap3A_1248 = tpu.vector_load %arg14[%swap3A_1245, %swap3A_1246, %swap3A_1247] {strides = array<i32>} : memref<4x80x128xf32, #tpu.memory_space<vmem>>, vector<16xf32>,
        tpu.vector_store %arg14[%swap3A_1245, %swap3A_1246, %swap3A_1247], %mul3A_1243 {strides = array<i32>} : memref<4x80x128xf32, #tpu.memory_space<vmem>>, vector<16xf32>,
        %get3A_1249 = arith.constant 0 : i32
        %get3A_1250 = arith.index_cast %get3A_1249 : i32 to index
        %get3A_1251 = arith.index_cast %add3A_1199 : i32 to index
        %get3A_1252 = arith.constant 64 : index
        %get3A_1253 = tpu.vector_load %arg14[%get3A_1250, %get3A_1251, %get3A_1252] {strides = array<i32>} : memref<4x80x128xf32, #tpu.memory_space<vmem>>, vector<16xf32>,
        %mul3A_1254 = arith.mulf %get3A_1253, %gather3A_1204 : vector<16xf32>
        %swap3A_1255 = arith.constant 0 : i32
        %swap3A_1256 = arith.index_cast %swap3A_1255 : i32 to index
        %swap3A_1257 = arith.index_cast %add3A_1199 : i32 to index
        %swap3A_1258 = arith.constant 64 : index
        %swap3A_1259 = tpu.vector_load %arg14[%swap3A_1256, %swap3A_1257, %swap3A_1258] {strides = array<i32>} : memref<4x80x128xf32, #tpu.memory_space<vmem>>, vector<16xf32>,
        tpu.vector_store %arg14[%swap3A_1256, %swap3A_1257, %swap3A_1258], %mul3A_1254 {strides = array<i32>} : memref<4x80x128xf32, #tpu.memory_space<vmem>>, vector<16xf32>,
        %get3A_1260 = arith.constant 0 : i32
        %get3A_1261 = arith.index_cast %get3A_1260 : i32 to index
        %get3A_1262 = arith.index_cast %add3A_1199 : i32 to index
        %get3A_1263 = arith.constant 80 : index
        %get3A_1264 = tpu.vector_load %arg14[%get3A_1261, %get3A_1262, %get3A_1263] {strides = array<i32>} : memref<4x80x128xf32, #tpu.memory_space<vmem>>, vector<16xf32>,
        %mul3A_1265 = arith.mulf %get3A_1264, %gather3A_1204 : vector<16xf32>
        %swap3A_1266 = arith.constant 0 : i32
        %swap3A_1267 = arith.index_cast %swap3A_1266 : i32 to index
        %swap3A_1268 = arith.index_cast %add3A_1199 : i32 to index
        %swap3A_1269 = arith.constant 80 : index
        %swap3A_1270 = tpu.vector_load %arg14[%swap3A_1267, %swap3A_1268, %swap3A_1269] {strides = array<i32>} : memref<4x80x128xf32, #tpu.memory_space<vmem>>, vector<16xf32>,
        tpu.vector_store %arg14[%swap3A_1267, %swap3A_1268, %swap3A_1269], %mul3A_1265 {strides = array<i32>} : memref<4x80x128xf32, #tpu.memory_space<vmem>>, vector<16xf32>,
        %get3A_1271 = arith.constant 0 : i32
        %get3A_1272 = arith.index_cast %get3A_1271 : i32 to index
        %get3A_1273 = arith.index_cast %add3A_1199 : i32 to index
        %get3A_1274 = arith.constant 96 : index
        %get3A_1275 = tpu.vector_load %arg14[%get3A_1272, %get3A_1273, %get3A_1274] {strides = array<i32>} : memref<4x80x128xf32, #tpu.memory_space<vmem>>, vector<16xf32>,
        %mul3A_1276 = arith.mulf %get3A_1275, %gather3A_1204 : vector<16xf32>
        %swap3A_1277 = arith.constant 0 : i32
        %swap3A_1278 = arith.index_cast %swap3A_1277 : i32 to index
        %swap3A_1279 = arith.index_cast %add3A_1199 : i32 to index
        %swap3A_1280 = arith.constant 96 : index
        %swap3A_1281 = tpu.vector_load %arg14[%swap3A_1278, %swap3A_1279, %swap3A_1280] {strides = array<i32>} : memref<4x80x128xf32, #tpu.memory_space<vmem>>, vector<16xf32>,
        tpu.vector_store %arg14[%swap3A_1278, %swap3A_1279, %swap3A_1280], %mul3A_1276 {strides = array<i32>} : memref<4x80x128xf32, #tpu.memory_space<vmem>>, vector<16xf32>,
        %get3A_1282 = arith.constant 0 : i32
        %get3A_1283 = arith.index_cast %get3A_1282 : i32 to index
        %get3A_1284 = arith.index_cast %add3A_1199 : i32 to index
        %get3A_1285 = arith.constant 112 : index
        %get3A_1286 = tpu.vector_load %arg14[%get3A_1283, %get3A_1284, %get3A_1285] {strides = array<i32>} : memref<4x80x128xf32, #tpu.memory_space<vmem>>, vector<16xf32>,
        %mul3A_1287 = arith.mulf %get3A_1286, %gather3A_1204 : vector<16xf32>
        %swap3A_1288 = arith.constant 0 : i32
        %swap3A_1289 = arith.index_cast %swap3A_1288 : i32 to index
        %swap3A_1290 = arith.index_cast %add3A_1199 : i32 to index
        %swap3A_1291 = arith.constant 112 : index
        %swap3A_1292 = tpu.vector_load %arg14[%swap3A_1289, %swap3A_1290, %swap3A_1291] {strides = array<i32>} : memref<4x80x128xf32, #tpu.memory_space<vmem>>, vector<16xf32>,
        tpu.vector_store %arg14[%swap3A_1289, %swap3A_1290, %swap3A_1291], %mul3A_1287 {strides = array<i32>} : memref<4x80x128xf32, #tpu.memory_space<vmem>>, vector<16xf32>,
      }
      %scan3A_562 = arith.constant 80 : i32
      %dma_start3A_563 = arith.constant 0 : i32
      %dma_start3A_564 = arith.constant 0 : i32
      %dma_start3A_565 = arith.constant 0 : i32
      %dma_start3A_566 = arith.constant 0 : i32
      %dma_start3A_567 = tpu.memref_slice %arg14[%dma_start3A_563, %dma_start3A_565, %dma_start3A_566] : memref<4x80x128xf32, #tpu.memory_space<vmem>> -> memref<1x80x128xf32, #tpu.memory_space<vmem>>
      %dma_start3A_568 = tpu.memref_squeeze %dma_start3A_567 : memref<1x80x128xf32, #tpu.memory_space<vmem>> -> memref<80x128xf32, #tpu.memory_space<vmem>>
      %dma_start3A_569 = arith.constant 0 : i32
      %dma_start3A_570 = tpu.memref_slice %arg9[%dma_start3A_564, %dma_start3A_569] : memref<4x80xi32, #tpu.memory_space<vmem>> -> memref<1x80xi32, #tpu.memory_space<vmem>>
      %dma_start3A_571 = tpu.memref_squeeze %dma_start3A_570 : memref<1x80xi32, #tpu.memory_space<vmem>> -> memref<80xi32, #tpu.memory_space<vmem>>
      %dma_start3A_572 = arith.constant 0 : i32
      %dma_start3A_573 = arith.constant 0 : i32
      %dma_start3A_574 = tpu.memref_slice %arg16[%dma_start3A_572, %dma_start3A_573] : memref<10000x128xf32, #tpu.memory_space<vmem_shared>> -> memref<10000x128xf32, #tpu.memory_space<vmem_shared>>
      tpu.enqueue_indirect_dma source(%dma_start3A_568 : memref<80x128xf32, #tpu.memory_space<vmem>>) target(%dma_start3A_574 : memref<10000x128xf32, #tpu.memory_space<vmem_shared>>) offsets(%dma_start3A_571 : memref<80xi32, #tpu.memory_space<vmem>>) semaphore(%arg29 : memref<!tpu.dma_semaphore, #tpu.memory_space<semaphore_mem>>) {add = true}
      %mul3A_575 = arith.constant 4 : i32
      %mul3A_576 = arith.muli %add3A_403, %mul3A_575 : i32
      %add3A_577 = arith.constant 1 : i32
      %add3A_578 = arith.addi %mul3A_576, %add3A_577 : i32
      %add3A_579 = arith.constant 2 : i32
      %add3A_580 = arith.addi %add3A_578, %add3A_579 : i32
      %min3A_581 = arith.constant 124 : i32
      %min3A_582 = arith.minsi %add3A_580, %min3A_581 : i32
      %add3A_583 = arith.constant 2 : i32
      %add3A_584 = arith.addi %add3A_578, %add3A_583 : i32
      %lt3A_585 = arith.constant 125 : i32
      %lt3A_586 = arith.cmpi slt, %add3A_584, %lt3A_585 : i32
      %convert_element_type3A_587 = arith.extui %lt3A_586 : i1 to i32
      %cond3A_588 = arith.constant 0 : i32
      %cond3A_589 = arith.cmpi ne, %convert_element_type3A_587, %cond3A_588 : i32
      scf.if %cond3A_589 {
        %ge3A = arith.constant 2 : i32
        %ge3A_1097 = arith.cmpi sge, %add3A_578, %ge3A : i32
        %convert_element_type3A_1098 = arith.extui %ge3A_1097 : i1 to i32
        %cond3A_1099 = arith.constant 0 : i32
        %cond3A_1100 = arith.cmpi ne, %convert_element_type3A_1098, %cond3A_1099 : i32
        scf.if %cond3A_1100 {
          %dma_wait3A_1125 = arith.constant 3 : i32
          %dma_wait3A_1126 = arith.constant 3 : i32
          %dma_wait3A_1127 = arith.constant 0 : i32
          %dma_wait3A_1128 = arith.constant 0 : i32
          %dma_wait3A_1129 = tpu.memref_slice %arg14[%dma_wait3A_1125, %dma_wait3A_1127, %dma_wait3A_1128] : memref<4x80x128xf32, #tpu.memory_space<vmem>> -> memref<1x80x128xf32, #tpu.memory_space<vmem>>
          %dma_wait3A_1130 = tpu.memref_squeeze %dma_wait3A_1129 : memref<1x80x128xf32, #tpu.memory_space<vmem>> -> memref<80x128xf32, #tpu.memory_space<vmem>>
          %dma_wait3A_1131 = arith.constant 0 : i32
          %dma_wait3A_1132 = tpu.memref_slice %arg9[%dma_wait3A_1126, %dma_wait3A_1131] : memref<4x80xi32, #tpu.memory_space<vmem>> -> memref<1x80xi32, #tpu.memory_space<vmem>>
          %dma_wait3A_1133 = tpu.memref_squeeze %dma_wait3A_1132 : memref<1x80xi32, #tpu.memory_space<vmem>> -> memref<80xi32, #tpu.memory_space<vmem>>
          %dma_wait3A_1134 = arith.constant 0 : i32
          %dma_wait3A_1135 = arith.constant 0 : i32
          %dma_wait3A_1136 = tpu.memref_slice %arg16[%dma_wait3A_1134, %dma_wait3A_1135] : memref<10000x128xf32, #tpu.memory_space<vmem_shared>> -> memref<10000x128xf32, #tpu.memory_space<vmem_shared>>
          tpu.wait_indirect_dma semaphore(%arg32 : memref<!tpu.dma_semaphore, #tpu.memory_space<semaphore_mem>>) src(%dma_wait3A_1130 : memref<80x128xf32, #tpu.memory_space<vmem>>) dst(%dma_wait3A_1136 : memref<10000x128xf32, #tpu.memory_space<vmem_shared>>)
          %dma_wait3A_1137 = arith.constant 3 : i32
          %dma_wait3A_1138 = arith.constant 240 : i32
          %dma_wait3A_1139 = tpu.memref_slice %arg13[%dma_wait3A_1138] : memref<320xf32, #tpu.memory_space<vmem>> -> memref<80xf32, #tpu.memory_space<vmem>>
          %dma_wait3A_1140 = arith.constant 0 : i32
          %dma_wait3A_1141 = tpu.memref_slice %arg9[%dma_wait3A_1137, %dma_wait3A_1140] : memref<4x80xi32, #tpu.memory_space<vmem>> -> memref<1x80xi32, #tpu.memory_space<vmem>>
          %dma_wait3A_1142 = tpu.memref_squeeze %dma_wait3A_1141 : memref<1x80xi32, #tpu.memory_space<vmem>> -> memref<80xi32, #tpu.memory_space<vmem>>
          %dma_wait3A_1143 = arith.constant 0 : i32
          %dma_wait3A_1144 = tpu.memref_slice %arg15[%dma_wait3A_1143] : memref<10000xf32, #tpu.memory_space<vmem_shared>> -> memref<10000xf32, #tpu.memory_space<vmem_shared>>
          tpu.wait_indirect_dma semaphore(%arg36 : memref<!tpu.dma_semaphore, #tpu.memory_space<semaphore_mem>>) src(%dma_wait3A_1139 : memref<80xf32, #tpu.memory_space<vmem>>) dst(%dma_wait3A_1144 : memref<10000xf32, #tpu.memory_space<vmem_shared>>)
        } else {
        }
        %mul3A_1101 = arith.constant 80 : i32
        %mul3A_1102 = arith.muli %min3A_582, %mul3A_1101 : i32
        %add3A_1103 = arith.addi %mul3A_46, %mul3A_1102 : i32
        %dma_start3A_1104 = arith.constant 3 : i32
        %dma_start3A_1105 = arith.constant 0 : i32
        %dma_start3A_1106 = tpu.memref_slice %arg9[%dma_start3A_1104, %dma_start3A_1105] : memref<4x80xi32, #tpu.memory_space<vmem>> -> memref<1x80xi32, #tpu.memory_space<vmem>>
        %dma_start3A_1107 = tpu.memref_squeeze %dma_start3A_1106 : memref<1x80xi32, #tpu.memory_space<vmem>> -> memref<80xi32, #tpu.memory_space<vmem>>
        %dma_start3A_1108 = tpu.memref_slice %arg2[%add3A_1103] : memref<320000xi32, #tpu.memory_space<hbm>> -> memref<80xi32, #tpu.memory_space<hbm>>
        %dma_start3A_1109 = arith.constant 0 : i32
        %dma_start3A_1110 = tpu.memref_slice %arg9[%dma_start3A_1104, %dma_start3A_1109] : memref<4x80xi32, #tpu.memory_space<vmem>> -> memref<1x80xi32, #tpu.memory_space<vmem>>
        %dma_start3A_1111 = tpu.memref_squeeze %dma_start3A_1110 : memref<1x80xi32, #tpu.memory_space<vmem>> -> memref<80xi32, #tpu.memory_space<vmem>>
        %dma_start3A_1112 = tpu.memref_slice %arg2[%add3A_1103] : memref<320000xi32, #tpu.memory_space<hbm>> -> memref<80xi32, #tpu.memory_space<hbm>>
        tpu.enqueue_dma source(%dma_start3A_1112 : memref<80xi32, #tpu.memory_space<hbm>>) target(%dma_start3A_1111 : memref<80xi32, #tpu.memory_space<vmem>>) target_semaphore(%arg20 : memref<!tpu.dma_semaphore, #tpu.memory_space<semaphore_mem>>)
        %mul3A_1113 = arith.constant 80 : i32
        %mul3A_1114 = arith.muli %min3A_582, %mul3A_1113 : i32
        %add3A_1115 = arith.addi %mul3A_46, %mul3A_1114 : i32
        %dma_start3A_1116 = arith.constant 3 : i32
        %dma_start3A_1117 = arith.constant 0 : i32
        %dma_start3A_1118 = tpu.memref_slice %arg10[%dma_start3A_1116, %dma_start3A_1117] : memref<4x80xi32, #tpu.memory_space<vmem>> -> memref<1x80xi32, #tpu.memory_space<vmem>>
        %dma_start3A_1119 = tpu.memref_squeeze %dma_start3A_1118 : memref<1x80xi32, #tpu.memory_space<vmem>> -> memref<80xi32, #tpu.memory_space<vmem>>
        %dma_start3A_1120 = tpu.memref_slice %arg3[%add3A_1115] : memref<320000xi32, #tpu.memory_space<hbm>> -> memref<80xi32, #tpu.memory_space<hbm>>
        %dma_start3A_1121 = arith.constant 0 : i32
        %dma_start3A_1122 = tpu.memref_slice %arg10[%dma_start3A_1116, %dma_start3A_1121] : memref<4x80xi32, #tpu.memory_space<vmem>> -> memref<1x80xi32, #tpu.memory_space<vmem>>
        %dma_start3A_1123 = tpu.memref_squeeze %dma_start3A_1122 : memref<1x80xi32, #tpu.memory_space<vmem>> -> memref<80xi32, #tpu.memory_space<vmem>>
        %dma_start3A_1124 = tpu.memref_slice %arg3[%add3A_1115] : memref<320000xi32, #tpu.memory_space<hbm>> -> memref<80xi32, #tpu.memory_space<hbm>>
        tpu.enqueue_dma source(%dma_start3A_1124 : memref<80xi32, #tpu.memory_space<hbm>>) target(%dma_start3A_1123 : memref<80xi32, #tpu.memory_space<vmem>>) target_semaphore(%arg20 : memref<!tpu.dma_semaphore, #tpu.memory_space<semaphore_mem>>)
      } else {
      }
      %add3A_590 = arith.constant 1 : i32
      %add3A_591 = arith.addi %add3A_578, %add3A_590 : i32
      %lt3A_592 = arith.constant 125 : i32
      %lt3A_593 = arith.cmpi slt, %add3A_591, %lt3A_592 : i32
      %convert_element_type3A_594 = arith.extui %lt3A_593 : i1 to i32
      %cond3A_595 = arith.constant 0 : i32
      %cond3A_596 = arith.cmpi ne, %convert_element_type3A_594, %cond3A_595 : i32
      scf.if %cond3A_596 {
        %dma_wait3A_1097 = arith.constant 2 : i32
        %dma_wait3A_1098 = arith.constant 0 : i32
        %dma_wait3A_1099 = tpu.memref_slice %arg9[%dma_wait3A_1097, %dma_wait3A_1098] : memref<4x80xi32, #tpu.memory_space<vmem>> -> memref<1x80xi32, #tpu.memory_space<vmem>>
        %dma_wait3A_1100 = tpu.memref_squeeze %dma_wait3A_1099 : memref<1x80xi32, #tpu.memory_space<vmem>> -> memref<80xi32, #tpu.memory_space<vmem>>
        %dma_wait3A_1101 = arith.constant 0 : i32
        %dma_wait3A_1102 = tpu.memref_slice %arg2[%dma_wait3A_1101] : memref<320000xi32, #tpu.memory_space<hbm>> -> memref<80xi32, #tpu.memory_space<hbm>>
        %dma_wait3A_1103 = arith.constant 0 : i32
        %dma_wait3A_1104 = tpu.memref_slice %arg9[%dma_wait3A_1097, %dma_wait3A_1103] : memref<4x80xi32, #tpu.memory_space<vmem>> -> memref<1x80xi32, #tpu.memory_space<vmem>>
        %dma_wait3A_1105 = tpu.memref_squeeze %dma_wait3A_1104 : memref<1x80xi32, #tpu.memory_space<vmem>> -> memref<80xi32, #tpu.memory_space<vmem>>
        %dma_wait3A_1106 = arith.constant 0 : i32
        %dma_wait3A_1107 = tpu.memref_slice %arg2[%dma_wait3A_1106] : memref<320000xi32, #tpu.memory_space<hbm>> -> memref<80xi32, #tpu.memory_space<hbm>>
        tpu.wait_dma2 semaphore(%arg19 : memref<!tpu.dma_semaphore, #tpu.memory_space<semaphore_mem>>) src(%dma_wait3A_1107 : memref<80xi32, #tpu.memory_space<hbm>>) dst(%dma_wait3A_1105 : memref<80xi32, #tpu.memory_space<vmem>>)
        %dma_wait3A_1108 = arith.constant 2 : i32
        %dma_wait3A_1109 = arith.constant 0 : i32
        %dma_wait3A_1110 = tpu.memref_slice %arg10[%dma_wait3A_1108, %dma_wait3A_1109] : memref<4x80xi32, #tpu.memory_space<vmem>> -> memref<1x80xi32, #tpu.memory_space<vmem>>
        %dma_wait3A_1111 = tpu.memref_squeeze %dma_wait3A_1110 : memref<1x80xi32, #tpu.memory_space<vmem>> -> memref<80xi32, #tpu.memory_space<vmem>>
        %dma_wait3A_1112 = arith.constant 0 : i32
        %dma_wait3A_1113 = tpu.memref_slice %arg3[%dma_wait3A_1112] : memref<320000xi32, #tpu.memory_space<hbm>> -> memref<80xi32, #tpu.memory_space<hbm>>
        %dma_wait3A_1114 = arith.constant 0 : i32
        %dma_wait3A_1115 = tpu.memref_slice %arg10[%dma_wait3A_1108, %dma_wait3A_1114] : memref<4x80xi32, #tpu.memory_space<vmem>> -> memref<1x80xi32, #tpu.memory_space<vmem>>
        %dma_wait3A_1116 = tpu.memref_squeeze %dma_wait3A_1115 : memref<1x80xi32, #tpu.memory_space<vmem>> -> memref<80xi32, #tpu.memory_space<vmem>>
        %dma_wait3A_1117 = arith.constant 0 : i32
        %dma_wait3A_1118 = tpu.memref_slice %arg3[%dma_wait3A_1117] : memref<320000xi32, #tpu.memory_space<hbm>> -> memref<80xi32, #tpu.memory_space<hbm>>
        tpu.wait_dma2 semaphore(%arg19 : memref<!tpu.dma_semaphore, #tpu.memory_space<semaphore_mem>>) src(%dma_wait3A_1118 : memref<80xi32, #tpu.memory_space<hbm>>) dst(%dma_wait3A_1116 : memref<80xi32, #tpu.memory_space<vmem>>)
        %dma_start3A_1119 = arith.constant 2 : i32
        %dma_start3A_1120 = arith.constant 2 : i32
        %dma_start3A_1121 = arith.constant 0 : i32
        %dma_start3A_1122 = tpu.memref_slice %arg11[%dma_start3A_1120, %dma_start3A_1121] : memref<4x80xf32, #tpu.memory_space<vmem>> -> memref<1x80xf32, #tpu.memory_space<vmem>>
        %dma_start3A_1123 = tpu.memref_squeeze %dma_start3A_1122 : memref<1x80xf32, #tpu.memory_space<vmem>> -> memref<80xf32, #tpu.memory_space<vmem>>
        %dma_start3A_1124 = arith.constant 0 : i32
        %dma_start3A_1125 = tpu.memref_slice %arg9[%dma_start3A_1119, %dma_start3A_1124] : memref<4x80xi32, #tpu.memory_space<vmem>> -> memref<1x80xi32, #tpu.memory_space<vmem>>
        %dma_start3A_1126 = tpu.memref_squeeze %dma_start3A_1125 : memref<1x80xi32, #tpu.memory_space<vmem>> -> memref<80xi32, #tpu.memory_space<vmem>>
        %dma_start3A_1127 = arith.constant 0 : i32
        %dma_start3A_1128 = tpu.memref_slice %arg4[%dma_start3A_1127] : memref<10000xf32, #tpu.memory_space<hbm>> -> memref<10000xf32, #tpu.memory_space<hbm>>
        tpu.enqueue_indirect_dma source(%dma_start3A_1128 : memref<10000xf32, #tpu.memory_space<hbm>>) target(%dma_start3A_1123 : memref<80xf32, #tpu.memory_space<vmem>>) offsets(%dma_start3A_1126 : memref<80xi32, #tpu.memory_space<vmem>>) semaphore(%arg23 : memref<!tpu.dma_semaphore, #tpu.memory_space<semaphore_mem>>)
        %dma_start3A_1129 = arith.constant 2 : i32
        %dma_start3A_1130 = arith.constant 2 : i32
        %dma_start3A_1131 = arith.constant 0 : i32
        %dma_start3A_1132 = tpu.memref_slice %arg12[%dma_start3A_1130, %dma_start3A_1131] : memref<4x80xf32, #tpu.memory_space<vmem>> -> memref<1x80xf32, #tpu.memory_space<vmem>>
        %dma_start3A_1133 = tpu.memref_squeeze %dma_start3A_1132 : memref<1x80xf32, #tpu.memory_space<vmem>> -> memref<80xf32, #tpu.memory_space<vmem>>
        %dma_start3A_1134 = arith.constant 0 : i32
        %dma_start3A_1135 = tpu.memref_slice %arg10[%dma_start3A_1129, %dma_start3A_1134] : memref<4x80xi32, #tpu.memory_space<vmem>> -> memref<1x80xi32, #tpu.memory_space<vmem>>
        %dma_start3A_1136 = tpu.memref_squeeze %dma_start3A_1135 : memref<1x80xi32, #tpu.memory_space<vmem>> -> memref<80xi32, #tpu.memory_space<vmem>>
        %dma_start3A_1137 = arith.constant 0 : i32
        %dma_start3A_1138 = tpu.memref_slice %arg5[%dma_start3A_1137] : memref<10000xf32, #tpu.memory_space<hbm>> -> memref<10000xf32, #tpu.memory_space<hbm>>
        tpu.enqueue_indirect_dma source(%dma_start3A_1138 : memref<10000xf32, #tpu.memory_space<hbm>>) target(%dma_start3A_1133 : memref<80xf32, #tpu.memory_space<vmem>>) offsets(%dma_start3A_1136 : memref<80xi32, #tpu.memory_space<vmem>>) semaphore(%arg23 : memref<!tpu.dma_semaphore, #tpu.memory_space<semaphore_mem>>)
        %dma_start3A_1139 = arith.constant 2 : i32
        %dma_start3A_1140 = arith.constant 2 : i32
        %dma_start3A_1141 = arith.constant 0 : i32
        %dma_start3A_1142 = arith.constant 0 : i32
        %dma_start3A_1143 = tpu.memref_slice %arg14[%dma_start3A_1140, %dma_start3A_1141, %dma_start3A_1142] : memref<4x80x128xf32, #tpu.memory_space<vmem>> -> memref<1x80x128xf32, #tpu.memory_space<vmem>>
        %dma_start3A_1144 = tpu.memref_squeeze %dma_start3A_1143 : memref<1x80x128xf32, #tpu.memory_space<vmem>> -> memref<80x128xf32, #tpu.memory_space<vmem>>
        %dma_start3A_1145 = arith.constant 0 : i32
        %dma_start3A_1146 = tpu.memref_slice %arg10[%dma_start3A_1139, %dma_start3A_1145] : memref<4x80xi32, #tpu.memory_space<vmem>> -> memref<1x80xi32, #tpu.memory_space<vmem>>
        %dma_start3A_1147 = tpu.memref_squeeze %dma_start3A_1146 : memref<1x80xi32, #tpu.memory_space<vmem>> -> memref<80xi32, #tpu.memory_space<vmem>>
        %dma_start3A_1148 = arith.constant 0 : i32
        %dma_start3A_1149 = arith.constant 0 : i32
        %dma_start3A_1150 = tpu.memref_slice %arg6[%dma_start3A_1148, %dma_start3A_1149] : memref<10000x128xf32, #tpu.memory_space<hbm>> -> memref<10000x128xf32, #tpu.memory_space<hbm>>
        tpu.enqueue_indirect_dma source(%dma_start3A_1150 : memref<10000x128xf32, #tpu.memory_space<hbm>>) target(%dma_start3A_1144 : memref<80x128xf32, #tpu.memory_space<vmem>>) offsets(%dma_start3A_1147 : memref<80xi32, #tpu.memory_space<vmem>>) semaphore(%arg27 : memref<!tpu.dma_semaphore, #tpu.memory_space<semaphore_mem>>)
      } else {
      }
      %dma_wait3A_597 = arith.constant 1 : i32
      %dma_wait3A_598 = arith.constant 1 : i32
      %dma_wait3A_599 = arith.constant 0 : i32
      %dma_wait3A_600 = tpu.memref_slice %arg11[%dma_wait3A_598, %dma_wait3A_599] : memref<4x80xf32, #tpu.memory_space<vmem>> -> memref<1x80xf32, #tpu.memory_space<vmem>>
      %dma_wait3A_601 = tpu.memref_squeeze %dma_wait3A_600 : memref<1x80xf32, #tpu.memory_space<vmem>> -> memref<80xf32, #tpu.memory_space<vmem>>
      %dma_wait3A_602 = arith.constant 0 : i32
      %dma_wait3A_603 = tpu.memref_slice %arg9[%dma_wait3A_597, %dma_wait3A_602] : memref<4x80xi32, #tpu.memory_space<vmem>> -> memref<1x80xi32, #tpu.memory_space<vmem>>
      %dma_wait3A_604 = tpu.memref_squeeze %dma_wait3A_603 : memref<1x80xi32, #tpu.memory_space<vmem>> -> memref<80xi32, #tpu.memory_space<vmem>>
      %dma_wait3A_605 = arith.constant 0 : i32
      %dma_wait3A_606 = tpu.memref_slice %arg4[%dma_wait3A_605] : memref<10000xf32, #tpu.memory_space<hbm>> -> memref<10000xf32, #tpu.memory_space<hbm>>
      tpu.wait_indirect_dma semaphore(%arg22 : memref<!tpu.dma_semaphore, #tpu.memory_space<semaphore_mem>>) src(%dma_wait3A_606 : memref<10000xf32, #tpu.memory_space<hbm>>) dst(%dma_wait3A_601 : memref<80xf32, #tpu.memory_space<vmem>>)
      %dma_wait3A_607 = arith.constant 1 : i32
      %dma_wait3A_608 = arith.constant 1 : i32
      %dma_wait3A_609 = arith.constant 0 : i32
      %dma_wait3A_610 = tpu.memref_slice %arg12[%dma_wait3A_608, %dma_wait3A_609] : memref<4x80xf32, #tpu.memory_space<vmem>> -> memref<1x80xf32, #tpu.memory_space<vmem>>
      %dma_wait3A_611 = tpu.memref_squeeze %dma_wait3A_610 : memref<1x80xf32, #tpu.memory_space<vmem>> -> memref<80xf32, #tpu.memory_space<vmem>>
      %dma_wait3A_612 = arith.constant 0 : i32
      %dma_wait3A_613 = tpu.memref_slice %arg10[%dma_wait3A_607, %dma_wait3A_612] : memref<4x80xi32, #tpu.memory_space<vmem>> -> memref<1x80xi32, #tpu.memory_space<vmem>>
      %dma_wait3A_614 = tpu.memref_squeeze %dma_wait3A_613 : memref<1x80xi32, #tpu.memory_space<vmem>> -> memref<80xi32, #tpu.memory_space<vmem>>
      %dma_wait3A_615 = arith.constant 0 : i32
      %dma_wait3A_616 = tpu.memref_slice %arg5[%dma_wait3A_615] : memref<10000xf32, #tpu.memory_space<hbm>> -> memref<10000xf32, #tpu.memory_space<hbm>>
      tpu.wait_indirect_dma semaphore(%arg22 : memref<!tpu.dma_semaphore, #tpu.memory_space<semaphore_mem>>) src(%dma_wait3A_616 : memref<10000xf32, #tpu.memory_space<hbm>>) dst(%dma_wait3A_611 : memref<80xf32, #tpu.memory_space<vmem>>)
      %dma_wait3A_617 = arith.constant 1 : i32
      %dma_wait3A_618 = arith.constant 1 : i32
      %dma_wait3A_619 = arith.constant 0 : i32
      %dma_wait3A_620 = arith.constant 0 : i32
      %dma_wait3A_621 = tpu.memref_slice %arg14[%dma_wait3A_618, %dma_wait3A_619, %dma_wait3A_620] : memref<4x80x128xf32, #tpu.memory_space<vmem>> -> memref<1x80x128xf32, #tpu.memory_space<vmem>>
      %dma_wait3A_622 = tpu.memref_squeeze %dma_wait3A_621 : memref<1x80x128xf32, #tpu.memory_space<vmem>> -> memref<80x128xf32, #tpu.memory_space<vmem>>
      %dma_wait3A_623 = arith.constant 0 : i32
      %dma_wait3A_624 = tpu.memref_slice %arg10[%dma_wait3A_617, %dma_wait3A_623] : memref<4x80xi32, #tpu.memory_space<vmem>> -> memref<1x80xi32, #tpu.memory_space<vmem>>
      %dma_wait3A_625 = tpu.memref_squeeze %dma_wait3A_624 : memref<1x80xi32, #tpu.memory_space<vmem>> -> memref<80xi32, #tpu.memory_space<vmem>>
      %dma_wait3A_626 = arith.constant 0 : i32
      %dma_wait3A_627 = arith.constant 0 : i32
      %dma_wait3A_628 = tpu.memref_slice %arg6[%dma_wait3A_626, %dma_wait3A_627] : memref<10000x128xf32, #tpu.memory_space<hbm>> -> memref<10000x128xf32, #tpu.memory_space<hbm>>
      tpu.wait_indirect_dma semaphore(%arg26 : memref<!tpu.dma_semaphore, #tpu.memory_space<semaphore_mem>>) src(%dma_wait3A_628 : memref<10000x128xf32, #tpu.memory_space<hbm>>) dst(%dma_wait3A_622 : memref<80x128xf32, #tpu.memory_space<vmem>>)
      %get3A_629 = arith.constant 1 : i32
      %get3A_630 = arith.index_cast %get3A_629 : i32 to index
      %get3A_631 = arith.constant 0 : index
      %get3A_632 = tpu.vector_load %arg11[%get3A_630, %get3A_631] {strides = array<i32>} : memref<4x80xf32, #tpu.memory_space<vmem>>, vector<16xf32>,
      %get3A_633 = arith.constant 1 : i32
      %get3A_634 = arith.index_cast %get3A_633 : i32 to index
      %get3A_635 = arith.constant 0 : index
      %get3A_636 = tpu.vector_load %arg12[%get3A_634, %get3A_635] {strides = array<i32>} : memref<4x80xf32, #tpu.memory_space<vmem>>, vector<16xf32>,
      %add3A_637 = arith.addf %get3A_632, %get3A_636 : vector<16xf32>
      %gt3A_638 = arith.constant 0.000000e+00 : f32
      %gt3A_639 = vector.broadcast %gt3A_638 : f32 to vector<16xf32>
      %gt3A_640 = arith.cmpf ogt, %add3A_637, %gt3A_639 : vector<16xf32>
      %mul3A_641 = arith.constant 2.000000e-01 : f32
      %mul3A_642 = vector.broadcast %mul3A_641 : f32 to vector<16xf32>
      %mul3A_643 = arith.mulf %mul3A_642, %add3A_637 : vector<16xf32>
      %select_n3A_644 = arith.select %gt3A_640, %add3A_637, %mul3A_643 : vector<16xi1>, vector<16xf32>
      %exp3A_645 = math.exp %select_n3A_644 : vector<16xf32>
      %swap3A_646 = arith.constant 80 : index
      %swap3A_647 = tpu.vector_load %arg13[%swap3A_646] {strides = array<i32>} : memref<320xf32, #tpu.memory_space<vmem>>, vector<16xf32>,
      tpu.vector_store %arg13[%swap3A_646], %exp3A_645 {strides = array<i32>} : memref<320xf32, #tpu.memory_space<vmem>>, vector<16xf32>,
      %get3A_648 = arith.constant 1 : i32
      %get3A_649 = arith.index_cast %get3A_648 : i32 to index
      %get3A_650 = arith.constant 16 : index
      %get3A_651 = tpu.vector_load %arg11[%get3A_649, %get3A_650] {strides = array<i32>} : memref<4x80xf32, #tpu.memory_space<vmem>>, vector<16xf32>,
      %get3A_652 = arith.constant 1 : i32
      %get3A_653 = arith.index_cast %get3A_652 : i32 to index
      %get3A_654 = arith.constant 16 : index
      %get3A_655 = tpu.vector_load %arg12[%get3A_653, %get3A_654] {strides = array<i32>} : memref<4x80xf32, #tpu.memory_space<vmem>>, vector<16xf32>,
      %add3A_656 = arith.addf %get3A_651, %get3A_655 : vector<16xf32>
      %gt3A_657 = arith.constant 0.000000e+00 : f32
      %gt3A_658 = vector.broadcast %gt3A_657 : f32 to vector<16xf32>
      %gt3A_659 = arith.cmpf ogt, %add3A_656, %gt3A_658 : vector<16xf32>
      %mul3A_660 = arith.constant 2.000000e-01 : f32
      %mul3A_661 = vector.broadcast %mul3A_660 : f32 to vector<16xf32>
      %mul3A_662 = arith.mulf %mul3A_661, %add3A_656 : vector<16xf32>
      %select_n3A_663 = arith.select %gt3A_659, %add3A_656, %mul3A_662 : vector<16xi1>, vector<16xf32>
      %exp3A_664 = math.exp %select_n3A_663 : vector<16xf32>
      %swap3A_665 = arith.constant 96 : index
      %swap3A_666 = tpu.vector_load %arg13[%swap3A_665] {strides = array<i32>} : memref<320xf32, #tpu.memory_space<vmem>>, vector<16xf32>,
      tpu.vector_store %arg13[%swap3A_665], %exp3A_664 {strides = array<i32>} : memref<320xf32, #tpu.memory_space<vmem>>, vector<16xf32>,
      %get3A_667 = arith.constant 1 : i32
      %get3A_668 = arith.index_cast %get3A_667 : i32 to index
      %get3A_669 = arith.constant 32 : index
      %get3A_670 = tpu.vector_load %arg11[%get3A_668, %get3A_669] {strides = array<i32>} : memref<4x80xf32, #tpu.memory_space<vmem>>, vector<16xf32>,
      %get3A_671 = arith.constant 1 : i32
      %get3A_672 = arith.index_cast %get3A_671 : i32 to index
      %get3A_673 = arith.constant 32 : index
      %get3A_674 = tpu.vector_load %arg12[%get3A_672, %get3A_673] {strides = array<i32>} : memref<4x80xf32, #tpu.memory_space<vmem>>, vector<16xf32>,
      %add3A_675 = arith.addf %get3A_670, %get3A_674 : vector<16xf32>
      %gt3A_676 = arith.constant 0.000000e+00 : f32
      %gt3A_677 = vector.broadcast %gt3A_676 : f32 to vector<16xf32>
      %gt3A_678 = arith.cmpf ogt, %add3A_675, %gt3A_677 : vector<16xf32>
      %mul3A_679 = arith.constant 2.000000e-01 : f32
      %mul3A_680 = vector.broadcast %mul3A_679 : f32 to vector<16xf32>
      %mul3A_681 = arith.mulf %mul3A_680, %add3A_675 : vector<16xf32>
      %select_n3A_682 = arith.select %gt3A_678, %add3A_675, %mul3A_681 : vector<16xi1>, vector<16xf32>
      %exp3A_683 = math.exp %select_n3A_682 : vector<16xf32>
      %swap3A_684 = arith.constant 112 : index
      %swap3A_685 = tpu.vector_load %arg13[%swap3A_684] {strides = array<i32>} : memref<320xf32, #tpu.memory_space<vmem>>, vector<16xf32>,
      tpu.vector_store %arg13[%swap3A_684], %exp3A_683 {strides = array<i32>} : memref<320xf32, #tpu.memory_space<vmem>>, vector<16xf32>,
      %get3A_686 = arith.constant 1 : i32
      %get3A_687 = arith.index_cast %get3A_686 : i32 to index
      %get3A_688 = arith.constant 48 : index
      %get3A_689 = tpu.vector_load %arg11[%get3A_687, %get3A_688] {strides = array<i32>} : memref<4x80xf32, #tpu.memory_space<vmem>>, vector<16xf32>,
      %get3A_690 = arith.constant 1 : i32
      %get3A_691 = arith.index_cast %get3A_690 : i32 to index
      %get3A_692 = arith.constant 48 : index
      %get3A_693 = tpu.vector_load %arg12[%get3A_691, %get3A_692] {strides = array<i32>} : memref<4x80xf32, #tpu.memory_space<vmem>>, vector<16xf32>,
      %add3A_694 = arith.addf %get3A_689, %get3A_693 : vector<16xf32>
      %gt3A_695 = arith.constant 0.000000e+00 : f32
      %gt3A_696 = vector.broadcast %gt3A_695 : f32 to vector<16xf32>
      %gt3A_697 = arith.cmpf ogt, %add3A_694, %gt3A_696 : vector<16xf32>
      %mul3A_698 = arith.constant 2.000000e-01 : f32
      %mul3A_699 = vector.broadcast %mul3A_698 : f32 to vector<16xf32>
      %mul3A_700 = arith.mulf %mul3A_699, %add3A_694 : vector<16xf32>
      %select_n3A_701 = arith.select %gt3A_697, %add3A_694, %mul3A_700 : vector<16xi1>, vector<16xf32>
      %exp3A_702 = math.exp %select_n3A_701 : vector<16xf32>
      %swap3A_703 = arith.constant 128 : index
      %swap3A_704 = tpu.vector_load %arg13[%swap3A_703] {strides = array<i32>} : memref<320xf32, #tpu.memory_space<vmem>>, vector<16xf32>,
      tpu.vector_store %arg13[%swap3A_703], %exp3A_702 {strides = array<i32>} : memref<320xf32, #tpu.memory_space<vmem>>, vector<16xf32>,
      %get3A_705 = arith.constant 1 : i32
      %get3A_706 = arith.index_cast %get3A_705 : i32 to index
      %get3A_707 = arith.constant 64 : index
      %get3A_708 = tpu.vector_load %arg11[%get3A_706, %get3A_707] {strides = array<i32>} : memref<4x80xf32, #tpu.memory_space<vmem>>, vector<16xf32>,
      %get3A_709 = arith.constant 1 : i32
      %get3A_710 = arith.index_cast %get3A_709 : i32 to index
      %get3A_711 = arith.constant 64 : index
      %get3A_712 = tpu.vector_load %arg12[%get3A_710, %get3A_711] {strides = array<i32>} : memref<4x80xf32, #tpu.memory_space<vmem>>, vector<16xf32>,
      %add3A_713 = arith.addf %get3A_708, %get3A_712 : vector<16xf32>
      %gt3A_714 = arith.constant 0.000000e+00 : f32
      %gt3A_715 = vector.broadcast %gt3A_714 : f32 to vector<16xf32>
      %gt3A_716 = arith.cmpf ogt, %add3A_713, %gt3A_715 : vector<16xf32>
      %mul3A_717 = arith.constant 2.000000e-01 : f32
      %mul3A_718 = vector.broadcast %mul3A_717 : f32 to vector<16xf32>
      %mul3A_719 = arith.mulf %mul3A_718, %add3A_713 : vector<16xf32>
      %select_n3A_720 = arith.select %gt3A_716, %add3A_713, %mul3A_719 : vector<16xi1>, vector<16xf32>
      %exp3A_721 = math.exp %select_n3A_720 : vector<16xf32>
      %swap3A_722 = arith.constant 144 : index
      %swap3A_723 = tpu.vector_load %arg13[%swap3A_722] {strides = array<i32>} : memref<320xf32, #tpu.memory_space<vmem>>, vector<16xf32>,
      tpu.vector_store %arg13[%swap3A_722], %exp3A_721 {strides = array<i32>} : memref<320xf32, #tpu.memory_space<vmem>>, vector<16xf32>,
      %dma_start3A_724 = arith.constant 1 : i32
      %dma_start3A_725 = arith.constant 80 : i32
      %dma_start3A_726 = tpu.memref_slice %arg13[%dma_start3A_725] : memref<320xf32, #tpu.memory_space<vmem>> -> memref<80xf32, #tpu.memory_space<vmem>>
      %dma_start3A_727 = arith.constant 0 : i32
      %dma_start3A_728 = tpu.memref_slice %arg9[%dma_start3A_724, %dma_start3A_727] : memref<4x80xi32, #tpu.memory_space<vmem>> -> memref<1x80xi32, #tpu.memory_space<vmem>>
      %dma_start3A_729 = tpu.memref_squeeze %dma_start3A_728 : memref<1x80xi32, #tpu.memory_space<vmem>> -> memref<80xi32, #tpu.memory_space<vmem>>
      %dma_start3A_730 = arith.constant 0 : i32
      %dma_start3A_731 = tpu.memref_slice %arg15[%dma_start3A_730] : memref<10000xf32, #tpu.memory_space<vmem_shared>> -> memref<10000xf32, #tpu.memory_space<vmem_shared>>
      tpu.enqueue_indirect_dma source(%dma_start3A_726 : memref<80xf32, #tpu.memory_space<vmem>>) target(%dma_start3A_731 : memref<10000xf32, #tpu.memory_space<vmem_shared>>) offsets(%dma_start3A_729 : memref<80xi32, #tpu.memory_space<vmem>>) semaphore(%arg34 : memref<!tpu.dma_semaphore, #tpu.memory_space<semaphore_mem>>) {add = true}
      %scan3A_732 = arith.constant 0 : i32
      %scan3A_733 = arith.constant 80 : i32
      %scan3A_734 = arith.addi %scan3A_732, %scan3A_733 : i32
      %scan3A_735 = arith.constant 2 : i32
      scf.for %scan3A_1097 = %scan3A_732 to %scan3A_734 step %scan3A_735  : i32 {
        %mul3A_1098 = arith.constant 1 : i32
        %mul3A_1099 = arith.muli %scan3A_1097, %mul3A_1098 : i32
        %add3A_1100 = arith.constant 0 : i32
        %add3A_1101 = arith.addi %add3A_1100, %mul3A_1099 : i32
        %broadcast_in_dim3A_1102 = arith.constant 80 : i32
        %broadcast_in_dim3A_1103 = vector.broadcast %broadcast_in_dim3A_1102 : i32 to vector<16xi32>
        %add3A_1104 = vector.broadcast %add3A_1101 : i32 to vector<16xi32>
        %add3A_1105 = arith.addi %broadcast_in_dim3A_1103, %add3A_1104 : vector<16xi32>
        %gather3A = tpu.vector_load_idx %arg13[%add3A_1105] : memref<320xf32, #tpu.memory_space<vmem>>[vector<16xi32>], vector<16xf32>,
        %get3A_1106 = arith.constant 1 : i32
        %get3A_1107 = arith.index_cast %get3A_1106 : i32 to index
        %get3A_1108 = arith.index_cast %add3A_1101 : i32 to index
        %get3A_1109 = arith.constant 0 : index
        %get3A_1110 = tpu.vector_load %arg14[%get3A_1107, %get3A_1108, %get3A_1109] {strides = array<i32>} : memref<4x80x128xf32, #tpu.memory_space<vmem>>, vector<16xf32>,
        %mul3A_1111 = arith.mulf %get3A_1110, %gather3A : vector<16xf32>
        %swap3A_1112 = arith.constant 1 : i32
        %swap3A_1113 = arith.index_cast %swap3A_1112 : i32 to index
        %swap3A_1114 = arith.index_cast %add3A_1101 : i32 to index
        %swap3A_1115 = arith.constant 0 : index
        %swap3A_1116 = tpu.vector_load %arg14[%swap3A_1113, %swap3A_1114, %swap3A_1115] {strides = array<i32>} : memref<4x80x128xf32, #tpu.memory_space<vmem>>, vector<16xf32>,
        tpu.vector_store %arg14[%swap3A_1113, %swap3A_1114, %swap3A_1115], %mul3A_1111 {strides = array<i32>} : memref<4x80x128xf32, #tpu.memory_space<vmem>>, vector<16xf32>,
        %get3A_1117 = arith.constant 1 : i32
        %get3A_1118 = arith.index_cast %get3A_1117 : i32 to index
        %get3A_1119 = arith.index_cast %add3A_1101 : i32 to index
        %get3A_1120 = arith.constant 16 : index
        %get3A_1121 = tpu.vector_load %arg14[%get3A_1118, %get3A_1119, %get3A_1120] {strides = array<i32>} : memref<4x80x128xf32, #tpu.memory_space<vmem>>, vector<16xf32>,
        %mul3A_1122 = arith.mulf %get3A_1121, %gather3A : vector<16xf32>
        %swap3A_1123 = arith.constant 1 : i32
        %swap3A_1124 = arith.index_cast %swap3A_1123 : i32 to index
        %swap3A_1125 = arith.index_cast %add3A_1101 : i32 to index
        %swap3A_1126 = arith.constant 16 : index
        %swap3A_1127 = tpu.vector_load %arg14[%swap3A_1124, %swap3A_1125, %swap3A_1126] {strides = array<i32>} : memref<4x80x128xf32, #tpu.memory_space<vmem>>, vector<16xf32>,
        tpu.vector_store %arg14[%swap3A_1124, %swap3A_1125, %swap3A_1126], %mul3A_1122 {strides = array<i32>} : memref<4x80x128xf32, #tpu.memory_space<vmem>>, vector<16xf32>,
        %get3A_1128 = arith.constant 1 : i32
        %get3A_1129 = arith.index_cast %get3A_1128 : i32 to index
        %get3A_1130 = arith.index_cast %add3A_1101 : i32 to index
        %get3A_1131 = arith.constant 32 : index
        %get3A_1132 = tpu.vector_load %arg14[%get3A_1129, %get3A_1130, %get3A_1131] {strides = array<i32>} : memref<4x80x128xf32, #tpu.memory_space<vmem>>, vector<16xf32>,
        %mul3A_1133 = arith.mulf %get3A_1132, %gather3A : vector<16xf32>
        %swap3A_1134 = arith.constant 1 : i32
        %swap3A_1135 = arith.index_cast %swap3A_1134 : i32 to index
        %swap3A_1136 = arith.index_cast %add3A_1101 : i32 to index
        %swap3A_1137 = arith.constant 32 : index
        %swap3A_1138 = tpu.vector_load %arg14[%swap3A_1135, %swap3A_1136, %swap3A_1137] {strides = array<i32>} : memref<4x80x128xf32, #tpu.memory_space<vmem>>, vector<16xf32>,
        tpu.vector_store %arg14[%swap3A_1135, %swap3A_1136, %swap3A_1137], %mul3A_1133 {strides = array<i32>} : memref<4x80x128xf32, #tpu.memory_space<vmem>>, vector<16xf32>,
        %get3A_1139 = arith.constant 1 : i32
        %get3A_1140 = arith.index_cast %get3A_1139 : i32 to index
        %get3A_1141 = arith.index_cast %add3A_1101 : i32 to index
        %get3A_1142 = arith.constant 48 : index
        %get3A_1143 = tpu.vector_load %arg14[%get3A_1140, %get3A_1141, %get3A_1142] {strides = array<i32>} : memref<4x80x128xf32, #tpu.memory_space<vmem>>, vector<16xf32>,
        %mul3A_1144 = arith.mulf %get3A_1143, %gather3A : vector<16xf32>
        %swap3A_1145 = arith.constant 1 : i32
        %swap3A_1146 = arith.index_cast %swap3A_1145 : i32 to index
        %swap3A_1147 = arith.index_cast %add3A_1101 : i32 to index
        %swap3A_1148 = arith.constant 48 : index
        %swap3A_1149 = tpu.vector_load %arg14[%swap3A_1146, %swap3A_1147, %swap3A_1148] {strides = array<i32>} : memref<4x80x128xf32, #tpu.memory_space<vmem>>, vector<16xf32>,
        tpu.vector_store %arg14[%swap3A_1146, %swap3A_1147, %swap3A_1148], %mul3A_1144 {strides = array<i32>} : memref<4x80x128xf32, #tpu.memory_space<vmem>>, vector<16xf32>,
        %get3A_1150 = arith.constant 1 : i32
        %get3A_1151 = arith.index_cast %get3A_1150 : i32 to index
        %get3A_1152 = arith.index_cast %add3A_1101 : i32 to index
        %get3A_1153 = arith.constant 64 : index
        %get3A_1154 = tpu.vector_load %arg14[%get3A_1151, %get3A_1152, %get3A_1153] {strides = array<i32>} : memref<4x80x128xf32, #tpu.memory_space<vmem>>, vector<16xf32>,
        %mul3A_1155 = arith.mulf %get3A_1154, %gather3A : vector<16xf32>
        %swap3A_1156 = arith.constant 1 : i32
        %swap3A_1157 = arith.index_cast %swap3A_1156 : i32 to index
        %swap3A_1158 = arith.index_cast %add3A_1101 : i32 to index
        %swap3A_1159 = arith.constant 64 : index
        %swap3A_1160 = tpu.vector_load %arg14[%swap3A_1157, %swap3A_1158, %swap3A_1159] {strides = array<i32>} : memref<4x80x128xf32, #tpu.memory_space<vmem>>, vector<16xf32>,
        tpu.vector_store %arg14[%swap3A_1157, %swap3A_1158, %swap3A_1159], %mul3A_1155 {strides = array<i32>} : memref<4x80x128xf32, #tpu.memory_space<vmem>>, vector<16xf32>,
        %get3A_1161 = arith.constant 1 : i32
        %get3A_1162 = arith.index_cast %get3A_1161 : i32 to index
        %get3A_1163 = arith.index_cast %add3A_1101 : i32 to index
        %get3A_1164 = arith.constant 80 : index
        %get3A_1165 = tpu.vector_load %arg14[%get3A_1162, %get3A_1163, %get3A_1164] {strides = array<i32>} : memref<4x80x128xf32, #tpu.memory_space<vmem>>, vector<16xf32>,
        %mul3A_1166 = arith.mulf %get3A_1165, %gather3A : vector<16xf32>
        %swap3A_1167 = arith.constant 1 : i32
        %swap3A_1168 = arith.index_cast %swap3A_1167 : i32 to index
        %swap3A_1169 = arith.index_cast %add3A_1101 : i32 to index
        %swap3A_1170 = arith.constant 80 : index
        %swap3A_1171 = tpu.vector_load %arg14[%swap3A_1168, %swap3A_1169, %swap3A_1170] {strides = array<i32>} : memref<4x80x128xf32, #tpu.memory_space<vmem>>, vector<16xf32>,
        tpu.vector_store %arg14[%swap3A_1168, %swap3A_1169, %swap3A_1170], %mul3A_1166 {strides = array<i32>} : memref<4x80x128xf32, #tpu.memory_space<vmem>>, vector<16xf32>,
        %get3A_1172 = arith.constant 1 : i32
        %get3A_1173 = arith.index_cast %get3A_1172 : i32 to index
        %get3A_1174 = arith.index_cast %add3A_1101 : i32 to index
        %get3A_1175 = arith.constant 96 : index
        %get3A_1176 = tpu.vector_load %arg14[%get3A_1173, %get3A_1174, %get3A_1175] {strides = array<i32>} : memref<4x80x128xf32, #tpu.memory_space<vmem>>, vector<16xf32>,
        %mul3A_1177 = arith.mulf %get3A_1176, %gather3A : vector<16xf32>
        %swap3A_1178 = arith.constant 1 : i32
        %swap3A_1179 = arith.index_cast %swap3A_1178 : i32 to index
        %swap3A_1180 = arith.index_cast %add3A_1101 : i32 to index
        %swap3A_1181 = arith.constant 96 : index
        %swap3A_1182 = tpu.vector_load %arg14[%swap3A_1179, %swap3A_1180, %swap3A_1181] {strides = array<i32>} : memref<4x80x128xf32, #tpu.memory_space<vmem>>, vector<16xf32>,
        tpu.vector_store %arg14[%swap3A_1179, %swap3A_1180, %swap3A_1181], %mul3A_1177 {strides = array<i32>} : memref<4x80x128xf32, #tpu.memory_space<vmem>>, vector<16xf32>,
        %get3A_1183 = arith.constant 1 : i32
        %get3A_1184 = arith.index_cast %get3A_1183 : i32 to index
        %get3A_1185 = arith.index_cast %add3A_1101 : i32 to index
        %get3A_1186 = arith.constant 112 : index
        %get3A_1187 = tpu.vector_load %arg14[%get3A_1184, %get3A_1185, %get3A_1186] {strides = array<i32>} : memref<4x80x128xf32, #tpu.memory_space<vmem>>, vector<16xf32>,
        %mul3A_1188 = arith.mulf %get3A_1187, %gather3A : vector<16xf32>
        %swap3A_1189 = arith.constant 1 : i32
        %swap3A_1190 = arith.index_cast %swap3A_1189 : i32 to index
        %swap3A_1191 = arith.index_cast %add3A_1101 : i32 to index
        %swap3A_1192 = arith.constant 112 : index
        %swap3A_1193 = tpu.vector_load %arg14[%swap3A_1190, %swap3A_1191, %swap3A_1192] {strides = array<i32>} : memref<4x80x128xf32, #tpu.memory_space<vmem>>, vector<16xf32>,
        tpu.vector_store %arg14[%swap3A_1190, %swap3A_1191, %swap3A_1192], %mul3A_1188 {strides = array<i32>} : memref<4x80x128xf32, #tpu.memory_space<vmem>>, vector<16xf32>,
        %scan3A_1194 = arith.constant 1 : i32
        %scan3A_1195 = arith.addi %scan3A_1097, %scan3A_1194 : i32
        %mul3A_1196 = arith.constant 1 : i32
        %mul3A_1197 = arith.muli %scan3A_1195, %mul3A_1196 : i32
        %add3A_1198 = arith.constant 0 : i32
        %add3A_1199 = arith.addi %add3A_1198, %mul3A_1197 : i32
        %broadcast_in_dim3A_1200 = arith.constant 80 : i32
        %broadcast_in_dim3A_1201 = vector.broadcast %broadcast_in_dim3A_1200 : i32 to vector<16xi32>
        %add3A_1202 = vector.broadcast %add3A_1199 : i32 to vector<16xi32>
        %add3A_1203 = arith.addi %broadcast_in_dim3A_1201, %add3A_1202 : vector<16xi32>
        %gather3A_1204 = tpu.vector_load_idx %arg13[%add3A_1203] : memref<320xf32, #tpu.memory_space<vmem>>[vector<16xi32>], vector<16xf32>,
        %get3A_1205 = arith.constant 1 : i32
        %get3A_1206 = arith.index_cast %get3A_1205 : i32 to index
        %get3A_1207 = arith.index_cast %add3A_1199 : i32 to index
        %get3A_1208 = arith.constant 0 : index
        %get3A_1209 = tpu.vector_load %arg14[%get3A_1206, %get3A_1207, %get3A_1208] {strides = array<i32>} : memref<4x80x128xf32, #tpu.memory_space<vmem>>, vector<16xf32>,
        %mul3A_1210 = arith.mulf %get3A_1209, %gather3A_1204 : vector<16xf32>
        %swap3A_1211 = arith.constant 1 : i32
        %swap3A_1212 = arith.index_cast %swap3A_1211 : i32 to index
        %swap3A_1213 = arith.index_cast %add3A_1199 : i32 to index
        %swap3A_1214 = arith.constant 0 : index
        %swap3A_1215 = tpu.vector_load %arg14[%swap3A_1212, %swap3A_1213, %swap3A_1214] {strides = array<i32>} : memref<4x80x128xf32, #tpu.memory_space<vmem>>, vector<16xf32>,
        tpu.vector_store %arg14[%swap3A_1212, %swap3A_1213, %swap3A_1214], %mul3A_1210 {strides = array<i32>} : memref<4x80x128xf32, #tpu.memory_space<vmem>>, vector<16xf32>,
        %get3A_1216 = arith.constant 1 : i32
        %get3A_1217 = arith.index_cast %get3A_1216 : i32 to index
        %get3A_1218 = arith.index_cast %add3A_1199 : i32 to index
        %get3A_1219 = arith.constant 16 : index
        %get3A_1220 = tpu.vector_load %arg14[%get3A_1217, %get3A_1218, %get3A_1219] {strides = array<i32>} : memref<4x80x128xf32, #tpu.memory_space<vmem>>, vector<16xf32>,
        %mul3A_1221 = arith.mulf %get3A_1220, %gather3A_1204 : vector<16xf32>
        %swap3A_1222 = arith.constant 1 : i32
        %swap3A_1223 = arith.index_cast %swap3A_1222 : i32 to index
        %swap3A_1224 = arith.index_cast %add3A_1199 : i32 to index
        %swap3A_1225 = arith.constant 16 : index
        %swap3A_1226 = tpu.vector_load %arg14[%swap3A_1223, %swap3A_1224, %swap3A_1225] {strides = array<i32>} : memref<4x80x128xf32, #tpu.memory_space<vmem>>, vector<16xf32>,
        tpu.vector_store %arg14[%swap3A_1223, %swap3A_1224, %swap3A_1225], %mul3A_1221 {strides = array<i32>} : memref<4x80x128xf32, #tpu.memory_space<vmem>>, vector<16xf32>,
        %get3A_1227 = arith.constant 1 : i32
        %get3A_1228 = arith.index_cast %get3A_1227 : i32 to index
        %get3A_1229 = arith.index_cast %add3A_1199 : i32 to index
        %get3A_1230 = arith.constant 32 : index
        %get3A_1231 = tpu.vector_load %arg14[%get3A_1228, %get3A_1229, %get3A_1230] {strides = array<i32>} : memref<4x80x128xf32, #tpu.memory_space<vmem>>, vector<16xf32>,
        %mul3A_1232 = arith.mulf %get3A_1231, %gather3A_1204 : vector<16xf32>
        %swap3A_1233 = arith.constant 1 : i32
        %swap3A_1234 = arith.index_cast %swap3A_1233 : i32 to index
        %swap3A_1235 = arith.index_cast %add3A_1199 : i32 to index
        %swap3A_1236 = arith.constant 32 : index
        %swap3A_1237 = tpu.vector_load %arg14[%swap3A_1234, %swap3A_1235, %swap3A_1236] {strides = array<i32>} : memref<4x80x128xf32, #tpu.memory_space<vmem>>, vector<16xf32>,
        tpu.vector_store %arg14[%swap3A_1234, %swap3A_1235, %swap3A_1236], %mul3A_1232 {strides = array<i32>} : memref<4x80x128xf32, #tpu.memory_space<vmem>>, vector<16xf32>,
        %get3A_1238 = arith.constant 1 : i32
        %get3A_1239 = arith.index_cast %get3A_1238 : i32 to index
        %get3A_1240 = arith.index_cast %add3A_1199 : i32 to index
        %get3A_1241 = arith.constant 48 : index
        %get3A_1242 = tpu.vector_load %arg14[%get3A_1239, %get3A_1240, %get3A_1241] {strides = array<i32>} : memref<4x80x128xf32, #tpu.memory_space<vmem>>, vector<16xf32>,
        %mul3A_1243 = arith.mulf %get3A_1242, %gather3A_1204 : vector<16xf32>
        %swap3A_1244 = arith.constant 1 : i32
        %swap3A_1245 = arith.index_cast %swap3A_1244 : i32 to index
        %swap3A_1246 = arith.index_cast %add3A_1199 : i32 to index
        %swap3A_1247 = arith.constant 48 : index
        %swap3A_1248 = tpu.vector_load %arg14[%swap3A_1245, %swap3A_1246, %swap3A_1247] {strides = array<i32>} : memref<4x80x128xf32, #tpu.memory_space<vmem>>, vector<16xf32>,
        tpu.vector_store %arg14[%swap3A_1245, %swap3A_1246, %swap3A_1247], %mul3A_1243 {strides = array<i32>} : memref<4x80x128xf32, #tpu.memory_space<vmem>>, vector<16xf32>,
        %get3A_1249 = arith.constant 1 : i32
        %get3A_1250 = arith.index_cast %get3A_1249 : i32 to index
        %get3A_1251 = arith.index_cast %add3A_1199 : i32 to index
        %get3A_1252 = arith.constant 64 : index
        %get3A_1253 = tpu.vector_load %arg14[%get3A_1250, %get3A_1251, %get3A_1252] {strides = array<i32>} : memref<4x80x128xf32, #tpu.memory_space<vmem>>, vector<16xf32>,
        %mul3A_1254 = arith.mulf %get3A_1253, %gather3A_1204 : vector<16xf32>
        %swap3A_1255 = arith.constant 1 : i32
        %swap3A_1256 = arith.index_cast %swap3A_1255 : i32 to index
        %swap3A_1257 = arith.index_cast %add3A_1199 : i32 to index
        %swap3A_1258 = arith.constant 64 : index
        %swap3A_1259 = tpu.vector_load %arg14[%swap3A_1256, %swap3A_1257, %swap3A_1258] {strides = array<i32>} : memref<4x80x128xf32, #tpu.memory_space<vmem>>, vector<16xf32>,
        tpu.vector_store %arg14[%swap3A_1256, %swap3A_1257, %swap3A_1258], %mul3A_1254 {strides = array<i32>} : memref<4x80x128xf32, #tpu.memory_space<vmem>>, vector<16xf32>,
        %get3A_1260 = arith.constant 1 : i32
        %get3A_1261 = arith.index_cast %get3A_1260 : i32 to index
        %get3A_1262 = arith.index_cast %add3A_1199 : i32 to index
        %get3A_1263 = arith.constant 80 : index
        %get3A_1264 = tpu.vector_load %arg14[%get3A_1261, %get3A_1262, %get3A_1263] {strides = array<i32>} : memref<4x80x128xf32, #tpu.memory_space<vmem>>, vector<16xf32>,
        %mul3A_1265 = arith.mulf %get3A_1264, %gather3A_1204 : vector<16xf32>
        %swap3A_1266 = arith.constant 1 : i32
        %swap3A_1267 = arith.index_cast %swap3A_1266 : i32 to index
        %swap3A_1268 = arith.index_cast %add3A_1199 : i32 to index
        %swap3A_1269 = arith.constant 80 : index
        %swap3A_1270 = tpu.vector_load %arg14[%swap3A_1267, %swap3A_1268, %swap3A_1269] {strides = array<i32>} : memref<4x80x128xf32, #tpu.memory_space<vmem>>, vector<16xf32>,
        tpu.vector_store %arg14[%swap3A_1267, %swap3A_1268, %swap3A_1269], %mul3A_1265 {strides = array<i32>} : memref<4x80x128xf32, #tpu.memory_space<vmem>>, vector<16xf32>,
        %get3A_1271 = arith.constant 1 : i32
        %get3A_1272 = arith.index_cast %get3A_1271 : i32 to index
        %get3A_1273 = arith.index_cast %add3A_1199 : i32 to index
        %get3A_1274 = arith.constant 96 : index
        %get3A_1275 = tpu.vector_load %arg14[%get3A_1272, %get3A_1273, %get3A_1274] {strides = array<i32>} : memref<4x80x128xf32, #tpu.memory_space<vmem>>, vector<16xf32>,
        %mul3A_1276 = arith.mulf %get3A_1275, %gather3A_1204 : vector<16xf32>
        %swap3A_1277 = arith.constant 1 : i32
        %swap3A_1278 = arith.index_cast %swap3A_1277 : i32 to index
        %swap3A_1279 = arith.index_cast %add3A_1199 : i32 to index
        %swap3A_1280 = arith.constant 96 : index
        %swap3A_1281 = tpu.vector_load %arg14[%swap3A_1278, %swap3A_1279, %swap3A_1280] {strides = array<i32>} : memref<4x80x128xf32, #tpu.memory_space<vmem>>, vector<16xf32>,
        tpu.vector_store %arg14[%swap3A_1278, %swap3A_1279, %swap3A_1280], %mul3A_1276 {strides = array<i32>} : memref<4x80x128xf32, #tpu.memory_space<vmem>>, vector<16xf32>,
        %get3A_1282 = arith.constant 1 : i32
        %get3A_1283 = arith.index_cast %get3A_1282 : i32 to index
        %get3A_1284 = arith.index_cast %add3A_1199 : i32 to index
        %get3A_1285 = arith.constant 112 : index
        %get3A_1286 = tpu.vector_load %arg14[%get3A_1283, %get3A_1284, %get3A_1285] {strides = array<i32>} : memref<4x80x128xf32, #tpu.memory_space<vmem>>, vector<16xf32>,
        %mul3A_1287 = arith.mulf %get3A_1286, %gather3A_1204 : vector<16xf32>
        %swap3A_1288 = arith.constant 1 : i32
        %swap3A_1289 = arith.index_cast %swap3A_1288 : i32 to index
        %swap3A_1290 = arith.index_cast %add3A_1199 : i32 to index
        %swap3A_1291 = arith.constant 112 : index
        %swap3A_1292 = tpu.vector_load %arg14[%swap3A_1289, %swap3A_1290, %swap3A_1291] {strides = array<i32>} : memref<4x80x128xf32, #tpu.memory_space<vmem>>, vector<16xf32>,
        tpu.vector_store %arg14[%swap3A_1289, %swap3A_1290, %swap3A_1291], %mul3A_1287 {strides = array<i32>} : memref<4x80x128xf32, #tpu.memory_space<vmem>>, vector<16xf32>,
      }
      %scan3A_736 = arith.constant 80 : i32
      %dma_start3A_737 = arith.constant 1 : i32
      %dma_start3A_738 = arith.constant 1 : i32
      %dma_start3A_739 = arith.constant 0 : i32
      %dma_start3A_740 = arith.constant 0 : i32
      %dma_start3A_741 = tpu.memref_slice %arg14[%dma_start3A_737, %dma_start3A_739, %dma_start3A_740] : memref<4x80x128xf32, #tpu.memory_space<vmem>> -> memref<1x80x128xf32, #tpu.memory_space<vmem>>
      %dma_start3A_742 = tpu.memref_squeeze %dma_start3A_741 : memref<1x80x128xf32, #tpu.memory_space<vmem>> -> memref<80x128xf32, #tpu.memory_space<vmem>>
      %dma_start3A_743 = arith.constant 0 : i32
      %dma_start3A_744 = tpu.memref_slice %arg9[%dma_start3A_738, %dma_start3A_743] : memref<4x80xi32, #tpu.memory_space<vmem>> -> memref<1x80xi32, #tpu.memory_space<vmem>>
      %dma_start3A_745 = tpu.memref_squeeze %dma_start3A_744 : memref<1x80xi32, #tpu.memory_space<vmem>> -> memref<80xi32, #tpu.memory_space<vmem>>
      %dma_start3A_746 = arith.constant 0 : i32
      %dma_start3A_747 = arith.constant 0 : i32
      %dma_start3A_748 = tpu.memref_slice %arg16[%dma_start3A_746, %dma_start3A_747] : memref<10000x128xf32, #tpu.memory_space<vmem_shared>> -> memref<10000x128xf32, #tpu.memory_space<vmem_shared>>
      tpu.enqueue_indirect_dma source(%dma_start3A_742 : memref<80x128xf32, #tpu.memory_space<vmem>>) target(%dma_start3A_748 : memref<10000x128xf32, #tpu.memory_space<vmem_shared>>) offsets(%dma_start3A_745 : memref<80xi32, #tpu.memory_space<vmem>>) semaphore(%arg30 : memref<!tpu.dma_semaphore, #tpu.memory_space<semaphore_mem>>) {add = true}
      %mul3A_749 = arith.constant 4 : i32
      %mul3A_750 = arith.muli %add3A_403, %mul3A_749 : i32
      %add3A_751 = arith.constant 2 : i32
      %add3A_752 = arith.addi %mul3A_750, %add3A_751 : i32
      %add3A_753 = arith.constant 2 : i32
      %add3A_754 = arith.addi %add3A_752, %add3A_753 : i32
      %min3A_755 = arith.constant 124 : i32
      %min3A_756 = arith.minsi %add3A_754, %min3A_755 : i32
      %add3A_757 = arith.constant 2 : i32
      %add3A_758 = arith.addi %add3A_752, %add3A_757 : i32
      %lt3A_759 = arith.constant 125 : i32
      %lt3A_760 = arith.cmpi slt, %add3A_758, %lt3A_759 : i32
      %convert_element_type3A_761 = arith.extui %lt3A_760 : i1 to i32
      %cond3A_762 = arith.constant 0 : i32
      %cond3A_763 = arith.cmpi ne, %convert_element_type3A_761, %cond3A_762 : i32
      scf.if %cond3A_763 {
        %ge3A = arith.constant 2 : i32
        %ge3A_1097 = arith.cmpi sge, %add3A_752, %ge3A : i32
        %convert_element_type3A_1098 = arith.extui %ge3A_1097 : i1 to i32
        %cond3A_1099 = arith.constant 0 : i32
        %cond3A_1100 = arith.cmpi ne, %convert_element_type3A_1098, %cond3A_1099 : i32
        scf.if %cond3A_1100 {
          %dma_wait3A_1125 = arith.constant 0 : i32
          %dma_wait3A_1126 = arith.constant 0 : i32
          %dma_wait3A_1127 = arith.constant 0 : i32
          %dma_wait3A_1128 = arith.constant 0 : i32
          %dma_wait3A_1129 = tpu.memref_slice %arg14[%dma_wait3A_1125, %dma_wait3A_1127, %dma_wait3A_1128] : memref<4x80x128xf32, #tpu.memory_space<vmem>> -> memref<1x80x128xf32, #tpu.memory_space<vmem>>
          %dma_wait3A_1130 = tpu.memref_squeeze %dma_wait3A_1129 : memref<1x80x128xf32, #tpu.memory_space<vmem>> -> memref<80x128xf32, #tpu.memory_space<vmem>>
          %dma_wait3A_1131 = arith.constant 0 : i32
          %dma_wait3A_1132 = tpu.memref_slice %arg9[%dma_wait3A_1126, %dma_wait3A_1131] : memref<4x80xi32, #tpu.memory_space<vmem>> -> memref<1x80xi32, #tpu.memory_space<vmem>>
          %dma_wait3A_1133 = tpu.memref_squeeze %dma_wait3A_1132 : memref<1x80xi32, #tpu.memory_space<vmem>> -> memref<80xi32, #tpu.memory_space<vmem>>
          %dma_wait3A_1134 = arith.constant 0 : i32
          %dma_wait3A_1135 = arith.constant 0 : i32
          %dma_wait3A_1136 = tpu.memref_slice %arg16[%dma_wait3A_1134, %dma_wait3A_1135] : memref<10000x128xf32, #tpu.memory_space<vmem_shared>> -> memref<10000x128xf32, #tpu.memory_space<vmem_shared>>
          tpu.wait_indirect_dma semaphore(%arg29 : memref<!tpu.dma_semaphore, #tpu.memory_space<semaphore_mem>>) src(%dma_wait3A_1130 : memref<80x128xf32, #tpu.memory_space<vmem>>) dst(%dma_wait3A_1136 : memref<10000x128xf32, #tpu.memory_space<vmem_shared>>)
          %dma_wait3A_1137 = arith.constant 0 : i32
          %dma_wait3A_1138 = arith.constant 0 : i32
          %dma_wait3A_1139 = tpu.memref_slice %arg13[%dma_wait3A_1138] : memref<320xf32, #tpu.memory_space<vmem>> -> memref<80xf32, #tpu.memory_space<vmem>>
          %dma_wait3A_1140 = arith.constant 0 : i32
          %dma_wait3A_1141 = tpu.memref_slice %arg9[%dma_wait3A_1137, %dma_wait3A_1140] : memref<4x80xi32, #tpu.memory_space<vmem>> -> memref<1x80xi32, #tpu.memory_space<vmem>>
          %dma_wait3A_1142 = tpu.memref_squeeze %dma_wait3A_1141 : memref<1x80xi32, #tpu.memory_space<vmem>> -> memref<80xi32, #tpu.memory_space<vmem>>
          %dma_wait3A_1143 = arith.constant 0 : i32
          %dma_wait3A_1144 = tpu.memref_slice %arg15[%dma_wait3A_1143] : memref<10000xf32, #tpu.memory_space<vmem_shared>> -> memref<10000xf32, #tpu.memory_space<vmem_shared>>
          tpu.wait_indirect_dma semaphore(%arg33 : memref<!tpu.dma_semaphore, #tpu.memory_space<semaphore_mem>>) src(%dma_wait3A_1139 : memref<80xf32, #tpu.memory_space<vmem>>) dst(%dma_wait3A_1144 : memref<10000xf32, #tpu.memory_space<vmem_shared>>)
        } else {
        }
        %mul3A_1101 = arith.constant 80 : i32
        %mul3A_1102 = arith.muli %min3A_756, %mul3A_1101 : i32
        %add3A_1103 = arith.addi %mul3A_46, %mul3A_1102 : i32
        %dma_start3A_1104 = arith.constant 0 : i32
        %dma_start3A_1105 = arith.constant 0 : i32
        %dma_start3A_1106 = tpu.memref_slice %arg9[%dma_start3A_1104, %dma_start3A_1105] : memref<4x80xi32, #tpu.memory_space<vmem>> -> memref<1x80xi32, #tpu.memory_space<vmem>>
        %dma_start3A_1107 = tpu.memref_squeeze %dma_start3A_1106 : memref<1x80xi32, #tpu.memory_space<vmem>> -> memref<80xi32, #tpu.memory_space<vmem>>
        %dma_start3A_1108 = tpu.memref_slice %arg2[%add3A_1103] : memref<320000xi32, #tpu.memory_space<hbm>> -> memref<80xi32, #tpu.memory_space<hbm>>
        %dma_start3A_1109 = arith.constant 0 : i32
        %dma_start3A_1110 = tpu.memref_slice %arg9[%dma_start3A_1104, %dma_start3A_1109] : memref<4x80xi32, #tpu.memory_space<vmem>> -> memref<1x80xi32, #tpu.memory_space<vmem>>
        %dma_start3A_1111 = tpu.memref_squeeze %dma_start3A_1110 : memref<1x80xi32, #tpu.memory_space<vmem>> -> memref<80xi32, #tpu.memory_space<vmem>>
        %dma_start3A_1112 = tpu.memref_slice %arg2[%add3A_1103] : memref<320000xi32, #tpu.memory_space<hbm>> -> memref<80xi32, #tpu.memory_space<hbm>>
        tpu.enqueue_dma source(%dma_start3A_1112 : memref<80xi32, #tpu.memory_space<hbm>>) target(%dma_start3A_1111 : memref<80xi32, #tpu.memory_space<vmem>>) target_semaphore(%arg17 : memref<!tpu.dma_semaphore, #tpu.memory_space<semaphore_mem>>)
        %mul3A_1113 = arith.constant 80 : i32
        %mul3A_1114 = arith.muli %min3A_756, %mul3A_1113 : i32
        %add3A_1115 = arith.addi %mul3A_46, %mul3A_1114 : i32
        %dma_start3A_1116 = arith.constant 0 : i32
        %dma_start3A_1117 = arith.constant 0 : i32
        %dma_start3A_1118 = tpu.memref_slice %arg10[%dma_start3A_1116, %dma_start3A_1117] : memref<4x80xi32, #tpu.memory_space<vmem>> -> memref<1x80xi32, #tpu.memory_space<vmem>>
        %dma_start3A_1119 = tpu.memref_squeeze %dma_start3A_1118 : memref<1x80xi32, #tpu.memory_space<vmem>> -> memref<80xi32, #tpu.memory_space<vmem>>
        %dma_start3A_1120 = tpu.memref_slice %arg3[%add3A_1115] : memref<320000xi32, #tpu.memory_space<hbm>> -> memref<80xi32, #tpu.memory_space<hbm>>
        %dma_start3A_1121 = arith.constant 0 : i32
        %dma_start3A_1122 = tpu.memref_slice %arg10[%dma_start3A_1116, %dma_start3A_1121] : memref<4x80xi32, #tpu.memory_space<vmem>> -> memref<1x80xi32, #tpu.memory_space<vmem>>
        %dma_start3A_1123 = tpu.memref_squeeze %dma_start3A_1122 : memref<1x80xi32, #tpu.memory_space<vmem>> -> memref<80xi32, #tpu.memory_space<vmem>>
        %dma_start3A_1124 = tpu.memref_slice %arg3[%add3A_1115] : memref<320000xi32, #tpu.memory_space<hbm>> -> memref<80xi32, #tpu.memory_space<hbm>>
        tpu.enqueue_dma source(%dma_start3A_1124 : memref<80xi32, #tpu.memory_space<hbm>>) target(%dma_start3A_1123 : memref<80xi32, #tpu.memory_space<vmem>>) target_semaphore(%arg17 : memref<!tpu.dma_semaphore, #tpu.memory_space<semaphore_mem>>)
      } else {
      }
      %add3A_764 = arith.constant 1 : i32
      %add3A_765 = arith.addi %add3A_752, %add3A_764 : i32
      %lt3A_766 = arith.constant 125 : i32
      %lt3A_767 = arith.cmpi slt, %add3A_765, %lt3A_766 : i32
      %convert_element_type3A_768 = arith.extui %lt3A_767 : i1 to i32
      %cond3A_769 = arith.constant 0 : i32
      %cond3A_770 = arith.cmpi ne, %convert_element_type3A_768, %cond3A_769 : i32
      scf.if %cond3A_770 {
        %dma_wait3A_1097 = arith.constant 3 : i32
        %dma_wait3A_1098 = arith.constant 0 : i32
        %dma_wait3A_1099 = tpu.memref_slice %arg9[%dma_wait3A_1097, %dma_wait3A_1098] : memref<4x80xi32, #tpu.memory_space<vmem>> -> memref<1x80xi32, #tpu.memory_space<vmem>>
        %dma_wait3A_1100 = tpu.memref_squeeze %dma_wait3A_1099 : memref<1x80xi32, #tpu.memory_space<vmem>> -> memref<80xi32, #tpu.memory_space<vmem>>
        %dma_wait3A_1101 = arith.constant 0 : i32
        %dma_wait3A_1102 = tpu.memref_slice %arg2[%dma_wait3A_1101] : memref<320000xi32, #tpu.memory_space<hbm>> -> memref<80xi32, #tpu.memory_space<hbm>>
        %dma_wait3A_1103 = arith.constant 0 : i32
        %dma_wait3A_1104 = tpu.memref_slice %arg9[%dma_wait3A_1097, %dma_wait3A_1103] : memref<4x80xi32, #tpu.memory_space<vmem>> -> memref<1x80xi32, #tpu.memory_space<vmem>>
        %dma_wait3A_1105 = tpu.memref_squeeze %dma_wait3A_1104 : memref<1x80xi32, #tpu.memory_space<vmem>> -> memref<80xi32, #tpu.memory_space<vmem>>
        %dma_wait3A_1106 = arith.constant 0 : i32
        %dma_wait3A_1107 = tpu.memref_slice %arg2[%dma_wait3A_1106] : memref<320000xi32, #tpu.memory_space<hbm>> -> memref<80xi32, #tpu.memory_space<hbm>>
        tpu.wait_dma2 semaphore(%arg20 : memref<!tpu.dma_semaphore, #tpu.memory_space<semaphore_mem>>) src(%dma_wait3A_1107 : memref<80xi32, #tpu.memory_space<hbm>>) dst(%dma_wait3A_1105 : memref<80xi32, #tpu.memory_space<vmem>>)
        %dma_wait3A_1108 = arith.constant 3 : i32
        %dma_wait3A_1109 = arith.constant 0 : i32
        %dma_wait3A_1110 = tpu.memref_slice %arg10[%dma_wait3A_1108, %dma_wait3A_1109] : memref<4x80xi32, #tpu.memory_space<vmem>> -> memref<1x80xi32, #tpu.memory_space<vmem>>
        %dma_wait3A_1111 = tpu.memref_squeeze %dma_wait3A_1110 : memref<1x80xi32, #tpu.memory_space<vmem>> -> memref<80xi32, #tpu.memory_space<vmem>>
        %dma_wait3A_1112 = arith.constant 0 : i32
        %dma_wait3A_1113 = tpu.memref_slice %arg3[%dma_wait3A_1112] : memref<320000xi32, #tpu.memory_space<hbm>> -> memref<80xi32, #tpu.memory_space<hbm>>
        %dma_wait3A_1114 = arith.constant 0 : i32
        %dma_wait3A_1115 = tpu.memref_slice %arg10[%dma_wait3A_1108, %dma_wait3A_1114] : memref<4x80xi32, #tpu.memory_space<vmem>> -> memref<1x80xi32, #tpu.memory_space<vmem>>
        %dma_wait3A_1116 = tpu.memref_squeeze %dma_wait3A_1115 : memref<1x80xi32, #tpu.memory_space<vmem>> -> memref<80xi32, #tpu.memory_space<vmem>>
        %dma_wait3A_1117 = arith.constant 0 : i32
        %dma_wait3A_1118 = tpu.memref_slice %arg3[%dma_wait3A_1117] : memref<320000xi32, #tpu.memory_space<hbm>> -> memref<80xi32, #tpu.memory_space<hbm>>
        tpu.wait_dma2 semaphore(%arg20 : memref<!tpu.dma_semaphore, #tpu.memory_space<semaphore_mem>>) src(%dma_wait3A_1118 : memref<80xi32, #tpu.memory_space<hbm>>) dst(%dma_wait3A_1116 : memref<80xi32, #tpu.memory_space<vmem>>)
        %dma_start3A_1119 = arith.constant 3 : i32
        %dma_start3A_1120 = arith.constant 3 : i32
        %dma_start3A_1121 = arith.constant 0 : i32
        %dma_start3A_1122 = tpu.memref_slice %arg11[%dma_start3A_1120, %dma_start3A_1121] : memref<4x80xf32, #tpu.memory_space<vmem>> -> memref<1x80xf32, #tpu.memory_space<vmem>>
        %dma_start3A_1123 = tpu.memref_squeeze %dma_start3A_1122 : memref<1x80xf32, #tpu.memory_space<vmem>> -> memref<80xf32, #tpu.memory_space<vmem>>
        %dma_start3A_1124 = arith.constant 0 : i32
        %dma_start3A_1125 = tpu.memref_slice %arg9[%dma_start3A_1119, %dma_start3A_1124] : memref<4x80xi32, #tpu.memory_space<vmem>> -> memref<1x80xi32, #tpu.memory_space<vmem>>
        %dma_start3A_1126 = tpu.memref_squeeze %dma_start3A_1125 : memref<1x80xi32, #tpu.memory_space<vmem>> -> memref<80xi32, #tpu.memory_space<vmem>>
        %dma_start3A_1127 = arith.constant 0 : i32
        %dma_start3A_1128 = tpu.memref_slice %arg4[%dma_start3A_1127] : memref<10000xf32, #tpu.memory_space<hbm>> -> memref<10000xf32, #tpu.memory_space<hbm>>
        tpu.enqueue_indirect_dma source(%dma_start3A_1128 : memref<10000xf32, #tpu.memory_space<hbm>>) target(%dma_start3A_1123 : memref<80xf32, #tpu.memory_space<vmem>>) offsets(%dma_start3A_1126 : memref<80xi32, #tpu.memory_space<vmem>>) semaphore(%arg24 : memref<!tpu.dma_semaphore, #tpu.memory_space<semaphore_mem>>)
        %dma_start3A_1129 = arith.constant 3 : i32
        %dma_start3A_1130 = arith.constant 3 : i32
        %dma_start3A_1131 = arith.constant 0 : i32
        %dma_start3A_1132 = tpu.memref_slice %arg12[%dma_start3A_1130, %dma_start3A_1131] : memref<4x80xf32, #tpu.memory_space<vmem>> -> memref<1x80xf32, #tpu.memory_space<vmem>>
        %dma_start3A_1133 = tpu.memref_squeeze %dma_start3A_1132 : memref<1x80xf32, #tpu.memory_space<vmem>> -> memref<80xf32, #tpu.memory_space<vmem>>
        %dma_start3A_1134 = arith.constant 0 : i32
        %dma_start3A_1135 = tpu.memref_slice %arg10[%dma_start3A_1129, %dma_start3A_1134] : memref<4x80xi32, #tpu.memory_space<vmem>> -> memref<1x80xi32, #tpu.memory_space<vmem>>
        %dma_start3A_1136 = tpu.memref_squeeze %dma_start3A_1135 : memref<1x80xi32, #tpu.memory_space<vmem>> -> memref<80xi32, #tpu.memory_space<vmem>>
        %dma_start3A_1137 = arith.constant 0 : i32
        %dma_start3A_1138 = tpu.memref_slice %arg5[%dma_start3A_1137] : memref<10000xf32, #tpu.memory_space<hbm>> -> memref<10000xf32, #tpu.memory_space<hbm>>
        tpu.enqueue_indirect_dma source(%dma_start3A_1138 : memref<10000xf32, #tpu.memory_space<hbm>>) target(%dma_start3A_1133 : memref<80xf32, #tpu.memory_space<vmem>>) offsets(%dma_start3A_1136 : memref<80xi32, #tpu.memory_space<vmem>>) semaphore(%arg24 : memref<!tpu.dma_semaphore, #tpu.memory_space<semaphore_mem>>)
        %dma_start3A_1139 = arith.constant 3 : i32
        %dma_start3A_1140 = arith.constant 3 : i32
        %dma_start3A_1141 = arith.constant 0 : i32
        %dma_start3A_1142 = arith.constant 0 : i32
        %dma_start3A_1143 = tpu.memref_slice %arg14[%dma_start3A_1140, %dma_start3A_1141, %dma_start3A_1142] : memref<4x80x128xf32, #tpu.memory_space<vmem>> -> memref<1x80x128xf32, #tpu.memory_space<vmem>>
        %dma_start3A_1144 = tpu.memref_squeeze %dma_start3A_1143 : memref<1x80x128xf32, #tpu.memory_space<vmem>> -> memref<80x128xf32, #tpu.memory_space<vmem>>
        %dma_start3A_1145 = arith.constant 0 : i32
        %dma_start3A_1146 = tpu.memref_slice %arg10[%dma_start3A_1139, %dma_start3A_1145] : memref<4x80xi32, #tpu.memory_space<vmem>> -> memref<1x80xi32, #tpu.memory_space<vmem>>
        %dma_start3A_1147 = tpu.memref_squeeze %dma_start3A_1146 : memref<1x80xi32, #tpu.memory_space<vmem>> -> memref<80xi32, #tpu.memory_space<vmem>>
        %dma_start3A_1148 = arith.constant 0 : i32
        %dma_start3A_1149 = arith.constant 0 : i32
        %dma_start3A_1150 = tpu.memref_slice %arg6[%dma_start3A_1148, %dma_start3A_1149] : memref<10000x128xf32, #tpu.memory_space<hbm>> -> memref<10000x128xf32, #tpu.memory_space<hbm>>
        tpu.enqueue_indirect_dma source(%dma_start3A_1150 : memref<10000x128xf32, #tpu.memory_space<hbm>>) target(%dma_start3A_1144 : memref<80x128xf32, #tpu.memory_space<vmem>>) offsets(%dma_start3A_1147 : memref<80xi32, #tpu.memory_space<vmem>>) semaphore(%arg28 : memref<!tpu.dma_semaphore, #tpu.memory_space<semaphore_mem>>)
      } else {
      }
      %dma_wait3A_771 = arith.constant 2 : i32
      %dma_wait3A_772 = arith.constant 2 : i32
      %dma_wait3A_773 = arith.constant 0 : i32
      %dma_wait3A_774 = tpu.memref_slice %arg11[%dma_wait3A_772, %dma_wait3A_773] : memref<4x80xf32, #tpu.memory_space<vmem>> -> memref<1x80xf32, #tpu.memory_space<vmem>>
      %dma_wait3A_775 = tpu.memref_squeeze %dma_wait3A_774 : memref<1x80xf32, #tpu.memory_space<vmem>> -> memref<80xf32, #tpu.memory_space<vmem>>
      %dma_wait3A_776 = arith.constant 0 : i32
      %dma_wait3A_777 = tpu.memref_slice %arg9[%dma_wait3A_771, %dma_wait3A_776] : memref<4x80xi32, #tpu.memory_space<vmem>> -> memref<1x80xi32, #tpu.memory_space<vmem>>
      %dma_wait3A_778 = tpu.memref_squeeze %dma_wait3A_777 : memref<1x80xi32, #tpu.memory_space<vmem>> -> memref<80xi32, #tpu.memory_space<vmem>>
      %dma_wait3A_779 = arith.constant 0 : i32
      %dma_wait3A_780 = tpu.memref_slice %arg4[%dma_wait3A_779] : memref<10000xf32, #tpu.memory_space<hbm>> -> memref<10000xf32, #tpu.memory_space<hbm>>
      tpu.wait_indirect_dma semaphore(%arg23 : memref<!tpu.dma_semaphore, #tpu.memory_space<semaphore_mem>>) src(%dma_wait3A_780 : memref<10000xf32, #tpu.memory_space<hbm>>) dst(%dma_wait3A_775 : memref<80xf32, #tpu.memory_space<vmem>>)
      %dma_wait3A_781 = arith.constant 2 : i32
      %dma_wait3A_782 = arith.constant 2 : i32
      %dma_wait3A_783 = arith.constant 0 : i32
      %dma_wait3A_784 = tpu.memref_slice %arg12[%dma_wait3A_782, %dma_wait3A_783] : memref<4x80xf32, #tpu.memory_space<vmem>> -> memref<1x80xf32, #tpu.memory_space<vmem>>
      %dma_wait3A_785 = tpu.memref_squeeze %dma_wait3A_784 : memref<1x80xf32, #tpu.memory_space<vmem>> -> memref<80xf32, #tpu.memory_space<vmem>>
      %dma_wait3A_786 = arith.constant 0 : i32
      %dma_wait3A_787 = tpu.memref_slice %arg10[%dma_wait3A_781, %dma_wait3A_786] : memref<4x80xi32, #tpu.memory_space<vmem>> -> memref<1x80xi32, #tpu.memory_space<vmem>>
      %dma_wait3A_788 = tpu.memref_squeeze %dma_wait3A_787 : memref<1x80xi32, #tpu.memory_space<vmem>> -> memref<80xi32, #tpu.memory_space<vmem>>
      %dma_wait3A_789 = arith.constant 0 : i32
      %dma_wait3A_790 = tpu.memref_slice %arg5[%dma_wait3A_789] : memref<10000xf32, #tpu.memory_space<hbm>> -> memref<10000xf32, #tpu.memory_space<hbm>>
      tpu.wait_indirect_dma semaphore(%arg23 : memref<!tpu.dma_semaphore, #tpu.memory_space<semaphore_mem>>) src(%dma_wait3A_790 : memref<10000xf32, #tpu.memory_space<hbm>>) dst(%dma_wait3A_785 : memref<80xf32, #tpu.memory_space<vmem>>)
      %dma_wait3A_791 = arith.constant 2 : i32
      %dma_wait3A_792 = arith.constant 2 : i32
      %dma_wait3A_793 = arith.constant 0 : i32
      %dma_wait3A_794 = arith.constant 0 : i32
      %dma_wait3A_795 = tpu.memref_slice %arg14[%dma_wait3A_792, %dma_wait3A_793, %dma_wait3A_794] : memref<4x80x128xf32, #tpu.memory_space<vmem>> -> memref<1x80x128xf32, #tpu.memory_space<vmem>>
      %dma_wait3A_796 = tpu.memref_squeeze %dma_wait3A_795 : memref<1x80x128xf32, #tpu.memory_space<vmem>> -> memref<80x128xf32, #tpu.memory_space<vmem>>
      %dma_wait3A_797 = arith.constant 0 : i32
      %dma_wait3A_798 = tpu.memref_slice %arg10[%dma_wait3A_791, %dma_wait3A_797] : memref<4x80xi32, #tpu.memory_space<vmem>> -> memref<1x80xi32, #tpu.memory_space<vmem>>
      %dma_wait3A_799 = tpu.memref_squeeze %dma_wait3A_798 : memref<1x80xi32, #tpu.memory_space<vmem>> -> memref<80xi32, #tpu.memory_space<vmem>>
      %dma_wait3A_800 = arith.constant 0 : i32
      %dma_wait3A_801 = arith.constant 0 : i32
      %dma_wait3A_802 = tpu.memref_slice %arg6[%dma_wait3A_800, %dma_wait3A_801] : memref<10000x128xf32, #tpu.memory_space<hbm>> -> memref<10000x128xf32, #tpu.memory_space<hbm>>
      tpu.wait_indirect_dma semaphore(%arg27 : memref<!tpu.dma_semaphore, #tpu.memory_space<semaphore_mem>>) src(%dma_wait3A_802 : memref<10000x128xf32, #tpu.memory_space<hbm>>) dst(%dma_wait3A_796 : memref<80x128xf32, #tpu.memory_space<vmem>>)
      %get3A_803 = arith.constant 2 : i32
      %get3A_804 = arith.index_cast %get3A_803 : i32 to index
      %get3A_805 = arith.constant 0 : index
      %get3A_806 = tpu.vector_load %arg11[%get3A_804, %get3A_805] {strides = array<i32>} : memref<4x80xf32, #tpu.memory_space<vmem>>, vector<16xf32>,
      %get3A_807 = arith.constant 2 : i32
      %get3A_808 = arith.index_cast %get3A_807 : i32 to index
      %get3A_809 = arith.constant 0 : index
      %get3A_810 = tpu.vector_load %arg12[%get3A_808, %get3A_809] {strides = array<i32>} : memref<4x80xf32, #tpu.memory_space<vmem>>, vector<16xf32>,
      %add3A_811 = arith.addf %get3A_806, %get3A_810 : vector<16xf32>
      %gt3A_812 = arith.constant 0.000000e+00 : f32
      %gt3A_813 = vector.broadcast %gt3A_812 : f32 to vector<16xf32>
      %gt3A_814 = arith.cmpf ogt, %add3A_811, %gt3A_813 : vector<16xf32>
      %mul3A_815 = arith.constant 2.000000e-01 : f32
      %mul3A_816 = vector.broadcast %mul3A_815 : f32 to vector<16xf32>
      %mul3A_817 = arith.mulf %mul3A_816, %add3A_811 : vector<16xf32>
      %select_n3A_818 = arith.select %gt3A_814, %add3A_811, %mul3A_817 : vector<16xi1>, vector<16xf32>
      %exp3A_819 = math.exp %select_n3A_818 : vector<16xf32>
      %swap3A_820 = arith.constant 160 : index
      %swap3A_821 = tpu.vector_load %arg13[%swap3A_820] {strides = array<i32>} : memref<320xf32, #tpu.memory_space<vmem>>, vector<16xf32>,
      tpu.vector_store %arg13[%swap3A_820], %exp3A_819 {strides = array<i32>} : memref<320xf32, #tpu.memory_space<vmem>>, vector<16xf32>,
      %get3A_822 = arith.constant 2 : i32
      %get3A_823 = arith.index_cast %get3A_822 : i32 to index
      %get3A_824 = arith.constant 16 : index
      %get3A_825 = tpu.vector_load %arg11[%get3A_823, %get3A_824] {strides = array<i32>} : memref<4x80xf32, #tpu.memory_space<vmem>>, vector<16xf32>,
      %get3A_826 = arith.constant 2 : i32
      %get3A_827 = arith.index_cast %get3A_826 : i32 to index
      %get3A_828 = arith.constant 16 : index
      %get3A_829 = tpu.vector_load %arg12[%get3A_827, %get3A_828] {strides = array<i32>} : memref<4x80xf32, #tpu.memory_space<vmem>>, vector<16xf32>,
      %add3A_830 = arith.addf %get3A_825, %get3A_829 : vector<16xf32>
      %gt3A_831 = arith.constant 0.000000e+00 : f32
      %gt3A_832 = vector.broadcast %gt3A_831 : f32 to vector<16xf32>
      %gt3A_833 = arith.cmpf ogt, %add3A_830, %gt3A_832 : vector<16xf32>
      %mul3A_834 = arith.constant 2.000000e-01 : f32
      %mul3A_835 = vector.broadcast %mul3A_834 : f32 to vector<16xf32>
      %mul3A_836 = arith.mulf %mul3A_835, %add3A_830 : vector<16xf32>
      %select_n3A_837 = arith.select %gt3A_833, %add3A_830, %mul3A_836 : vector<16xi1>, vector<16xf32>
      %exp3A_838 = math.exp %select_n3A_837 : vector<16xf32>
      %swap3A_839 = arith.constant 176 : index
      %swap3A_840 = tpu.vector_load %arg13[%swap3A_839] {strides = array<i32>} : memref<320xf32, #tpu.memory_space<vmem>>, vector<16xf32>,
      tpu.vector_store %arg13[%swap3A_839], %exp3A_838 {strides = array<i32>} : memref<320xf32, #tpu.memory_space<vmem>>, vector<16xf32>,
      %get3A_841 = arith.constant 2 : i32
      %get3A_842 = arith.index_cast %get3A_841 : i32 to index
      %get3A_843 = arith.constant 32 : index
      %get3A_844 = tpu.vector_load %arg11[%get3A_842, %get3A_843] {strides = array<i32>} : memref<4x80xf32, #tpu.memory_space<vmem>>, vector<16xf32>,
      %get3A_845 = arith.constant 2 : i32
      %get3A_846 = arith.index_cast %get3A_845 : i32 to index
      %get3A_847 = arith.constant 32 : index
      %get3A_848 = tpu.vector_load %arg12[%get3A_846, %get3A_847] {strides = array<i32>} : memref<4x80xf32, #tpu.memory_space<vmem>>, vector<16xf32>,
      %add3A_849 = arith.addf %get3A_844, %get3A_848 : vector<16xf32>
      %gt3A_850 = arith.constant 0.000000e+00 : f32
      %gt3A_851 = vector.broadcast %gt3A_850 : f32 to vector<16xf32>
      %gt3A_852 = arith.cmpf ogt, %add3A_849, %gt3A_851 : vector<16xf32>
      %mul3A_853 = arith.constant 2.000000e-01 : f32
      %mul3A_854 = vector.broadcast %mul3A_853 : f32 to vector<16xf32>
      %mul3A_855 = arith.mulf %mul3A_854, %add3A_849 : vector<16xf32>
      %select_n3A_856 = arith.select %gt3A_852, %add3A_849, %mul3A_855 : vector<16xi1>, vector<16xf32>
      %exp3A_857 = math.exp %select_n3A_856 : vector<16xf32>
      %swap3A_858 = arith.constant 192 : index
      %swap3A_859 = tpu.vector_load %arg13[%swap3A_858] {strides = array<i32>} : memref<320xf32, #tpu.memory_space<vmem>>, vector<16xf32>,
      tpu.vector_store %arg13[%swap3A_858], %exp3A_857 {strides = array<i32>} : memref<320xf32, #tpu.memory_space<vmem>>, vector<16xf32>,
      %get3A_860 = arith.constant 2 : i32
      %get3A_861 = arith.index_cast %get3A_860 : i32 to index
      %get3A_862 = arith.constant 48 : index
      %get3A_863 = tpu.vector_load %arg11[%get3A_861, %get3A_862] {strides = array<i32>} : memref<4x80xf32, #tpu.memory_space<vmem>>, vector<16xf32>,
      %get3A_864 = arith.constant 2 : i32
      %get3A_865 = arith.index_cast %get3A_864 : i32 to index
      %get3A_866 = arith.constant 48 : index
      %get3A_867 = tpu.vector_load %arg12[%get3A_865, %get3A_866] {strides = array<i32>} : memref<4x80xf32, #tpu.memory_space<vmem>>, vector<16xf32>,
      %add3A_868 = arith.addf %get3A_863, %get3A_867 : vector<16xf32>
      %gt3A_869 = arith.constant 0.000000e+00 : f32
      %gt3A_870 = vector.broadcast %gt3A_869 : f32 to vector<16xf32>
      %gt3A_871 = arith.cmpf ogt, %add3A_868, %gt3A_870 : vector<16xf32>
      %mul3A_872 = arith.constant 2.000000e-01 : f32
      %mul3A_873 = vector.broadcast %mul3A_872 : f32 to vector<16xf32>
      %mul3A_874 = arith.mulf %mul3A_873, %add3A_868 : vector<16xf32>
      %select_n3A_875 = arith.select %gt3A_871, %add3A_868, %mul3A_874 : vector<16xi1>, vector<16xf32>
      %exp3A_876 = math.exp %select_n3A_875 : vector<16xf32>
      %swap3A_877 = arith.constant 208 : index
      %swap3A_878 = tpu.vector_load %arg13[%swap3A_877] {strides = array<i32>} : memref<320xf32, #tpu.memory_space<vmem>>, vector<16xf32>,
      tpu.vector_store %arg13[%swap3A_877], %exp3A_876 {strides = array<i32>} : memref<320xf32, #tpu.memory_space<vmem>>, vector<16xf32>,
      %get3A_879 = arith.constant 2 : i32
      %get3A_880 = arith.index_cast %get3A_879 : i32 to index
      %get3A_881 = arith.constant 64 : index
      %get3A_882 = tpu.vector_load %arg11[%get3A_880, %get3A_881] {strides = array<i32>} : memref<4x80xf32, #tpu.memory_space<vmem>>, vector<16xf32>,
      %get3A_883 = arith.constant 2 : i32
      %get3A_884 = arith.index_cast %get3A_883 : i32 to index
      %get3A_885 = arith.constant 64 : index
      %get3A_886 = tpu.vector_load %arg12[%get3A_884, %get3A_885] {strides = array<i32>} : memref<4x80xf32, #tpu.memory_space<vmem>>, vector<16xf32>,
      %add3A_887 = arith.addf %get3A_882, %get3A_886 : vector<16xf32>
      %gt3A_888 = arith.constant 0.000000e+00 : f32
      %gt3A_889 = vector.broadcast %gt3A_888 : f32 to vector<16xf32>
      %gt3A_890 = arith.cmpf ogt, %add3A_887, %gt3A_889 : vector<16xf32>
      %mul3A_891 = arith.constant 2.000000e-01 : f32
      %mul3A_892 = vector.broadcast %mul3A_891 : f32 to vector<16xf32>
      %mul3A_893 = arith.mulf %mul3A_892, %add3A_887 : vector<16xf32>
      %select_n3A_894 = arith.select %gt3A_890, %add3A_887, %mul3A_893 : vector<16xi1>, vector<16xf32>
      %exp3A_895 = math.exp %select_n3A_894 : vector<16xf32>
      %swap3A_896 = arith.constant 224 : index
      %swap3A_897 = tpu.vector_load %arg13[%swap3A_896] {strides = array<i32>} : memref<320xf32, #tpu.memory_space<vmem>>, vector<16xf32>,
      tpu.vector_store %arg13[%swap3A_896], %exp3A_895 {strides = array<i32>} : memref<320xf32, #tpu.memory_space<vmem>>, vector<16xf32>,
      %dma_start3A_898 = arith.constant 2 : i32
      %dma_start3A_899 = arith.constant 160 : i32
      %dma_start3A_900 = tpu.memref_slice %arg13[%dma_start3A_899] : memref<320xf32, #tpu.memory_space<vmem>> -> memref<80xf32, #tpu.memory_space<vmem>>
      %dma_start3A_901 = arith.constant 0 : i32
      %dma_start3A_902 = tpu.memref_slice %arg9[%dma_start3A_898, %dma_start3A_901] : memref<4x80xi32, #tpu.memory_space<vmem>> -> memref<1x80xi32, #tpu.memory_space<vmem>>
      %dma_start3A_903 = tpu.memref_squeeze %dma_start3A_902 : memref<1x80xi32, #tpu.memory_space<vmem>> -> memref<80xi32, #tpu.memory_space<vmem>>
      %dma_start3A_904 = arith.constant 0 : i32
      %dma_start3A_905 = tpu.memref_slice %arg15[%dma_start3A_904] : memref<10000xf32, #tpu.memory_space<vmem_shared>> -> memref<10000xf32, #tpu.memory_space<vmem_shared>>
      tpu.enqueue_indirect_dma source(%dma_start3A_900 : memref<80xf32, #tpu.memory_space<vmem>>) target(%dma_start3A_905 : memref<10000xf32, #tpu.memory_space<vmem_shared>>) offsets(%dma_start3A_903 : memref<80xi32, #tpu.memory_space<vmem>>) semaphore(%arg35 : memref<!tpu.dma_semaphore, #tpu.memory_space<semaphore_mem>>) {add = true}
      %scan3A_906 = arith.constant 0 : i32
      %scan3A_907 = arith.constant 80 : i32
      %scan3A_908 = arith.addi %scan3A_906, %scan3A_907 : i32
      %scan3A_909 = arith.constant 2 : i32
      scf.for %scan3A_1097 = %scan3A_906 to %scan3A_908 step %scan3A_909  : i32 {
        %mul3A_1098 = arith.constant 1 : i32
        %mul3A_1099 = arith.muli %scan3A_1097, %mul3A_1098 : i32
        %add3A_1100 = arith.constant 0 : i32
        %add3A_1101 = arith.addi %add3A_1100, %mul3A_1099 : i32
        %broadcast_in_dim3A_1102 = arith.constant 160 : i32
        %broadcast_in_dim3A_1103 = vector.broadcast %broadcast_in_dim3A_1102 : i32 to vector<16xi32>
        %add3A_1104 = vector.broadcast %add3A_1101 : i32 to vector<16xi32>
        %add3A_1105 = arith.addi %broadcast_in_dim3A_1103, %add3A_1104 : vector<16xi32>
        %gather3A = tpu.vector_load_idx %arg13[%add3A_1105] : memref<320xf32, #tpu.memory_space<vmem>>[vector<16xi32>], vector<16xf32>,
        %get3A_1106 = arith.constant 2 : i32
        %get3A_1107 = arith.index_cast %get3A_1106 : i32 to index
        %get3A_1108 = arith.index_cast %add3A_1101 : i32 to index
        %get3A_1109 = arith.constant 0 : index
        %get3A_1110 = tpu.vector_load %arg14[%get3A_1107, %get3A_1108, %get3A_1109] {strides = array<i32>} : memref<4x80x128xf32, #tpu.memory_space<vmem>>, vector<16xf32>,
        %mul3A_1111 = arith.mulf %get3A_1110, %gather3A : vector<16xf32>
        %swap3A_1112 = arith.constant 2 : i32
        %swap3A_1113 = arith.index_cast %swap3A_1112 : i32 to index
        %swap3A_1114 = arith.index_cast %add3A_1101 : i32 to index
        %swap3A_1115 = arith.constant 0 : index
        %swap3A_1116 = tpu.vector_load %arg14[%swap3A_1113, %swap3A_1114, %swap3A_1115] {strides = array<i32>} : memref<4x80x128xf32, #tpu.memory_space<vmem>>, vector<16xf32>,
        tpu.vector_store %arg14[%swap3A_1113, %swap3A_1114, %swap3A_1115], %mul3A_1111 {strides = array<i32>} : memref<4x80x128xf32, #tpu.memory_space<vmem>>, vector<16xf32>,
        %get3A_1117 = arith.constant 2 : i32
        %get3A_1118 = arith.index_cast %get3A_1117 : i32 to index
        %get3A_1119 = arith.index_cast %add3A_1101 : i32 to index
        %get3A_1120 = arith.constant 16 : index
        %get3A_1121 = tpu.vector_load %arg14[%get3A_1118, %get3A_1119, %get3A_1120] {strides = array<i32>} : memref<4x80x128xf32, #tpu.memory_space<vmem>>, vector<16xf32>,
        %mul3A_1122 = arith.mulf %get3A_1121, %gather3A : vector<16xf32>
        %swap3A_1123 = arith.constant 2 : i32
        %swap3A_1124 = arith.index_cast %swap3A_1123 : i32 to index
        %swap3A_1125 = arith.index_cast %add3A_1101 : i32 to index
        %swap3A_1126 = arith.constant 16 : index
        %swap3A_1127 = tpu.vector_load %arg14[%swap3A_1124, %swap3A_1125, %swap3A_1126] {strides = array<i32>} : memref<4x80x128xf32, #tpu.memory_space<vmem>>, vector<16xf32>,
        tpu.vector_store %arg14[%swap3A_1124, %swap3A_1125, %swap3A_1126], %mul3A_1122 {strides = array<i32>} : memref<4x80x128xf32, #tpu.memory_space<vmem>>, vector<16xf32>,
        %get3A_1128 = arith.constant 2 : i32
        %get3A_1129 = arith.index_cast %get3A_1128 : i32 to index
        %get3A_1130 = arith.index_cast %add3A_1101 : i32 to index
        %get3A_1131 = arith.constant 32 : index
        %get3A_1132 = tpu.vector_load %arg14[%get3A_1129, %get3A_1130, %get3A_1131] {strides = array<i32>} : memref<4x80x128xf32, #tpu.memory_space<vmem>>, vector<16xf32>,
        %mul3A_1133 = arith.mulf %get3A_1132, %gather3A : vector<16xf32>
        %swap3A_1134 = arith.constant 2 : i32
        %swap3A_1135 = arith.index_cast %swap3A_1134 : i32 to index
        %swap3A_1136 = arith.index_cast %add3A_1101 : i32 to index
        %swap3A_1137 = arith.constant 32 : index
        %swap3A_1138 = tpu.vector_load %arg14[%swap3A_1135, %swap3A_1136, %swap3A_1137] {strides = array<i32>} : memref<4x80x128xf32, #tpu.memory_space<vmem>>, vector<16xf32>,
        tpu.vector_store %arg14[%swap3A_1135, %swap3A_1136, %swap3A_1137], %mul3A_1133 {strides = array<i32>} : memref<4x80x128xf32, #tpu.memory_space<vmem>>, vector<16xf32>,
        %get3A_1139 = arith.constant 2 : i32
        %get3A_1140 = arith.index_cast %get3A_1139 : i32 to index
        %get3A_1141 = arith.index_cast %add3A_1101 : i32 to index
        %get3A_1142 = arith.constant 48 : index
        %get3A_1143 = tpu.vector_load %arg14[%get3A_1140, %get3A_1141, %get3A_1142] {strides = array<i32>} : memref<4x80x128xf32, #tpu.memory_space<vmem>>, vector<16xf32>,
        %mul3A_1144 = arith.mulf %get3A_1143, %gather3A : vector<16xf32>
        %swap3A_1145 = arith.constant 2 : i32
        %swap3A_1146 = arith.index_cast %swap3A_1145 : i32 to index
        %swap3A_1147 = arith.index_cast %add3A_1101 : i32 to index
        %swap3A_1148 = arith.constant 48 : index
        %swap3A_1149 = tpu.vector_load %arg14[%swap3A_1146, %swap3A_1147, %swap3A_1148] {strides = array<i32>} : memref<4x80x128xf32, #tpu.memory_space<vmem>>, vector<16xf32>,
        tpu.vector_store %arg14[%swap3A_1146, %swap3A_1147, %swap3A_1148], %mul3A_1144 {strides = array<i32>} : memref<4x80x128xf32, #tpu.memory_space<vmem>>, vector<16xf32>,
        %get3A_1150 = arith.constant 2 : i32
        %get3A_1151 = arith.index_cast %get3A_1150 : i32 to index
        %get3A_1152 = arith.index_cast %add3A_1101 : i32 to index
        %get3A_1153 = arith.constant 64 : index
        %get3A_1154 = tpu.vector_load %arg14[%get3A_1151, %get3A_1152, %get3A_1153] {strides = array<i32>} : memref<4x80x128xf32, #tpu.memory_space<vmem>>, vector<16xf32>,
        %mul3A_1155 = arith.mulf %get3A_1154, %gather3A : vector<16xf32>
        %swap3A_1156 = arith.constant 2 : i32
        %swap3A_1157 = arith.index_cast %swap3A_1156 : i32 to index
        %swap3A_1158 = arith.index_cast %add3A_1101 : i32 to index
        %swap3A_1159 = arith.constant 64 : index
        %swap3A_1160 = tpu.vector_load %arg14[%swap3A_1157, %swap3A_1158, %swap3A_1159] {strides = array<i32>} : memref<4x80x128xf32, #tpu.memory_space<vmem>>, vector<16xf32>,
        tpu.vector_store %arg14[%swap3A_1157, %swap3A_1158, %swap3A_1159], %mul3A_1155 {strides = array<i32>} : memref<4x80x128xf32, #tpu.memory_space<vmem>>, vector<16xf32>,
        %get3A_1161 = arith.constant 2 : i32
        %get3A_1162 = arith.index_cast %get3A_1161 : i32 to index
        %get3A_1163 = arith.index_cast %add3A_1101 : i32 to index
        %get3A_1164 = arith.constant 80 : index
        %get3A_1165 = tpu.vector_load %arg14[%get3A_1162, %get3A_1163, %get3A_1164] {strides = array<i32>} : memref<4x80x128xf32, #tpu.memory_space<vmem>>, vector<16xf32>,
        %mul3A_1166 = arith.mulf %get3A_1165, %gather3A : vector<16xf32>
        %swap3A_1167 = arith.constant 2 : i32
        %swap3A_1168 = arith.index_cast %swap3A_1167 : i32 to index
        %swap3A_1169 = arith.index_cast %add3A_1101 : i32 to index
        %swap3A_1170 = arith.constant 80 : index
        %swap3A_1171 = tpu.vector_load %arg14[%swap3A_1168, %swap3A_1169, %swap3A_1170] {strides = array<i32>} : memref<4x80x128xf32, #tpu.memory_space<vmem>>, vector<16xf32>,
        tpu.vector_store %arg14[%swap3A_1168, %swap3A_1169, %swap3A_1170], %mul3A_1166 {strides = array<i32>} : memref<4x80x128xf32, #tpu.memory_space<vmem>>, vector<16xf32>,
        %get3A_1172 = arith.constant 2 : i32
        %get3A_1173 = arith.index_cast %get3A_1172 : i32 to index
        %get3A_1174 = arith.index_cast %add3A_1101 : i32 to index
        %get3A_1175 = arith.constant 96 : index
        %get3A_1176 = tpu.vector_load %arg14[%get3A_1173, %get3A_1174, %get3A_1175] {strides = array<i32>} : memref<4x80x128xf32, #tpu.memory_space<vmem>>, vector<16xf32>,
        %mul3A_1177 = arith.mulf %get3A_1176, %gather3A : vector<16xf32>
        %swap3A_1178 = arith.constant 2 : i32
        %swap3A_1179 = arith.index_cast %swap3A_1178 : i32 to index
        %swap3A_1180 = arith.index_cast %add3A_1101 : i32 to index
        %swap3A_1181 = arith.constant 96 : index
        %swap3A_1182 = tpu.vector_load %arg14[%swap3A_1179, %swap3A_1180, %swap3A_1181] {strides = array<i32>} : memref<4x80x128xf32, #tpu.memory_space<vmem>>, vector<16xf32>,
        tpu.vector_store %arg14[%swap3A_1179, %swap3A_1180, %swap3A_1181], %mul3A_1177 {strides = array<i32>} : memref<4x80x128xf32, #tpu.memory_space<vmem>>, vector<16xf32>,
        %get3A_1183 = arith.constant 2 : i32
        %get3A_1184 = arith.index_cast %get3A_1183 : i32 to index
        %get3A_1185 = arith.index_cast %add3A_1101 : i32 to index
        %get3A_1186 = arith.constant 112 : index
        %get3A_1187 = tpu.vector_load %arg14[%get3A_1184, %get3A_1185, %get3A_1186] {strides = array<i32>} : memref<4x80x128xf32, #tpu.memory_space<vmem>>, vector<16xf32>,
        %mul3A_1188 = arith.mulf %get3A_1187, %gather3A : vector<16xf32>
        %swap3A_1189 = arith.constant 2 : i32
        %swap3A_1190 = arith.index_cast %swap3A_1189 : i32 to index
        %swap3A_1191 = arith.index_cast %add3A_1101 : i32 to index
        %swap3A_1192 = arith.constant 112 : index
        %swap3A_1193 = tpu.vector_load %arg14[%swap3A_1190, %swap3A_1191, %swap3A_1192] {strides = array<i32>} : memref<4x80x128xf32, #tpu.memory_space<vmem>>, vector<16xf32>,
        tpu.vector_store %arg14[%swap3A_1190, %swap3A_1191, %swap3A_1192], %mul3A_1188 {strides = array<i32>} : memref<4x80x128xf32, #tpu.memory_space<vmem>>, vector<16xf32>,
        %scan3A_1194 = arith.constant 1 : i32
        %scan3A_1195 = arith.addi %scan3A_1097, %scan3A_1194 : i32
        %mul3A_1196 = arith.constant 1 : i32
        %mul3A_1197 = arith.muli %scan3A_1195, %mul3A_1196 : i32
        %add3A_1198 = arith.constant 0 : i32
        %add3A_1199 = arith.addi %add3A_1198, %mul3A_1197 : i32
        %broadcast_in_dim3A_1200 = arith.constant 160 : i32
        %broadcast_in_dim3A_1201 = vector.broadcast %broadcast_in_dim3A_1200 : i32 to vector<16xi32>
        %add3A_1202 = vector.broadcast %add3A_1199 : i32 to vector<16xi32>
        %add3A_1203 = arith.addi %broadcast_in_dim3A_1201, %add3A_1202 : vector<16xi32>
        %gather3A_1204 = tpu.vector_load_idx %arg13[%add3A_1203] : memref<320xf32, #tpu.memory_space<vmem>>[vector<16xi32>], vector<16xf32>,
        %get3A_1205 = arith.constant 2 : i32
        %get3A_1206 = arith.index_cast %get3A_1205 : i32 to index
        %get3A_1207 = arith.index_cast %add3A_1199 : i32 to index
        %get3A_1208 = arith.constant 0 : index
        %get3A_1209 = tpu.vector_load %arg14[%get3A_1206, %get3A_1207, %get3A_1208] {strides = array<i32>} : memref<4x80x128xf32, #tpu.memory_space<vmem>>, vector<16xf32>,
        %mul3A_1210 = arith.mulf %get3A_1209, %gather3A_1204 : vector<16xf32>
        %swap3A_1211 = arith.constant 2 : i32
        %swap3A_1212 = arith.index_cast %swap3A_1211 : i32 to index
        %swap3A_1213 = arith.index_cast %add3A_1199 : i32 to index
        %swap3A_1214 = arith.constant 0 : index
        %swap3A_1215 = tpu.vector_load %arg14[%swap3A_1212, %swap3A_1213, %swap3A_1214] {strides = array<i32>} : memref<4x80x128xf32, #tpu.memory_space<vmem>>, vector<16xf32>,
        tpu.vector_store %arg14[%swap3A_1212, %swap3A_1213, %swap3A_1214], %mul3A_1210 {strides = array<i32>} : memref<4x80x128xf32, #tpu.memory_space<vmem>>, vector<16xf32>,
        %get3A_1216 = arith.constant 2 : i32
        %get3A_1217 = arith.index_cast %get3A_1216 : i32 to index
        %get3A_1218 = arith.index_cast %add3A_1199 : i32 to index
        %get3A_1219 = arith.constant 16 : index
        %get3A_1220 = tpu.vector_load %arg14[%get3A_1217, %get3A_1218, %get3A_1219] {strides = array<i32>} : memref<4x80x128xf32, #tpu.memory_space<vmem>>, vector<16xf32>,
        %mul3A_1221 = arith.mulf %get3A_1220, %gather3A_1204 : vector<16xf32>
        %swap3A_1222 = arith.constant 2 : i32
        %swap3A_1223 = arith.index_cast %swap3A_1222 : i32 to index
        %swap3A_1224 = arith.index_cast %add3A_1199 : i32 to index
        %swap3A_1225 = arith.constant 16 : index
        %swap3A_1226 = tpu.vector_load %arg14[%swap3A_1223, %swap3A_1224, %swap3A_1225] {strides = array<i32>} : memref<4x80x128xf32, #tpu.memory_space<vmem>>, vector<16xf32>,
        tpu.vector_store %arg14[%swap3A_1223, %swap3A_1224, %swap3A_1225], %mul3A_1221 {strides = array<i32>} : memref<4x80x128xf32, #tpu.memory_space<vmem>>, vector<16xf32>,
        %get3A_1227 = arith.constant 2 : i32
        %get3A_1228 = arith.index_cast %get3A_1227 : i32 to index
        %get3A_1229 = arith.index_cast %add3A_1199 : i32 to index
        %get3A_1230 = arith.constant 32 : index
        %get3A_1231 = tpu.vector_load %arg14[%get3A_1228, %get3A_1229, %get3A_1230] {strides = array<i32>} : memref<4x80x128xf32, #tpu.memory_space<vmem>>, vector<16xf32>,
        %mul3A_1232 = arith.mulf %get3A_1231, %gather3A_1204 : vector<16xf32>
        %swap3A_1233 = arith.constant 2 : i32
        %swap3A_1234 = arith.index_cast %swap3A_1233 : i32 to index
        %swap3A_1235 = arith.index_cast %add3A_1199 : i32 to index
        %swap3A_1236 = arith.constant 32 : index
        %swap3A_1237 = tpu.vector_load %arg14[%swap3A_1234, %swap3A_1235, %swap3A_1236] {strides = array<i32>} : memref<4x80x128xf32, #tpu.memory_space<vmem>>, vector<16xf32>,
        tpu.vector_store %arg14[%swap3A_1234, %swap3A_1235, %swap3A_1236], %mul3A_1232 {strides = array<i32>} : memref<4x80x128xf32, #tpu.memory_space<vmem>>, vector<16xf32>,
        %get3A_1238 = arith.constant 2 : i32
        %get3A_1239 = arith.index_cast %get3A_1238 : i32 to index
        %get3A_1240 = arith.index_cast %add3A_1199 : i32 to index
        %get3A_1241 = arith.constant 48 : index
        %get3A_1242 = tpu.vector_load %arg14[%get3A_1239, %get3A_1240, %get3A_1241] {strides = array<i32>} : memref<4x80x128xf32, #tpu.memory_space<vmem>>, vector<16xf32>,
        %mul3A_1243 = arith.mulf %get3A_1242, %gather3A_1204 : vector<16xf32>
        %swap3A_1244 = arith.constant 2 : i32
        %swap3A_1245 = arith.index_cast %swap3A_1244 : i32 to index
        %swap3A_1246 = arith.index_cast %add3A_1199 : i32 to index
        %swap3A_1247 = arith.constant 48 : index
        %swap3A_1248 = tpu.vector_load %arg14[%swap3A_1245, %swap3A_1246, %swap3A_1247] {strides = array<i32>} : memref<4x80x128xf32, #tpu.memory_space<vmem>>, vector<16xf32>,
        tpu.vector_store %arg14[%swap3A_1245, %swap3A_1246, %swap3A_1247], %mul3A_1243 {strides = array<i32>} : memref<4x80x128xf32, #tpu.memory_space<vmem>>, vector<16xf32>,
        %get3A_1249 = arith.constant 2 : i32
        %get3A_1250 = arith.index_cast %get3A_1249 : i32 to index
        %get3A_1251 = arith.index_cast %add3A_1199 : i32 to index
        %get3A_1252 = arith.constant 64 : index
        %get3A_1253 = tpu.vector_load %arg14[%get3A_1250, %get3A_1251, %get3A_1252] {strides = array<i32>} : memref<4x80x128xf32, #tpu.memory_space<vmem>>, vector<16xf32>,
        %mul3A_1254 = arith.mulf %get3A_1253, %gather3A_1204 : vector<16xf32>
        %swap3A_1255 = arith.constant 2 : i32
        %swap3A_1256 = arith.index_cast %swap3A_1255 : i32 to index
        %swap3A_1257 = arith.index_cast %add3A_1199 : i32 to index
        %swap3A_1258 = arith.constant 64 : index
        %swap3A_1259 = tpu.vector_load %arg14[%swap3A_1256, %swap3A_1257, %swap3A_1258] {strides = array<i32>} : memref<4x80x128xf32, #tpu.memory_space<vmem>>, vector<16xf32>,
        tpu.vector_store %arg14[%swap3A_1256, %swap3A_1257, %swap3A_1258], %mul3A_1254 {strides = array<i32>} : memref<4x80x128xf32, #tpu.memory_space<vmem>>, vector<16xf32>,
        %get3A_1260 = arith.constant 2 : i32
        %get3A_1261 = arith.index_cast %get3A_1260 : i32 to index
        %get3A_1262 = arith.index_cast %add3A_1199 : i32 to index
        %get3A_1263 = arith.constant 80 : index
        %get3A_1264 = tpu.vector_load %arg14[%get3A_1261, %get3A_1262, %get3A_1263] {strides = array<i32>} : memref<4x80x128xf32, #tpu.memory_space<vmem>>, vector<16xf32>,
        %mul3A_1265 = arith.mulf %get3A_1264, %gather3A_1204 : vector<16xf32>
        %swap3A_1266 = arith.constant 2 : i32
        %swap3A_1267 = arith.index_cast %swap3A_1266 : i32 to index
        %swap3A_1268 = arith.index_cast %add3A_1199 : i32 to index
        %swap3A_1269 = arith.constant 80 : index
        %swap3A_1270 = tpu.vector_load %arg14[%swap3A_1267, %swap3A_1268, %swap3A_1269] {strides = array<i32>} : memref<4x80x128xf32, #tpu.memory_space<vmem>>, vector<16xf32>,
        tpu.vector_store %arg14[%swap3A_1267, %swap3A_1268, %swap3A_1269], %mul3A_1265 {strides = array<i32>} : memref<4x80x128xf32, #tpu.memory_space<vmem>>, vector<16xf32>,
        %get3A_1271 = arith.constant 2 : i32
        %get3A_1272 = arith.index_cast %get3A_1271 : i32 to index
        %get3A_1273 = arith.index_cast %add3A_1199 : i32 to index
        %get3A_1274 = arith.constant 96 : index
        %get3A_1275 = tpu.vector_load %arg14[%get3A_1272, %get3A_1273, %get3A_1274] {strides = array<i32>} : memref<4x80x128xf32, #tpu.memory_space<vmem>>, vector<16xf32>,
        %mul3A_1276 = arith.mulf %get3A_1275, %gather3A_1204 : vector<16xf32>
        %swap3A_1277 = arith.constant 2 : i32
        %swap3A_1278 = arith.index_cast %swap3A_1277 : i32 to index
        %swap3A_1279 = arith.index_cast %add3A_1199 : i32 to index
        %swap3A_1280 = arith.constant 96 : index
        %swap3A_1281 = tpu.vector_load %arg14[%swap3A_1278, %swap3A_1279, %swap3A_1280] {strides = array<i32>} : memref<4x80x128xf32, #tpu.memory_space<vmem>>, vector<16xf32>,
        tpu.vector_store %arg14[%swap3A_1278, %swap3A_1279, %swap3A_1280], %mul3A_1276 {strides = array<i32>} : memref<4x80x128xf32, #tpu.memory_space<vmem>>, vector<16xf32>,
        %get3A_1282 = arith.constant 2 : i32
        %get3A_1283 = arith.index_cast %get3A_1282 : i32 to index
        %get3A_1284 = arith.index_cast %add3A_1199 : i32 to index
        %get3A_1285 = arith.constant 112 : index
        %get3A_1286 = tpu.vector_load %arg14[%get3A_1283, %get3A_1284, %get3A_1285] {strides = array<i32>} : memref<4x80x128xf32, #tpu.memory_space<vmem>>, vector<16xf32>,
        %mul3A_1287 = arith.mulf %get3A_1286, %gather3A_1204 : vector<16xf32>
        %swap3A_1288 = arith.constant 2 : i32
        %swap3A_1289 = arith.index_cast %swap3A_1288 : i32 to index
        %swap3A_1290 = arith.index_cast %add3A_1199 : i32 to index
        %swap3A_1291 = arith.constant 112 : index
        %swap3A_1292 = tpu.vector_load %arg14[%swap3A_1289, %swap3A_1290, %swap3A_1291] {strides = array<i32>} : memref<4x80x128xf32, #tpu.memory_space<vmem>>, vector<16xf32>,
        tpu.vector_store %arg14[%swap3A_1289, %swap3A_1290, %swap3A_1291], %mul3A_1287 {strides = array<i32>} : memref<4x80x128xf32, #tpu.memory_space<vmem>>, vector<16xf32>,
      }
      %scan3A_910 = arith.constant 80 : i32
      %dma_start3A_911 = arith.constant 2 : i32
      %dma_start3A_912 = arith.constant 2 : i32
      %dma_start3A_913 = arith.constant 0 : i32
      %dma_start3A_914 = arith.constant 0 : i32
      %dma_start3A_915 = tpu.memref_slice %arg14[%dma_start3A_911, %dma_start3A_913, %dma_start3A_914] : memref<4x80x128xf32, #tpu.memory_space<vmem>> -> memref<1x80x128xf32, #tpu.memory_space<vmem>>
      %dma_start3A_916 = tpu.memref_squeeze %dma_start3A_915 : memref<1x80x128xf32, #tpu.memory_space<vmem>> -> memref<80x128xf32, #tpu.memory_space<vmem>>
      %dma_start3A_917 = arith.constant 0 : i32
      %dma_start3A_918 = tpu.memref_slice %arg9[%dma_start3A_912, %dma_start3A_917] : memref<4x80xi32, #tpu.memory_space<vmem>> -> memref<1x80xi32, #tpu.memory_space<vmem>>
      %dma_start3A_919 = tpu.memref_squeeze %dma_start3A_918 : memref<1x80xi32, #tpu.memory_space<vmem>> -> memref<80xi32, #tpu.memory_space<vmem>>
      %dma_start3A_920 = arith.constant 0 : i32
      %dma_start3A_921 = arith.constant 0 : i32
      %dma_start3A_922 = tpu.memref_slice %arg16[%dma_start3A_920, %dma_start3A_921] : memref<10000x128xf32, #tpu.memory_space<vmem_shared>> -> memref<10000x128xf32, #tpu.memory_space<vmem_shared>>
      tpu.enqueue_indirect_dma source(%dma_start3A_916 : memref<80x128xf32, #tpu.memory_space<vmem>>) target(%dma_start3A_922 : memref<10000x128xf32, #tpu.memory_space<vmem_shared>>) offsets(%dma_start3A_919 : memref<80xi32, #tpu.memory_space<vmem>>) semaphore(%arg31 : memref<!tpu.dma_semaphore, #tpu.memory_space<semaphore_mem>>) {add = true}
      %mul3A_923 = arith.constant 4 : i32
      %mul3A_924 = arith.muli %add3A_403, %mul3A_923 : i32
      %add3A_925 = arith.constant 3 : i32
      %add3A_926 = arith.addi %mul3A_924, %add3A_925 : i32
      %add3A_927 = arith.constant 2 : i32
      %add3A_928 = arith.addi %add3A_926, %add3A_927 : i32
      %min3A_929 = arith.constant 124 : i32
      %min3A_930 = arith.minsi %add3A_928, %min3A_929 : i32
      %add3A_931 = arith.constant 2 : i32
      %add3A_932 = arith.addi %add3A_926, %add3A_931 : i32
      %lt3A_933 = arith.constant 125 : i32
      %lt3A_934 = arith.cmpi slt, %add3A_932, %lt3A_933 : i32
      %convert_element_type3A_935 = arith.extui %lt3A_934 : i1 to i32
      %cond3A_936 = arith.constant 0 : i32
      %cond3A_937 = arith.cmpi ne, %convert_element_type3A_935, %cond3A_936 : i32
      scf.if %cond3A_937 {
        %ge3A = arith.constant 2 : i32
        %ge3A_1097 = arith.cmpi sge, %add3A_926, %ge3A : i32
        %convert_element_type3A_1098 = arith.extui %ge3A_1097 : i1 to i32
        %cond3A_1099 = arith.constant 0 : i32
        %cond3A_1100 = arith.cmpi ne, %convert_element_type3A_1098, %cond3A_1099 : i32
        scf.if %cond3A_1100 {
          %dma_wait3A_1125 = arith.constant 1 : i32
          %dma_wait3A_1126 = arith.constant 1 : i32
          %dma_wait3A_1127 = arith.constant 0 : i32
          %dma_wait3A_1128 = arith.constant 0 : i32
          %dma_wait3A_1129 = tpu.memref_slice %arg14[%dma_wait3A_1125, %dma_wait3A_1127, %dma_wait3A_1128] : memref<4x80x128xf32, #tpu.memory_space<vmem>> -> memref<1x80x128xf32, #tpu.memory_space<vmem>>
          %dma_wait3A_1130 = tpu.memref_squeeze %dma_wait3A_1129 : memref<1x80x128xf32, #tpu.memory_space<vmem>> -> memref<80x128xf32, #tpu.memory_space<vmem>>
          %dma_wait3A_1131 = arith.constant 0 : i32
          %dma_wait3A_1132 = tpu.memref_slice %arg9[%dma_wait3A_1126, %dma_wait3A_1131] : memref<4x80xi32, #tpu.memory_space<vmem>> -> memref<1x80xi32, #tpu.memory_space<vmem>>
          %dma_wait3A_1133 = tpu.memref_squeeze %dma_wait3A_1132 : memref<1x80xi32, #tpu.memory_space<vmem>> -> memref<80xi32, #tpu.memory_space<vmem>>
          %dma_wait3A_1134 = arith.constant 0 : i32
          %dma_wait3A_1135 = arith.constant 0 : i32
          %dma_wait3A_1136 = tpu.memref_slice %arg16[%dma_wait3A_1134, %dma_wait3A_1135] : memref<10000x128xf32, #tpu.memory_space<vmem_shared>> -> memref<10000x128xf32, #tpu.memory_space<vmem_shared>>
          tpu.wait_indirect_dma semaphore(%arg30 : memref<!tpu.dma_semaphore, #tpu.memory_space<semaphore_mem>>) src(%dma_wait3A_1130 : memref<80x128xf32, #tpu.memory_space<vmem>>) dst(%dma_wait3A_1136 : memref<10000x128xf32, #tpu.memory_space<vmem_shared>>)
          %dma_wait3A_1137 = arith.constant 1 : i32
          %dma_wait3A_1138 = arith.constant 80 : i32
          %dma_wait3A_1139 = tpu.memref_slice %arg13[%dma_wait3A_1138] : memref<320xf32, #tpu.memory_space<vmem>> -> memref<80xf32, #tpu.memory_space<vmem>>
          %dma_wait3A_1140 = arith.constant 0 : i32
          %dma_wait3A_1141 = tpu.memref_slice %arg9[%dma_wait3A_1137, %dma_wait3A_1140] : memref<4x80xi32, #tpu.memory_space<vmem>> -> memref<1x80xi32, #tpu.memory_space<vmem>>
          %dma_wait3A_1142 = tpu.memref_squeeze %dma_wait3A_1141 : memref<1x80xi32, #tpu.memory_space<vmem>> -> memref<80xi32, #tpu.memory_space<vmem>>
          %dma_wait3A_1143 = arith.constant 0 : i32
          %dma_wait3A_1144 = tpu.memref_slice %arg15[%dma_wait3A_1143] : memref<10000xf32, #tpu.memory_space<vmem_shared>> -> memref<10000xf32, #tpu.memory_space<vmem_shared>>
          tpu.wait_indirect_dma semaphore(%arg34 : memref<!tpu.dma_semaphore, #tpu.memory_space<semaphore_mem>>) src(%dma_wait3A_1139 : memref<80xf32, #tpu.memory_space<vmem>>) dst(%dma_wait3A_1144 : memref<10000xf32, #tpu.memory_space<vmem_shared>>)
        } else {
        }
        %mul3A_1101 = arith.constant 80 : i32
        %mul3A_1102 = arith.muli %min3A_930, %mul3A_1101 : i32
        %add3A_1103 = arith.addi %mul3A_46, %mul3A_1102 : i32
        %dma_start3A_1104 = arith.constant 1 : i32
        %dma_start3A_1105 = arith.constant 0 : i32
        %dma_start3A_1106 = tpu.memref_slice %arg9[%dma_start3A_1104, %dma_start3A_1105] : memref<4x80xi32, #tpu.memory_space<vmem>> -> memref<1x80xi32, #tpu.memory_space<vmem>>
        %dma_start3A_1107 = tpu.memref_squeeze %dma_start3A_1106 : memref<1x80xi32, #tpu.memory_space<vmem>> -> memref<80xi32, #tpu.memory_space<vmem>>
        %dma_start3A_1108 = tpu.memref_slice %arg2[%add3A_1103] : memref<320000xi32, #tpu.memory_space<hbm>> -> memref<80xi32, #tpu.memory_space<hbm>>
        %dma_start3A_1109 = arith.constant 0 : i32
        %dma_start3A_1110 = tpu.memref_slice %arg9[%dma_start3A_1104, %dma_start3A_1109] : memref<4x80xi32, #tpu.memory_space<vmem>> -> memref<1x80xi32, #tpu.memory_space<vmem>>
        %dma_start3A_1111 = tpu.memref_squeeze %dma_start3A_1110 : memref<1x80xi32, #tpu.memory_space<vmem>> -> memref<80xi32, #tpu.memory_space<vmem>>
        %dma_start3A_1112 = tpu.memref_slice %arg2[%add3A_1103] : memref<320000xi32, #tpu.memory_space<hbm>> -> memref<80xi32, #tpu.memory_space<hbm>>
        tpu.enqueue_dma source(%dma_start3A_1112 : memref<80xi32, #tpu.memory_space<hbm>>) target(%dma_start3A_1111 : memref<80xi32, #tpu.memory_space<vmem>>) target_semaphore(%arg18 : memref<!tpu.dma_semaphore, #tpu.memory_space<semaphore_mem>>)
        %mul3A_1113 = arith.constant 80 : i32
        %mul3A_1114 = arith.muli %min3A_930, %mul3A_1113 : i32
        %add3A_1115 = arith.addi %mul3A_46, %mul3A_1114 : i32
        %dma_start3A_1116 = arith.constant 1 : i32
        %dma_start3A_1117 = arith.constant 0 : i32
        %dma_start3A_1118 = tpu.memref_slice %arg10[%dma_start3A_1116, %dma_start3A_1117] : memref<4x80xi32, #tpu.memory_space<vmem>> -> memref<1x80xi32, #tpu.memory_space<vmem>>
        %dma_start3A_1119 = tpu.memref_squeeze %dma_start3A_1118 : memref<1x80xi32, #tpu.memory_space<vmem>> -> memref<80xi32, #tpu.memory_space<vmem>>
        %dma_start3A_1120 = tpu.memref_slice %arg3[%add3A_1115] : memref<320000xi32, #tpu.memory_space<hbm>> -> memref<80xi32, #tpu.memory_space<hbm>>
        %dma_start3A_1121 = arith.constant 0 : i32
        %dma_start3A_1122 = tpu.memref_slice %arg10[%dma_start3A_1116, %dma_start3A_1121] : memref<4x80xi32, #tpu.memory_space<vmem>> -> memref<1x80xi32, #tpu.memory_space<vmem>>
        %dma_start3A_1123 = tpu.memref_squeeze %dma_start3A_1122 : memref<1x80xi32, #tpu.memory_space<vmem>> -> memref<80xi32, #tpu.memory_space<vmem>>
        %dma_start3A_1124 = tpu.memref_slice %arg3[%add3A_1115] : memref<320000xi32, #tpu.memory_space<hbm>> -> memref<80xi32, #tpu.memory_space<hbm>>
        tpu.enqueue_dma source(%dma_start3A_1124 : memref<80xi32, #tpu.memory_space<hbm>>) target(%dma_start3A_1123 : memref<80xi32, #tpu.memory_space<vmem>>) target_semaphore(%arg18 : memref<!tpu.dma_semaphore, #tpu.memory_space<semaphore_mem>>)
      } else {
      }
      %add3A_938 = arith.constant 1 : i32
      %add3A_939 = arith.addi %add3A_926, %add3A_938 : i32
      %lt3A_940 = arith.constant 125 : i32
      %lt3A_941 = arith.cmpi slt, %add3A_939, %lt3A_940 : i32
      %convert_element_type3A_942 = arith.extui %lt3A_941 : i1 to i32
      %cond3A_943 = arith.constant 0 : i32
      %cond3A_944 = arith.cmpi ne, %convert_element_type3A_942, %cond3A_943 : i32
      scf.if %cond3A_944 {
        %dma_wait3A_1097 = arith.constant 0 : i32
        %dma_wait3A_1098 = arith.constant 0 : i32
        %dma_wait3A_1099 = tpu.memref_slice %arg9[%dma_wait3A_1097, %dma_wait3A_1098] : memref<4x80xi32, #tpu.memory_space<vmem>> -> memref<1x80xi32, #tpu.memory_space<vmem>>
        %dma_wait3A_1100 = tpu.memref_squeeze %dma_wait3A_1099 : memref<1x80xi32, #tpu.memory_space<vmem>> -> memref<80xi32, #tpu.memory_space<vmem>>
        %dma_wait3A_1101 = arith.constant 0 : i32
        %dma_wait3A_1102 = tpu.memref_slice %arg2[%dma_wait3A_1101] : memref<320000xi32, #tpu.memory_space<hbm>> -> memref<80xi32, #tpu.memory_space<hbm>>
        %dma_wait3A_1103 = arith.constant 0 : i32
        %dma_wait3A_1104 = tpu.memref_slice %arg9[%dma_wait3A_1097, %dma_wait3A_1103] : memref<4x80xi32, #tpu.memory_space<vmem>> -> memref<1x80xi32, #tpu.memory_space<vmem>>
        %dma_wait3A_1105 = tpu.memref_squeeze %dma_wait3A_1104 : memref<1x80xi32, #tpu.memory_space<vmem>> -> memref<80xi32, #tpu.memory_space<vmem>>
        %dma_wait3A_1106 = arith.constant 0 : i32
        %dma_wait3A_1107 = tpu.memref_slice %arg2[%dma_wait3A_1106] : memref<320000xi32, #tpu.memory_space<hbm>> -> memref<80xi32, #tpu.memory_space<hbm>>
        tpu.wait_dma2 semaphore(%arg17 : memref<!tpu.dma_semaphore, #tpu.memory_space<semaphore_mem>>) src(%dma_wait3A_1107 : memref<80xi32, #tpu.memory_space<hbm>>) dst(%dma_wait3A_1105 : memref<80xi32, #tpu.memory_space<vmem>>)
        %dma_wait3A_1108 = arith.constant 0 : i32
        %dma_wait3A_1109 = arith.constant 0 : i32
        %dma_wait3A_1110 = tpu.memref_slice %arg10[%dma_wait3A_1108, %dma_wait3A_1109] : memref<4x80xi32, #tpu.memory_space<vmem>> -> memref<1x80xi32, #tpu.memory_space<vmem>>
        %dma_wait3A_1111 = tpu.memref_squeeze %dma_wait3A_1110 : memref<1x80xi32, #tpu.memory_space<vmem>> -> memref<80xi32, #tpu.memory_space<vmem>>
        %dma_wait3A_1112 = arith.constant 0 : i32
        %dma_wait3A_1113 = tpu.memref_slice %arg3[%dma_wait3A_1112] : memref<320000xi32, #tpu.memory_space<hbm>> -> memref<80xi32, #tpu.memory_space<hbm>>
        %dma_wait3A_1114 = arith.constant 0 : i32
        %dma_wait3A_1115 = tpu.memref_slice %arg10[%dma_wait3A_1108, %dma_wait3A_1114] : memref<4x80xi32, #tpu.memory_space<vmem>> -> memref<1x80xi32, #tpu.memory_space<vmem>>
        %dma_wait3A_1116 = tpu.memref_squeeze %dma_wait3A_1115 : memref<1x80xi32, #tpu.memory_space<vmem>> -> memref<80xi32, #tpu.memory_space<vmem>>
        %dma_wait3A_1117 = arith.constant 0 : i32
        %dma_wait3A_1118 = tpu.memref_slice %arg3[%dma_wait3A_1117] : memref<320000xi32, #tpu.memory_space<hbm>> -> memref<80xi32, #tpu.memory_space<hbm>>
        tpu.wait_dma2 semaphore(%arg17 : memref<!tpu.dma_semaphore, #tpu.memory_space<semaphore_mem>>) src(%dma_wait3A_1118 : memref<80xi32, #tpu.memory_space<hbm>>) dst(%dma_wait3A_1116 : memref<80xi32, #tpu.memory_space<vmem>>)
        %dma_start3A_1119 = arith.constant 0 : i32
        %dma_start3A_1120 = arith.constant 0 : i32
        %dma_start3A_1121 = arith.constant 0 : i32
        %dma_start3A_1122 = tpu.memref_slice %arg11[%dma_start3A_1120, %dma_start3A_1121] : memref<4x80xf32, #tpu.memory_space<vmem>> -> memref<1x80xf32, #tpu.memory_space<vmem>>
        %dma_start3A_1123 = tpu.memref_squeeze %dma_start3A_1122 : memref<1x80xf32, #tpu.memory_space<vmem>> -> memref<80xf32, #tpu.memory_space<vmem>>
        %dma_start3A_1124 = arith.constant 0 : i32
        %dma_start3A_1125 = tpu.memref_slice %arg9[%dma_start3A_1119, %dma_start3A_1124] : memref<4x80xi32, #tpu.memory_space<vmem>> -> memref<1x80xi32, #tpu.memory_space<vmem>>
        %dma_start3A_1126 = tpu.memref_squeeze %dma_start3A_1125 : memref<1x80xi32, #tpu.memory_space<vmem>> -> memref<80xi32, #tpu.memory_space<vmem>>
        %dma_start3A_1127 = arith.constant 0 : i32
        %dma_start3A_1128 = tpu.memref_slice %arg4[%dma_start3A_1127] : memref<10000xf32, #tpu.memory_space<hbm>> -> memref<10000xf32, #tpu.memory_space<hbm>>
        tpu.enqueue_indirect_dma source(%dma_start3A_1128 : memref<10000xf32, #tpu.memory_space<hbm>>) target(%dma_start3A_1123 : memref<80xf32, #tpu.memory_space<vmem>>) offsets(%dma_start3A_1126 : memref<80xi32, #tpu.memory_space<vmem>>) semaphore(%arg21 : memref<!tpu.dma_semaphore, #tpu.memory_space<semaphore_mem>>)
        %dma_start3A_1129 = arith.constant 0 : i32
        %dma_start3A_1130 = arith.constant 0 : i32
        %dma_start3A_1131 = arith.constant 0 : i32
        %dma_start3A_1132 = tpu.memref_slice %arg12[%dma_start3A_1130, %dma_start3A_1131] : memref<4x80xf32, #tpu.memory_space<vmem>> -> memref<1x80xf32, #tpu.memory_space<vmem>>
        %dma_start3A_1133 = tpu.memref_squeeze %dma_start3A_1132 : memref<1x80xf32, #tpu.memory_space<vmem>> -> memref<80xf32, #tpu.memory_space<vmem>>
        %dma_start3A_1134 = arith.constant 0 : i32
        %dma_start3A_1135 = tpu.memref_slice %arg10[%dma_start3A_1129, %dma_start3A_1134] : memref<4x80xi32, #tpu.memory_space<vmem>> -> memref<1x80xi32, #tpu.memory_space<vmem>>
        %dma_start3A_1136 = tpu.memref_squeeze %dma_start3A_1135 : memref<1x80xi32, #tpu.memory_space<vmem>> -> memref<80xi32, #tpu.memory_space<vmem>>
        %dma_start3A_1137 = arith.constant 0 : i32
        %dma_start3A_1138 = tpu.memref_slice %arg5[%dma_start3A_1137] : memref<10000xf32, #tpu.memory_space<hbm>> -> memref<10000xf32, #tpu.memory_space<hbm>>
        tpu.enqueue_indirect_dma source(%dma_start3A_1138 : memref<10000xf32, #tpu.memory_space<hbm>>) target(%dma_start3A_1133 : memref<80xf32, #tpu.memory_space<vmem>>) offsets(%dma_start3A_1136 : memref<80xi32, #tpu.memory_space<vmem>>) semaphore(%arg21 : memref<!tpu.dma_semaphore, #tpu.memory_space<semaphore_mem>>)
        %dma_start3A_1139 = arith.constant 0 : i32
        %dma_start3A_1140 = arith.constant 0 : i32
        %dma_start3A_1141 = arith.constant 0 : i32
        %dma_start3A_1142 = arith.constant 0 : i32
        %dma_start3A_1143 = tpu.memref_slice %arg14[%dma_start3A_1140, %dma_start3A_1141, %dma_start3A_1142] : memref<4x80x128xf32, #tpu.memory_space<vmem>> -> memref<1x80x128xf32, #tpu.memory_space<vmem>>
        %dma_start3A_1144 = tpu.memref_squeeze %dma_start3A_1143 : memref<1x80x128xf32, #tpu.memory_space<vmem>> -> memref<80x128xf32, #tpu.memory_space<vmem>>
        %dma_start3A_1145 = arith.constant 0 : i32
        %dma_start3A_1146 = tpu.memref_slice %arg10[%dma_start3A_1139, %dma_start3A_1145] : memref<4x80xi32, #tpu.memory_space<vmem>> -> memref<1x80xi32, #tpu.memory_space<vmem>>
        %dma_start3A_1147 = tpu.memref_squeeze %dma_start3A_1146 : memref<1x80xi32, #tpu.memory_space<vmem>> -> memref<80xi32, #tpu.memory_space<vmem>>
        %dma_start3A_1148 = arith.constant 0 : i32
        %dma_start3A_1149 = arith.constant 0 : i32
        %dma_start3A_1150 = tpu.memref_slice %arg6[%dma_start3A_1148, %dma_start3A_1149] : memref<10000x128xf32, #tpu.memory_space<hbm>> -> memref<10000x128xf32, #tpu.memory_space<hbm>>
        tpu.enqueue_indirect_dma source(%dma_start3A_1150 : memref<10000x128xf32, #tpu.memory_space<hbm>>) target(%dma_start3A_1144 : memref<80x128xf32, #tpu.memory_space<vmem>>) offsets(%dma_start3A_1147 : memref<80xi32, #tpu.memory_space<vmem>>) semaphore(%arg25 : memref<!tpu.dma_semaphore, #tpu.memory_space<semaphore_mem>>)
      } else {
      }
      %dma_wait3A_945 = arith.constant 3 : i32
      %dma_wait3A_946 = arith.constant 3 : i32
      %dma_wait3A_947 = arith.constant 0 : i32
      %dma_wait3A_948 = tpu.memref_slice %arg11[%dma_wait3A_946, %dma_wait3A_947] : memref<4x80xf32, #tpu.memory_space<vmem>> -> memref<1x80xf32, #tpu.memory_space<vmem>>
      %dma_wait3A_949 = tpu.memref_squeeze %dma_wait3A_948 : memref<1x80xf32, #tpu.memory_space<vmem>> -> memref<80xf32, #tpu.memory_space<vmem>>
      %dma_wait3A_950 = arith.constant 0 : i32
      %dma_wait3A_951 = tpu.memref_slice %arg9[%dma_wait3A_945, %dma_wait3A_950] : memref<4x80xi32, #tpu.memory_space<vmem>> -> memref<1x80xi32, #tpu.memory_space<vmem>>
      %dma_wait3A_952 = tpu.memref_squeeze %dma_wait3A_951 : memref<1x80xi32, #tpu.memory_space<vmem>> -> memref<80xi32, #tpu.memory_space<vmem>>
      %dma_wait3A_953 = arith.constant 0 : i32
      %dma_wait3A_954 = tpu.memref_slice %arg4[%dma_wait3A_953] : memref<10000xf32, #tpu.memory_space<hbm>> -> memref<10000xf32, #tpu.memory_space<hbm>>
      tpu.wait_indirect_dma semaphore(%arg24 : memref<!tpu.dma_semaphore, #tpu.memory_space<semaphore_mem>>) src(%dma_wait3A_954 : memref<10000xf32, #tpu.memory_space<hbm>>) dst(%dma_wait3A_949 : memref<80xf32, #tpu.memory_space<vmem>>)
      %dma_wait3A_955 = arith.constant 3 : i32
      %dma_wait3A_956 = arith.constant 3 : i32
      %dma_wait3A_957 = arith.constant 0 : i32
      %dma_wait3A_958 = tpu.memref_slice %arg12[%dma_wait3A_956, %dma_wait3A_957] : memref<4x80xf32, #tpu.memory_space<vmem>> -> memref<1x80xf32, #tpu.memory_space<vmem>>
      %dma_wait3A_959 = tpu.memref_squeeze %dma_wait3A_958 : memref<1x80xf32, #tpu.memory_space<vmem>> -> memref<80xf32, #tpu.memory_space<vmem>>
      %dma_wait3A_960 = arith.constant 0 : i32
      %dma_wait3A_961 = tpu.memref_slice %arg10[%dma_wait3A_955, %dma_wait3A_960] : memref<4x80xi32, #tpu.memory_space<vmem>> -> memref<1x80xi32, #tpu.memory_space<vmem>>
      %dma_wait3A_962 = tpu.memref_squeeze %dma_wait3A_961 : memref<1x80xi32, #tpu.memory_space<vmem>> -> memref<80xi32, #tpu.memory_space<vmem>>
      %dma_wait3A_963 = arith.constant 0 : i32
      %dma_wait3A_964 = tpu.memref_slice %arg5[%dma_wait3A_963] : memref<10000xf32, #tpu.memory_space<hbm>> -> memref<10000xf32, #tpu.memory_space<hbm>>
      tpu.wait_indirect_dma semaphore(%arg24 : memref<!tpu.dma_semaphore, #tpu.memory_space<semaphore_mem>>) src(%dma_wait3A_964 : memref<10000xf32, #tpu.memory_space<hbm>>) dst(%dma_wait3A_959 : memref<80xf32, #tpu.memory_space<vmem>>)
      %dma_wait3A_965 = arith.constant 3 : i32
      %dma_wait3A_966 = arith.constant 3 : i32
      %dma_wait3A_967 = arith.constant 0 : i32
      %dma_wait3A_968 = arith.constant 0 : i32
      %dma_wait3A_969 = tpu.memref_slice %arg14[%dma_wait3A_966, %dma_wait3A_967, %dma_wait3A_968] : memref<4x80x128xf32, #tpu.memory_space<vmem>> -> memref<1x80x128xf32, #tpu.memory_space<vmem>>
      %dma_wait3A_970 = tpu.memref_squeeze %dma_wait3A_969 : memref<1x80x128xf32, #tpu.memory_space<vmem>> -> memref<80x128xf32, #tpu.memory_space<vmem>>
      %dma_wait3A_971 = arith.constant 0 : i32
      %dma_wait3A_972 = tpu.memref_slice %arg10[%dma_wait3A_965, %dma_wait3A_971] : memref<4x80xi32, #tpu.memory_space<vmem>> -> memref<1x80xi32, #tpu.memory_space<vmem>>
      %dma_wait3A_973 = tpu.memref_squeeze %dma_wait3A_972 : memref<1x80xi32, #tpu.memory_space<vmem>> -> memref<80xi32, #tpu.memory_space<vmem>>
      %dma_wait3A_974 = arith.constant 0 : i32
      %dma_wait3A_975 = arith.constant 0 : i32
      %dma_wait3A_976 = tpu.memref_slice %arg6[%dma_wait3A_974, %dma_wait3A_975] : memref<10000x128xf32, #tpu.memory_space<hbm>> -> memref<10000x128xf32, #tpu.memory_space<hbm>>
      tpu.wait_indirect_dma semaphore(%arg28 : memref<!tpu.dma_semaphore, #tpu.memory_space<semaphore_mem>>) src(%dma_wait3A_976 : memref<10000x128xf32, #tpu.memory_space<hbm>>) dst(%dma_wait3A_970 : memref<80x128xf32, #tpu.memory_space<vmem>>)
      %get3A_977 = arith.constant 3 : i32
      %get3A_978 = arith.index_cast %get3A_977 : i32 to index
      %get3A_979 = arith.constant 0 : index
      %get3A_980 = tpu.vector_load %arg11[%get3A_978, %get3A_979] {strides = array<i32>} : memref<4x80xf32, #tpu.memory_space<vmem>>, vector<16xf32>,
      %get3A_981 = arith.constant 3 : i32
      %get3A_982 = arith.index_cast %get3A_981 : i32 to index
      %get3A_983 = arith.constant 0 : index
      %get3A_984 = tpu.vector_load %arg12[%get3A_982, %get3A_983] {strides = array<i32>} : memref<4x80xf32, #tpu.memory_space<vmem>>, vector<16xf32>,
      %add3A_985 = arith.addf %get3A_980, %get3A_984 : vector<16xf32>
      %gt3A_986 = arith.constant 0.000000e+00 : f32
      %gt3A_987 = vector.broadcast %gt3A_986 : f32 to vector<16xf32>
      %gt3A_988 = arith.cmpf ogt, %add3A_985, %gt3A_987 : vector<16xf32>
      %mul3A_989 = arith.constant 2.000000e-01 : f32
      %mul3A_990 = vector.broadcast %mul3A_989 : f32 to vector<16xf32>
      %mul3A_991 = arith.mulf %mul3A_990, %add3A_985 : vector<16xf32>
      %select_n3A_992 = arith.select %gt3A_988, %add3A_985, %mul3A_991 : vector<16xi1>, vector<16xf32>
      %exp3A_993 = math.exp %select_n3A_992 : vector<16xf32>
      %swap3A_994 = arith.constant 240 : index
      %swap3A_995 = tpu.vector_load %arg13[%swap3A_994] {strides = array<i32>} : memref<320xf32, #tpu.memory_space<vmem>>, vector<16xf32>,
      tpu.vector_store %arg13[%swap3A_994], %exp3A_993 {strides = array<i32>} : memref<320xf32, #tpu.memory_space<vmem>>, vector<16xf32>,
      %get3A_996 = arith.constant 3 : i32
      %get3A_997 = arith.index_cast %get3A_996 : i32 to index
      %get3A_998 = arith.constant 16 : index
      %get3A_999 = tpu.vector_load %arg11[%get3A_997, %get3A_998] {strides = array<i32>} : memref<4x80xf32, #tpu.memory_space<vmem>>, vector<16xf32>,
      %get3A_1000 = arith.constant 3 : i32
      %get3A_1001 = arith.index_cast %get3A_1000 : i32 to index
      %get3A_1002 = arith.constant 16 : index
      %get3A_1003 = tpu.vector_load %arg12[%get3A_1001, %get3A_1002] {strides = array<i32>} : memref<4x80xf32, #tpu.memory_space<vmem>>, vector<16xf32>,
      %add3A_1004 = arith.addf %get3A_999, %get3A_1003 : vector<16xf32>
      %gt3A_1005 = arith.constant 0.000000e+00 : f32
      %gt3A_1006 = vector.broadcast %gt3A_1005 : f32 to vector<16xf32>
      %gt3A_1007 = arith.cmpf ogt, %add3A_1004, %gt3A_1006 : vector<16xf32>
      %mul3A_1008 = arith.constant 2.000000e-01 : f32
      %mul3A_1009 = vector.broadcast %mul3A_1008 : f32 to vector<16xf32>
      %mul3A_1010 = arith.mulf %mul3A_1009, %add3A_1004 : vector<16xf32>
      %select_n3A_1011 = arith.select %gt3A_1007, %add3A_1004, %mul3A_1010 : vector<16xi1>, vector<16xf32>
      %exp3A_1012 = math.exp %select_n3A_1011 : vector<16xf32>
      %swap3A_1013 = arith.constant 256 : index
      %swap3A_1014 = tpu.vector_load %arg13[%swap3A_1013] {strides = array<i32>} : memref<320xf32, #tpu.memory_space<vmem>>, vector<16xf32>,
      tpu.vector_store %arg13[%swap3A_1013], %exp3A_1012 {strides = array<i32>} : memref<320xf32, #tpu.memory_space<vmem>>, vector<16xf32>,
      %get3A_1015 = arith.constant 3 : i32
      %get3A_1016 = arith.index_cast %get3A_1015 : i32 to index
      %get3A_1017 = arith.constant 32 : index
      %get3A_1018 = tpu.vector_load %arg11[%get3A_1016, %get3A_1017] {strides = array<i32>} : memref<4x80xf32, #tpu.memory_space<vmem>>, vector<16xf32>,
      %get3A_1019 = arith.constant 3 : i32
      %get3A_1020 = arith.index_cast %get3A_1019 : i32 to index
      %get3A_1021 = arith.constant 32 : index
      %get3A_1022 = tpu.vector_load %arg12[%get3A_1020, %get3A_1021] {strides = array<i32>} : memref<4x80xf32, #tpu.memory_space<vmem>>, vector<16xf32>,
      %add3A_1023 = arith.addf %get3A_1018, %get3A_1022 : vector<16xf32>
      %gt3A_1024 = arith.constant 0.000000e+00 : f32
      %gt3A_1025 = vector.broadcast %gt3A_1024 : f32 to vector<16xf32>
      %gt3A_1026 = arith.cmpf ogt, %add3A_1023, %gt3A_1025 : vector<16xf32>
      %mul3A_1027 = arith.constant 2.000000e-01 : f32
      %mul3A_1028 = vector.broadcast %mul3A_1027 : f32 to vector<16xf32>
      %mul3A_1029 = arith.mulf %mul3A_1028, %add3A_1023 : vector<16xf32>
      %select_n3A_1030 = arith.select %gt3A_1026, %add3A_1023, %mul3A_1029 : vector<16xi1>, vector<16xf32>
      %exp3A_1031 = math.exp %select_n3A_1030 : vector<16xf32>
      %swap3A_1032 = arith.constant 272 : index
      %swap3A_1033 = tpu.vector_load %arg13[%swap3A_1032] {strides = array<i32>} : memref<320xf32, #tpu.memory_space<vmem>>, vector<16xf32>,
      tpu.vector_store %arg13[%swap3A_1032], %exp3A_1031 {strides = array<i32>} : memref<320xf32, #tpu.memory_space<vmem>>, vector<16xf32>,
      %get3A_1034 = arith.constant 3 : i32
      %get3A_1035 = arith.index_cast %get3A_1034 : i32 to index
      %get3A_1036 = arith.constant 48 : index
      %get3A_1037 = tpu.vector_load %arg11[%get3A_1035, %get3A_1036] {strides = array<i32>} : memref<4x80xf32, #tpu.memory_space<vmem>>, vector<16xf32>,
      %get3A_1038 = arith.constant 3 : i32
      %get3A_1039 = arith.index_cast %get3A_1038 : i32 to index
      %get3A_1040 = arith.constant 48 : index
      %get3A_1041 = tpu.vector_load %arg12[%get3A_1039, %get3A_1040] {strides = array<i32>} : memref<4x80xf32, #tpu.memory_space<vmem>>, vector<16xf32>,
      %add3A_1042 = arith.addf %get3A_1037, %get3A_1041 : vector<16xf32>
      %gt3A_1043 = arith.constant 0.000000e+00 : f32
      %gt3A_1044 = vector.broadcast %gt3A_1043 : f32 to vector<16xf32>
      %gt3A_1045 = arith.cmpf ogt, %add3A_1042, %gt3A_1044 : vector<16xf32>
      %mul3A_1046 = arith.constant 2.000000e-01 : f32
      %mul3A_1047 = vector.broadcast %mul3A_1046 : f32 to vector<16xf32>
      %mul3A_1048 = arith.mulf %mul3A_1047, %add3A_1042 : vector<16xf32>
      %select_n3A_1049 = arith.select %gt3A_1045, %add3A_1042, %mul3A_1048 : vector<16xi1>, vector<16xf32>
      %exp3A_1050 = math.exp %select_n3A_1049 : vector<16xf32>
      %swap3A_1051 = arith.constant 288 : index
      %swap3A_1052 = tpu.vector_load %arg13[%swap3A_1051] {strides = array<i32>} : memref<320xf32, #tpu.memory_space<vmem>>, vector<16xf32>,
      tpu.vector_store %arg13[%swap3A_1051], %exp3A_1050 {strides = array<i32>} : memref<320xf32, #tpu.memory_space<vmem>>, vector<16xf32>,
      %get3A_1053 = arith.constant 3 : i32
      %get3A_1054 = arith.index_cast %get3A_1053 : i32 to index
      %get3A_1055 = arith.constant 64 : index
      %get3A_1056 = tpu.vector_load %arg11[%get3A_1054, %get3A_1055] {strides = array<i32>} : memref<4x80xf32, #tpu.memory_space<vmem>>, vector<16xf32>,
      %get3A_1057 = arith.constant 3 : i32
      %get3A_1058 = arith.index_cast %get3A_1057 : i32 to index
      %get3A_1059 = arith.constant 64 : index
      %get3A_1060 = tpu.vector_load %arg12[%get3A_1058, %get3A_1059] {strides = array<i32>} : memref<4x80xf32, #tpu.memory_space<vmem>>, vector<16xf32>,
      %add3A_1061 = arith.addf %get3A_1056, %get3A_1060 : vector<16xf32>
      %gt3A_1062 = arith.constant 0.000000e+00 : f32
      %gt3A_1063 = vector.broadcast %gt3A_1062 : f32 to vector<16xf32>
      %gt3A_1064 = arith.cmpf ogt, %add3A_1061, %gt3A_1063 : vector<16xf32>
      %mul3A_1065 = arith.constant 2.000000e-01 : f32
      %mul3A_1066 = vector.broadcast %mul3A_1065 : f32 to vector<16xf32>
      %mul3A_1067 = arith.mulf %mul3A_1066, %add3A_1061 : vector<16xf32>
      %select_n3A_1068 = arith.select %gt3A_1064, %add3A_1061, %mul3A_1067 : vector<16xi1>, vector<16xf32>
      %exp3A_1069 = math.exp %select_n3A_1068 : vector<16xf32>
      %swap3A_1070 = arith.constant 304 : index
      %swap3A_1071 = tpu.vector_load %arg13[%swap3A_1070] {strides = array<i32>} : memref<320xf32, #tpu.memory_space<vmem>>, vector<16xf32>,
      tpu.vector_store %arg13[%swap3A_1070], %exp3A_1069 {strides = array<i32>} : memref<320xf32, #tpu.memory_space<vmem>>, vector<16xf32>,
      %dma_start3A_1072 = arith.constant 3 : i32
      %dma_start3A_1073 = arith.constant 240 : i32
      %dma_start3A_1074 = tpu.memref_slice %arg13[%dma_start3A_1073] : memref<320xf32, #tpu.memory_space<vmem>> -> memref<80xf32, #tpu.memory_space<vmem>>
      %dma_start3A_1075 = arith.constant 0 : i32
      %dma_start3A_1076 = tpu.memref_slice %arg9[%dma_start3A_1072, %dma_start3A_1075] : memref<4x80xi32, #tpu.memory_space<vmem>> -> memref<1x80xi32, #tpu.memory_space<vmem>>
      %dma_start3A_1077 = tpu.memref_squeeze %dma_start3A_1076 : memref<1x80xi32, #tpu.memory_space<vmem>> -> memref<80xi32, #tpu.memory_space<vmem>>
      %dma_start3A_1078 = arith.constant 0 : i32
      %dma_start3A_1079 = tpu.memref_slice %arg15[%dma_start3A_1078] : memref<10000xf32, #tpu.memory_space<vmem_shared>> -> memref<10000xf32, #tpu.memory_space<vmem_shared>>
      tpu.enqueue_indirect_dma source(%dma_start3A_1074 : memref<80xf32, #tpu.memory_space<vmem>>) target(%dma_start3A_1079 : memref<10000xf32, #tpu.memory_space<vmem_shared>>) offsets(%dma_start3A_1077 : memref<80xi32, #tpu.memory_space<vmem>>) semaphore(%arg36 : memref<!tpu.dma_semaphore, #tpu.memory_space<semaphore_mem>>) {add = true}
      %scan3A_1080 = arith.constant 0 : i32
      %scan3A_1081 = arith.constant 80 : i32
      %scan3A_1082 = arith.addi %scan3A_1080, %scan3A_1081 : i32
      %scan3A_1083 = arith.constant 2 : i32
      scf.for %scan3A_1097 = %scan3A_1080 to %scan3A_1082 step %scan3A_1083  : i32 {
        %mul3A_1098 = arith.constant 1 : i32
        %mul3A_1099 = arith.muli %scan3A_1097, %mul3A_1098 : i32
        %add3A_1100 = arith.constant 0 : i32
        %add3A_1101 = arith.addi %add3A_1100, %mul3A_1099 : i32
        %broadcast_in_dim3A_1102 = arith.constant 240 : i32
        %broadcast_in_dim3A_1103 = vector.broadcast %broadcast_in_dim3A_1102 : i32 to vector<16xi32>
        %add3A_1104 = vector.broadcast %add3A_1101 : i32 to vector<16xi32>
        %add3A_1105 = arith.addi %broadcast_in_dim3A_1103, %add3A_1104 : vector<16xi32>
        %gather3A = tpu.vector_load_idx %arg13[%add3A_1105] : memref<320xf32, #tpu.memory_space<vmem>>[vector<16xi32>], vector<16xf32>,
        %get3A_1106 = arith.constant 3 : i32
        %get3A_1107 = arith.index_cast %get3A_1106 : i32 to index
        %get3A_1108 = arith.index_cast %add3A_1101 : i32 to index
        %get3A_1109 = arith.constant 0 : index
        %get3A_1110 = tpu.vector_load %arg14[%get3A_1107, %get3A_1108, %get3A_1109] {strides = array<i32>} : memref<4x80x128xf32, #tpu.memory_space<vmem>>, vector<16xf32>,
        %mul3A_1111 = arith.mulf %get3A_1110, %gather3A : vector<16xf32>
        %swap3A_1112 = arith.constant 3 : i32
        %swap3A_1113 = arith.index_cast %swap3A_1112 : i32 to index
        %swap3A_1114 = arith.index_cast %add3A_1101 : i32 to index
        %swap3A_1115 = arith.constant 0 : index
        %swap3A_1116 = tpu.vector_load %arg14[%swap3A_1113, %swap3A_1114, %swap3A_1115] {strides = array<i32>} : memref<4x80x128xf32, #tpu.memory_space<vmem>>, vector<16xf32>,
        tpu.vector_store %arg14[%swap3A_1113, %swap3A_1114, %swap3A_1115], %mul3A_1111 {strides = array<i32>} : memref<4x80x128xf32, #tpu.memory_space<vmem>>, vector<16xf32>,
        %get3A_1117 = arith.constant 3 : i32
        %get3A_1118 = arith.index_cast %get3A_1117 : i32 to index
        %get3A_1119 = arith.index_cast %add3A_1101 : i32 to index
        %get3A_1120 = arith.constant 16 : index
        %get3A_1121 = tpu.vector_load %arg14[%get3A_1118, %get3A_1119, %get3A_1120] {strides = array<i32>} : memref<4x80x128xf32, #tpu.memory_space<vmem>>, vector<16xf32>,
        %mul3A_1122 = arith.mulf %get3A_1121, %gather3A : vector<16xf32>
        %swap3A_1123 = arith.constant 3 : i32
        %swap3A_1124 = arith.index_cast %swap3A_1123 : i32 to index
        %swap3A_1125 = arith.index_cast %add3A_1101 : i32 to index
        %swap3A_1126 = arith.constant 16 : index
        %swap3A_1127 = tpu.vector_load %arg14[%swap3A_1124, %swap3A_1125, %swap3A_1126] {strides = array<i32>} : memref<4x80x128xf32, #tpu.memory_space<vmem>>, vector<16xf32>,
        tpu.vector_store %arg14[%swap3A_1124, %swap3A_1125, %swap3A_1126], %mul3A_1122 {strides = array<i32>} : memref<4x80x128xf32, #tpu.memory_space<vmem>>, vector<16xf32>,
        %get3A_1128 = arith.constant 3 : i32
        %get3A_1129 = arith.index_cast %get3A_1128 : i32 to index
        %get3A_1130 = arith.index_cast %add3A_1101 : i32 to index
        %get3A_1131 = arith.constant 32 : index
        %get3A_1132 = tpu.vector_load %arg14[%get3A_1129, %get3A_1130, %get3A_1131] {strides = array<i32>} : memref<4x80x128xf32, #tpu.memory_space<vmem>>, vector<16xf32>,
        %mul3A_1133 = arith.mulf %get3A_1132, %gather3A : vector<16xf32>
        %swap3A_1134 = arith.constant 3 : i32
        %swap3A_1135 = arith.index_cast %swap3A_1134 : i32 to index
        %swap3A_1136 = arith.index_cast %add3A_1101 : i32 to index
        %swap3A_1137 = arith.constant 32 : index
        %swap3A_1138 = tpu.vector_load %arg14[%swap3A_1135, %swap3A_1136, %swap3A_1137] {strides = array<i32>} : memref<4x80x128xf32, #tpu.memory_space<vmem>>, vector<16xf32>,
        tpu.vector_store %arg14[%swap3A_1135, %swap3A_1136, %swap3A_1137], %mul3A_1133 {strides = array<i32>} : memref<4x80x128xf32, #tpu.memory_space<vmem>>, vector<16xf32>,
        %get3A_1139 = arith.constant 3 : i32
        %get3A_1140 = arith.index_cast %get3A_1139 : i32 to index
        %get3A_1141 = arith.index_cast %add3A_1101 : i32 to index
        %get3A_1142 = arith.constant 48 : index
        %get3A_1143 = tpu.vector_load %arg14[%get3A_1140, %get3A_1141, %get3A_1142] {strides = array<i32>} : memref<4x80x128xf32, #tpu.memory_space<vmem>>, vector<16xf32>,
        %mul3A_1144 = arith.mulf %get3A_1143, %gather3A : vector<16xf32>
        %swap3A_1145 = arith.constant 3 : i32
        %swap3A_1146 = arith.index_cast %swap3A_1145 : i32 to index
        %swap3A_1147 = arith.index_cast %add3A_1101 : i32 to index
        %swap3A_1148 = arith.constant 48 : index
        %swap3A_1149 = tpu.vector_load %arg14[%swap3A_1146, %swap3A_1147, %swap3A_1148] {strides = array<i32>} : memref<4x80x128xf32, #tpu.memory_space<vmem>>, vector<16xf32>,
        tpu.vector_store %arg14[%swap3A_1146, %swap3A_1147, %swap3A_1148], %mul3A_1144 {strides = array<i32>} : memref<4x80x128xf32, #tpu.memory_space<vmem>>, vector<16xf32>,
        %get3A_1150 = arith.constant 3 : i32
        %get3A_1151 = arith.index_cast %get3A_1150 : i32 to index
        %get3A_1152 = arith.index_cast %add3A_1101 : i32 to index
        %get3A_1153 = arith.constant 64 : index
        %get3A_1154 = tpu.vector_load %arg14[%get3A_1151, %get3A_1152, %get3A_1153] {strides = array<i32>} : memref<4x80x128xf32, #tpu.memory_space<vmem>>, vector<16xf32>,
        %mul3A_1155 = arith.mulf %get3A_1154, %gather3A : vector<16xf32>
        %swap3A_1156 = arith.constant 3 : i32
        %swap3A_1157 = arith.index_cast %swap3A_1156 : i32 to index
        %swap3A_1158 = arith.index_cast %add3A_1101 : i32 to index
        %swap3A_1159 = arith.constant 64 : index
        %swap3A_1160 = tpu.vector_load %arg14[%swap3A_1157, %swap3A_1158, %swap3A_1159] {strides = array<i32>} : memref<4x80x128xf32, #tpu.memory_space<vmem>>, vector<16xf32>,
        tpu.vector_store %arg14[%swap3A_1157, %swap3A_1158, %swap3A_1159], %mul3A_1155 {strides = array<i32>} : memref<4x80x128xf32, #tpu.memory_space<vmem>>, vector<16xf32>,
        %get3A_1161 = arith.constant 3 : i32
        %get3A_1162 = arith.index_cast %get3A_1161 : i32 to index
        %get3A_1163 = arith.index_cast %add3A_1101 : i32 to index
        %get3A_1164 = arith.constant 80 : index
        %get3A_1165 = tpu.vector_load %arg14[%get3A_1162, %get3A_1163, %get3A_1164] {strides = array<i32>} : memref<4x80x128xf32, #tpu.memory_space<vmem>>, vector<16xf32>,
        %mul3A_1166 = arith.mulf %get3A_1165, %gather3A : vector<16xf32>
        %swap3A_1167 = arith.constant 3 : i32
        %swap3A_1168 = arith.index_cast %swap3A_1167 : i32 to index
        %swap3A_1169 = arith.index_cast %add3A_1101 : i32 to index
        %swap3A_1170 = arith.constant 80 : index
        %swap3A_1171 = tpu.vector_load %arg14[%swap3A_1168, %swap3A_1169, %swap3A_1170] {strides = array<i32>} : memref<4x80x128xf32, #tpu.memory_space<vmem>>, vector<16xf32>,
        tpu.vector_store %arg14[%swap3A_1168, %swap3A_1169, %swap3A_1170], %mul3A_1166 {strides = array<i32>} : memref<4x80x128xf32, #tpu.memory_space<vmem>>, vector<16xf32>,
        %get3A_1172 = arith.constant 3 : i32
        %get3A_1173 = arith.index_cast %get3A_1172 : i32 to index
        %get3A_1174 = arith.index_cast %add3A_1101 : i32 to index
        %get3A_1175 = arith.constant 96 : index
        %get3A_1176 = tpu.vector_load %arg14[%get3A_1173, %get3A_1174, %get3A_1175] {strides = array<i32>} : memref<4x80x128xf32, #tpu.memory_space<vmem>>, vector<16xf32>,
        %mul3A_1177 = arith.mulf %get3A_1176, %gather3A : vector<16xf32>
        %swap3A_1178 = arith.constant 3 : i32
        %swap3A_1179 = arith.index_cast %swap3A_1178 : i32 to index
        %swap3A_1180 = arith.index_cast %add3A_1101 : i32 to index
        %swap3A_1181 = arith.constant 96 : index
        %swap3A_1182 = tpu.vector_load %arg14[%swap3A_1179, %swap3A_1180, %swap3A_1181] {strides = array<i32>} : memref<4x80x128xf32, #tpu.memory_space<vmem>>, vector<16xf32>,
        tpu.vector_store %arg14[%swap3A_1179, %swap3A_1180, %swap3A_1181], %mul3A_1177 {strides = array<i32>} : memref<4x80x128xf32, #tpu.memory_space<vmem>>, vector<16xf32>,
        %get3A_1183 = arith.constant 3 : i32
        %get3A_1184 = arith.index_cast %get3A_1183 : i32 to index
        %get3A_1185 = arith.index_cast %add3A_1101 : i32 to index
        %get3A_1186 = arith.constant 112 : index
        %get3A_1187 = tpu.vector_load %arg14[%get3A_1184, %get3A_1185, %get3A_1186] {strides = array<i32>} : memref<4x80x128xf32, #tpu.memory_space<vmem>>, vector<16xf32>,
        %mul3A_1188 = arith.mulf %get3A_1187, %gather3A : vector<16xf32>
        %swap3A_1189 = arith.constant 3 : i32
        %swap3A_1190 = arith.index_cast %swap3A_1189 : i32 to index
        %swap3A_1191 = arith.index_cast %add3A_1101 : i32 to index
        %swap3A_1192 = arith.constant 112 : index
        %swap3A_1193 = tpu.vector_load %arg14[%swap3A_1190, %swap3A_1191, %swap3A_1192] {strides = array<i32>} : memref<4x80x128xf32, #tpu.memory_space<vmem>>, vector<16xf32>,
        tpu.vector_store %arg14[%swap3A_1190, %swap3A_1191, %swap3A_1192], %mul3A_1188 {strides = array<i32>} : memref<4x80x128xf32, #tpu.memory_space<vmem>>, vector<16xf32>,
        %scan3A_1194 = arith.constant 1 : i32
        %scan3A_1195 = arith.addi %scan3A_1097, %scan3A_1194 : i32
        %mul3A_1196 = arith.constant 1 : i32
        %mul3A_1197 = arith.muli %scan3A_1195, %mul3A_1196 : i32
        %add3A_1198 = arith.constant 0 : i32
        %add3A_1199 = arith.addi %add3A_1198, %mul3A_1197 : i32
        %broadcast_in_dim3A_1200 = arith.constant 240 : i32
        %broadcast_in_dim3A_1201 = vector.broadcast %broadcast_in_dim3A_1200 : i32 to vector<16xi32>
        %add3A_1202 = vector.broadcast %add3A_1199 : i32 to vector<16xi32>
        %add3A_1203 = arith.addi %broadcast_in_dim3A_1201, %add3A_1202 : vector<16xi32>
        %gather3A_1204 = tpu.vector_load_idx %arg13[%add3A_1203] : memref<320xf32, #tpu.memory_space<vmem>>[vector<16xi32>], vector<16xf32>,
        %get3A_1205 = arith.constant 3 : i32
        %get3A_1206 = arith.index_cast %get3A_1205 : i32 to index
        %get3A_1207 = arith.index_cast %add3A_1199 : i32 to index
        %get3A_1208 = arith.constant 0 : index
        %get3A_1209 = tpu.vector_load %arg14[%get3A_1206, %get3A_1207, %get3A_1208] {strides = array<i32>} : memref<4x80x128xf32, #tpu.memory_space<vmem>>, vector<16xf32>,
        %mul3A_1210 = arith.mulf %get3A_1209, %gather3A_1204 : vector<16xf32>
        %swap3A_1211 = arith.constant 3 : i32
        %swap3A_1212 = arith.index_cast %swap3A_1211 : i32 to index
        %swap3A_1213 = arith.index_cast %add3A_1199 : i32 to index
        %swap3A_1214 = arith.constant 0 : index
        %swap3A_1215 = tpu.vector_load %arg14[%swap3A_1212, %swap3A_1213, %swap3A_1214] {strides = array<i32>} : memref<4x80x128xf32, #tpu.memory_space<vmem>>, vector<16xf32>,
        tpu.vector_store %arg14[%swap3A_1212, %swap3A_1213, %swap3A_1214], %mul3A_1210 {strides = array<i32>} : memref<4x80x128xf32, #tpu.memory_space<vmem>>, vector<16xf32>,
        %get3A_1216 = arith.constant 3 : i32
        %get3A_1217 = arith.index_cast %get3A_1216 : i32 to index
        %get3A_1218 = arith.index_cast %add3A_1199 : i32 to index
        %get3A_1219 = arith.constant 16 : index
        %get3A_1220 = tpu.vector_load %arg14[%get3A_1217, %get3A_1218, %get3A_1219] {strides = array<i32>} : memref<4x80x128xf32, #tpu.memory_space<vmem>>, vector<16xf32>,
        %mul3A_1221 = arith.mulf %get3A_1220, %gather3A_1204 : vector<16xf32>
        %swap3A_1222 = arith.constant 3 : i32
        %swap3A_1223 = arith.index_cast %swap3A_1222 : i32 to index
        %swap3A_1224 = arith.index_cast %add3A_1199 : i32 to index
        %swap3A_1225 = arith.constant 16 : index
        %swap3A_1226 = tpu.vector_load %arg14[%swap3A_1223, %swap3A_1224, %swap3A_1225] {strides = array<i32>} : memref<4x80x128xf32, #tpu.memory_space<vmem>>, vector<16xf32>,
        tpu.vector_store %arg14[%swap3A_1223, %swap3A_1224, %swap3A_1225], %mul3A_1221 {strides = array<i32>} : memref<4x80x128xf32, #tpu.memory_space<vmem>>, vector<16xf32>,
        %get3A_1227 = arith.constant 3 : i32
        %get3A_1228 = arith.index_cast %get3A_1227 : i32 to index
        %get3A_1229 = arith.index_cast %add3A_1199 : i32 to index
        %get3A_1230 = arith.constant 32 : index
        %get3A_1231 = tpu.vector_load %arg14[%get3A_1228, %get3A_1229, %get3A_1230] {strides = array<i32>} : memref<4x80x128xf32, #tpu.memory_space<vmem>>, vector<16xf32>,
        %mul3A_1232 = arith.mulf %get3A_1231, %gather3A_1204 : vector<16xf32>
        %swap3A_1233 = arith.constant 3 : i32
        %swap3A_1234 = arith.index_cast %swap3A_1233 : i32 to index
        %swap3A_1235 = arith.index_cast %add3A_1199 : i32 to index
        %swap3A_1236 = arith.constant 32 : index
        %swap3A_1237 = tpu.vector_load %arg14[%swap3A_1234, %swap3A_1235, %swap3A_1236] {strides = array<i32>} : memref<4x80x128xf32, #tpu.memory_space<vmem>>, vector<16xf32>,
        tpu.vector_store %arg14[%swap3A_1234, %swap3A_1235, %swap3A_1236], %mul3A_1232 {strides = array<i32>} : memref<4x80x128xf32, #tpu.memory_space<vmem>>, vector<16xf32>,
        %get3A_1238 = arith.constant 3 : i32
        %get3A_1239 = arith.index_cast %get3A_1238 : i32 to index
        %get3A_1240 = arith.index_cast %add3A_1199 : i32 to index
        %get3A_1241 = arith.constant 48 : index
        %get3A_1242 = tpu.vector_load %arg14[%get3A_1239, %get3A_1240, %get3A_1241] {strides = array<i32>} : memref<4x80x128xf32, #tpu.memory_space<vmem>>, vector<16xf32>,
        %mul3A_1243 = arith.mulf %get3A_1242, %gather3A_1204 : vector<16xf32>
        %swap3A_1244 = arith.constant 3 : i32
        %swap3A_1245 = arith.index_cast %swap3A_1244 : i32 to index
        %swap3A_1246 = arith.index_cast %add3A_1199 : i32 to index
        %swap3A_1247 = arith.constant 48 : index
        %swap3A_1248 = tpu.vector_load %arg14[%swap3A_1245, %swap3A_1246, %swap3A_1247] {strides = array<i32>} : memref<4x80x128xf32, #tpu.memory_space<vmem>>, vector<16xf32>,
        tpu.vector_store %arg14[%swap3A_1245, %swap3A_1246, %swap3A_1247], %mul3A_1243 {strides = array<i32>} : memref<4x80x128xf32, #tpu.memory_space<vmem>>, vector<16xf32>,
        %get3A_1249 = arith.constant 3 : i32
        %get3A_1250 = arith.index_cast %get3A_1249 : i32 to index
        %get3A_1251 = arith.index_cast %add3A_1199 : i32 to index
        %get3A_1252 = arith.constant 64 : index
        %get3A_1253 = tpu.vector_load %arg14[%get3A_1250, %get3A_1251, %get3A_1252] {strides = array<i32>} : memref<4x80x128xf32, #tpu.memory_space<vmem>>, vector<16xf32>,
        %mul3A_1254 = arith.mulf %get3A_1253, %gather3A_1204 : vector<16xf32>
        %swap3A_1255 = arith.constant 3 : i32
        %swap3A_1256 = arith.index_cast %swap3A_1255 : i32 to index
        %swap3A_1257 = arith.index_cast %add3A_1199 : i32 to index
        %swap3A_1258 = arith.constant 64 : index
        %swap3A_1259 = tpu.vector_load %arg14[%swap3A_1256, %swap3A_1257, %swap3A_1258] {strides = array<i32>} : memref<4x80x128xf32, #tpu.memory_space<vmem>>, vector<16xf32>,
        tpu.vector_store %arg14[%swap3A_1256, %swap3A_1257, %swap3A_1258], %mul3A_1254 {strides = array<i32>} : memref<4x80x128xf32, #tpu.memory_space<vmem>>, vector<16xf32>,
        %get3A_1260 = arith.constant 3 : i32
        %get3A_1261 = arith.index_cast %get3A_1260 : i32 to index
        %get3A_1262 = arith.index_cast %add3A_1199 : i32 to index
        %get3A_1263 = arith.constant 80 : index
        %get3A_1264 = tpu.vector_load %arg14[%get3A_1261, %get3A_1262, %get3A_1263] {strides = array<i32>} : memref<4x80x128xf32, #tpu.memory_space<vmem>>, vector<16xf32>,
        %mul3A_1265 = arith.mulf %get3A_1264, %gather3A_1204 : vector<16xf32>
        %swap3A_1266 = arith.constant 3 : i32
        %swap3A_1267 = arith.index_cast %swap3A_1266 : i32 to index
        %swap3A_1268 = arith.index_cast %add3A_1199 : i32 to index
        %swap3A_1269 = arith.constant 80 : index
        %swap3A_1270 = tpu.vector_load %arg14[%swap3A_1267, %swap3A_1268, %swap3A_1269] {strides = array<i32>} : memref<4x80x128xf32, #tpu.memory_space<vmem>>, vector<16xf32>,
        tpu.vector_store %arg14[%swap3A_1267, %swap3A_1268, %swap3A_1269], %mul3A_1265 {strides = array<i32>} : memref<4x80x128xf32, #tpu.memory_space<vmem>>, vector<16xf32>,
        %get3A_1271 = arith.constant 3 : i32
        %get3A_1272 = arith.index_cast %get3A_1271 : i32 to index
        %get3A_1273 = arith.index_cast %add3A_1199 : i32 to index
        %get3A_1274 = arith.constant 96 : index
        %get3A_1275 = tpu.vector_load %arg14[%get3A_1272, %get3A_1273, %get3A_1274] {strides = array<i32>} : memref<4x80x128xf32, #tpu.memory_space<vmem>>, vector<16xf32>,
        %mul3A_1276 = arith.mulf %get3A_1275, %gather3A_1204 : vector<16xf32>
        %swap3A_1277 = arith.constant 3 : i32
        %swap3A_1278 = arith.index_cast %swap3A_1277 : i32 to index
        %swap3A_1279 = arith.index_cast %add3A_1199 : i32 to index
        %swap3A_1280 = arith.constant 96 : index
        %swap3A_1281 = tpu.vector_load %arg14[%swap3A_1278, %swap3A_1279, %swap3A_1280] {strides = array<i32>} : memref<4x80x128xf32, #tpu.memory_space<vmem>>, vector<16xf32>,
        tpu.vector_store %arg14[%swap3A_1278, %swap3A_1279, %swap3A_1280], %mul3A_1276 {strides = array<i32>} : memref<4x80x128xf32, #tpu.memory_space<vmem>>, vector<16xf32>,
        %get3A_1282 = arith.constant 3 : i32
        %get3A_1283 = arith.index_cast %get3A_1282 : i32 to index
        %get3A_1284 = arith.index_cast %add3A_1199 : i32 to index
        %get3A_1285 = arith.constant 112 : index
        %get3A_1286 = tpu.vector_load %arg14[%get3A_1283, %get3A_1284, %get3A_1285] {strides = array<i32>} : memref<4x80x128xf32, #tpu.memory_space<vmem>>, vector<16xf32>,
        %mul3A_1287 = arith.mulf %get3A_1286, %gather3A_1204 : vector<16xf32>
        %swap3A_1288 = arith.constant 3 : i32
        %swap3A_1289 = arith.index_cast %swap3A_1288 : i32 to index
        %swap3A_1290 = arith.index_cast %add3A_1199 : i32 to index
        %swap3A_1291 = arith.constant 112 : index
        %swap3A_1292 = tpu.vector_load %arg14[%swap3A_1289, %swap3A_1290, %swap3A_1291] {strides = array<i32>} : memref<4x80x128xf32, #tpu.memory_space<vmem>>, vector<16xf32>,
        tpu.vector_store %arg14[%swap3A_1289, %swap3A_1290, %swap3A_1291], %mul3A_1287 {strides = array<i32>} : memref<4x80x128xf32, #tpu.memory_space<vmem>>, vector<16xf32>,
      }
      %scan3A_1084 = arith.constant 80 : i32
      %dma_start3A_1085 = arith.constant 3 : i32
      %dma_start3A_1086 = arith.constant 3 : i32
      %dma_start3A_1087 = arith.constant 0 : i32
      %dma_start3A_1088 = arith.constant 0 : i32
      %dma_start3A_1089 = tpu.memref_slice %arg14[%dma_start3A_1085, %dma_start3A_1087, %dma_start3A_1088] : memref<4x80x128xf32, #tpu.memory_space<vmem>> -> memref<1x80x128xf32, #tpu.memory_space<vmem>>
      %dma_start3A_1090 = tpu.memref_squeeze %dma_start3A_1089 : memref<1x80x128xf32, #tpu.memory_space<vmem>> -> memref<80x128xf32, #tpu.memory_space<vmem>>
      %dma_start3A_1091 = arith.constant 0 : i32
      %dma_start3A_1092 = tpu.memref_slice %arg9[%dma_start3A_1086, %dma_start3A_1091] : memref<4x80xi32, #tpu.memory_space<vmem>> -> memref<1x80xi32, #tpu.memory_space<vmem>>
      %dma_start3A_1093 = tpu.memref_squeeze %dma_start3A_1092 : memref<1x80xi32, #tpu.memory_space<vmem>> -> memref<80xi32, #tpu.memory_space<vmem>>
      %dma_start3A_1094 = arith.constant 0 : i32
      %dma_start3A_1095 = arith.constant 0 : i32
      %dma_start3A_1096 = tpu.memref_slice %arg16[%dma_start3A_1094, %dma_start3A_1095] : memref<10000x128xf32, #tpu.memory_space<vmem_shared>> -> memref<10000x128xf32, #tpu.memory_space<vmem_shared>>
      tpu.enqueue_indirect_dma source(%dma_start3A_1090 : memref<80x128xf32, #tpu.memory_space<vmem>>) target(%dma_start3A_1096 : memref<10000x128xf32, #tpu.memory_space<vmem_shared>>) offsets(%dma_start3A_1093 : memref<80xi32, #tpu.memory_space<vmem>>) semaphore(%arg32 : memref<!tpu.dma_semaphore, #tpu.memory_space<semaphore_mem>>) {add = true}
    }
    %scan3A_147 = arith.constant 31 : i32
    %min3A_148 = arith.constant 126 : i32
    %min3A_149 = arith.constant 124 : i32
    %min3A_150 = arith.minsi %min3A_148, %min3A_149 : i32
    %dma_wait3A_151 = arith.constant 0 : i32
    %dma_wait3A_152 = arith.constant 0 : i32
    %dma_wait3A_153 = arith.constant 0 : i32
    %dma_wait3A_154 = tpu.memref_slice %arg11[%dma_wait3A_152, %dma_wait3A_153] : memref<4x80xf32, #tpu.memory_space<vmem>> -> memref<1x80xf32, #tpu.memory_space<vmem>>
    %dma_wait3A_155 = tpu.memref_squeeze %dma_wait3A_154 : memref<1x80xf32, #tpu.memory_space<vmem>> -> memref<80xf32, #tpu.memory_space<vmem>>
    %dma_wait3A_156 = arith.constant 0 : i32
    %dma_wait3A_157 = tpu.memref_slice %arg9[%dma_wait3A_151, %dma_wait3A_156] : memref<4x80xi32, #tpu.memory_space<vmem>> -> memref<1x80xi32, #tpu.memory_space<vmem>>
    %dma_wait3A_158 = tpu.memref_squeeze %dma_wait3A_157 : memref<1x80xi32, #tpu.memory_space<vmem>> -> memref<80xi32, #tpu.memory_space<vmem>>
    %dma_wait3A_159 = arith.constant 0 : i32
    %dma_wait3A_160 = tpu.memref_slice %arg4[%dma_wait3A_159] : memref<10000xf32, #tpu.memory_space<hbm>> -> memref<10000xf32, #tpu.memory_space<hbm>>
    tpu.wait_indirect_dma semaphore(%arg21 : memref<!tpu.dma_semaphore, #tpu.memory_space<semaphore_mem>>) src(%dma_wait3A_160 : memref<10000xf32, #tpu.memory_space<hbm>>) dst(%dma_wait3A_155 : memref<80xf32, #tpu.memory_space<vmem>>)
    %dma_wait3A_161 = arith.constant 0 : i32
    %dma_wait3A_162 = arith.constant 0 : i32
    %dma_wait3A_163 = arith.constant 0 : i32
    %dma_wait3A_164 = tpu.memref_slice %arg12[%dma_wait3A_162, %dma_wait3A_163] : memref<4x80xf32, #tpu.memory_space<vmem>> -> memref<1x80xf32, #tpu.memory_space<vmem>>
    %dma_wait3A_165 = tpu.memref_squeeze %dma_wait3A_164 : memref<1x80xf32, #tpu.memory_space<vmem>> -> memref<80xf32, #tpu.memory_space<vmem>>
    %dma_wait3A_166 = arith.constant 0 : i32
    %dma_wait3A_167 = tpu.memref_slice %arg10[%dma_wait3A_161, %dma_wait3A_166] : memref<4x80xi32, #tpu.memory_space<vmem>> -> memref<1x80xi32, #tpu.memory_space<vmem>>
    %dma_wait3A_168 = tpu.memref_squeeze %dma_wait3A_167 : memref<1x80xi32, #tpu.memory_space<vmem>> -> memref<80xi32, #tpu.memory_space<vmem>>
    %dma_wait3A_169 = arith.constant 0 : i32
    %dma_wait3A_170 = tpu.memref_slice %arg5[%dma_wait3A_169] : memref<10000xf32, #tpu.memory_space<hbm>> -> memref<10000xf32, #tpu.memory_space<hbm>>
    tpu.wait_indirect_dma semaphore(%arg21 : memref<!tpu.dma_semaphore, #tpu.memory_space<semaphore_mem>>) src(%dma_wait3A_170 : memref<10000xf32, #tpu.memory_space<hbm>>) dst(%dma_wait3A_165 : memref<80xf32, #tpu.memory_space<vmem>>)
    %dma_wait3A_171 = arith.constant 0 : i32
    %dma_wait3A_172 = arith.constant 0 : i32
    %dma_wait3A_173 = arith.constant 0 : i32
    %dma_wait3A_174 = arith.constant 0 : i32
    %dma_wait3A_175 = tpu.memref_slice %arg14[%dma_wait3A_172, %dma_wait3A_173, %dma_wait3A_174] : memref<4x80x128xf32, #tpu.memory_space<vmem>> -> memref<1x80x128xf32, #tpu.memory_space<vmem>>
    %dma_wait3A_176 = tpu.memref_squeeze %dma_wait3A_175 : memref<1x80x128xf32, #tpu.memory_space<vmem>> -> memref<80x128xf32, #tpu.memory_space<vmem>>
    %dma_wait3A_177 = arith.constant 0 : i32
    %dma_wait3A_178 = tpu.memref_slice %arg10[%dma_wait3A_171, %dma_wait3A_177] : memref<4x80xi32, #tpu.memory_space<vmem>> -> memref<1x80xi32, #tpu.memory_space<vmem>>
    %dma_wait3A_179 = tpu.memref_squeeze %dma_wait3A_178 : memref<1x80xi32, #tpu.memory_space<vmem>> -> memref<80xi32, #tpu.memory_space<vmem>>
    %dma_wait3A_180 = arith.constant 0 : i32
    %dma_wait3A_181 = arith.constant 0 : i32
    %dma_wait3A_182 = tpu.memref_slice %arg6[%dma_wait3A_180, %dma_wait3A_181] : memref<10000x128xf32, #tpu.memory_space<hbm>> -> memref<10000x128xf32, #tpu.memory_space<hbm>>
    tpu.wait_indirect_dma semaphore(%arg25 : memref<!tpu.dma_semaphore, #tpu.memory_space<semaphore_mem>>) src(%dma_wait3A_182 : memref<10000x128xf32, #tpu.memory_space<hbm>>) dst(%dma_wait3A_176 : memref<80x128xf32, #tpu.memory_space<vmem>>)
    %get3A = arith.constant 0 : i32
    %get3A_183 = arith.index_cast %get3A : i32 to index
    %get3A_184 = arith.constant 0 : index
    %get3A_185 = tpu.vector_load %arg11[%get3A_183, %get3A_184] {strides = array<i32>} : memref<4x80xf32, #tpu.memory_space<vmem>>, vector<16xf32>,
    %get3A_186 = arith.constant 0 : i32
    %get3A_187 = arith.index_cast %get3A_186 : i32 to index
    %get3A_188 = arith.constant 0 : index
    %get3A_189 = tpu.vector_load %arg12[%get3A_187, %get3A_188] {strides = array<i32>} : memref<4x80xf32, #tpu.memory_space<vmem>>, vector<16xf32>,
    %add3A_190 = arith.addf %get3A_185, %get3A_189 : vector<16xf32>
    %gt3A = arith.constant 0.000000e+00 : f32
    %gt3A_191 = vector.broadcast %gt3A : f32 to vector<16xf32>
    %gt3A_192 = arith.cmpf ogt, %add3A_190, %gt3A_191 : vector<16xf32>
    %mul3A_193 = arith.constant 2.000000e-01 : f32
    %mul3A_194 = vector.broadcast %mul3A_193 : f32 to vector<16xf32>
    %mul3A_195 = arith.mulf %mul3A_194, %add3A_190 : vector<16xf32>
    %select_n3A_196 = arith.select %gt3A_192, %add3A_190, %mul3A_195 : vector<16xi1>, vector<16xf32>
    %exp3A = math.exp %select_n3A_196 : vector<16xf32>
    %swap3A = arith.constant 0 : index
    %swap3A_197 = tpu.vector_load %arg13[%swap3A] {strides = array<i32>} : memref<320xf32, #tpu.memory_space<vmem>>, vector<16xf32>,
    tpu.vector_store %arg13[%swap3A], %exp3A {strides = array<i32>} : memref<320xf32, #tpu.memory_space<vmem>>, vector<16xf32>,
    %get3A_198 = arith.constant 0 : i32
    %get3A_199 = arith.index_cast %get3A_198 : i32 to index
    %get3A_200 = arith.constant 16 : index
    %get3A_201 = tpu.vector_load %arg11[%get3A_199, %get3A_200] {strides = array<i32>} : memref<4x80xf32, #tpu.memory_space<vmem>>, vector<16xf32>,
    %get3A_202 = arith.constant 0 : i32
    %get3A_203 = arith.index_cast %get3A_202 : i32 to index
    %get3A_204 = arith.constant 16 : index
    %get3A_205 = tpu.vector_load %arg12[%get3A_203, %get3A_204] {strides = array<i32>} : memref<4x80xf32, #tpu.memory_space<vmem>>, vector<16xf32>,
    %add3A_206 = arith.addf %get3A_201, %get3A_205 : vector<16xf32>
    %gt3A_207 = arith.constant 0.000000e+00 : f32
    %gt3A_208 = vector.broadcast %gt3A_207 : f32 to vector<16xf32>
    %gt3A_209 = arith.cmpf ogt, %add3A_206, %gt3A_208 : vector<16xf32>
    %mul3A_210 = arith.constant 2.000000e-01 : f32
    %mul3A_211 = vector.broadcast %mul3A_210 : f32 to vector<16xf32>
    %mul3A_212 = arith.mulf %mul3A_211, %add3A_206 : vector<16xf32>
    %select_n3A_213 = arith.select %gt3A_209, %add3A_206, %mul3A_212 : vector<16xi1>, vector<16xf32>
    %exp3A_214 = math.exp %select_n3A_213 : vector<16xf32>
    %swap3A_215 = arith.constant 16 : index
    %swap3A_216 = tpu.vector_load %arg13[%swap3A_215] {strides = array<i32>} : memref<320xf32, #tpu.memory_space<vmem>>, vector<16xf32>,
    tpu.vector_store %arg13[%swap3A_215], %exp3A_214 {strides = array<i32>} : memref<320xf32, #tpu.memory_space<vmem>>, vector<16xf32>,
    %get3A_217 = arith.constant 0 : i32
    %get3A_218 = arith.index_cast %get3A_217 : i32 to index
    %get3A_219 = arith.constant 32 : index
    %get3A_220 = tpu.vector_load %arg11[%get3A_218, %get3A_219] {strides = array<i32>} : memref<4x80xf32, #tpu.memory_space<vmem>>, vector<16xf32>,
    %get3A_221 = arith.constant 0 : i32
    %get3A_222 = arith.index_cast %get3A_221 : i32 to index
    %get3A_223 = arith.constant 32 : index
    %get3A_224 = tpu.vector_load %arg12[%get3A_222, %get3A_223] {strides = array<i32>} : memref<4x80xf32, #tpu.memory_space<vmem>>, vector<16xf32>,
    %add3A_225 = arith.addf %get3A_220, %get3A_224 : vector<16xf32>
    %gt3A_226 = arith.constant 0.000000e+00 : f32
    %gt3A_227 = vector.broadcast %gt3A_226 : f32 to vector<16xf32>
    %gt3A_228 = arith.cmpf ogt, %add3A_225, %gt3A_227 : vector<16xf32>
    %mul3A_229 = arith.constant 2.000000e-01 : f32
    %mul3A_230 = vector.broadcast %mul3A_229 : f32 to vector<16xf32>
    %mul3A_231 = arith.mulf %mul3A_230, %add3A_225 : vector<16xf32>
    %select_n3A_232 = arith.select %gt3A_228, %add3A_225, %mul3A_231 : vector<16xi1>, vector<16xf32>
    %exp3A_233 = math.exp %select_n3A_232 : vector<16xf32>
    %swap3A_234 = arith.constant 32 : index
    %swap3A_235 = tpu.vector_load %arg13[%swap3A_234] {strides = array<i32>} : memref<320xf32, #tpu.memory_space<vmem>>, vector<16xf32>,
    tpu.vector_store %arg13[%swap3A_234], %exp3A_233 {strides = array<i32>} : memref<320xf32, #tpu.memory_space<vmem>>, vector<16xf32>,
    %get3A_236 = arith.constant 0 : i32
    %get3A_237 = arith.index_cast %get3A_236 : i32 to index
    %get3A_238 = arith.constant 48 : index
    %get3A_239 = tpu.vector_load %arg11[%get3A_237, %get3A_238] {strides = array<i32>} : memref<4x80xf32, #tpu.memory_space<vmem>>, vector<16xf32>,
    %get3A_240 = arith.constant 0 : i32
    %get3A_241 = arith.index_cast %get3A_240 : i32 to index
    %get3A_242 = arith.constant 48 : index
    %get3A_243 = tpu.vector_load %arg12[%get3A_241, %get3A_242] {strides = array<i32>} : memref<4x80xf32, #tpu.memory_space<vmem>>, vector<16xf32>,
    %add3A_244 = arith.addf %get3A_239, %get3A_243 : vector<16xf32>
    %gt3A_245 = arith.constant 0.000000e+00 : f32
    %gt3A_246 = vector.broadcast %gt3A_245 : f32 to vector<16xf32>
    %gt3A_247 = arith.cmpf ogt, %add3A_244, %gt3A_246 : vector<16xf32>
    %mul3A_248 = arith.constant 2.000000e-01 : f32
    %mul3A_249 = vector.broadcast %mul3A_248 : f32 to vector<16xf32>
    %mul3A_250 = arith.mulf %mul3A_249, %add3A_244 : vector<16xf32>
    %select_n3A_251 = arith.select %gt3A_247, %add3A_244, %mul3A_250 : vector<16xi1>, vector<16xf32>
    %exp3A_252 = math.exp %select_n3A_251 : vector<16xf32>
    %swap3A_253 = arith.constant 48 : index
    %swap3A_254 = tpu.vector_load %arg13[%swap3A_253] {strides = array<i32>} : memref<320xf32, #tpu.memory_space<vmem>>, vector<16xf32>,
    tpu.vector_store %arg13[%swap3A_253], %exp3A_252 {strides = array<i32>} : memref<320xf32, #tpu.memory_space<vmem>>, vector<16xf32>,
    %get3A_255 = arith.constant 0 : i32
    %get3A_256 = arith.index_cast %get3A_255 : i32 to index
    %get3A_257 = arith.constant 64 : index
    %get3A_258 = tpu.vector_load %arg11[%get3A_256, %get3A_257] {strides = array<i32>} : memref<4x80xf32, #tpu.memory_space<vmem>>, vector<16xf32>,
    %get3A_259 = arith.constant 0 : i32
    %get3A_260 = arith.index_cast %get3A_259 : i32 to index
    %get3A_261 = arith.constant 64 : index
    %get3A_262 = tpu.vector_load %arg12[%get3A_260, %get3A_261] {strides = array<i32>} : memref<4x80xf32, #tpu.memory_space<vmem>>, vector<16xf32>,
    %add3A_263 = arith.addf %get3A_258, %get3A_262 : vector<16xf32>
    %gt3A_264 = arith.constant 0.000000e+00 : f32
    %gt3A_265 = vector.broadcast %gt3A_264 : f32 to vector<16xf32>
    %gt3A_266 = arith.cmpf ogt, %add3A_263, %gt3A_265 : vector<16xf32>
    %mul3A_267 = arith.constant 2.000000e-01 : f32
    %mul3A_268 = vector.broadcast %mul3A_267 : f32 to vector<16xf32>
    %mul3A_269 = arith.mulf %mul3A_268, %add3A_263 : vector<16xf32>
    %select_n3A_270 = arith.select %gt3A_266, %add3A_263, %mul3A_269 : vector<16xi1>, vector<16xf32>
    %exp3A_271 = math.exp %select_n3A_270 : vector<16xf32>
    %swap3A_272 = arith.constant 64 : index
    %swap3A_273 = tpu.vector_load %arg13[%swap3A_272] {strides = array<i32>} : memref<320xf32, #tpu.memory_space<vmem>>, vector<16xf32>,
    tpu.vector_store %arg13[%swap3A_272], %exp3A_271 {strides = array<i32>} : memref<320xf32, #tpu.memory_space<vmem>>, vector<16xf32>,
    %dma_start3A_274 = arith.constant 0 : i32
    %dma_start3A_275 = arith.constant 0 : i32
    %dma_start3A_276 = tpu.memref_slice %arg13[%dma_start3A_275] : memref<320xf32, #tpu.memory_space<vmem>> -> memref<80xf32, #tpu.memory_space<vmem>>
    %dma_start3A_277 = arith.constant 0 : i32
    %dma_start3A_278 = tpu.memref_slice %arg9[%dma_start3A_274, %dma_start3A_277] : memref<4x80xi32, #tpu.memory_space<vmem>> -> memref<1x80xi32, #tpu.memory_space<vmem>>
    %dma_start3A_279 = tpu.memref_squeeze %dma_start3A_278 : memref<1x80xi32, #tpu.memory_space<vmem>> -> memref<80xi32, #tpu.memory_space<vmem>>
    %dma_start3A_280 = arith.constant 0 : i32
    %dma_start3A_281 = tpu.memref_slice %arg15[%dma_start3A_280] : memref<10000xf32, #tpu.memory_space<vmem_shared>> -> memref<10000xf32, #tpu.memory_space<vmem_shared>>
    tpu.enqueue_indirect_dma source(%dma_start3A_276 : memref<80xf32, #tpu.memory_space<vmem>>) target(%dma_start3A_281 : memref<10000xf32, #tpu.memory_space<vmem_shared>>) offsets(%dma_start3A_279 : memref<80xi32, #tpu.memory_space<vmem>>) semaphore(%arg33 : memref<!tpu.dma_semaphore, #tpu.memory_space<semaphore_mem>>) {add = true}
    %scan3A_282 = arith.constant 0 : i32
    %scan3A_283 = arith.constant 80 : i32
    %scan3A_284 = arith.addi %scan3A_282, %scan3A_283 : i32
    %scan3A_285 = arith.constant 2 : i32
    scf.for %scan3A_399 = %scan3A_282 to %scan3A_284 step %scan3A_285  : i32 {
      %mul3A_400 = arith.constant 1 : i32
      %mul3A_401 = arith.muli %scan3A_399, %mul3A_400 : i32
      %add3A_402 = arith.constant 0 : i32
      %add3A_403 = arith.addi %add3A_402, %mul3A_401 : i32
      %broadcast_in_dim3A_404 = arith.constant 0 : i32
      %broadcast_in_dim3A_405 = vector.broadcast %broadcast_in_dim3A_404 : i32 to vector<16xi32>
      %add3A_406 = vector.broadcast %add3A_403 : i32 to vector<16xi32>
      %add3A_407 = arith.addi %broadcast_in_dim3A_405, %add3A_406 : vector<16xi32>
      %gather3A = tpu.vector_load_idx %arg13[%add3A_407] : memref<320xf32, #tpu.memory_space<vmem>>[vector<16xi32>], vector<16xf32>,
      %get3A_408 = arith.constant 0 : i32
      %get3A_409 = arith.index_cast %get3A_408 : i32 to index
      %get3A_410 = arith.index_cast %add3A_403 : i32 to index
      %get3A_411 = arith.constant 0 : index
      %get3A_412 = tpu.vector_load %arg14[%get3A_409, %get3A_410, %get3A_411] {strides = array<i32>} : memref<4x80x128xf32, #tpu.memory_space<vmem>>, vector<16xf32>,
      %mul3A_413 = arith.mulf %get3A_412, %gather3A : vector<16xf32>
      %swap3A_414 = arith.constant 0 : i32
      %swap3A_415 = arith.index_cast %swap3A_414 : i32 to index
      %swap3A_416 = arith.index_cast %add3A_403 : i32 to index
      %swap3A_417 = arith.constant 0 : index
      %swap3A_418 = tpu.vector_load %arg14[%swap3A_415, %swap3A_416, %swap3A_417] {strides = array<i32>} : memref<4x80x128xf32, #tpu.memory_space<vmem>>, vector<16xf32>,
      tpu.vector_store %arg14[%swap3A_415, %swap3A_416, %swap3A_417], %mul3A_413 {strides = array<i32>} : memref<4x80x128xf32, #tpu.memory_space<vmem>>, vector<16xf32>,
      %get3A_419 = arith.constant 0 : i32
      %get3A_420 = arith.index_cast %get3A_419 : i32 to index
      %get3A_421 = arith.index_cast %add3A_403 : i32 to index
      %get3A_422 = arith.constant 16 : index
      %get3A_423 = tpu.vector_load %arg14[%get3A_420, %get3A_421, %get3A_422] {strides = array<i32>} : memref<4x80x128xf32, #tpu.memory_space<vmem>>, vector<16xf32>,
      %mul3A_424 = arith.mulf %get3A_423, %gather3A : vector<16xf32>
      %swap3A_425 = arith.constant 0 : i32
      %swap3A_426 = arith.index_cast %swap3A_425 : i32 to index
      %swap3A_427 = arith.index_cast %add3A_403 : i32 to index
      %swap3A_428 = arith.constant 16 : index
      %swap3A_429 = tpu.vector_load %arg14[%swap3A_426, %swap3A_427, %swap3A_428] {strides = array<i32>} : memref<4x80x128xf32, #tpu.memory_space<vmem>>, vector<16xf32>,
      tpu.vector_store %arg14[%swap3A_426, %swap3A_427, %swap3A_428], %mul3A_424 {strides = array<i32>} : memref<4x80x128xf32, #tpu.memory_space<vmem>>, vector<16xf32>,
      %get3A_430 = arith.constant 0 : i32
      %get3A_431 = arith.index_cast %get3A_430 : i32 to index
      %get3A_432 = arith.index_cast %add3A_403 : i32 to index
      %get3A_433 = arith.constant 32 : index
      %get3A_434 = tpu.vector_load %arg14[%get3A_431, %get3A_432, %get3A_433] {strides = array<i32>} : memref<4x80x128xf32, #tpu.memory_space<vmem>>, vector<16xf32>,
      %mul3A_435 = arith.mulf %get3A_434, %gather3A : vector<16xf32>
      %swap3A_436 = arith.constant 0 : i32
      %swap3A_437 = arith.index_cast %swap3A_436 : i32 to index
      %swap3A_438 = arith.index_cast %add3A_403 : i32 to index
      %swap3A_439 = arith.constant 32 : index
      %swap3A_440 = tpu.vector_load %arg14[%swap3A_437, %swap3A_438, %swap3A_439] {strides = array<i32>} : memref<4x80x128xf32, #tpu.memory_space<vmem>>, vector<16xf32>,
      tpu.vector_store %arg14[%swap3A_437, %swap3A_438, %swap3A_439], %mul3A_435 {strides = array<i32>} : memref<4x80x128xf32, #tpu.memory_space<vmem>>, vector<16xf32>,
      %get3A_441 = arith.constant 0 : i32
      %get3A_442 = arith.index_cast %get3A_441 : i32 to index
      %get3A_443 = arith.index_cast %add3A_403 : i32 to index
      %get3A_444 = arith.constant 48 : index
      %get3A_445 = tpu.vector_load %arg14[%get3A_442, %get3A_443, %get3A_444] {strides = array<i32>} : memref<4x80x128xf32, #tpu.memory_space<vmem>>, vector<16xf32>,
      %mul3A_446 = arith.mulf %get3A_445, %gather3A : vector<16xf32>
      %swap3A_447 = arith.constant 0 : i32
      %swap3A_448 = arith.index_cast %swap3A_447 : i32 to index
      %swap3A_449 = arith.index_cast %add3A_403 : i32 to index
      %swap3A_450 = arith.constant 48 : index
      %swap3A_451 = tpu.vector_load %arg14[%swap3A_448, %swap3A_449, %swap3A_450] {strides = array<i32>} : memref<4x80x128xf32, #tpu.memory_space<vmem>>, vector<16xf32>,
      tpu.vector_store %arg14[%swap3A_448, %swap3A_449, %swap3A_450], %mul3A_446 {strides = array<i32>} : memref<4x80x128xf32, #tpu.memory_space<vmem>>, vector<16xf32>,
      %get3A_452 = arith.constant 0 : i32
      %get3A_453 = arith.index_cast %get3A_452 : i32 to index
      %get3A_454 = arith.index_cast %add3A_403 : i32 to index
      %get3A_455 = arith.constant 64 : index
      %get3A_456 = tpu.vector_load %arg14[%get3A_453, %get3A_454, %get3A_455] {strides = array<i32>} : memref<4x80x128xf32, #tpu.memory_space<vmem>>, vector<16xf32>,
      %mul3A_457 = arith.mulf %get3A_456, %gather3A : vector<16xf32>
      %swap3A_458 = arith.constant 0 : i32
      %swap3A_459 = arith.index_cast %swap3A_458 : i32 to index
      %swap3A_460 = arith.index_cast %add3A_403 : i32 to index
      %swap3A_461 = arith.constant 64 : index
      %swap3A_462 = tpu.vector_load %arg14[%swap3A_459, %swap3A_460, %swap3A_461] {strides = array<i32>} : memref<4x80x128xf32, #tpu.memory_space<vmem>>, vector<16xf32>,
      tpu.vector_store %arg14[%swap3A_459, %swap3A_460, %swap3A_461], %mul3A_457 {strides = array<i32>} : memref<4x80x128xf32, #tpu.memory_space<vmem>>, vector<16xf32>,
      %get3A_463 = arith.constant 0 : i32
      %get3A_464 = arith.index_cast %get3A_463 : i32 to index
      %get3A_465 = arith.index_cast %add3A_403 : i32 to index
      %get3A_466 = arith.constant 80 : index
      %get3A_467 = tpu.vector_load %arg14[%get3A_464, %get3A_465, %get3A_466] {strides = array<i32>} : memref<4x80x128xf32, #tpu.memory_space<vmem>>, vector<16xf32>,
      %mul3A_468 = arith.mulf %get3A_467, %gather3A : vector<16xf32>
      %swap3A_469 = arith.constant 0 : i32
      %swap3A_470 = arith.index_cast %swap3A_469 : i32 to index
      %swap3A_471 = arith.index_cast %add3A_403 : i32 to index
      %swap3A_472 = arith.constant 80 : index
      %swap3A_473 = tpu.vector_load %arg14[%swap3A_470, %swap3A_471, %swap3A_472] {strides = array<i32>} : memref<4x80x128xf32, #tpu.memory_space<vmem>>, vector<16xf32>,
      tpu.vector_store %arg14[%swap3A_470, %swap3A_471, %swap3A_472], %mul3A_468 {strides = array<i32>} : memref<4x80x128xf32, #tpu.memory_space<vmem>>, vector<16xf32>,
      %get3A_474 = arith.constant 0 : i32
      %get3A_475 = arith.index_cast %get3A_474 : i32 to index
      %get3A_476 = arith.index_cast %add3A_403 : i32 to index
      %get3A_477 = arith.constant 96 : index
      %get3A_478 = tpu.vector_load %arg14[%get3A_475, %get3A_476, %get3A_477] {strides = array<i32>} : memref<4x80x128xf32, #tpu.memory_space<vmem>>, vector<16xf32>,
      %mul3A_479 = arith.mulf %get3A_478, %gather3A : vector<16xf32>
      %swap3A_480 = arith.constant 0 : i32
      %swap3A_481 = arith.index_cast %swap3A_480 : i32 to index
      %swap3A_482 = arith.index_cast %add3A_403 : i32 to index
      %swap3A_483 = arith.constant 96 : index
      %swap3A_484 = tpu.vector_load %arg14[%swap3A_481, %swap3A_482, %swap3A_483] {strides = array<i32>} : memref<4x80x128xf32, #tpu.memory_space<vmem>>, vector<16xf32>,
      tpu.vector_store %arg14[%swap3A_481, %swap3A_482, %swap3A_483], %mul3A_479 {strides = array<i32>} : memref<4x80x128xf32, #tpu.memory_space<vmem>>, vector<16xf32>,
      %get3A_485 = arith.constant 0 : i32
      %get3A_486 = arith.index_cast %get3A_485 : i32 to index
      %get3A_487 = arith.index_cast %add3A_403 : i32 to index
      %get3A_488 = arith.constant 112 : index
      %get3A_489 = tpu.vector_load %arg14[%get3A_486, %get3A_487, %get3A_488] {strides = array<i32>} : memref<4x80x128xf32, #tpu.memory_space<vmem>>, vector<16xf32>,
      %mul3A_490 = arith.mulf %get3A_489, %gather3A : vector<16xf32>
      %swap3A_491 = arith.constant 0 : i32
      %swap3A_492 = arith.index_cast %swap3A_491 : i32 to index
      %swap3A_493 = arith.index_cast %add3A_403 : i32 to index
      %swap3A_494 = arith.constant 112 : index
      %swap3A_495 = tpu.vector_load %arg14[%swap3A_492, %swap3A_493, %swap3A_494] {strides = array<i32>} : memref<4x80x128xf32, #tpu.memory_space<vmem>>, vector<16xf32>,
      tpu.vector_store %arg14[%swap3A_492, %swap3A_493, %swap3A_494], %mul3A_490 {strides = array<i32>} : memref<4x80x128xf32, #tpu.memory_space<vmem>>, vector<16xf32>,
      %scan3A_496 = arith.constant 1 : i32
      %scan3A_497 = arith.addi %scan3A_399, %scan3A_496 : i32
      %mul3A_498 = arith.constant 1 : i32
      %mul3A_499 = arith.muli %scan3A_497, %mul3A_498 : i32
      %add3A_500 = arith.constant 0 : i32
      %add3A_501 = arith.addi %add3A_500, %mul3A_499 : i32
      %broadcast_in_dim3A_502 = arith.constant 0 : i32
      %broadcast_in_dim3A_503 = vector.broadcast %broadcast_in_dim3A_502 : i32 to vector<16xi32>
      %add3A_504 = vector.broadcast %add3A_501 : i32 to vector<16xi32>
      %add3A_505 = arith.addi %broadcast_in_dim3A_503, %add3A_504 : vector<16xi32>
      %gather3A_506 = tpu.vector_load_idx %arg13[%add3A_505] : memref<320xf32, #tpu.memory_space<vmem>>[vector<16xi32>], vector<16xf32>,
      %get3A_507 = arith.constant 0 : i32
      %get3A_508 = arith.index_cast %get3A_507 : i32 to index
      %get3A_509 = arith.index_cast %add3A_501 : i32 to index
      %get3A_510 = arith.constant 0 : index
      %get3A_511 = tpu.vector_load %arg14[%get3A_508, %get3A_509, %get3A_510] {strides = array<i32>} : memref<4x80x128xf32, #tpu.memory_space<vmem>>, vector<16xf32>,
      %mul3A_512 = arith.mulf %get3A_511, %gather3A_506 : vector<16xf32>
      %swap3A_513 = arith.constant 0 : i32
      %swap3A_514 = arith.index_cast %swap3A_513 : i32 to index
      %swap3A_515 = arith.index_cast %add3A_501 : i32 to index
      %swap3A_516 = arith.constant 0 : index
      %swap3A_517 = tpu.vector_load %arg14[%swap3A_514, %swap3A_515, %swap3A_516] {strides = array<i32>} : memref<4x80x128xf32, #tpu.memory_space<vmem>>, vector<16xf32>,
      tpu.vector_store %arg14[%swap3A_514, %swap3A_515, %swap3A_516], %mul3A_512 {strides = array<i32>} : memref<4x80x128xf32, #tpu.memory_space<vmem>>, vector<16xf32>,
      %get3A_518 = arith.constant 0 : i32
      %get3A_519 = arith.index_cast %get3A_518 : i32 to index
      %get3A_520 = arith.index_cast %add3A_501 : i32 to index
      %get3A_521 = arith.constant 16 : index
      %get3A_522 = tpu.vector_load %arg14[%get3A_519, %get3A_520, %get3A_521] {strides = array<i32>} : memref<4x80x128xf32, #tpu.memory_space<vmem>>, vector<16xf32>,
      %mul3A_523 = arith.mulf %get3A_522, %gather3A_506 : vector<16xf32>
      %swap3A_524 = arith.constant 0 : i32
      %swap3A_525 = arith.index_cast %swap3A_524 : i32 to index
      %swap3A_526 = arith.index_cast %add3A_501 : i32 to index
      %swap3A_527 = arith.constant 16 : index
      %swap3A_528 = tpu.vector_load %arg14[%swap3A_525, %swap3A_526, %swap3A_527] {strides = array<i32>} : memref<4x80x128xf32, #tpu.memory_space<vmem>>, vector<16xf32>,
      tpu.vector_store %arg14[%swap3A_525, %swap3A_526, %swap3A_527], %mul3A_523 {strides = array<i32>} : memref<4x80x128xf32, #tpu.memory_space<vmem>>, vector<16xf32>,
      %get3A_529 = arith.constant 0 : i32
      %get3A_530 = arith.index_cast %get3A_529 : i32 to index
      %get3A_531 = arith.index_cast %add3A_501 : i32 to index
      %get3A_532 = arith.constant 32 : index
      %get3A_533 = tpu.vector_load %arg14[%get3A_530, %get3A_531, %get3A_532] {strides = array<i32>} : memref<4x80x128xf32, #tpu.memory_space<vmem>>, vector<16xf32>,
      %mul3A_534 = arith.mulf %get3A_533, %gather3A_506 : vector<16xf32>
      %swap3A_535 = arith.constant 0 : i32
      %swap3A_536 = arith.index_cast %swap3A_535 : i32 to index
      %swap3A_537 = arith.index_cast %add3A_501 : i32 to index
      %swap3A_538 = arith.constant 32 : index
      %swap3A_539 = tpu.vector_load %arg14[%swap3A_536, %swap3A_537, %swap3A_538] {strides = array<i32>} : memref<4x80x128xf32, #tpu.memory_space<vmem>>, vector<16xf32>,
      tpu.vector_store %arg14[%swap3A_536, %swap3A_537, %swap3A_538], %mul3A_534 {strides = array<i32>} : memref<4x80x128xf32, #tpu.memory_space<vmem>>, vector<16xf32>,
      %get3A_540 = arith.constant 0 : i32
      %get3A_541 = arith.index_cast %get3A_540 : i32 to index
      %get3A_542 = arith.index_cast %add3A_501 : i32 to index
      %get3A_543 = arith.constant 48 : index
      %get3A_544 = tpu.vector_load %arg14[%get3A_541, %get3A_542, %get3A_543] {strides = array<i32>} : memref<4x80x128xf32, #tpu.memory_space<vmem>>, vector<16xf32>,
      %mul3A_545 = arith.mulf %get3A_544, %gather3A_506 : vector<16xf32>
      %swap3A_546 = arith.constant 0 : i32
      %swap3A_547 = arith.index_cast %swap3A_546 : i32 to index
      %swap3A_548 = arith.index_cast %add3A_501 : i32 to index
      %swap3A_549 = arith.constant 48 : index
      %swap3A_550 = tpu.vector_load %arg14[%swap3A_547, %swap3A_548, %swap3A_549] {strides = array<i32>} : memref<4x80x128xf32, #tpu.memory_space<vmem>>, vector<16xf32>,
      tpu.vector_store %arg14[%swap3A_547, %swap3A_548, %swap3A_549], %mul3A_545 {strides = array<i32>} : memref<4x80x128xf32, #tpu.memory_space<vmem>>, vector<16xf32>,
      %get3A_551 = arith.constant 0 : i32
      %get3A_552 = arith.index_cast %get3A_551 : i32 to index
      %get3A_553 = arith.index_cast %add3A_501 : i32 to index
      %get3A_554 = arith.constant 64 : index
      %get3A_555 = tpu.vector_load %arg14[%get3A_552, %get3A_553, %get3A_554] {strides = array<i32>} : memref<4x80x128xf32, #tpu.memory_space<vmem>>, vector<16xf32>,
      %mul3A_556 = arith.mulf %get3A_555, %gather3A_506 : vector<16xf32>
      %swap3A_557 = arith.constant 0 : i32
      %swap3A_558 = arith.index_cast %swap3A_557 : i32 to index
      %swap3A_559 = arith.index_cast %add3A_501 : i32 to index
      %swap3A_560 = arith.constant 64 : index
      %swap3A_561 = tpu.vector_load %arg14[%swap3A_558, %swap3A_559, %swap3A_560] {strides = array<i32>} : memref<4x80x128xf32, #tpu.memory_space<vmem>>, vector<16xf32>,
      tpu.vector_store %arg14[%swap3A_558, %swap3A_559, %swap3A_560], %mul3A_556 {strides = array<i32>} : memref<4x80x128xf32, #tpu.memory_space<vmem>>, vector<16xf32>,
      %get3A_562 = arith.constant 0 : i32
      %get3A_563 = arith.index_cast %get3A_562 : i32 to index
      %get3A_564 = arith.index_cast %add3A_501 : i32 to index
      %get3A_565 = arith.constant 80 : index
      %get3A_566 = tpu.vector_load %arg14[%get3A_563, %get3A_564, %get3A_565] {strides = array<i32>} : memref<4x80x128xf32, #tpu.memory_space<vmem>>, vector<16xf32>,
      %mul3A_567 = arith.mulf %get3A_566, %gather3A_506 : vector<16xf32>
      %swap3A_568 = arith.constant 0 : i32
      %swap3A_569 = arith.index_cast %swap3A_568 : i32 to index
      %swap3A_570 = arith.index_cast %add3A_501 : i32 to index
      %swap3A_571 = arith.constant 80 : index
      %swap3A_572 = tpu.vector_load %arg14[%swap3A_569, %swap3A_570, %swap3A_571] {strides = array<i32>} : memref<4x80x128xf32, #tpu.memory_space<vmem>>, vector<16xf32>,
      tpu.vector_store %arg14[%swap3A_569, %swap3A_570, %swap3A_571], %mul3A_567 {strides = array<i32>} : memref<4x80x128xf32, #tpu.memory_space<vmem>>, vector<16xf32>,
      %get3A_573 = arith.constant 0 : i32
      %get3A_574 = arith.index_cast %get3A_573 : i32 to index
      %get3A_575 = arith.index_cast %add3A_501 : i32 to index
      %get3A_576 = arith.constant 96 : index
      %get3A_577 = tpu.vector_load %arg14[%get3A_574, %get3A_575, %get3A_576] {strides = array<i32>} : memref<4x80x128xf32, #tpu.memory_space<vmem>>, vector<16xf32>,
      %mul3A_578 = arith.mulf %get3A_577, %gather3A_506 : vector<16xf32>
      %swap3A_579 = arith.constant 0 : i32
      %swap3A_580 = arith.index_cast %swap3A_579 : i32 to index
      %swap3A_581 = arith.index_cast %add3A_501 : i32 to index
      %swap3A_582 = arith.constant 96 : index
      %swap3A_583 = tpu.vector_load %arg14[%swap3A_580, %swap3A_581, %swap3A_582] {strides = array<i32>} : memref<4x80x128xf32, #tpu.memory_space<vmem>>, vector<16xf32>,
      tpu.vector_store %arg14[%swap3A_580, %swap3A_581, %swap3A_582], %mul3A_578 {strides = array<i32>} : memref<4x80x128xf32, #tpu.memory_space<vmem>>, vector<16xf32>,
      %get3A_584 = arith.constant 0 : i32
      %get3A_585 = arith.index_cast %get3A_584 : i32 to index
      %get3A_586 = arith.index_cast %add3A_501 : i32 to index
      %get3A_587 = arith.constant 112 : index
      %get3A_588 = tpu.vector_load %arg14[%get3A_585, %get3A_586, %get3A_587] {strides = array<i32>} : memref<4x80x128xf32, #tpu.memory_space<vmem>>, vector<16xf32>,
      %mul3A_589 = arith.mulf %get3A_588, %gather3A_506 : vector<16xf32>
      %swap3A_590 = arith.constant 0 : i32
      %swap3A_591 = arith.index_cast %swap3A_590 : i32 to index
      %swap3A_592 = arith.index_cast %add3A_501 : i32 to index
      %swap3A_593 = arith.constant 112 : index
      %swap3A_594 = tpu.vector_load %arg14[%swap3A_591, %swap3A_592, %swap3A_593] {strides = array<i32>} : memref<4x80x128xf32, #tpu.memory_space<vmem>>, vector<16xf32>,
      tpu.vector_store %arg14[%swap3A_591, %swap3A_592, %swap3A_593], %mul3A_589 {strides = array<i32>} : memref<4x80x128xf32, #tpu.memory_space<vmem>>, vector<16xf32>,
    }
    %scan3A_286 = arith.constant 80 : i32
    %dma_start3A_287 = arith.constant 0 : i32
    %dma_start3A_288 = arith.constant 0 : i32
    %dma_start3A_289 = arith.constant 0 : i32
    %dma_start3A_290 = arith.constant 0 : i32
    %dma_start3A_291 = tpu.memref_slice %arg14[%dma_start3A_287, %dma_start3A_289, %dma_start3A_290] : memref<4x80x128xf32, #tpu.memory_space<vmem>> -> memref<1x80x128xf32, #tpu.memory_space<vmem>>
    %dma_start3A_292 = tpu.memref_squeeze %dma_start3A_291 : memref<1x80x128xf32, #tpu.memory_space<vmem>> -> memref<80x128xf32, #tpu.memory_space<vmem>>
    %dma_start3A_293 = arith.constant 0 : i32
    %dma_start3A_294 = tpu.memref_slice %arg9[%dma_start3A_288, %dma_start3A_293] : memref<4x80xi32, #tpu.memory_space<vmem>> -> memref<1x80xi32, #tpu.memory_space<vmem>>
    %dma_start3A_295 = tpu.memref_squeeze %dma_start3A_294 : memref<1x80xi32, #tpu.memory_space<vmem>> -> memref<80xi32, #tpu.memory_space<vmem>>
    %dma_start3A_296 = arith.constant 0 : i32
    %dma_start3A_297 = arith.constant 0 : i32
    %dma_start3A_298 = tpu.memref_slice %arg16[%dma_start3A_296, %dma_start3A_297] : memref<10000x128xf32, #tpu.memory_space<vmem_shared>> -> memref<10000x128xf32, #tpu.memory_space<vmem_shared>>
    tpu.enqueue_indirect_dma source(%dma_start3A_292 : memref<80x128xf32, #tpu.memory_space<vmem>>) target(%dma_start3A_298 : memref<10000x128xf32, #tpu.memory_space<vmem_shared>>) offsets(%dma_start3A_295 : memref<80xi32, #tpu.memory_space<vmem>>) semaphore(%arg29 : memref<!tpu.dma_semaphore, #tpu.memory_space<semaphore_mem>>) {add = true}
    %dma_wait3A_299 = arith.constant 0 : i32
    %dma_wait3A_300 = arith.constant 0 : i32
    %dma_wait3A_301 = arith.constant 0 : i32
    %dma_wait3A_302 = arith.constant 0 : i32
    %dma_wait3A_303 = tpu.memref_slice %arg14[%dma_wait3A_299, %dma_wait3A_301, %dma_wait3A_302] : memref<4x80x128xf32, #tpu.memory_space<vmem>> -> memref<1x80x128xf32, #tpu.memory_space<vmem>>
    %dma_wait3A_304 = tpu.memref_squeeze %dma_wait3A_303 : memref<1x80x128xf32, #tpu.memory_space<vmem>> -> memref<80x128xf32, #tpu.memory_space<vmem>>
    %dma_wait3A_305 = arith.constant 0 : i32
    %dma_wait3A_306 = tpu.memref_slice %arg9[%dma_wait3A_300, %dma_wait3A_305] : memref<4x80xi32, #tpu.memory_space<vmem>> -> memref<1x80xi32, #tpu.memory_space<vmem>>
    %dma_wait3A_307 = tpu.memref_squeeze %dma_wait3A_306 : memref<1x80xi32, #tpu.memory_space<vmem>> -> memref<80xi32, #tpu.memory_space<vmem>>
    %dma_wait3A_308 = arith.constant 0 : i32
    %dma_wait3A_309 = arith.constant 0 : i32
    %dma_wait3A_310 = tpu.memref_slice %arg16[%dma_wait3A_308, %dma_wait3A_309] : memref<10000x128xf32, #tpu.memory_space<vmem_shared>> -> memref<10000x128xf32, #tpu.memory_space<vmem_shared>>
    tpu.wait_indirect_dma semaphore(%arg29 : memref<!tpu.dma_semaphore, #tpu.memory_space<semaphore_mem>>) src(%dma_wait3A_304 : memref<80x128xf32, #tpu.memory_space<vmem>>) dst(%dma_wait3A_310 : memref<10000x128xf32, #tpu.memory_space<vmem_shared>>)
    %dma_wait3A_311 = arith.constant 0 : i32
    %dma_wait3A_312 = arith.constant 0 : i32
    %dma_wait3A_313 = tpu.memref_slice %arg13[%dma_wait3A_312] : memref<320xf32, #tpu.memory_space<vmem>> -> memref<80xf32, #tpu.memory_space<vmem>>
    %dma_wait3A_314 = arith.constant 0 : i32
    %dma_wait3A_315 = tpu.memref_slice %arg9[%dma_wait3A_311, %dma_wait3A_314] : memref<4x80xi32, #tpu.memory_space<vmem>> -> memref<1x80xi32, #tpu.memory_space<vmem>>
    %dma_wait3A_316 = tpu.memref_squeeze %dma_wait3A_315 : memref<1x80xi32, #tpu.memory_space<vmem>> -> memref<80xi32, #tpu.memory_space<vmem>>
    %dma_wait3A_317 = arith.constant 0 : i32
    %dma_wait3A_318 = tpu.memref_slice %arg15[%dma_wait3A_317] : memref<10000xf32, #tpu.memory_space<vmem_shared>> -> memref<10000xf32, #tpu.memory_space<vmem_shared>>
    tpu.wait_indirect_dma semaphore(%arg33 : memref<!tpu.dma_semaphore, #tpu.memory_space<semaphore_mem>>) src(%dma_wait3A_313 : memref<80xf32, #tpu.memory_space<vmem>>) dst(%dma_wait3A_318 : memref<10000xf32, #tpu.memory_space<vmem_shared>>)
    %dma_wait3A_319 = arith.constant 1 : i32
    %dma_wait3A_320 = arith.constant 1 : i32
    %dma_wait3A_321 = arith.constant 0 : i32
    %dma_wait3A_322 = arith.constant 0 : i32
    %dma_wait3A_323 = tpu.memref_slice %arg14[%dma_wait3A_319, %dma_wait3A_321, %dma_wait3A_322] : memref<4x80x128xf32, #tpu.memory_space<vmem>> -> memref<1x80x128xf32, #tpu.memory_space<vmem>>
    %dma_wait3A_324 = tpu.memref_squeeze %dma_wait3A_323 : memref<1x80x128xf32, #tpu.memory_space<vmem>> -> memref<80x128xf32, #tpu.memory_space<vmem>>
    %dma_wait3A_325 = arith.constant 0 : i32
    %dma_wait3A_326 = tpu.memref_slice %arg9[%dma_wait3A_320, %dma_wait3A_325] : memref<4x80xi32, #tpu.memory_space<vmem>> -> memref<1x80xi32, #tpu.memory_space<vmem>>
    %dma_wait3A_327 = tpu.memref_squeeze %dma_wait3A_326 : memref<1x80xi32, #tpu.memory_space<vmem>> -> memref<80xi32, #tpu.memory_space<vmem>>
    %dma_wait3A_328 = arith.constant 0 : i32
    %dma_wait3A_329 = arith.constant 0 : i32
    %dma_wait3A_330 = tpu.memref_slice %arg16[%dma_wait3A_328, %dma_wait3A_329] : memref<10000x128xf32, #tpu.memory_space<vmem_shared>> -> memref<10000x128xf32, #tpu.memory_space<vmem_shared>>
    tpu.wait_indirect_dma semaphore(%arg30 : memref<!tpu.dma_semaphore, #tpu.memory_space<semaphore_mem>>) src(%dma_wait3A_324 : memref<80x128xf32, #tpu.memory_space<vmem>>) dst(%dma_wait3A_330 : memref<10000x128xf32, #tpu.memory_space<vmem_shared>>)
    %dma_wait3A_331 = arith.constant 1 : i32
    %dma_wait3A_332 = arith.constant 80 : i32
    %dma_wait3A_333 = tpu.memref_slice %arg13[%dma_wait3A_332] : memref<320xf32, #tpu.memory_space<vmem>> -> memref<80xf32, #tpu.memory_space<vmem>>
    %dma_wait3A_334 = arith.constant 0 : i32
    %dma_wait3A_335 = tpu.memref_slice %arg9[%dma_wait3A_331, %dma_wait3A_334] : memref<4x80xi32, #tpu.memory_space<vmem>> -> memref<1x80xi32, #tpu.memory_space<vmem>>
    %dma_wait3A_336 = tpu.memref_squeeze %dma_wait3A_335 : memref<1x80xi32, #tpu.memory_space<vmem>> -> memref<80xi32, #tpu.memory_space<vmem>>
    %dma_wait3A_337 = arith.constant 0 : i32
    %dma_wait3A_338 = tpu.memref_slice %arg15[%dma_wait3A_337] : memref<10000xf32, #tpu.memory_space<vmem_shared>> -> memref<10000xf32, #tpu.memory_space<vmem_shared>>
    tpu.wait_indirect_dma semaphore(%arg34 : memref<!tpu.dma_semaphore, #tpu.memory_space<semaphore_mem>>) src(%dma_wait3A_333 : memref<80xf32, #tpu.memory_space<vmem>>) dst(%dma_wait3A_338 : memref<10000xf32, #tpu.memory_space<vmem_shared>>)
    %dma_wait3A_339 = arith.constant 2 : i32
    %dma_wait3A_340 = arith.constant 2 : i32
    %dma_wait3A_341 = arith.constant 0 : i32
    %dma_wait3A_342 = arith.constant 0 : i32
    %dma_wait3A_343 = tpu.memref_slice %arg14[%dma_wait3A_339, %dma_wait3A_341, %dma_wait3A_342] : memref<4x80x128xf32, #tpu.memory_space<vmem>> -> memref<1x80x128xf32, #tpu.memory_space<vmem>>
    %dma_wait3A_344 = tpu.memref_squeeze %dma_wait3A_343 : memref<1x80x128xf32, #tpu.memory_space<vmem>> -> memref<80x128xf32, #tpu.memory_space<vmem>>
    %dma_wait3A_345 = arith.constant 0 : i32
    %dma_wait3A_346 = tpu.memref_slice %arg9[%dma_wait3A_340, %dma_wait3A_345] : memref<4x80xi32, #tpu.memory_space<vmem>> -> memref<1x80xi32, #tpu.memory_space<vmem>>
    %dma_wait3A_347 = tpu.memref_squeeze %dma_wait3A_346 : memref<1x80xi32, #tpu.memory_space<vmem>> -> memref<80xi32, #tpu.memory_space<vmem>>
    %dma_wait3A_348 = arith.constant 0 : i32
    %dma_wait3A_349 = arith.constant 0 : i32
    %dma_wait3A_350 = tpu.memref_slice %arg16[%dma_wait3A_348, %dma_wait3A_349] : memref<10000x128xf32, #tpu.memory_space<vmem_shared>> -> memref<10000x128xf32, #tpu.memory_space<vmem_shared>>
    tpu.wait_indirect_dma semaphore(%arg31 : memref<!tpu.dma_semaphore, #tpu.memory_space<semaphore_mem>>) src(%dma_wait3A_344 : memref<80x128xf32, #tpu.memory_space<vmem>>) dst(%dma_wait3A_350 : memref<10000x128xf32, #tpu.memory_space<vmem_shared>>)
    %dma_wait3A_351 = arith.constant 2 : i32
    %dma_wait3A_352 = arith.constant 160 : i32
    %dma_wait3A_353 = tpu.memref_slice %arg13[%dma_wait3A_352] : memref<320xf32, #tpu.memory_space<vmem>> -> memref<80xf32, #tpu.memory_space<vmem>>
    %dma_wait3A_354 = arith.constant 0 : i32
    %dma_wait3A_355 = tpu.memref_slice %arg9[%dma_wait3A_351, %dma_wait3A_354] : memref<4x80xi32, #tpu.memory_space<vmem>> -> memref<1x80xi32, #tpu.memory_space<vmem>>
    %dma_wait3A_356 = tpu.memref_squeeze %dma_wait3A_355 : memref<1x80xi32, #tpu.memory_space<vmem>> -> memref<80xi32, #tpu.memory_space<vmem>>
    %dma_wait3A_357 = arith.constant 0 : i32
    %dma_wait3A_358 = tpu.memref_slice %arg15[%dma_wait3A_357] : memref<10000xf32, #tpu.memory_space<vmem_shared>> -> memref<10000xf32, #tpu.memory_space<vmem_shared>>
    tpu.wait_indirect_dma semaphore(%arg35 : memref<!tpu.dma_semaphore, #tpu.memory_space<semaphore_mem>>) src(%dma_wait3A_353 : memref<80xf32, #tpu.memory_space<vmem>>) dst(%dma_wait3A_358 : memref<10000xf32, #tpu.memory_space<vmem_shared>>)
    %dma_wait3A_359 = arith.constant 3 : i32
    %dma_wait3A_360 = arith.constant 3 : i32
    %dma_wait3A_361 = arith.constant 0 : i32
    %dma_wait3A_362 = arith.constant 0 : i32
    %dma_wait3A_363 = tpu.memref_slice %arg14[%dma_wait3A_359, %dma_wait3A_361, %dma_wait3A_362] : memref<4x80x128xf32, #tpu.memory_space<vmem>> -> memref<1x80x128xf32, #tpu.memory_space<vmem>>
    %dma_wait3A_364 = tpu.memref_squeeze %dma_wait3A_363 : memref<1x80x128xf32, #tpu.memory_space<vmem>> -> memref<80x128xf32, #tpu.memory_space<vmem>>
    %dma_wait3A_365 = arith.constant 0 : i32
    %dma_wait3A_366 = tpu.memref_slice %arg9[%dma_wait3A_360, %dma_wait3A_365] : memref<4x80xi32, #tpu.memory_space<vmem>> -> memref<1x80xi32, #tpu.memory_space<vmem>>
    %dma_wait3A_367 = tpu.memref_squeeze %dma_wait3A_366 : memref<1x80xi32, #tpu.memory_space<vmem>> -> memref<80xi32, #tpu.memory_space<vmem>>
    %dma_wait3A_368 = arith.constant 0 : i32
    %dma_wait3A_369 = arith.constant 0 : i32
    %dma_wait3A_370 = tpu.memref_slice %arg16[%dma_wait3A_368, %dma_wait3A_369] : memref<10000x128xf32, #tpu.memory_space<vmem_shared>> -> memref<10000x128xf32, #tpu.memory_space<vmem_shared>>
    tpu.wait_indirect_dma semaphore(%arg32 : memref<!tpu.dma_semaphore, #tpu.memory_space<semaphore_mem>>) src(%dma_wait3A_364 : memref<80x128xf32, #tpu.memory_space<vmem>>) dst(%dma_wait3A_370 : memref<10000x128xf32, #tpu.memory_space<vmem_shared>>)
    %dma_wait3A_371 = arith.constant 3 : i32
    %dma_wait3A_372 = arith.constant 240 : i32
    %dma_wait3A_373 = tpu.memref_slice %arg13[%dma_wait3A_372] : memref<320xf32, #tpu.memory_space<vmem>> -> memref<80xf32, #tpu.memory_space<vmem>>
    %dma_wait3A_374 = arith.constant 0 : i32
    %dma_wait3A_375 = tpu.memref_slice %arg9[%dma_wait3A_371, %dma_wait3A_374] : memref<4x80xi32, #tpu.memory_space<vmem>> -> memref<1x80xi32, #tpu.memory_space<vmem>>
    %dma_wait3A_376 = tpu.memref_squeeze %dma_wait3A_375 : memref<1x80xi32, #tpu.memory_space<vmem>> -> memref<80xi32, #tpu.memory_space<vmem>>
    %dma_wait3A_377 = arith.constant 0 : i32
    %dma_wait3A_378 = tpu.memref_slice %arg15[%dma_wait3A_377] : memref<10000xf32, #tpu.memory_space<vmem_shared>> -> memref<10000xf32, #tpu.memory_space<vmem_shared>>
    tpu.wait_indirect_dma semaphore(%arg36 : memref<!tpu.dma_semaphore, #tpu.memory_space<semaphore_mem>>) src(%dma_wait3A_373 : memref<80xf32, #tpu.memory_space<vmem>>) dst(%dma_wait3A_378 : memref<10000xf32, #tpu.memory_space<vmem_shared>>)
    %barrier3A_379 = arith.constant 0 : index
    tpu.barrier barrier_id(%barrier3A_379)
    %sub3A_380 = arith.constant 0 : i32
    %sub3A_381 = arith.subi %min3A_24, %sub3A_380 : i32
    %sub3A_382 = arith.constant 1 : i32
    %sub3A_383 = arith.constant 1 : i32
    %sub3A_384 = arith.subi %sub3A_382, %sub3A_383 : i32
    %add3A_385 = arith.addi %sub3A_381, %sub3A_384 : i32
    %div3A_386 = arith.constant 1 : i32
    %div3A_387 = arith.divsi %add3A_385, %div3A_386 : i32
    %while3A_388 = arith.constant 1 : i32
    %while3A_389 = arith.constant 0 : i32
    %while3A_390 = arith.constant 0 : i32
    %while3A_391 = arith.subi %div3A_387, %while3A_390 : i32
    %while3A_392 = arith.addi %while3A_390, %while3A_391 : i32
    %while3A_393 = arith.constant 1 : i32
    %while3A_394 = arith.divsi %while3A_391, %while3A_393 : i32
    %while3A_395 = arith.muli %while3A_394, %while3A_393 : i32
    %while3A_396 = arith.addi %while3A_390, %while3A_395 : i32
    %while3A_397 = arith.constant 1 : i32
    scf.for %while3A_399 = %while3A_390 to %while3A_396 step %while3A_397  : i32 {
      %mul3A_400 = arith.muli %while3A_399, %while3A_388 : i32
      %add3A_401 = arith.addi %while3A_389, %mul3A_400 : i32
      %mul3A_402 = arith.constant 80 : i32
      %mul3A_403 = arith.muli %add3A_401, %mul3A_402 : i32
      %add3A_404 = arith.addi %mul3A_5, %mul3A_403 : i32
      "tpu.region"() ({
        %run_scoped3A = tpu.sem_alloc : memref<!tpu.dma_semaphore, #tpu.memory_space<semaphore_mem>>
        %dma_start3A_408 = arith.constant 0 : i32
        %dma_start3A_409 = tpu.memref_slice %arg7[%arg0, %add3A_404, %dma_start3A_408] : memref<2x10000x128xf32, #tpu.memory_space<hbm>> -> memref<1x80x128xf32, #tpu.memory_space<hbm>>
        %dma_start3A_410 = tpu.memref_squeeze %dma_start3A_409 : memref<1x80x128xf32, #tpu.memory_space<hbm>> -> memref<80x128xf32, #tpu.memory_space<hbm>>
        %dma_start3A_411 = arith.constant 0 : i32
        %dma_start3A_412 = tpu.memref_slice %arg16[%add3A_404, %dma_start3A_411] : memref<10000x128xf32, #tpu.memory_space<vmem_shared>> -> memref<80x128xf32, #tpu.memory_space<vmem_shared>>
        tpu.enqueue_dma source(%dma_start3A_412 : memref<80x128xf32, #tpu.memory_space<vmem_shared>>) target(%dma_start3A_410 : memref<80x128xf32, #tpu.memory_space<hbm>>) target_semaphore(%run_scoped3A : memref<!tpu.dma_semaphore, #tpu.memory_space<semaphore_mem>>)
        %dma_wait3A_413 = arith.constant 0 : i32
        %dma_wait3A_414 = tpu.memref_slice %arg7[%arg0, %add3A_404, %dma_wait3A_413] : memref<2x10000x128xf32, #tpu.memory_space<hbm>> -> memref<1x80x128xf32, #tpu.memory_space<hbm>>
        %dma_wait3A_415 = tpu.memref_squeeze %dma_wait3A_414 : memref<1x80x128xf32, #tpu.memory_space<hbm>> -> memref<80x128xf32, #tpu.memory_space<hbm>>
        %dma_wait3A_416 = arith.constant 0 : i32
        %dma_wait3A_417 = tpu.memref_slice %arg16[%add3A_404, %dma_wait3A_416] : memref<10000x128xf32, #tpu.memory_space<vmem_shared>> -> memref<80x128xf32, #tpu.memory_space<vmem_shared>>
        tpu.wait_dma2 semaphore(%run_scoped3A : memref<!tpu.dma_semaphore, #tpu.memory_space<semaphore_mem>>) src(%dma_wait3A_417 : memref<80x128xf32, #tpu.memory_space<vmem_shared>>) dst(%dma_wait3A_415 : memref<80x128xf32, #tpu.memory_space<hbm>>)
        tpu.yield
      }) : () -> ()
      "tpu.region"() ({
        %run_scoped3A = tpu.sem_alloc : memref<!tpu.dma_semaphore, #tpu.memory_space<semaphore_mem>>
        %dma_start3A_408 = arith.constant 0 : i32
        %dma_start3A_409 = tpu.memref_slice %arg13[%dma_start3A_408] : memref<320xf32, #tpu.memory_space<vmem>> -> memref<80xf32, #tpu.memory_space<vmem>>
        %dma_start3A_410 = tpu.memref_slice %arg15[%add3A_404] : memref<10000xf32, #tpu.memory_space<vmem_shared>> -> memref<80xf32, #tpu.memory_space<vmem_shared>>
        %dma_start3A_411 = arith.constant 0 : i32
        %dma_start3A_412 = tpu.memref_slice %arg13[%dma_start3A_411] : memref<320xf32, #tpu.memory_space<vmem>> -> memref<80xf32, #tpu.memory_space<vmem>>
        %dma_start3A_413 = tpu.memref_slice %arg15[%add3A_404] : memref<10000xf32, #tpu.memory_space<vmem_shared>> -> memref<80xf32, #tpu.memory_space<vmem_shared>>
        tpu.enqueue_dma source(%dma_start3A_413 : memref<80xf32, #tpu.memory_space<vmem_shared>>) target(%dma_start3A_412 : memref<80xf32, #tpu.memory_space<vmem>>) target_semaphore(%run_scoped3A : memref<!tpu.dma_semaphore, #tpu.memory_space<semaphore_mem>>)
        %dma_wait3A_414 = arith.constant 0 : i32
        %dma_wait3A_415 = tpu.memref_slice %arg13[%dma_wait3A_414] : memref<320xf32, #tpu.memory_space<vmem>> -> memref<80xf32, #tpu.memory_space<vmem>>
        %dma_wait3A_416 = tpu.memref_slice %arg15[%add3A_404] : memref<10000xf32, #tpu.memory_space<vmem_shared>> -> memref<80xf32, #tpu.memory_space<vmem_shared>>
        %dma_wait3A_417 = arith.constant 0 : i32
        %dma_wait3A_418 = tpu.memref_slice %arg13[%dma_wait3A_417] : memref<320xf32, #tpu.memory_space<vmem>> -> memref<80xf32, #tpu.memory_space<vmem>>
        %dma_wait3A_419 = tpu.memref_slice %arg15[%add3A_404] : memref<10000xf32, #tpu.memory_space<vmem_shared>> -> memref<80xf32, #tpu.memory_space<vmem_shared>>
        tpu.wait_dma2 semaphore(%run_scoped3A : memref<!tpu.dma_semaphore, #tpu.memory_space<semaphore_mem>>) src(%dma_wait3A_419 : memref<80xf32, #tpu.memory_space<vmem_shared>>) dst(%dma_wait3A_418 : memref<80xf32, #tpu.memory_space<vmem>>)
        tpu.yield
      }) : () -> ()
      %mul3A_405 = arith.constant 10000 : i32
      %mul3A_406 = arith.muli %arg0, %mul3A_405 : i32
      %add3A_407 = arith.addi %mul3A_406, %add3A_404 : i32
      "tpu.region"() ({
        %run_scoped3A = tpu.sem_alloc : memref<!tpu.dma_semaphore, #tpu.memory_space<semaphore_mem>>
        %dma_start3A_408 = arith.constant 0 : i32
        %dma_start3A_409 = tpu.memref_slice %arg13[%dma_start3A_408] : memref<320xf32, #tpu.memory_space<vmem>> -> memref<80xf32, #tpu.memory_space<vmem>>
        %dma_start3A_410 = tpu.memref_slice %arg8[%add3A_407] : memref<20000xf32, #tpu.memory_space<hbm>> -> memref<80xf32, #tpu.memory_space<hbm>>
        %dma_start3A_411 = tpu.memref_slice %arg8[%add3A_407] : memref<20000xf32, #tpu.memory_space<hbm>> -> memref<80xf32, #tpu.memory_space<hbm>>
        %dma_start3A_412 = arith.constant 0 : i32
        %dma_start3A_413 = tpu.memref_slice %arg13[%dma_start3A_412] : memref<320xf32, #tpu.memory_space<vmem>> -> memref<80xf32, #tpu.memory_space<vmem>>
        tpu.enqueue_dma source(%dma_start3A_413 : memref<80xf32, #tpu.memory_space<vmem>>) target(%dma_start3A_411 : memref<80xf32, #tpu.memory_space<hbm>>) target_semaphore(%run_scoped3A : memref<!tpu.dma_semaphore, #tpu.memory_space<semaphore_mem>>)
        %dma_wait3A_414 = arith.constant 0 : i32
        %dma_wait3A_415 = tpu.memref_slice %arg13[%dma_wait3A_414] : memref<320xf32, #tpu.memory_space<vmem>> -> memref<80xf32, #tpu.memory_space<vmem>>
        %dma_wait3A_416 = tpu.memref_slice %arg8[%add3A_407] : memref<20000xf32, #tpu.memory_space<hbm>> -> memref<80xf32, #tpu.memory_space<hbm>>
        %dma_wait3A_417 = tpu.memref_slice %arg8[%add3A_407] : memref<20000xf32, #tpu.memory_space<hbm>> -> memref<80xf32, #tpu.memory_space<hbm>>
        %dma_wait3A_418 = arith.constant 0 : i32
        %dma_wait3A_419 = tpu.memref_slice %arg13[%dma_wait3A_418] : memref<320xf32, #tpu.memory_space<vmem>> -> memref<80xf32, #tpu.memory_space<vmem>>
        tpu.wait_dma2 semaphore(%run_scoped3A : memref<!tpu.dma_semaphore, #tpu.memory_space<semaphore_mem>>) src(%dma_wait3A_419 : memref<80xf32, #tpu.memory_space<vmem>>) dst(%dma_wait3A_417 : memref<80xf32, #tpu.memory_space<hbm>>)
        tpu.yield
      }) : () -> ()
    }
    %while3A_398 = arith.constant 1 : i32
    scf.for %while3A_399 = %while3A_396 to %while3A_392 step %while3A_398  : i32 {
      %mul3A_400 = arith.muli %while3A_399, %while3A_388 : i32
      %add3A_401 = arith.addi %while3A_389, %mul3A_400 : i32
      %mul3A_402 = arith.constant 80 : i32
      %mul3A_403 = arith.muli %add3A_401, %mul3A_402 : i32
      %add3A_404 = arith.addi %mul3A_5, %mul3A_403 : i32
      "tpu.region"() ({
        %run_scoped3A = tpu.sem_alloc : memref<!tpu.dma_semaphore, #tpu.memory_space<semaphore_mem>>
        %dma_start3A_408 = arith.constant 0 : i32
        %dma_start3A_409 = tpu.memref_slice %arg7[%arg0, %add3A_404, %dma_start3A_408] : memref<2x10000x128xf32, #tpu.memory_space<hbm>> -> memref<1x80x128xf32, #tpu.memory_space<hbm>>
        %dma_start3A_410 = tpu.memref_squeeze %dma_start3A_409 : memref<1x80x128xf32, #tpu.memory_space<hbm>> -> memref<80x128xf32, #tpu.memory_space<hbm>>
        %dma_start3A_411 = arith.constant 0 : i32
        %dma_start3A_412 = tpu.memref_slice %arg16[%add3A_404, %dma_start3A_411] : memref<10000x128xf32, #tpu.memory_space<vmem_shared>> -> memref<80x128xf32, #tpu.memory_space<vmem_shared>>
        tpu.enqueue_dma source(%dma_start3A_412 : memref<80x128xf32, #tpu.memory_space<vmem_shared>>) target(%dma_start3A_410 : memref<80x128xf32, #tpu.memory_space<hbm>>) target_semaphore(%run_scoped3A : memref<!tpu.dma_semaphore, #tpu.memory_space<semaphore_mem>>)
        %dma_wait3A_413 = arith.constant 0 : i32
        %dma_wait3A_414 = tpu.memref_slice %arg7[%arg0, %add3A_404, %dma_wait3A_413] : memref<2x10000x128xf32, #tpu.memory_space<hbm>> -> memref<1x80x128xf32, #tpu.memory_space<hbm>>
        %dma_wait3A_415 = tpu.memref_squeeze %dma_wait3A_414 : memref<1x80x128xf32, #tpu.memory_space<hbm>> -> memref<80x128xf32, #tpu.memory_space<hbm>>
        %dma_wait3A_416 = arith.constant 0 : i32
        %dma_wait3A_417 = tpu.memref_slice %arg16[%add3A_404, %dma_wait3A_416] : memref<10000x128xf32, #tpu.memory_space<vmem_shared>> -> memref<80x128xf32, #tpu.memory_space<vmem_shared>>
        tpu.wait_dma2 semaphore(%run_scoped3A : memref<!tpu.dma_semaphore, #tpu.memory_space<semaphore_mem>>) src(%dma_wait3A_417 : memref<80x128xf32, #tpu.memory_space<vmem_shared>>) dst(%dma_wait3A_415 : memref<80x128xf32, #tpu.memory_space<hbm>>)
        tpu.yield
      }) : () -> ()
      "tpu.region"() ({
        %run_scoped3A = tpu.sem_alloc : memref<!tpu.dma_semaphore, #tpu.memory_space<semaphore_mem>>
        %dma_start3A_408 = arith.constant 0 : i32
        %dma_start3A_409 = tpu.memref_slice %arg13[%dma_start3A_408] : memref<320xf32, #tpu.memory_space<vmem>> -> memref<80xf32, #tpu.memory_space<vmem>>
        %dma_start3A_410 = tpu.memref_slice %arg15[%add3A_404] : memref<10000xf32, #tpu.memory_space<vmem_shared>> -> memref<80xf32, #tpu.memory_space<vmem_shared>>
        %dma_start3A_411 = arith.constant 0 : i32
        %dma_start3A_412 = tpu.memref_slice %arg13[%dma_start3A_411] : memref<320xf32, #tpu.memory_space<vmem>> -> memref<80xf32, #tpu.memory_space<vmem>>
        %dma_start3A_413 = tpu.memref_slice %arg15[%add3A_404] : memref<10000xf32, #tpu.memory_space<vmem_shared>> -> memref<80xf32, #tpu.memory_space<vmem_shared>>
        tpu.enqueue_dma source(%dma_start3A_413 : memref<80xf32, #tpu.memory_space<vmem_shared>>) target(%dma_start3A_412 : memref<80xf32, #tpu.memory_space<vmem>>) target_semaphore(%run_scoped3A : memref<!tpu.dma_semaphore, #tpu.memory_space<semaphore_mem>>)
        %dma_wait3A_414 = arith.constant 0 : i32
        %dma_wait3A_415 = tpu.memref_slice %arg13[%dma_wait3A_414] : memref<320xf32, #tpu.memory_space<vmem>> -> memref<80xf32, #tpu.memory_space<vmem>>
        %dma_wait3A_416 = tpu.memref_slice %arg15[%add3A_404] : memref<10000xf32, #tpu.memory_space<vmem_shared>> -> memref<80xf32, #tpu.memory_space<vmem_shared>>
        %dma_wait3A_417 = arith.constant 0 : i32
        %dma_wait3A_418 = tpu.memref_slice %arg13[%dma_wait3A_417] : memref<320xf32, #tpu.memory_space<vmem>> -> memref<80xf32, #tpu.memory_space<vmem>>
        %dma_wait3A_419 = tpu.memref_slice %arg15[%add3A_404] : memref<10000xf32, #tpu.memory_space<vmem_shared>> -> memref<80xf32, #tpu.memory_space<vmem_shared>>
        tpu.wait_dma2 semaphore(%run_scoped3A : memref<!tpu.dma_semaphore, #tpu.memory_space<semaphore_mem>>) src(%dma_wait3A_419 : memref<80xf32, #tpu.memory_space<vmem_shared>>) dst(%dma_wait3A_418 : memref<80xf32, #tpu.memory_space<vmem>>)
        tpu.yield
      }) : () -> ()
      %mul3A_405 = arith.constant 10000 : i32
      %mul3A_406 = arith.muli %arg0, %mul3A_405 : i32
      %add3A_407 = arith.addi %mul3A_406, %add3A_404 : i32
      "tpu.region"() ({
        %run_scoped3A = tpu.sem_alloc : memref<!tpu.dma_semaphore, #tpu.memory_space<semaphore_mem>>
        %dma_start3A_408 = arith.constant 0 : i32
        %dma_start3A_409 = tpu.memref_slice %arg13[%dma_start3A_408] : memref<320xf32, #tpu.memory_space<vmem>> -> memref<80xf32, #tpu.memory_space<vmem>>
        %dma_start3A_410 = tpu.memref_slice %arg8[%add3A_407] : memref<20000xf32, #tpu.memory_space<hbm>> -> memref<80xf32, #tpu.memory_space<hbm>>
        %dma_start3A_411 = tpu.memref_slice %arg8[%add3A_407] : memref<20000xf32, #tpu.memory_space<hbm>> -> memref<80xf32, #tpu.memory_space<hbm>>
        %dma_start3A_412 = arith.constant 0 : i32
        %dma_start3A_413 = tpu.memref_slice %arg13[%dma_start3A_412] : memref<320xf32, #tpu.memory_space<vmem>> -> memref<80xf32, #tpu.memory_space<vmem>>
        tpu.enqueue_dma source(%dma_start3A_413 : memref<80xf32, #tpu.memory_space<vmem>>) target(%dma_start3A_411 : memref<80xf32, #tpu.memory_space<hbm>>) target_semaphore(%run_scoped3A : memref<!tpu.dma_semaphore, #tpu.memory_space<semaphore_mem>>)
        %dma_wait3A_414 = arith.constant 0 : i32
        %dma_wait3A_415 = tpu.memref_slice %arg13[%dma_wait3A_414] : memref<320xf32, #tpu.memory_space<vmem>> -> memref<80xf32, #tpu.memory_space<vmem>>
        %dma_wait3A_416 = tpu.memref_slice %arg8[%add3A_407] : memref<20000xf32, #tpu.memory_space<hbm>> -> memref<80xf32, #tpu.memory_space<hbm>>
        %dma_wait3A_417 = tpu.memref_slice %arg8[%add3A_407] : memref<20000xf32, #tpu.memory_space<hbm>> -> memref<80xf32, #tpu.memory_space<hbm>>
        %dma_wait3A_418 = arith.constant 0 : i32
        %dma_wait3A_419 = tpu.memref_slice %arg13[%dma_wait3A_418] : memref<320xf32, #tpu.memory_space<vmem>> -> memref<80xf32, #tpu.memory_space<vmem>>
        tpu.wait_dma2 semaphore(%run_scoped3A : memref<!tpu.dma_semaphore, #tpu.memory_space<semaphore_mem>>) src(%dma_wait3A_419 : memref<80xf32, #tpu.memory_space<vmem>>) dst(%dma_wait3A_417 : memref<80xf32, #tpu.memory_space<hbm>>)
        tpu.yield
      }) : () -> ()
    }
    return
  }
}

module attributes {stable_mosaic.version = 14 : i64} {
  func.func @_dense_body(%arg0: i32, %arg1: memref<1000x128xf32, #tpu.memory_space<vmem>>, %arg2: memref<128x128xf32, #tpu.memory_space<vmem>>, %arg3: memref<128x2xf32, #tpu.memory_space<vmem>>, %arg4: memref<1x128xf32, #tpu.memory_space<vmem>>, %arg5: memref<1000x128xf32, #tpu.memory_space<vmem>>, %arg6: memref<1000x2xf32, #tpu.memory_space<vmem>>) attributes {dimension_semantics = [#tpu.dimension_semantics<arbitrary>], iteration_bounds = array<i64: 10>, scalar_prefetch = 0 : i64, scratch_operands = 0 : i64, tpu.core_type = #tpu.core_type<tc>, window_params = [{transform_indices = @transform_0, window_bounds = array<i64: 1000, 128>}, {pipeline_mode = #tpu.pipeline_mode<synchronous>, transform_indices = @transform_1, window_bounds = array<i64: 128, 128>}, {pipeline_mode = #tpu.pipeline_mode<synchronous>, transform_indices = @transform_2, window_bounds = array<i64: 128, 2>}, {pipeline_mode = #tpu.pipeline_mode<synchronous>, transform_indices = @transform_3, window_bounds = array<i64: 1, 128>}, {transform_indices = @transform_4, window_bounds = array<i64: 1000, 128>}, {transform_indices = @transform_5, window_bounds = array<i64: 1000, 2>}]} {
    %get3A = arith.constant 0 : index
    %get3A_0 = arith.constant 0 : index
    %get3A_1 = vector.load %arg1[%get3A, %get3A_0] : memref<1000x128xf32, #tpu.memory_space<vmem>>, vector<1000x128xf32>
    %get3A_2 = arith.constant 0 : index
    %get3A_3 = arith.constant 0 : index
    %get3A_4 = vector.load %arg2[%get3A_2, %get3A_3] : memref<128x128xf32, #tpu.memory_space<vmem>>, vector<128x128xf32>
    %dot_general3A = arith.constant dense<0.000000e+00> : vector<1000x128xf32>
    %dot_general3A_5 = tpu.matmul %get3A_1, %get3A_4, %dot_general3A {dimension_numbers = #tpu.dot_dimension_numbers<[1], [0], [0], [1], [0, 0, 1, 1], [], []>, transpose_lhs_hint = false} : vector<1000x128xf32>, vector<128x128xf32>, vector<1000x128xf32> -> vector<1000x128xf32>
    %get3A_6 = arith.constant 0 : index
    %get3A_7 = arith.constant 0 : index
    %get3A_8 = vector.load %arg4[%get3A_6, %get3A_7] : memref<1x128xf32, #tpu.memory_space<vmem>>, vector<1x128xf32>
    %add3A = vector.broadcast %get3A_8 : vector<1x128xf32> to vector<1000x128xf32>
    %add3A_9 = arith.addf %dot_general3A_5, %add3A : vector<1000x128xf32>
    %swap3A = arith.constant 0 : index
    %swap3A_10 = arith.constant 0 : index
    %swap3A_11 = vector.load %arg5[%swap3A, %swap3A_10] : memref<1000x128xf32, #tpu.memory_space<vmem>>, vector<1000x128xf32>
    tpu.vector_store %arg5[%swap3A, %swap3A_10], %add3A_9 {strides = array<i32>} : memref<1000x128xf32, #tpu.memory_space<vmem>>, vector<1000x128xf32>,
    %get3A_12 = arith.constant 0 : index
    %get3A_13 = arith.constant 0 : index
    %get3A_14 = vector.load %arg3[%get3A_12, %get3A_13] : memref<128x2xf32, #tpu.memory_space<vmem>>, vector<128x2xf32>
    %dot_general3A_15 = arith.constant dense<0.000000e+00> : vector<1000x2xf32>
    %dot_general3A_16 = tpu.matmul %add3A_9, %get3A_14, %dot_general3A_15 {dimension_numbers = #tpu.dot_dimension_numbers<[1], [0], [0], [1], [0, 0, 1, 1], [], []>, transpose_lhs_hint = false} : vector<1000x128xf32>, vector<128x2xf32>, vector<1000x2xf32> -> vector<1000x2xf32>
    %swap3A_17 = arith.constant 0 : index
    %swap3A_18 = arith.constant 0 : index
    %swap3A_19 = vector.load %arg6[%swap3A_17, %swap3A_18] : memref<1000x2xf32, #tpu.memory_space<vmem>>, vector<1000x2xf32>
    tpu.vector_store %arg6[%swap3A_17, %swap3A_18], %dot_general3A_16 {strides = array<i32>} : memref<1000x2xf32, #tpu.memory_space<vmem>>, vector<1000x2xf32>,
    return
  }
  func.func @transform_0(%arg0: i32) -> (i32, i32) {
    %c0_i32 = arith.constant 0 : i32
    %c0_i32_0 = arith.constant 0 : i32
    return %arg0, %c0_i32 : i32, i32
  }
  func.func @transform_1(%arg0: i32) -> (i32, i32) {
    %c0_i32 = arith.constant 0 : i32
    %c0_i32_0 = arith.constant 0 : i32
    %c0_i32_1 = arith.constant 0 : i32
    return %c0_i32, %c0_i32_0 : i32, i32
  }
  func.func @transform_2(%arg0: i32) -> (i32, i32) {
    %c0_i32 = arith.constant 0 : i32
    %c0_i32_0 = arith.constant 0 : i32
    %c0_i32_1 = arith.constant 0 : i32
    return %c0_i32, %c0_i32_0 : i32, i32
  }
  func.func @transform_3(%arg0: i32) -> (i32, i32) {
    %c0_i32 = arith.constant 0 : i32
    %c0_i32_0 = arith.constant 0 : i32
    %c0_i32_1 = arith.constant 0 : i32
    return %c0_i32, %c0_i32_0 : i32, i32
  }
  func.func @transform_4(%arg0: i32) -> (i32, i32) {
    %c0_i32 = arith.constant 0 : i32
    %c0_i32_0 = arith.constant 0 : i32
    return %arg0, %c0_i32 : i32, i32
  }
  func.func @transform_5(%arg0: i32) -> (i32, i32) {
    %c0_i32 = arith.constant 0 : i32
    %c0_i32_0 = arith.constant 0 : i32
    return %arg0, %c0_i32 : i32, i32
  }
}

module attributes {stable_mosaic.version = 14 : i64} {
  func.func @_comb_body(%arg0: i32, %arg1: memref<2x1000x128xf32, #tpu.memory_space<vmem>>, %arg2: memref<2x1000x1xf32, #tpu.memory_space<vmem>>, %arg3: memref<1000x128xf32, #tpu.memory_space<vmem>>) attributes {dimension_semantics = [#tpu.dimension_semantics<arbitrary>], iteration_bounds = array<i64: 10>, scalar_prefetch = 0 : i64, scratch_operands = 0 : i64, tpu.core_type = #tpu.core_type<tc>, window_params = [{transform_indices = @transform_0, window_bounds = array<i64: 2, 1000, 128>}, {transform_indices = @transform_1, window_bounds = array<i64: 2, 1000, 1>}, {transform_indices = @transform_2, window_bounds = array<i64: 1000, 128>}]} {
    %get3A = arith.constant 0 : index
    %get3A_0 = arith.constant 0 : index
    %get3A_1 = arith.constant 0 : index
    %get3A_2 = vector.load %arg2[%get3A, %get3A_0, %get3A_1] : memref<2x1000x1xf32, #tpu.memory_space<vmem>>, vector<1x1000x1xf32>
    %get3A_3 = vector.shape_cast %get3A_2 : vector<1x1000x1xf32> to vector<1000x1xf32>
    %get3A_4 = arith.constant 1 : index
    %get3A_5 = arith.constant 0 : index
    %get3A_6 = arith.constant 0 : index
    %get3A_7 = vector.load %arg2[%get3A_4, %get3A_5, %get3A_6] : memref<2x1000x1xf32, #tpu.memory_space<vmem>>, vector<1x1000x1xf32>
    %get3A_8 = vector.shape_cast %get3A_7 : vector<1x1000x1xf32> to vector<1000x1xf32>
    %add3A = arith.addf %get3A_3, %get3A_8 : vector<1000x1xf32>
    %get3A_9 = arith.constant 0 : index
    %get3A_10 = arith.constant 0 : index
    %get3A_11 = arith.constant 0 : index
    %get3A_12 = vector.load %arg1[%get3A_9, %get3A_10, %get3A_11] : memref<2x1000x128xf32, #tpu.memory_space<vmem>>, vector<1x1000x128xf32>
    %get3A_13 = vector.shape_cast %get3A_12 : vector<1x1000x128xf32> to vector<1000x128xf32>
    %get3A_14 = arith.constant 1 : index
    %get3A_15 = arith.constant 0 : index
    %get3A_16 = arith.constant 0 : index
    %get3A_17 = vector.load %arg1[%get3A_14, %get3A_15, %get3A_16] : memref<2x1000x128xf32, #tpu.memory_space<vmem>>, vector<1x1000x128xf32>
    %get3A_18 = vector.shape_cast %get3A_17 : vector<1x1000x128xf32> to vector<1000x128xf32>
    %add3A_19 = arith.addf %get3A_13, %get3A_18 : vector<1000x128xf32>
    %gt3A = arith.constant 0.000000e+00 : f32
    %gt3A_20 = vector.broadcast %gt3A : f32 to vector<1000x1xf32>
    %gt3A_21 = arith.cmpf ogt, %add3A, %gt3A_20 : vector<1000x1xf32>
    %div3A = vector.broadcast %add3A : vector<1000x1xf32> to vector<1000x128xf32>
    %div3A_22 = arith.divf %add3A_19, %div3A : vector<1000x128xf32>
    %jit3A = arith.constant 0.000000e+00 : f32
    %broadcast_in_dim3A = vector.shape_cast %gt3A_21 : vector<1000x1xi1> to vector<1000x1xi1>
    %broadcast_in_dim3A_23 = vector.broadcast %broadcast_in_dim3A : vector<1000x1xi1> to vector<1000x128xi1>
    %broadcast_in_dim3A_24 = vector.broadcast %jit3A : f32 to vector<1000x128xf32>
    %select_n3A = arith.select %broadcast_in_dim3A_23, %div3A_22, %broadcast_in_dim3A_24 : vector<1000x128xi1>, vector<1000x128xf32>
    %swap3A = arith.constant 0 : index
    %swap3A_25 = arith.constant 0 : index
    %swap3A_26 = vector.load %arg3[%swap3A, %swap3A_25] : memref<1000x128xf32, #tpu.memory_space<vmem>>, vector<1000x128xf32>
    tpu.vector_store %arg3[%swap3A, %swap3A_25], %select_n3A {strides = array<i32>} : memref<1000x128xf32, #tpu.memory_space<vmem>>, vector<1000x128xf32>,
    return
  }
  func.func @transform_0(%arg0: i32) -> (i32, i32, i32) {
    %c0_i32 = arith.constant 0 : i32
    %c0_i32_0 = arith.constant 0 : i32
    %c0_i32_1 = arith.constant 0 : i32
    return %c0_i32, %arg0, %c0_i32_0 : i32, i32, i32
  }
  func.func @transform_1(%arg0: i32) -> (i32, i32, i32) {
    %c0_i32 = arith.constant 0 : i32
    %c0_i32_0 = arith.constant 0 : i32
    %c0_i32_1 = arith.constant 0 : i32
    return %c0_i32, %arg0, %c0_i32_0 : i32, i32, i32
  }
  func.func @transform_2(%arg0: i32) -> (i32, i32) {
    %c0_i32 = arith.constant 0 : i32
    %c0_i32_0 = arith.constant 0 : i32
    return %arg0, %c0_i32 : i32, i32
  }
}

</mosaic_0001>

<sc_bundles>
// kernel: kernel.5.cloned.1.call-start
scs
__scs_entry_jumppad:
0x0: {  	(pc) =	sbr.rel $0x88, $3  }
0x1: {  	(tag) =	ssettag $0x0;
	lr =	simm.s32 $0x1  }
0x2: {  	[smem:$0x3F9C] =	sst lr;
	_ =	strace $0xD0000000  }
0x3: {  	_ = 	snop  }
0x4: {  	_ = 	snop  }
0x5: {  	_ = 	snop  }
0x6: {  	_ = 	snop  }
0x7: {  	_ = 	snop  }
__scs_overlays_trampoline_lowered:
0x8: {  	[smem:$0x3FAB] =	sst s0  }
0x9: {  	[smem:$0x3FAC] =	sst s1  }
0xa: {  	[smem:$0x3FAD] =	sst s2  }
0xb: {  	[smem:$0x3FAE] =	sst s3  }
0xc: {  	[smem:$0x3FAF] =	sst s4  }
0xd: {  	[smem:$0x3FB0] =	sst s5  }
0xe: {  	[smem:$0x3FB1] =	sst s6  }
0xf: {  	[smem:$0x3FB2] =	sst s7  }
0x10: {  	[smem:$0x3FB3] =	sst s8  }
0x11: {  	[smem:$0x3FB4] =	sst s9;
	s0 =	simm.s32 @!p0 $0x0  }
0x12: {  	s1 =	sld [smem:$0x3F9A];
	s0 =	simm.s32 @p0 $0x1  }
0x13: {  	[smem:$0x3FB5] =	sst s0;
	s0 =	simm.s32 @!p1 $0x0  }
0x14: {  	s2 =	sld [smem:$0x3F99];
	s0 =	simm.s32 @p1 $0x1  }
0x15: {  	[smem:$0x3FB6] =	sst s0;
	s0 =	simm.s32 @!p2 $0x0  }
0x16: {  	s3 =	sld [smem:$0x3FDB];
	s0 =	simm.s32 @p2 $0x1  }
0x17: {  	s4 =	simm.s32 $0x1BF5;
	[smem:$0x3FB8] =	sst s0  }
0x18: {  	s0 =	sld [smem:$0x3F9B];
	_ =	swait.ge [sflag:s4], $0x0  }
0x19: {  	s7 =	sld [smem:$0x3F9C]  }
0x1a: {  	s8 =	sadd.s32 $0xFFFFE003, lr  }
0x1b: {  	s9 =	sadd.s32 $0xFFFFFEF7, lr;
	s5 =	simm.s32 $0xFFFFFFFF;
	p2 =	slt.u32 s8, $0xFFFFF086  }
0x1c: {  	p1 =	slt.u32 s9, $0xF7A;
	s5 =	simm.s32 @!p2 $0x0  }
0x1d: {  	s5 =	simm.s32 @p1 $0x1;
	p0 =	seq.s32 s7, s2  }
0x1e: {  	s7 =	smul.u32 @!p0 $0xF7A, s2;
	p2 =	seq.s32 @!p0 s5, $0x0  }
0x1f: {  	s9 =	smul.u32 $0xF7A, s1;
	s8 =	simm.s32 @!p0 $0x1BF5;
	p2 =	por !p2, p0  }
0x20: {  	[sflag:s8] =	ssyncset.s32 @!p0 $0xFFFFF086;
	s6 =	sadd.s32 @!p0 s3, s7;
	s7 =	simm.s32 @!p0 $0x108  }
0x21: {  	s3 =	sadd.s32 s3, s9;
	s6 =	sadd.s32 @!p0 $0x88, s6;
	s7 =	simm.s32 @p2 $0x1082  }
0x22: {  	[simem:s7], [sflag:s8] =	dma.local @!p0 [hbm:s6], $0xF7A  }
0x23: {  	s9 =	sor.u32 $0xD0000000, s2;
	s6 =	simm.s32 $0x108;
	_ =	swait.ge @!p0 [sflag:s8], $0x0  }
0x24: {  	s3 =	sadd.s32 $0x88, s3;
	s6 =	simm.s32 @!p1 $0x1082;
	[sflag:s4] =	ssyncset.s32 $0xFFFFF086  }
0x25: {  	[simem:s6], [sflag:s4] =	dma.local [hbm:s3], $0xF7A  }
0x26: {  	[smem:$0x3F9C] =	sst s1;
	(tag) =	ssettag s2;
	_ =	strace s9  }
0x27: {  	s1 =	sld [smem:$0x3FAC]  }
0x28: {  	s2 =	sld [smem:$0x3FAD]  }
0x29: {  	s4 =	sld [smem:$0x3FAF]  }
0x2a: {  	p0 =	seq.s32 s5, $0x0;
	s5 =	sld [smem:$0x3FB0]  }
0x2b: {  	s6 =	sld [smem:$0x3FB1]  }
0x2c: {  	s7 =	sld [smem:$0x3FB2]  }
0x2d: {  	s3 =	simm.s32 $0x108;
	s8 =	sld [smem:$0x3FB3]  }
0x2e: {  	s3 =	simm.s32 @!p0 $0x1082;
	s9 =	sld [smem:$0x3FB4]  }
0x2f: {  	lr =	sadd.s32 s0, s3;
	s0 =	sld [smem:$0x3FAB]  }
0x30: {  	s3 =	sld [smem:$0x3FAE]  }
0x31: {  	[smem:$0x3FB7] =	sst s10  }
0x32: {  	s10 =	sld [smem:$0x3FB5];
	_ =	sdelay $0x3  }
0x33: {  	p0 =	seq.s32 s10, $0x1;
	s10 =	sld [smem:$0x3FB7];
	_ =	sdelay $0x3  }
0x34: {  	[smem:$0x3FB7] =	sst s10  }
0x35: {  	s10 =	sld [smem:$0x3FB6];
	_ =	sdelay $0x3  }
0x36: {  	p1 =	seq.s32 s10, $0x1;
	s10 =	sld [smem:$0x3FB7];
	_ =	sdelay $0x3  }
0x37: {  	[smem:$0x3FB7] =	sst s10  }
0x38: {  	s10 =	sld [smem:$0x3FB8]  }
0x39: {  	_ = 	snop;
	(pc) =	sbr.ind lr, $3  }
0x3a: {  	_ = 	snop  }
0x3b: {  	_ = 	snop  }
0x3c: {  	p2 =	seq.s32 s10, $0x1;
	s10 =	sld [smem:$0x3FB7]  }
0x3d: {  	_ =	shalt  }
0x3e: {  	_ =	shalt  }
0x3f: {  	_ =	shalt  }
0x40: {  	_ =	shalt  }
0x41: {  	_ =	shalt  }
0x42: {  	_ =	shalt  }
0x43: {  	_ =	shalt  }
0x44: {  	_ =	shalt  }
0x45: {  	_ =	shalt  }
0x46: {  	_ =	shalt  }
0x47: {  	_ =	shalt  }
0x48: {  	_ =	shalt  }
0x49: {  	_ =	shalt  }
0x4a: {  	_ =	shalt  }
0x4b: {  	_ =	shalt  }
0x4c: {  	_ =	shalt  }
0x4d: {  	_ =	shalt  }
0x4e: {  	_ =	shalt  }
0x4f: {  	_ =	shalt  }
0x50: {  	_ =	shalt  }
0x51: {  	_ =	shalt  }
0x52: {  	_ =	shalt  }
0x53: {  	_ =	shalt  }
0x54: {  	_ =	shalt  }
0x55: {  	_ =	shalt  }
0x56: {  	_ =	shalt  }
0x57: {  	_ =	shalt  }
0x58: {  	_ =	shalt  }
0x59: {  	_ =	shalt  }
0x5a: {  	_ =	shalt  }
0x5b: {  	_ =	shalt  }
0x5c: {  	_ =	shalt  }
0x5d: {  	_ =	shalt  }
0x5e: {  	_ =	shalt  }
0x5f: {  	_ =	shalt  }
0x60: {  	_ =	shalt  }
0x61: {  	_ =	shalt  }
0x62: {  	_ =	shalt  }
0x63: {  	_ =	shalt  }
0x64: {  	_ =	shalt  }
0x65: {  	_ =	shalt  }
0x66: {  	_ =	shalt  }
0x67: {  	_ =	shalt  }
0x68: {  	_ =	shalt  }
0x69: {  	_ =	shalt  }
0x6a: {  	_ =	shalt  }
0x6b: {  	_ =	shalt  }
0x6c: {  	_ =	shalt  }
0x6d: {  	_ =	shalt  }
0x6e: {  	_ =	shalt  }
0x6f: {  	_ =	shalt  }
0x70: {  	_ =	shalt  }
0x71: {  	_ =	shalt  }
0x72: {  	_ =	shalt  }
0x73: {  	_ =	shalt  }
0x74: {  	_ =	shalt  }
0x75: {  	_ =	shalt  }
0x76: {  	_ =	shalt  }
0x77: {  	_ =	shalt  }
0x78: {  	_ =	shalt  }
0x79: {  	_ =	shalt  }
0x7a: {  	_ =	shalt  }
0x7b: {  	_ =	shalt  }
0x7c: {  	_ =	shalt  }
0x7d: {  	_ =	shalt  }
0x7e: {  	_ =	shalt  }
0x7f: {  	_ =	shalt  }
0x80: {  	_ =	shalt  }
0x81: {  	_ =	shalt  }
0x82: {  	_ =	shalt  }
0x83: {  	_ =	shalt  }
0x84: {  	_ =	shalt  }
0x85: {  	_ =	shalt  }
0x86: {  	_ =	shalt  }
0x87: {  	_ =	shalt  }
.Lfunc_end0:
.L_simem_size_0:
called_computation_lowered:
.L_overlay_start_0:
0x88: {  	s2 =	sld [smem:$0x3FD9]  }
0x89: {  	s3 =	sld [smem:$0x3FFE];
	_ =	sdelay $0x1  }
0x8a: {  	s1 =	srdreg.scid  }
0x8b: {  	s0 =	sand.u32 $0x1, s1  }
0x8c: {  	s17 =	sshll.u32 s0, $0xA;
	s2 =	sadd.s32 s3, s2  }
0x8d: {  	s2 =	sadd.s32 s2, s17  }
0x8e: {  	[smem:$0x3FC3] =	sst s2  }
0x8f: {  	_ = 	snop  }
0x90: {  	s2 =	sld [smem:$0x3FD0];
	(tm) =	ssettm $0x1  }
0x91: {  	s18 =	sld [smem:$0x3FFB];
	_ =	sdelay $0x3  }
0x92: {  	_ =	strace s18  }
0x93: {  	s3 =	sld [smem:$0x3FFC];
	_ =	sdelay $0x3  }
0x94: {  	_ =	strace s3  }
0x95: {  	s3 =	sld [smem:$0x3FFD];
	_ =	sdelay $0x3  }
0x96: {  	_ =	strace s3  }
0x97: {  	_ =	strace $0x8FFFFFFF  }
0x98: {  	s19 =	sld [smem:$0x3FDB];
	_ =	sdelay $0x1  }
0x99: {  	s4 =	simm.s32 $_scs_section_size  }
0x9a: {  	s5 =	simm.s32 $_size__tile_overlayer_lowered;
	s6 =	simm.s32 $_tile_overlayer_lowered  }
0x9b: {  	s22 =	simm.s32 $0x1BFF;
	s21 =	sshll.u32 s6, $0x1;
	s3 =	sadd.s32 s4, s19  }
0x9c: {  	s7 =	simm.s32 $0x0;
	s20 =	sshll.u32 s5, $0x1;
	s5 =	sadd.s32 s21, s3  }
0x9d: {  	[timem:s7], [sflag:s22] =	dma.local [hbm:s5], s20  }
0x9e: {  	_ =	swait.ge [sflag:s22], s20  }
0x9f: {  	s4 =	ssub.s32 $0x0, s20;
	[sflag:s22] =	ssyncset.done $0x0  }
0xa0: {  	[sflag:s22] =	ssyncadd.s32 s4;
	_ =	sdelay $0x1  }
0xa1: {  	s23 =	simm.s32 $0x1B8B  }
0xa2: {  	_ =	swait.ge [sflag:s23], $0x1  }
0xa3: {  	[sflag:s23] =	ssyncset.done $0x0  }
0xa4: {  	s25 =	simm.s32 $0x1B8E;
	s24 =	sld [smem:$0x3FFE];
	[sflag:s23] =	ssyncadd.s32 $0xFFFFFFFF  }
0xa5: {  	s26 =	simm.s32 $execute0_lowered;
	[smem:$0x3FD2] =	sst s25  }
0xa6: {  	s5 =	sshll.u32 s26, $0x1;
	_ =	strace $0x80000046;
	[dreg:$0x1] =	wrdreg $0xFFFFFFFF  }
0xa7: {  	s28 =	simm.s32 $_size_execute0_lowered;
	s3 =	sadd.s32 s3, s5;
	[dreg:$0x0] =	wrdreg $0x0  }
0xa8: {  	s5 =	sshll.u32 s28, $0x1;
	[dreg:$0x2] =	wrdreg s3  }
0xa9: {  	[dreg:$0x3] =	wrdreg s5  }
0xaa: {  	[dreg:$0x4] =	wrdreg $0xC0  }
0xab: {  	_ =	task [dreg:s7], $0x5FFFF  }
0xac: {  	[dreg:$0x1] =	wrdreg $0xFFFFFFFF  }
0xad: {  	[dreg:$0x0] =	wrdreg $0x60  }
0xae: {  	[dreg:$0x2] =	wrdreg s24  }
0xaf: {  	[dreg:$0x3] =	wrdreg s2  }
0xb0: {  	[dreg:$0x4] =	wrdreg $0xABF80  }
0xb1: {  	[dreg:$0x5] =	wrdreg $0xA9800  }
0xb2: {  	[dreg:$0x6] =	wrdreg $0x9  }
0xb3: {  	_ =	task.clear_ibuf [dreg:s7], $0x7FFFF;
	_ =	strace $0x90000046  }
0xb4: {  	s29 =	simm.s32 $0x9;
	_ =	strace $0x80000048  }
0xb5: {  	_ =	swait.ge [sflag:s29], $0x1  }
0xb6: {  	[sflag:s29] =	ssyncadd.s32 $0xFFFFFFFF  }
0xb7: {  	_ =	strace $0x90000048  }
0xb8: {  	_ =	sfence  }
0xb9: {  	s30 =	sld [smem:$0x0];
	_ =	sdelay $0x2  }
0xba: {  	s31 =	sshll.u32 s1, $0xD;
	s1 =	sshrl.u32 s1, $0x2  }
0xbb: {  	s3 =	sand.u32 $0x4000, s31;
	s1 =	sadd.s32 s1, s30  }
0xbc: {  	s0 =	sor.u32 s3, s0;
	s1 =	sshll.u32 s1, $0x11  }
0xbd: {  	s0 =	sor.u32 s1, s0  }
0xbe: {  	s0 =	sadd.s32 $0x8F2B, s0  }
0xbf: {  	[sflag:s0] =	ssyncadd.remote.s32 $0x1  }
0xc0: {  	_ =	sfence.sel $0xFFFF  }
0xc1: {  	[dreg:$0x0] =	wrdreg $0xFFFFFFFF;
	(pc) =	sbr.abs _section_cstart, $3  }
0xc2: {  	[dreg:$0x1] =	wrdreg $0xFFFFFFFF  }
0xc3: {  	_ =	task.clear_ibuf [dreg:s7], $0x2FFFF;
	_ =	strace $0x9FFFFFFF  }
0xc4: {  	(tm) =	ssettm $0x7FFFFFFF  }
0xc5: {  	_ =	shalt  }
tec
execute0_lowered:
.L_overlay_start_1:
0x0: {  	(tag) =	ssettag $0x1  }
0x1: {  	s0 =	rddreg [dreg:$0x0]  }
0x2: {  	s1 =	rddreg [dreg:$0x2]  }
0x3: {  	s2 =	rddreg [dreg:$0x3];
	s15 =	stileid.u32  }
0x4: {  	s5 =	simm.s32 $0x0;
	s4 =	srdreg.scid;
	s11 =	smul.u32 $0x280, s15  }
0x5: {  	s30 =	simm.s32 $0x1;
	s31 =	simm.s32 $0x50;
	s12 =	smul.u32 $0x14000, s15  }
0x6: {  	[smem:$0x7FF] =	sst s5;
	s4 =	sand.u32 $0x1, s4;
	s19 =	smul.u32 $0x50000, s15  }
0x7: {  	s6 =	sadd.s32 $0xA200, s0;
	s7 =	sadd.s32 $0x400, s0;
	s20 =	smul.u32 $0xA00, s15  }
0x8: {  	s8 =	sadd.s32 $0x14600, s0;
	s9 =	sadd.s32 $0x14000, s0;
	s10 =	smul.u32 $0x138800, s4  }
0x9: {  	_ =	strace $0x80000047;
	s13 =	smul.u32 $0x2710, s4;
	s26 =	sshll.u32 s4, $0x4  }
0xa: {  	s4 =	ssub.s32 $0x2, s4;
	s14 =	ssub.s32 $0x2710, s11;
	s28 =	sor.u32 s15, s26  }
0xb: {  	s29 =	sshrl.u32 s4, $0x1;
	s24 =	sshrl.u32 s19, $0x2;
	s19 =	simm.s32 $0x4  }
0xc: {  	s25 =	sand.u32 $0xFF90, s14;
	s11 =	sadd.s32 s11, s13;
	s13 =	smul.u32 $0x2710, s28  }
0xd: {  	s10 =	sadd.s32 s12, s10;
	s4 =	ssub.s32 s4, s29;
	s12 =	smul.u32 $0xCCCD, s25  }
0xe: {  	s10 =	sshrl.u32 s10, $0x3;
	s11 =	sshrl.u32 s11, $0x3;
	s4 =	smax.u32 s4, $0x1  }
0xf: {  	s25 =	sshrl.u32 s20, $0x2;
	s20 =	simm.s32 $0x800;
	s10 =	sadd.s32 s10, s0  }
0x10: {  	s0 =	sadd.s32 s11, s0;
	s21 =	sadd.s32 $0xA0, s13;
	[dreg:$0xd] =	wrdreg s4  }
0x11: {  	s3 =	sshrl.u32 s13, $0x3;
	s22 =	sadd.s32 $0x140, s13;
	[dreg:$0xa] =	wrdreg s21  }
0x12: {  	s23 =	sadd.s32 $0x190, s13;
	s26 =	sadd.s32 $0xF0, s13;
	[dreg:$0xb] =	wrdreg s22  }
0x13: {  	s4 =	sadd.s32 s24, s1;
	s28 =	sadd.s32 s25, s2;
	[dreg:$0xc] =	wrdreg s23  }
0x14: {  	s24 =	simm.s32 $0x980;
	s25 =	simm.s32 $0x15;
	[dreg:$0xe] =	wrdreg s26  }
0x15: {  	s13 =	simm.s32 $0x2;
	s12 =	sshrl.u32 s12, $0x16;
	[dreg:$0xf] =	wrdreg s4  }
0x16: {  	s16 =	sadd.s32 s7, s3;
	s18 =	sadd.s32 $0xA, s3;
	[dreg:$0x10] =	wrdreg s28  }
0x17: {  	s29 =	sadd.s32 $0x15600, s10;
	s0 =	sadd.s32 $0x14C00, s0;
	s23 =	simm.s32 $0x5  }
0x18: {  	s21 =	simm.s32 $0x180;
	s4 =	simm.s32 $0x6;
	[dreg:$0x7] =	wrdreg s16  }
0x19: {  	s22 =	simm.s32 $0x8;
	s26 =	simm.s32 $0x0;
	[dreg:$0x11] =	wrdreg s29  }
0x1a: {  	s17 =	smin.u32 s12, $0x8;
	s12 =	sadd.s32 s6, s3;
	[dreg:$0x12] =	wrdreg s0  }
0x1b: {  	s14 =	sadd.s32 s6, s18;
	s11 =	sadd.s32 s7, s18;
	[dreg:$0x6] =	wrdreg s12  }
0x1c: {  	s3 =	smov.u32 s1;
	s1 =	simm.s32 $0x300;
	[dreg:$0x8] =	wrdreg s14  }
0x1d: {  	s18 =	simm.s32 $0x3;
	s0 =	simm.s32 $0x7;
	[dreg:$0x9] =	wrdreg s11  }
0x1e: {  	v0 =	vimm.f32 $0.0e+00;
	s11 =	smov.u32 s2;
	s2 =	simm.s32 $0x380;
	[dreg:$0x5] =	wrdreg s17  }
.LBB2_1:
0x1f: {  	[dreg:$0x13] =	wrdreg s26;
	s10 =	simm.s32 $0x0;
	s12 =	simm.s32 $0x200  }
.LBB2_2:
0x20: {  	p0 =	sne.s32 s12, $0x9E00;
	[tilespmem:s10+$0x9F0] =	vst v0  }
0x21: {  	[tilespmem:s10+$0x980] =	vst v0  }
0x22: {  	[tilespmem:s10+$0x990] =	vst v0  }
.Ltmp0:
0x23: {  	[tilespmem:s10+$0x9A0] =	vst v0;
	(pc) =	sbr.rel @p0 .LBB2_2-.Ltmp0, $4  }
0x24: {  	[tilespmem:s10+$0x9B0] =	vst v0  }
0x25: {  	[tilespmem:s10+$0x9C0] =	vst v0  }
0x26: {  	[tilespmem:s10+$0x9D0] =	vst v0  }
0x27: {  	[tilespmem:s10+$0x9E0] =	vst v0;
	s10 =	sshra.s32 s12, $0x2;
	s12 =	sadd.s32 $0x200, s12  }
0x28: {  	[tilespmem:s10+$0x9F0] =	vst v0  }
0x29: {  	[tilespmem:s10+$0x980] =	vst v0  }
0x2a: {  	[tilespmem:s10+$0x990] =	vst v0  }
0x2b: {  	[tilespmem:s10+$0x9A0] =	vst v0  }
0x2c: {  	[tilespmem:s10+$0x9B0] =	vst v0  }
0x2d: {  	[tilespmem:s10+$0x9C0] =	vst v0  }
0x2e: {  	[tilespmem:s10+$0x9D0] =	vst v0  }
0x2f: {  	[tilespmem:s10+$0x9E0] =	vst v0;
	s12 =	rddreg [dreg:$0xf]  }
0x30: {  	[spmem:s12] =	stream.linear.scatter [tilespmem:s24], [sflag:$0x15], $0x2800, $0x38;
	[tilespmem:$0x1E478] =	vst v63  }
0x31: {  	p0 =	sne.s32 s17, $0x1;
	_ =	swait.ge [sflag:s25], $0x2800  }
.Ltmp1:
0x32: {  	[sflag:s25] =	ssyncset.done $0x0;
	(pc) =	sbr.rel @!p0 .LBB2_5-.Ltmp1, $4  }
0x33: {  	s14 =	rddreg [dreg:$0x10];
	[sflag:s25] =	ssyncadd.s32 $0xFFFFD800  }
0x34: {  	[spmem:s14] =	stream.linear.scatter [tilespmem:s24], [sflag:$0x15], $0x50, $0x38;
	[tilespmem:$0x1E478] =	vst v63  }
0x35: {  	_ =	swait.ge [sflag:s25], $0x50  }
0x36: {  	s10 =	sadd.s32 $0xFFFFFFFF, s17;
	[sflag:s25] =	ssyncset.done $0x0  }
.LBB2_4:
0x37: {  	[sflag:s25] =	ssyncadd.s32 $0xFFFFFFB0;
	s12 =	sadd.s32 $0x2800, s12;
	s14 =	sadd.s32 $0x50, s14  }
0x38: {  	[spmem:s12] =	stream.linear.scatter [tilespmem:s24], [sflag:$0x15], $0x2800, $0x38;
	[tilespmem:$0x1E478] =	vst v63  }
0x39: {  	p1 =	sne.s32 s10, $0x1;
	s10 =	sadd.s32 $0xFFFFFFFF, s10;
	_ =	swait.ge [sflag:s25], $0x2800  }
.Ltmp2:
0x3a: {  	[sflag:s25] =	ssyncset.done $0x0;
	(pc) =	sbr.rel @p1 .LBB2_4-.Ltmp2, $4  }
0x3b: {  	[sflag:s25] =	ssyncadd.s32 $0xFFFFD800  }
0x3c: {  	[spmem:s14] =	stream.linear.scatter [tilespmem:s24], [sflag:$0x15], $0x50, $0x38;
	[tilespmem:$0x1E478] =	vst v63  }
0x3d: {  	_ =	swait.ge [sflag:s25], $0x50  }
0x3e: {  	[sflag:s25] =	ssyncset.done $0x0  }
.LBB2_5:
0x3f: {  	[sflag:s25] =	ssyncadd.s32 $0xFFFFFFB0  }
0x40: {  	[bflag:$0x0] =	sbarrier.arrive $0xFFFF  }
0x41: {  	s28 =	simm.s32 $0x0;
	s10 =	rddreg [dreg:$0x6]  }
0x42: {  	[tilespmem:s28], [sflag:$0x1] =	stream.linear.gather [hbm4b:s10+s28], $0x50, $0x38;
	[tilespmem:$0x1E478] =	vst v63  }
0x43: {  	s12 =	simm.s32 $0x200;
	s26 =	rddreg [dreg:$0x7]  }
0x44: {  	[tilespmem:s12], [sflag:$0x1] =	stream.linear.gather [hbm4b:s26+s28], $0x50, $0x38;
	[tilespmem:$0x1E478] =	vst v63  }
0x45: {  	s14 =	simm.s32 $0x80;
	s29 =	rddreg [dreg:$0x8]  }
0x46: {  	[tilespmem:s14], [sflag:$0x2] =	stream.linear.gather [hbm4b:s29+s28], $0x50, $0x38;
	[tilespmem:$0x1E478] =	vst v63  }
0x47: {  	s16 =	simm.s32 $0x280;
	s15 =	rddreg [dreg:$0x9]  }
0x48: {  	[tilespmem:s16], [sflag:$0x2] =	stream.linear.gather [hbm4b:s15+s28], $0x50, $0x38;
	[tilespmem:$0x1E478] =	vst v63  }
0x49: {  	_ =	swait.ge [sflag:s30], $0x50  }
0x4a: {  	[sflag:s30] =	ssyncset.done $0x0  }
0x4b: {  	[sflag:s30] =	ssyncadd.s32 $0xFFFFFFB0  }
0x4c: {  	_ =	swait.ge [sflag:s30], $0x50  }
0x4d: {  	[sflag:s30] =	ssyncset.done $0x0  }
0x4e: {  	s17 =	simm.s32 $0x400;
	[sflag:s30] =	ssyncadd.s32 $0xFFFFFFB0  }
0x4f: {  	[tilespmem:s17], [sflag:$0x5] =	stream.indirect.gather [hbm4b:s8+s31], $0x1, s28, s31, $0xb8;
	[tilespmem:$0x1E478] =	vst v63  }
0x50: {  	s26 =	simm.s32 $0x600  }
0x51: {  	[tilespmem:s26], [sflag:$0x5] =	stream.indirect.gather [hbm4b:s9+s31], $0x1, s12, s31, $0xb8;
	[tilespmem:$0x1E478] =	vst v63  }
0x52: {  	s14 =	simm.s32 $0x0;
	s17 =	simm.s32 $0x200;
	s29 =	rddreg [dreg:$0x1]  }
0x53: {  	[tilespmem:s24], [sflag:$0x9] =	stream.indirect.gather [hbm4b:s29+s31], $0x80, s12, s31, $0xb8;
	[tilespmem:$0x1E478] =	vst v63  }
.LBB2_6:
0x54: {  	p1 =	seq.s32 s14, $0x0  }
0x55: {  	s10 =	simm.s32 @!p1 $0xF  }
0x56: {  	_ =	swait.ge @!p1 [sflag:s10], $0x2800  }
0x57: {  	[sflag:s10] =	ssyncset.done @!p1 $0x0  }
0x58: {  	[sflag:s10] =	ssyncadd.s32 @!p1 $0xFFFFD800;
	s10 =	simm.s32 @!p1 $0x13  }
0x59: {  	s29 =	smul.u32 $0x140, s14;
	_ =	swait.ge @!p1 [sflag:s10], $0x50  }
0x5a: {  	s12 =	rddreg [dreg:$0xa]  }
0x5b: {  	s12 =	sadd.s32 s29, s12  }
0x5c: {  	[sflag:s10] =	ssyncset.done @!p1 $0x0;
	s12 =	sshrl.u32 s12, $0x3  }
0x5d: {  	s15 =	simm.s32 $0x100;
	[sflag:s10] =	ssyncadd.s32 @!p1 $0xFFFFFFB0;
	s16 =	sadd.s32 s6, s12  }
0x5e: {  	[tilespmem:s15], [sflag:$0x3] =	stream.linear.gather [hbm4b:s16+s28], $0x50, $0x38;
	[tilespmem:$0x1E478] =	vst v63  }
0x5f: {  	s26 =	sadd.s32 s7, s12  }
0x60: {  	[tilespmem:s1], [sflag:$0x3] =	stream.linear.gather [hbm4b:s26+s28], $0x50, $0x38;
	[tilespmem:$0x1E478] =	vst v63  }
0x61: {  	_ =	swait.ge [sflag:s13], $0x50  }
0x62: {  	[sflag:s13] =	ssyncset.done $0x0  }
0x63: {  	[sflag:s13] =	ssyncadd.s32 $0xFFFFFFB0  }
0x64: {  	_ =	swait.ge [sflag:s13], $0x50  }
0x65: {  	[sflag:s13] =	ssyncset.done $0x0  }
0x66: {  	s12 =	simm.s32 $0x80;
	s15 =	simm.s32 $0x480;
	[sflag:s13] =	ssyncadd.s32 $0xFFFFFFB0  }
0x67: {  	[tilespmem:s15], [sflag:$0x6] =	stream.indirect.gather [hbm4b:s8+s31], $0x1, s12, s31, $0xb8;
	[tilespmem:$0x1E478] =	vst v63  }
0x68: {  	s16 =	simm.s32 $0x280;
	s26 =	simm.s32 $0x680  }
0x69: {  	[tilespmem:s26], [sflag:$0x6] =	stream.indirect.gather [hbm4b:s9+s31], $0x1, s16, s31, $0xb8;
	[tilespmem:$0x1E478] =	vst v63  }
0x6a: {  	s12 =	rddreg [dreg:$0x1];
	s15 =	simm.s32 $0x3180  }
0x6b: {  	[tilespmem:s15], [sflag:$0xA] =	stream.indirect.gather [hbm4b:s12+s31], $0x80, s16, s31, $0xb8;
	[tilespmem:$0x1E478] =	vst v63  }
0x6c: {  	_ =	swait.ge [sflag:s23], $0x50  }
0x6d: {  	[sflag:s23] =	ssyncset.done $0x0  }
0x6e: {  	[sflag:s23] =	ssyncadd.s32 $0xFFFFFFB0  }
0x6f: {  	_ =	swait.ge [sflag:s23], $0x50  }
0x70: {  	[sflag:s23] =	ssyncset.done $0x0  }
0x71: {  	s16 =	simm.s32 $0x9;
	[sflag:s23] =	ssyncadd.s32 $0xFFFFFFB0  }
0x72: {  	_ =	swait.ge [sflag:s16], $0x2800  }
0x73: {  	[sflag:s16] =	ssyncset.done $0x0  }
0x74: {  	[sflag:s16] =	ssyncadd.s32 $0xFFFFD800  }
0x75: {  	v1 =	vld [tilespmem:$0x400]  }
0x76: {  	v2 =	vld [tilespmem:$0x600]  }
0x77: {  	v3 =	vld [tilespmem:$0x410]  }
0x78: {  	v4 =	vld [tilespmem:$0x610]  }
0x79: {  	v5 =	vld [tilespmem:$0x420]  }
0x7a: {  	v6 =	vld [tilespmem:$0x620]  }
0x7b: {  	v7 =	vld [tilespmem:$0x630];
	v1 =	vadd.f32 v2, v1  }
0x7c: {  	v9 =	vld [tilespmem:$0x440]  }
0x7d: {  	v2 =	vld [tilespmem:$0x430];
	v8 =	vmul.f32 $2.000000030e-01, v1  }
0x7e: {  	v10 =	vld [tilespmem:$0x640];
	vm0 =	vgt.f32 v1, $0.0e+00  }
0x7f: {  	v3 =	vadd.f32 v4, v3;
	v1 =	vsel vm0, v1, v8  }
0x80: {  	v1 =	vmul.f32 $1.442695020e+00, v1  }
0x81: {  	v5 =	vadd.f32 v6, v5;
	v4 =	vmul.f32 $2.000000030e-01, v3  }
0x82: {  	vm12 =	vgt.f32 v3, $0.0e+00;
	(erf) = vpow2.f32 v1;
	v1 =	vadd.f32 v7, v2  }
0x83: {  	v2 =	vsel vm12, v3, v4;
	v3 =	vmul.f32 $2.000000030e-01, v5;
	v4 =	vadd.f32 v10, v9  }
0x84: {  	vm13 =	vgt.f32 v5, $0.0e+00;
	v2 =	vmul.f32 $1.442695020e+00, v2;
	v6 =	vmul.f32 $2.000000030e-01, v1  }
0x85: {  	v3 =	vsel vm13, v5, v3;
	vm14 =	vgt.f32 v1, $0.0e+00;
	v5 =	vmul.f32 $2.000000030e-01, v4  }
0x86: {  	vm15 =	vgt.f32 v4, $0.0e+00;
	v3 =	vmul.f32 $1.442695020e+00, v3;
	v1 =	vsel vm14, v1, v6  }
0x87: {  	(erf) = vpow2.f32 v2;
	v2 =	vsel vm15, v4, v5;
	v1 =	vmul.f32 $1.442695020e+00, v1  }
0x88: {  	(erf) = vpow2.f32 v3;
	v2 =	vmul.f32 $1.442695020e+00, v2  }
0x89: {  	(erf) = vpow2.f32 v1  }
0x8a: {  	(erf) = vpow2.f32 v2;
	_ =	sdelay $0x4  }
0x8b: {  	v1 =	vpop (erf)  }
0x8c: {  	[tilespmem:$0x800] =	vst v1;
	v2 =	vpop (erf)  }
0x8d: {  	[tilespmem:$0x810] =	vst v2;
	v1 =	vpop (erf)  }
0x8e: {  	[tilespmem:$0x820] =	vst v1;
	v2 =	vpop (erf)  }
0x8f: {  	[tilespmem:$0x830] =	vst v2;
	v1 =	vpop (erf);
	v2 =	vmov s28  }
0x90: {  	[tilespmem:$0x840] =	vst v1;
	v1 =	vand.u32 $0xFFFFFFFE, v2  }
0x91: {  	v2 =	vbroadcast v1, $0x0;
	_ =	sdelay $0x2  }
0x92: {  	s12 =	simm.s32 $0xA00  }
0x93: {  	[spmem:s11] =	stream.indirect.scatter.add.f32 [tilespmem:s20], [sflag:$0x11], $0x1, s28, s31, $0xb8;
	[tilespmem:$0x1E478] =	vst v63  }
0x94: {  	v5 =	vld [tilespmem:s12+$0xFFFFFFF0]  }
0x95: {  	v6 =	vld.idx.msk [tilespmem:v2+s20+$0x0], $0xffff  }
0x96: {  	v7 =	vld [tilespmem:s12+$0xFFFFFF80]  }
0x97: {  	v61 =	vld [tilespmem:s12+$0xFFFFFFA0]  }
0x98: {  	v4 =	vld [tilespmem:s12+$0xFFFFFFB0]  }
0x99: {  	v3 =	vld [tilespmem:s12+$0xFFFFFFD0]  }
0x9a: {  	v63 =	vld [tilespmem:s12+$0xFFFFFF90];
	v5 =	vmul.f32 v5, v6  }
0x9b: {  	v62 =	vld [tilespmem:s12+$0xFFFFFFE0];
	v7 =	vmul.f32 v7, v6  }
0x9c: {  	v11 =	vld [tilespmem:s12+$0xFFFFFFC0];
	v8 =	vmul.f32 v61, v6;
	[tilespmem:s12+$0xFFFFFFF0] =	vst v5  }
0x9d: {  	v4 =	vmul.f32 v4, v6;
	[tilespmem:s12+$0xFFFFFF80] =	vst v7  }
0x9e: {  	s26 =	simm.s32 $0x1;
	v3 =	vmul.f32 v3, v6;
	[tilespmem:s12+$0xFFFFFFA0] =	vst v8  }
0x9f: {  	v5 =	vmul.f32 v63, v6;
	[tilespmem:s12+$0xFFFFFFB0] =	vst v4;
	v7 =	vmov s26  }
0xa0: {  	v1 =	vld [tilespmem:s12+$0x0];
	v4 =	vmul.f32 v62, v6;
	[tilespmem:s12+$0xFFFFFFD0] =	vst v3  }
0xa1: {  	v2 =	vld [tilespmem:s12+$0x10];
	v3 =	vmul.f32 v11, v6;
	[tilespmem:s12+$0xFFFFFF90] =	vst v5  }
0xa2: {  	[tilespmem:s12+$0xFFFFFFE0] =	vst v4;
	v5 =	vld [tilespmem:s12+$0x30]  }
0xa3: {  	[tilespmem:s12+$0xFFFFFFC0] =	vst v3;
	v4 =	vld [tilespmem:s12+$0x70]  }
0xa4: {  	s10 =	simm.s32 $0x2;
	s15 =	sshll.u32 s14, $0x2;
	s26 =	simm.s32 $0xA00;
	v3 =	vld.idx.msk [tilespmem:v7+s20+$0x0], $0xffff  }
.LBB2_7:
0xa5: {  	p2 =	slt.u32 s10, $0x4E  }
0xa6: {  	v6 =	vld [tilespmem:s12+$0x20];
	s26 =	sadd.s32 $0x100, s26;
	s16 =	smov.u32 s10;
	s10 =	sadd.s32 $0x2, s10  }
0xa7: {  	v7 =	vld [tilespmem:s12+$0x40]  }
0xa8: {  	v8 =	vld [tilespmem:s12+$0x50]  }
0xa9: {  	v9 =	vld [tilespmem:s12+$0x60];
	_ =	sdelay $0x1  }
0xaa: {  	v1 =	vmul.f32 v1, v3;
	v2 =	vmul.f32 v2, v3  }
0xab: {  	v5 =	vmul.f32 v5, v3;
	v6 =	vmul.f32 v6, v3  }
0xac: {  	v10 =	vmov s16;
	v7 =	vmul.f32 v7, v3;
	[tilespmem:s12+$0x0] =	vst v1;
	v8 =	vmul.f32 v8, v3  }
0xad: {  	v10 =	vand.u32 $0xFFFFFFFE, v10;
	v1 =	vld [tilespmem:s26+$0x0];
	[tilespmem:s12+$0x30] =	vst v5;
	v5 =	vmul.f32 v9, v3;
	v3 =	vmul.f32 v4, v3  }
0xae: {  	v4 =	vbroadcast v10, $0x0;
	[tilespmem:s12+$0x10] =	vst v2  }
0xaf: {  	[tilespmem:s12+$0x70] =	vst v3  }
0xb0: {  	v3 =	vld [tilespmem:s26+$0xFFFFFFD0];
	[tilespmem:s12+$0x20] =	vst v6  }
0xb1: {  	v6 =	vld [tilespmem:s26+$0xFFFFFFB0];
	[tilespmem:s12+$0x60] =	vst v5  }
0xb2: {  	v5 =	vld [tilespmem:s26+$0xFFFFFFE0];
	[tilespmem:s12+$0x40] =	vst v7  }
0xb3: {  	v7 =	vld [tilespmem:s26+$0xFFFFFFF0];
	[tilespmem:s12+$0x50] =	vst v8;
	s12 =	smov.u32 s26  }
0xb4: {  	v4 =	vld.idx.msk [tilespmem:v4+s20+$0x0], $0xffff  }
0xb5: {  	v8 =	vld [tilespmem:s26+$0xFFFFFF80]  }
0xb6: {  	v9 =	vld [tilespmem:s26+$0xFFFFFFA0]  }
0xb7: {  	v10 =	vld [tilespmem:s26+$0xFFFFFF90]  }
0xb8: {  	v11 =	vld [tilespmem:s26+$0xFFFFFFC0]  }
0xb9: {  	v2 =	vld [tilespmem:s26+$0x10]  }
0xba: {  	v7 =	vmul.f32 v7, v4;
	v8 =	vmul.f32 v8, v4  }
0xbb: {  	v5 =	vmul.f32 v5, v4;
	v9 =	vmul.f32 v9, v4  }
0xbc: {  	v6 =	vmul.f32 v6, v4;
	v10 =	vmul.f32 v10, v4;
	[tilespmem:s26+$0xFFFFFFF0] =	vst v7  }
0xbd: {  	v3 =	vmul.f32 v3, v4;
	[tilespmem:s26+$0xFFFFFF80] =	vst v8;
	v7 =	vmul.f32 v11, v4  }
0xbe: {  	s16 =	sadd.s32 $0x1, s16;
	[tilespmem:s26+$0xFFFFFFA0] =	vst v9  }
0xbf: {  	[tilespmem:s26+$0xFFFFFFB0] =	vst v6;
	v6 =	vmov s16  }
.Ltmp3:
0xc0: {  	[tilespmem:s26+$0xFFFFFFD0] =	vst v3;
	(pc) =	sbr.rel @p2 .LBB2_7-.Ltmp3, $4  }
0xc1: {  	[tilespmem:s26+$0xFFFFFF90] =	vst v10  }
0xc2: {  	[tilespmem:s26+$0xFFFFFFE0] =	vst v5;
	v5 =	vld [tilespmem:s26+$0x30]  }
0xc3: {  	[tilespmem:s26+$0xFFFFFFC0] =	vst v7;
	v4 =	vld [tilespmem:s26+$0x70]  }
0xc4: {  	v3 =	vld.idx.msk [tilespmem:v6+s20+$0x0], $0xffff  }
0xc5: {  	_ =	sdelay $0x2  }
0xc6: {  	v6 =	vld [tilespmem:s12+$0x20]  }
0xc7: {  	v7 =	vld [tilespmem:s12+$0x60];
	v1 =	vmul.f32 v1, v3  }
0xc8: {  	v8 =	vld [tilespmem:s12+$0x40];
	v5 =	vmul.f32 v5, v3  }
0xc9: {  	v9 =	vld [tilespmem:s12+$0x50];
	v2 =	vmul.f32 v2, v3;
	[tilespmem:s12+$0x0] =	vst v1  }
0xca: {  	[tilespmem:s12+$0x30] =	vst v5;
	v1 =	vmul.f32 v4, v3  }
0xcb: {  	v4 =	vmul.f32 v6, v3;
	[tilespmem:s12+$0x10] =	vst v2  }
0xcc: {  	v2 =	vmul.f32 v7, v3;
	[tilespmem:s12+$0x70] =	vst v1  }
0xcd: {  	v1 =	vmul.f32 v8, v3;
	[tilespmem:s12+$0x20] =	vst v4  }
0xce: {  	v3 =	vmul.f32 v9, v3;
	[tilespmem:s12+$0x60] =	vst v2  }
0xcf: {  	[tilespmem:s12+$0x40] =	vst v1  }
0xd0: {  	s10 =	simm.s32 @!p1 $0x10;
	[tilespmem:s12+$0x50] =	vst v3  }
0xd1: {  	[spmem:s3] =	stream.indirect.scatter.add.f32 [tilespmem:s24], [sflag:$0xD], $0x80, s5, s31, $0xb8;
	[tilespmem:$0x1E478] =	vst v63  }
0xd2: {  	_ =	swait.ge @!p1 [sflag:s10], $0x2800  }
0xd3: {  	[sflag:s10] =	ssyncset.done @!p1 $0x0  }
0xd4: {  	[sflag:s10] =	ssyncadd.s32 @!p1 $0xFFFFD800;
	s10 =	simm.s32 @!p1 $0x14  }
0xd5: {  	_ =	swait.ge @!p1 [sflag:s10], $0x50  }
0xd6: {  	s1 =	rddreg [dreg:$0xe]  }
0xd7: {  	s12 =	sadd.s32 s1, s29  }
0xd8: {  	[sflag:s10] =	ssyncset.done @!p1 $0x0;
	s12 =	sshrl.u32 s12, $0x3  }
0xd9: {  	[sflag:s10] =	ssyncadd.s32 @!p1 $0xFFFFFFB0;
	s10 =	simm.s32 $0x0;
	s16 =	sadd.s32 s6, s12  }
0xda: {  	[tilespmem:s21], [sflag:$0x4] =	stream.linear.gather [hbm4b:s16+s10], $0x50, $0x38;
	[tilespmem:$0x1E478] =	vst v63  }
0xdb: {  	s12 =	sadd.s32 s7, s12  }
0xdc: {  	[tilespmem:s2], [sflag:$0x4] =	stream.linear.gather [hbm4b:s12+s10], $0x50, $0x38;
	[tilespmem:$0x1E478] =	vst v63  }
0xdd: {  	_ =	swait.ge [sflag:s18], $0x50  }
0xde: {  	[sflag:s18] =	ssyncset.done $0x0  }
0xdf: {  	[sflag:s18] =	ssyncadd.s32 $0xFFFFFFB0  }
0xe0: {  	_ =	swait.ge [sflag:s18], $0x50  }
0xe1: {  	[sflag:s18] =	ssyncset.done $0x0  }
0xe2: {  	s1 =	simm.s32 $0x100;
	s12 =	simm.s32 $0x500;
	[sflag:s18] =	ssyncadd.s32 $0xFFFFFFB0  }
0xe3: {  	[tilespmem:s12], [sflag:$0x7] =	stream.indirect.gather [hbm4b:s8+s31], $0x1, s1, s31, $0xb8;
	[tilespmem:$0x1E478] =	vst v63  }
0xe4: {  	s26 =	simm.s32 $0x700;
	s16 =	simm.s32 $0x300  }
0xe5: {  	[tilespmem:s26], [sflag:$0x7] =	stream.indirect.gather [hbm4b:s9+s31], $0x1, s16, s31, $0xb8;
	[tilespmem:$0x1E478] =	vst v63  }
0xe6: {  	s2 =	rddreg [dreg:$0x1];
	s26 =	simm.s32 $0x5980  }
0xe7: {  	[tilespmem:s26], [sflag:$0xB] =	stream.indirect.gather [hbm4b:s2+s31], $0x80, s16, s31, $0xb8;
	[tilespmem:$0x1E478] =	vst v63  }
0xe8: {  	_ =	swait.ge [sflag:s4], $0x50  }
0xe9: {  	[sflag:s4] =	ssyncset.done $0x0  }
0xea: {  	[sflag:s4] =	ssyncadd.s32 $0xFFFFFFB0  }
0xeb: {  	_ =	swait.ge [sflag:s4], $0x50  }
0xec: {  	[sflag:s4] =	ssyncset.done $0x0  }
0xed: {  	s26 =	simm.s32 $0xA;
	[sflag:s4] =	ssyncadd.s32 $0xFFFFFFB0  }
0xee: {  	_ =	swait.ge [sflag:s26], $0x2800  }
0xef: {  	[sflag:s26] =	ssyncset.done $0x0  }
0xf0: {  	[sflag:s26] =	ssyncadd.s32 $0xFFFFD800  }
0xf1: {  	v1 =	vld [tilespmem:$0x480]  }
0xf2: {  	v2 =	vld [tilespmem:$0x680];
	_ =	sdelay $0x1  }
0xf3: {  	v3 =	vld [tilespmem:$0x490]  }
0xf4: {  	v4 =	vld [tilespmem:$0x690]  }
0xf5: {  	v5 =	vld [tilespmem:$0x4A0]  }
0xf6: {  	v6 =	vld [tilespmem:$0x6A0];
	v1 =	vadd.f32 v2, v1  }
0xf7: {  	v7 =	vld [tilespmem:$0x6B0]  }
0xf8: {  	v59 =	vld [tilespmem:$0x4C0];
	v58 =	vmul.f32 $2.000000030e-01, v1  }
0xf9: {  	v2 =	vld [tilespmem:$0x4B0];
	vm0 =	vgt.f32 v1, $0.0e+00  }
0xfa: {  	v10 =	vld [tilespmem:$0x6C0];
	v3 =	vadd.f32 v4, v3;
	v1 =	vsel vm0, v1, v58  }
0xfb: {  	v1 =	vmul.f32 $1.442695020e+00, v1  }
0xfc: {  	v5 =	vadd.f32 v6, v5;
	v4 =	vmul.f32 $2.000000030e-01, v3  }
0xfd: {  	vm12 =	vgt.f32 v3, $0.0e+00;
	(erf) = vpow2.f32 v1  }
0xfe: {  	v1 =	vadd.f32 v7, v2;
	v2 =	vsel vm12, v3, v4;
	v3 =	vmul.f32 $2.000000030e-01, v5  }
0xff: {  	vm13 =	vgt.f32 v5, $0.0e+00;
	v4 =	vadd.f32 v10, v59  }
0x100: {  	v2 =	vmul.f32 $1.442695020e+00, v2;
	v6 =	vmul.f32 $2.000000030e-01, v1;
	v3 =	vsel vm13, v5, v3  }
0x101: {  	vm14 =	vgt.f32 v1, $0.0e+00;
	v5 =	vmul.f32 $2.000000030e-01, v4;
	v3 =	vmul.f32 $1.442695020e+00, v3  }
0x102: {  	vm15 =	vgt.f32 v4, $0.0e+00;
	(erf) = vpow2.f32 v2;
	v1 =	vsel vm14, v1, v6  }
0x103: {  	v2 =	vsel vm15, v4, v5;
	v1 =	vmul.f32 $1.442695020e+00, v1;
	(erf) = vpow2.f32 v3  }
0x104: {  	v2 =	vmul.f32 $1.442695020e+00, v2  }
0x105: {  	(erf) = vpow2.f32 v1  }
0x106: {  	(erf) = vpow2.f32 v2;
	_ =	sdelay $0x3  }
0x107: {  	v1 =	vpop (erf)  }
0x108: {  	v2 =	vpop (erf)  }
0x109: {  	[tilespmem:$0x850] =	vst v1;
	v1 =	vpop (erf)  }
0x10a: {  	[tilespmem:$0x870] =	vst v1;
	v1 =	vmov s10  }
0x10b: {  	[tilespmem:$0x860] =	vst v2;
	v2 =	vpop (erf);
	v1 =	vadd.s32 $0x50, v1  }
0x10c: {  	[tilespmem:$0x880] =	vst v2;
	v2 =	vpop (erf);
	v1 =	vand.u32 $0xFFFFFFFE, v1  }
0x10d: {  	[tilespmem:$0x890] =	vst v2;
	v2 =	vbroadcast v1, $0x0;
	_ =	sdelay $0x1  }
0x10e: {  	s12 =	simm.s32 $0x80;
	s16 =	simm.s32 $0x850  }
0x10f: {  	[spmem:s11] =	stream.indirect.scatter.add.f32 [tilespmem:s16], [sflag:$0x12], $0x1, s12, s31, $0xb8;
	[tilespmem:$0x1E478] =	vst v63  }
0x110: {  	s12 =	simm.s32 $0x3270  }
0x111: {  	v5 =	vld [tilespmem:s12+$0xFFFFFF80]  }
0x112: {  	v6 =	vld.idx.msk [tilespmem:v2+s20+$0x0], $0xffff  }
0x113: {  	v7 =	vld [tilespmem:s12+$0xFFFFFF10]  }
0x114: {  	v60 =	vld [tilespmem:s12+$0xFFFFFF30]  }
0x115: {  	v61 =	vld [tilespmem:s12+$0xFFFFFF40]  }
0x116: {  	v3 =	vld [tilespmem:s12+$0xFFFFFF60]  }
0x117: {  	v62 =	vld [tilespmem:s12+$0xFFFFFF70];
	v5 =	vmul.f32 v5, v6  }
0x118: {  	s26 =	simm.s32 $0x1;
	v4 =	vld [tilespmem:s12+$0xFFFFFF50];
	v7 =	vmul.f32 v7, v6  }
0x119: {  	v11 =	vld [tilespmem:s12+$0xFFFFFF20];
	v8 =	vmul.f32 v60, v6;
	[tilespmem:s12+$0xFFFFFF80] =	vst v5;
	v5 =	vmov s26  }
0x11a: {  	v9 =	vmul.f32 v61, v6;
	[tilespmem:s12+$0xFFFFFF10] =	vst v7;
	v5 =	vadd.s32 $0x50, v5  }
0x11b: {  	v3 =	vmul.f32 v3, v6;
	[tilespmem:s12+$0xFFFFFF30] =	vst v8;
	v7 =	vbroadcast v5, $0x0  }
0x11c: {  	v63 =	vmul.f32 v62, v6;
	[tilespmem:s12+$0xFFFFFF40] =	vst v9  }
0x11d: {  	v1 =	vld [tilespmem:s12+$0xFFFFFF90];
	v4 =	vmul.f32 v4, v6;
	[tilespmem:s12+$0xFFFFFF60] =	vst v3  }
0x11e: {  	v2 =	vld [tilespmem:s12+$0xFFFFFFA0];
	[tilespmem:s12+$0xFFFFFF70] =	vst v63;
	v5 =	vmul.f32 v11, v6  }
0x11f: {  	v3 =	vld [tilespmem:s12+$0xFFFFFFF0];
	[tilespmem:s12+$0xFFFFFF50] =	vst v4  }
0x120: {  	[tilespmem:s12+$0xFFFFFF20] =	vst v5;
	v5 =	vld [tilespmem:s12+$0xFFFFFFE0]  }
0x121: {  	s1 =	simm.s32 $0x300;
	s10 =	simm.s32 $0x3270;
	s26 =	simm.s32 $0x2;
	v4 =	vld.idx.msk [tilespmem:v7+s20+$0x0], $0xffff  }
.LBB2_9:
0x122: {  	p1 =	slt.u32 s26, $0x4E  }
0x123: {  	v6 =	vld [tilespmem:s12+$0xFFFFFFC0];
	s10 =	sadd.s32 $0x100, s10;
	s16 =	smov.u32 s26;
	s26 =	sadd.s32 $0x2, s26  }
0x124: {  	v7 =	vld [tilespmem:s12+$0xFFFFFFB0]  }
0x125: {  	v8 =	vld [tilespmem:s12+$0xFFFFFFD0]  }
0x126: {  	v9 =	vld [tilespmem:s12+$0x0];
	_ =	sdelay $0x1  }
0x127: {  	v1 =	vmul.f32 v1, v4;
	v2 =	vmul.f32 v2, v4  }
0x128: {  	v10 =	vmov s16;
	v6 =	vmul.f32 v6, v4;
	v7 =	vmul.f32 v7, v4  }
0x129: {  	v10 =	vadd.s32 $0x50, v10;
	v5 =	vmul.f32 v5, v4;
	[tilespmem:s12+$0xFFFFFF90] =	vst v1;
	v8 =	vmul.f32 v8, v4  }
0x12a: {  	v10 =	vand.u32 $0xFFFFFFFE, v10;
	v3 =	vmul.f32 v3, v4;
	v1 =	vld [tilespmem:s10+$0xFFFFFF90];
	[tilespmem:s12+$0xFFFFFFC0] =	vst v6;
	v4 =	vmul.f32 v9, v4  }
0x12b: {  	v6 =	vbroadcast v10, $0x0;
	[tilespmem:s12+$0xFFFFFFD0] =	vst v8  }
0x12c: {  	v8 =	vld [tilespmem:s10+$0xFFFFFF60];
	[tilespmem:s12+$0xFFFFFFE0] =	vst v5  }
0x12d: {  	v5 =	vld [tilespmem:s10+$0xFFFFFF50];
	[tilespmem:s12+$0xFFFFFFB0] =	vst v7  }
0x12e: {  	v7 =	vld [tilespmem:s10+$0xFFFFFF40];
	[tilespmem:s12+$0x0] =	vst v4  }
0x12f: {  	v4 =	vld [tilespmem:s10+$0xFFFFFF70];
	[tilespmem:s12+$0xFFFFFFA0] =	vst v2  }
0x130: {  	v9 =	vld [tilespmem:s10+$0xFFFFFF80];
	[tilespmem:s12+$0xFFFFFFF0] =	vst v3;
	s12 =	smov.u32 s10  }
0x131: {  	v3 =	vld.idx.msk [tilespmem:v6+s20+$0x0], $0xffff  }
0x132: {  	v6 =	vld [tilespmem:s10+$0xFFFFFF10]  }
0x133: {  	v10 =	vld [tilespmem:s10+$0xFFFFFF30]  }
0x134: {  	v11 =	vld [tilespmem:s10+$0xFFFFFF20]  }
0x135: {  	v2 =	vld [tilespmem:s10+$0xFFFFFFA0];
	_ =	sdelay $0x1  }
0x136: {  	v9 =	vmul.f32 v9, v3;
	v6 =	vmul.f32 v6, v3  }
0x137: {  	s16 =	sadd.s32 $0x1, s16;
	v4 =	vmul.f32 v4, v3;
	v10 =	vmul.f32 v10, v3  }
0x138: {  	v7 =	vmul.f32 v7, v3;
	v11 =	vmul.f32 v11, v3;
	[tilespmem:s10+$0xFFFFFF80] =	vst v9;
	v9 =	vmov s16  }
0x139: {  	v5 =	vmul.f32 v5, v3;
	v3 =	vmul.f32 v8, v3;
	[tilespmem:s10+$0xFFFFFF10] =	vst v6;
	v6 =	vadd.s32 $0x50, v9  }
0x13a: {  	[tilespmem:s10+$0xFFFFFF30] =	vst v10;
	v6 =	vbroadcast v6, $0x0  }
0x13b: {  	[tilespmem:s10+$0xFFFFFF40] =	vst v7  }
.Ltmp4:
0x13c: {  	[tilespmem:s10+$0xFFFFFF60] =	vst v3;
	(pc) =	sbr.rel @p1 .LBB2_9-.Ltmp4, $4  }
0x13d: {  	[tilespmem:s10+$0xFFFFFF20] =	vst v11  }
0x13e: {  	[tilespmem:s10+$0xFFFFFF70] =	vst v4;
	v3 =	vld [tilespmem:s10+$0xFFFFFFF0]  }
0x13f: {  	[tilespmem:s10+$0xFFFFFF50] =	vst v5;
	v5 =	vld [tilespmem:s10+$0xFFFFFFE0]  }
0x140: {  	v4 =	vld.idx.msk [tilespmem:v6+s20+$0x0], $0xffff  }
0x141: {  	_ =	sdelay $0x2  }
0x142: {  	v6 =	vld [tilespmem:s12+$0xFFFFFFC0]  }
0x143: {  	v7 =	vld [tilespmem:s12+$0xFFFFFFD0];
	v1 =	vmul.f32 v1, v4  }
0x144: {  	v8 =	vld [tilespmem:s12+$0xFFFFFFB0];
	v5 =	vmul.f32 v5, v4  }
0x145: {  	v9 =	vld [tilespmem:s12+$0x0];
	v2 =	vmul.f32 v2, v4;
	[tilespmem:s12+$0xFFFFFF90] =	vst v1  }
0x146: {  	v3 =	vmul.f32 v3, v4;
	[tilespmem:s12+$0xFFFFFFE0] =	vst v5  }
0x147: {  	v6 =	vmul.f32 v6, v4;
	[tilespmem:s12+$0xFFFFFFA0] =	vst v2  }
0x148: {  	v1 =	vmul.f32 v7, v4;
	[tilespmem:s12+$0xFFFFFFF0] =	vst v3  }
0x149: {  	[tilespmem:s12+$0xFFFFFFC0] =	vst v6;
	v6 =	vmul.f32 v8, v4  }
0x14a: {  	[tilespmem:s12+$0xFFFFFFD0] =	vst v1;
	v1 =	vmul.f32 v9, v4  }
0x14b: {  	[tilespmem:s12+$0xFFFFFFB0] =	vst v6  }
0x14c: {  	s10 =	simm.s32 $0x80;
	s2 =	simm.s32 $0x3180;
	[tilespmem:s12+$0x0] =	vst v1  }
0x14d: {  	[spmem:s3] =	stream.indirect.scatter.add.f32 [tilespmem:s2], [sflag:$0xE], $0x80, s10, s31, $0xb8;
	[tilespmem:$0x1E478] =	vst v63  }
0x14e: {  	s2 =	simm.s32 $0xD  }
0x14f: {  	_ =	swait.ge [sflag:s2], $0x2800  }
0x150: {  	[sflag:s2] =	ssyncset.done $0x0  }
0x151: {  	s12 =	simm.s32 $0x11;
	[sflag:s2] =	ssyncadd.s32 $0xFFFFD800  }
0x152: {  	_ =	swait.ge [sflag:s12], $0x50  }
0x153: {  	s16 =	rddreg [dreg:$0xb]  }
0x154: {  	s10 =	sadd.s32 s29, s16  }
0x155: {  	[sflag:s12] =	ssyncset.done $0x0;
	s26 =	sshrl.u32 s10, $0x3  }
0x156: {  	[sflag:s12] =	ssyncadd.s32 $0xFFFFFFB0;
	s10 =	simm.s32 $0x0;
	s16 =	sadd.s32 s6, s26  }
0x157: {  	[tilespmem:s10], [sflag:$0x1] =	stream.linear.gather [hbm4b:s16+s10], $0x50, $0x38;
	[tilespmem:$0x1E478] =	vst v63  }
0x158: {  	s12 =	sadd.s32 s7, s26  }
0x159: {  	[tilespmem:s17], [sflag:$0x1] =	stream.linear.gather [hbm4b:s12+s10], $0x50, $0x38;
	[tilespmem:$0x1E478] =	vst v63  }
0x15a: {  	_ =	swait.ge [sflag:s19], $0x50  }
0x15b: {  	[sflag:s19] =	ssyncset.done $0x0  }
0x15c: {  	[sflag:s19] =	ssyncadd.s32 $0xFFFFFFB0  }
0x15d: {  	_ =	swait.ge [sflag:s19], $0x50  }
0x15e: {  	[sflag:s19] =	ssyncset.done $0x0  }
0x15f: {  	s29 =	simm.s32 $0x580;
	[sflag:s19] =	ssyncadd.s32 $0xFFFFFFB0  }
0x160: {  	[tilespmem:s29], [sflag:$0x8] =	stream.indirect.gather [hbm4b:s8+s31], $0x1, s21, s31, $0xb8;
	[tilespmem:$0x1E478] =	vst v63  }
0x161: {  	s12 =	simm.s32 $0x380;
	s17 =	simm.s32 $0x780  }
0x162: {  	[tilespmem:s17], [sflag:$0x8] =	stream.indirect.gather [hbm4b:s9+s31], $0x1, s12, s31, $0xb8;
	[tilespmem:$0x1E478] =	vst v63  }
0x163: {  	s26 =	rddreg [dreg:$0x1];
	s29 =	simm.s32 $0x8180  }
0x164: {  	[tilespmem:s29], [sflag:$0xC] =	stream.indirect.gather [hbm4b:s26+s31], $0x80, s12, s31, $0xb8;
	[tilespmem:$0x1E478] =	vst v63  }
0x165: {  	_ =	swait.ge [sflag:s0], $0x50  }
0x166: {  	[sflag:s0] =	ssyncset.done $0x0  }
0x167: {  	[sflag:s0] =	ssyncadd.s32 $0xFFFFFFB0  }
0x168: {  	_ =	swait.ge [sflag:s0], $0x50  }
0x169: {  	[sflag:s0] =	ssyncset.done $0x0  }
0x16a: {  	s16 =	simm.s32 $0xB;
	[sflag:s0] =	ssyncadd.s32 $0xFFFFFFB0  }
0x16b: {  	_ =	swait.ge [sflag:s16], $0x2800  }
0x16c: {  	[sflag:s16] =	ssyncset.done $0x0  }
0x16d: {  	[sflag:s16] =	ssyncadd.s32 $0xFFFFD800  }
0x16e: {  	v1 =	vld [tilespmem:$0x500]  }
0x16f: {  	v2 =	vld [tilespmem:$0x700];
	_ =	sdelay $0x1  }
0x170: {  	v3 =	vld [tilespmem:$0x510]  }
0x171: {  	v4 =	vld [tilespmem:$0x710]  }
0x172: {  	v5 =	vld [tilespmem:$0x520]  }
0x173: {  	v6 =	vld [tilespmem:$0x720];
	v1 =	vadd.f32 v2, v1  }
0x174: {  	v7 =	vld [tilespmem:$0x730]  }
0x175: {  	v59 =	vld [tilespmem:$0x540];
	v58 =	vmul.f32 $2.000000030e-01, v1  }
0x176: {  	v2 =	vld [tilespmem:$0x530];
	vm0 =	vgt.f32 v1, $0.0e+00  }
0x177: {  	v10 =	vld [tilespmem:$0x740];
	v3 =	vadd.f32 v4, v3;
	v1 =	vsel vm0, v1, v58  }
0x178: {  	v1 =	vmul.f32 $1.442695020e+00, v1  }
0x179: {  	v5 =	vadd.f32 v6, v5;
	v4 =	vmul.f32 $2.000000030e-01, v3  }
0x17a: {  	vm12 =	vgt.f32 v3, $0.0e+00;
	(erf) = vpow2.f32 v1  }
0x17b: {  	v1 =	vadd.f32 v7, v2;
	v2 =	vsel vm12, v3, v4;
	v3 =	vmul.f32 $2.000000030e-01, v5  }
0x17c: {  	vm13 =	vgt.f32 v5, $0.0e+00;
	v4 =	vadd.f32 v10, v59  }
0x17d: {  	v2 =	vmul.f32 $1.442695020e+00, v2;
	v6 =	vmul.f32 $2.000000030e-01, v1;
	v3 =	vsel vm13, v5, v3  }
0x17e: {  	vm14 =	vgt.f32 v1, $0.0e+00;
	v5 =	vmul.f32 $2.000000030e-01, v4;
	v3 =	vmul.f32 $1.442695020e+00, v3  }
0x17f: {  	vm15 =	vgt.f32 v4, $0.0e+00;
	(erf) = vpow2.f32 v2;
	v1 =	vsel vm14, v1, v6  }
0x180: {  	v2 =	vsel vm15, v4, v5;
	v1 =	vmul.f32 $1.442695020e+00, v1;
	(erf) = vpow2.f32 v3  }
0x181: {  	v2 =	vmul.f32 $1.442695020e+00, v2  }
0x182: {  	(erf) = vpow2.f32 v1  }
0x183: {  	(erf) = vpow2.f32 v2;
	_ =	sdelay $0x3  }
0x184: {  	v1 =	vpop (erf)  }
0x185: {  	v2 =	vpop (erf)  }
0x186: {  	[tilespmem:$0x8A0] =	vst v1;
	v1 =	vpop (erf)  }
0x187: {  	[tilespmem:$0x8C0] =	vst v1;
	v1 =	vmov s10  }
0x188: {  	[tilespmem:$0x8B0] =	vst v2;
	v2 =	vpop (erf);
	v1 =	vadd.s32 $0xA0, v1  }
0x189: {  	[tilespmem:$0x8D0] =	vst v2;
	v2 =	vpop (erf);
	v1 =	vand.u32 $0xFFFFFFFE, v1  }
0x18a: {  	[tilespmem:$0x8E0] =	vst v2;
	v2 =	vbroadcast v1, $0x0;
	_ =	sdelay $0x2  }
0x18b: {  	s17 =	simm.s32 $0x100;
	s26 =	simm.s32 $0x8A0;
	s12 =	simm.s32 $0x5A70  }
0x18c: {  	[spmem:s11] =	stream.indirect.scatter.add.f32 [tilespmem:s26], [sflag:$0x13], $0x1, s17, s31, $0xb8;
	[tilespmem:$0x1E478] =	vst v63  }
0x18d: {  	v5 =	vld [tilespmem:s12+$0xFFFFFF80]  }
0x18e: {  	v6 =	vld.idx.msk [tilespmem:v2+s20+$0x0], $0xffff  }
0x18f: {  	v7 =	vld [tilespmem:s12+$0xFFFFFF10]  }
0x190: {  	v60 =	vld [tilespmem:s12+$0xFFFFFF30]  }
0x191: {  	v61 =	vld [tilespmem:s12+$0xFFFFFF40]  }
0x192: {  	v3 =	vld [tilespmem:s12+$0xFFFFFF60]  }
0x193: {  	v62 =	vld [tilespmem:s12+$0xFFFFFF70];
	v5 =	vmul.f32 v5, v6  }
0x194: {  	s29 =	simm.s32 $0x1;
	v4 =	vld [tilespmem:s12+$0xFFFFFF50];
	v7 =	vmul.f32 v7, v6  }
0x195: {  	v11 =	vld [tilespmem:s12+$0xFFFFFF20];
	v8 =	vmul.f32 v60, v6;
	[tilespmem:s12+$0xFFFFFF80] =	vst v5;
	v5 =	vmov s29  }
0x196: {  	v9 =	vmul.f32 v61, v6;
	[tilespmem:s12+$0xFFFFFF10] =	vst v7;
	v5 =	vadd.s32 $0xA0, v5  }
0x197: {  	v3 =	vmul.f32 v3, v6;
	[tilespmem:s12+$0xFFFFFF30] =	vst v8;
	v7 =	vbroadcast v5, $0x0  }
0x198: {  	v63 =	vmul.f32 v62, v6;
	[tilespmem:s12+$0xFFFFFF40] =	vst v9  }
0x199: {  	v1 =	vld [tilespmem:s12+$0xFFFFFF90];
	v4 =	vmul.f32 v4, v6;
	[tilespmem:s12+$0xFFFFFF60] =	vst v3  }
0x19a: {  	v2 =	vld [tilespmem:s12+$0xFFFFFFA0];
	[tilespmem:s12+$0xFFFFFF70] =	vst v63;
	v5 =	vmul.f32 v11, v6  }
0x19b: {  	v3 =	vld [tilespmem:s12+$0xFFFFFFF0];
	[tilespmem:s12+$0xFFFFFF50] =	vst v4  }
0x19c: {  	[tilespmem:s12+$0xFFFFFF20] =	vst v5;
	v5 =	vld [tilespmem:s12+$0xFFFFFFE0]  }
0x19d: {  	s2 =	simm.s32 $0x380;
	s10 =	simm.s32 $0x5A70;
	s26 =	simm.s32 $0x2;
	v4 =	vld.idx.msk [tilespmem:v7+s20+$0x0], $0xffff  }
.LBB2_11:
0x19e: {  	p1 =	slt.u32 s26, $0x4E  }
0x19f: {  	v6 =	vld [tilespmem:s12+$0xFFFFFFC0];
	s10 =	sadd.s32 $0x100, s10;
	s16 =	smov.u32 s26;
	s26 =	sadd.s32 $0x2, s26  }
0x1a0: {  	v7 =	vld [tilespmem:s12+$0xFFFFFFB0]  }
0x1a1: {  	v8 =	vld [tilespmem:s12+$0xFFFFFFD0]  }
0x1a2: {  	v9 =	vld [tilespmem:s12+$0x0];
	_ =	sdelay $0x1  }
0x1a3: {  	v1 =	vmul.f32 v1, v4;
	v2 =	vmul.f32 v2, v4  }
0x1a4: {  	v10 =	vmov s16;
	v6 =	vmul.f32 v6, v4;
	v7 =	vmul.f32 v7, v4  }
0x1a5: {  	v10 =	vadd.s32 $0xA0, v10;
	v5 =	vmul.f32 v5, v4;
	[tilespmem:s12+$0xFFFFFF90] =	vst v1;
	v8 =	vmul.f32 v8, v4  }
0x1a6: {  	v10 =	vand.u32 $0xFFFFFFFE, v10;
	v3 =	vmul.f32 v3, v4;
	v1 =	vld [tilespmem:s10+$0xFFFFFF90];
	[tilespmem:s12+$0xFFFFFFC0] =	vst v6;
	v4 =	vmul.f32 v9, v4  }
0x1a7: {  	v6 =	vbroadcast v10, $0x0;
	[tilespmem:s12+$0xFFFFFFD0] =	vst v8  }
0x1a8: {  	v8 =	vld [tilespmem:s10+$0xFFFFFF60];
	[tilespmem:s12+$0xFFFFFFE0] =	vst v5  }
0x1a9: {  	v5 =	vld [tilespmem:s10+$0xFFFFFF50];
	[tilespmem:s12+$0xFFFFFFB0] =	vst v7  }
0x1aa: {  	v7 =	vld [tilespmem:s10+$0xFFFFFF40];
	[tilespmem:s12+$0x0] =	vst v4  }
0x1ab: {  	v4 =	vld [tilespmem:s10+$0xFFFFFF70];
	[tilespmem:s12+$0xFFFFFFA0] =	vst v2  }
0x1ac: {  	v9 =	vld [tilespmem:s10+$0xFFFFFF80];
	[tilespmem:s12+$0xFFFFFFF0] =	vst v3;
	s12 =	smov.u32 s10  }
0x1ad: {  	v3 =	vld.idx.msk [tilespmem:v6+s20+$0x0], $0xffff  }
0x1ae: {  	v6 =	vld [tilespmem:s10+$0xFFFFFF10]  }
0x1af: {  	v10 =	vld [tilespmem:s10+$0xFFFFFF30]  }
0x1b0: {  	v11 =	vld [tilespmem:s10+$0xFFFFFF20]  }
0x1b1: {  	v2 =	vld [tilespmem:s10+$0xFFFFFFA0];
	_ =	sdelay $0x1  }
0x1b2: {  	v9 =	vmul.f32 v9, v3;
	v6 =	vmul.f32 v6, v3  }
0x1b3: {  	s16 =	sadd.s32 $0x1, s16;
	v4 =	vmul.f32 v4, v3;
	v10 =	vmul.f32 v10, v3  }
0x1b4: {  	v7 =	vmul.f32 v7, v3;
	v11 =	vmul.f32 v11, v3;
	[tilespmem:s10+$0xFFFFFF80] =	vst v9;
	v9 =	vmov s16  }
0x1b5: {  	v5 =	vmul.f32 v5, v3;
	v3 =	vmul.f32 v8, v3;
	[tilespmem:s10+$0xFFFFFF10] =	vst v6;
	v6 =	vadd.s32 $0xA0, v9  }
0x1b6: {  	[tilespmem:s10+$0xFFFFFF30] =	vst v10;
	v6 =	vbroadcast v6, $0x0  }
0x1b7: {  	[tilespmem:s10+$0xFFFFFF40] =	vst v7  }
.Ltmp5:
0x1b8: {  	[tilespmem:s10+$0xFFFFFF60] =	vst v3;
	(pc) =	sbr.rel @p1 .LBB2_11-.Ltmp5, $4  }
0x1b9: {  	[tilespmem:s10+$0xFFFFFF20] =	vst v11  }
0x1ba: {  	[tilespmem:s10+$0xFFFFFF70] =	vst v4;
	v3 =	vld [tilespmem:s10+$0xFFFFFFF0]  }
0x1bb: {  	[tilespmem:s10+$0xFFFFFF50] =	vst v5;
	v5 =	vld [tilespmem:s10+$0xFFFFFFE0]  }
0x1bc: {  	v4 =	vld.idx.msk [tilespmem:v6+s20+$0x0], $0xffff  }
0x1bd: {  	_ =	sdelay $0x2  }
0x1be: {  	v6 =	vld [tilespmem:s12+$0xFFFFFFC0]  }
0x1bf: {  	v7 =	vld [tilespmem:s12+$0xFFFFFFD0];
	v1 =	vmul.f32 v1, v4  }
0x1c0: {  	v8 =	vld [tilespmem:s12+$0xFFFFFFB0];
	v5 =	vmul.f32 v5, v4  }
0x1c1: {  	v9 =	vld [tilespmem:s12+$0x0];
	v2 =	vmul.f32 v2, v4;
	[tilespmem:s12+$0xFFFFFF90] =	vst v1  }
0x1c2: {  	v3 =	vmul.f32 v3, v4;
	[tilespmem:s12+$0xFFFFFFE0] =	vst v5  }
0x1c3: {  	v6 =	vmul.f32 v6, v4;
	[tilespmem:s12+$0xFFFFFFA0] =	vst v2  }
0x1c4: {  	v1 =	vmul.f32 v7, v4;
	[tilespmem:s12+$0xFFFFFFF0] =	vst v3  }
0x1c5: {  	[tilespmem:s12+$0xFFFFFFC0] =	vst v6;
	v6 =	vmul.f32 v8, v4  }
0x1c6: {  	[tilespmem:s12+$0xFFFFFFD0] =	vst v1;
	v1 =	vmul.f32 v9, v4  }
0x1c7: {  	[tilespmem:s12+$0xFFFFFFB0] =	vst v6  }
0x1c8: {  	s10 =	simm.s32 $0x100;
	s29 =	simm.s32 $0x5980;
	p1 =	seq.s32 s14, $0x1E;
	[tilespmem:s12+$0x0] =	vst v1  }
0x1c9: {  	[spmem:s3] =	stream.indirect.scatter.add.f32 [tilespmem:s29], [sflag:$0xF], $0x80, s10, s31, $0xb8;
	[tilespmem:$0x1E478] =	vst v63  }
0x1ca: {  	s10 =	simm.s32 @!p1 $0xE  }
0x1cb: {  	_ =	swait.ge @!p1 [sflag:s10], $0x2800  }
0x1cc: {  	[sflag:s10] =	ssyncset.done @!p1 $0x0  }
0x1cd: {  	s12 =	smin.u32 @!p1 s15, $0x77;
	[sflag:s10] =	ssyncadd.s32 @!p1 $0xFFFFD800;
	s10 =	simm.s32 @!p1 $0x12  }
0x1ce: {  	s12 =	smul.u32 @!p1 $0x50, s12;
	_ =	swait.ge @!p1 [sflag:s10], $0x50  }
0x1cf: {  	s15 =	rddreg [dreg:$0xc]  }
0x1d0: {  	[sflag:s10] =	ssyncset.done @!p1 $0x0;
	s12 =	sadd.s32 @!p1 s12, s15  }
0x1d1: {  	[sflag:s10] =	ssyncadd.s32 @!p1 $0xFFFFFFB0;
	s10 =	sshrl.u32 @!p1 s12, $0x3  }
0x1d2: {  	s16 =	simm.s32 @!p1 $0x80;
	s15 =	simm.s32 @!p1 $0x0;
	s12 =	sadd.s32 @!p1 s6, s10  }
0x1d3: {  	[tilespmem:s16], [sflag:$0x2] =	stream.linear.gather @!p1 [hbm4b:s12+s15], $0x50, $0x38;
	[tilespmem:$0x1E478] =	vst v63  }
0x1d4: {  	s10 =	sadd.s32 @!p1 s7, s10;
	s12 =	simm.s32 @!p1 $0x280  }
0x1d5: {  	[tilespmem:s12], [sflag:$0x2] =	stream.linear.gather @!p1 [hbm4b:s10+s15], $0x50, $0x38;
	[tilespmem:$0x1E478] =	vst v63  }
0x1d6: {  	_ =	swait.ge [sflag:s30], $0x50  }
0x1d7: {  	[sflag:s30] =	ssyncset.done $0x0  }
0x1d8: {  	[sflag:s30] =	ssyncadd.s32 $0xFFFFFFB0  }
0x1d9: {  	_ =	swait.ge [sflag:s30], $0x50  }
0x1da: {  	[sflag:s30] =	ssyncset.done $0x0  }
0x1db: {  	s10 =	simm.s32 $0x0;
	s15 =	simm.s32 $0x400;
	[sflag:s30] =	ssyncadd.s32 $0xFFFFFFB0  }
0x1dc: {  	[tilespmem:s15], [sflag:$0x5] =	stream.indirect.gather [hbm4b:s8+s31], $0x1, s10, s31, $0xb8;
	[tilespmem:$0x1E478] =	vst v63  }
0x1dd: {  	s26 =	simm.s32 $0x600;
	s16 =	simm.s32 $0x200  }
0x1de: {  	[tilespmem:s26], [sflag:$0x5] =	stream.indirect.gather [hbm4b:s9+s31], $0x1, s16, s31, $0xb8;
	[tilespmem:$0x1E478] =	vst v63  }
0x1df: {  	s29 =	rddreg [dreg:$0x1]  }
0x1e0: {  	[tilespmem:s24], [sflag:$0x9] =	stream.indirect.gather [hbm4b:s29+s31], $0x80, s16, s31, $0xb8;
	[tilespmem:$0x1E478] =	vst v63  }
0x1e1: {  	_ =	swait.ge [sflag:s22], $0x50  }
0x1e2: {  	[sflag:s22] =	ssyncset.done $0x0  }
0x1e3: {  	[sflag:s22] =	ssyncadd.s32 $0xFFFFFFB0  }
0x1e4: {  	_ =	swait.ge [sflag:s22], $0x50  }
0x1e5: {  	[sflag:s22] =	ssyncset.done $0x0  }
0x1e6: {  	s16 =	simm.s32 $0xC;
	[sflag:s22] =	ssyncadd.s32 $0xFFFFFFB0  }
0x1e7: {  	_ =	swait.ge [sflag:s16], $0x2800  }
0x1e8: {  	[sflag:s16] =	ssyncset.done $0x0  }
0x1e9: {  	[sflag:s16] =	ssyncadd.s32 $0xFFFFD800  }
0x1ea: {  	v1 =	vld [tilespmem:$0x580]  }
0x1eb: {  	v2 =	vld [tilespmem:$0x780];
	_ =	sdelay $0x1  }
0x1ec: {  	v3 =	vld [tilespmem:$0x590]  }
0x1ed: {  	v4 =	vld [tilespmem:$0x790]  }
0x1ee: {  	v5 =	vld [tilespmem:$0x5A0]  }
0x1ef: {  	v6 =	vld [tilespmem:$0x7A0];
	v1 =	vadd.f32 v2, v1  }
0x1f0: {  	v7 =	vld [tilespmem:$0x7B0]  }
0x1f1: {  	v59 =	vld [tilespmem:$0x5C0];
	v58 =	vmul.f32 $2.000000030e-01, v1  }
0x1f2: {  	v2 =	vld [tilespmem:$0x5B0];
	vm0 =	vgt.f32 v1, $0.0e+00  }
0x1f3: {  	v10 =	vld [tilespmem:$0x7C0];
	v3 =	vadd.f32 v4, v3;
	v1 =	vsel vm0, v1, v58  }
0x1f4: {  	v1 =	vmul.f32 $1.442695020e+00, v1  }
0x1f5: {  	v5 =	vadd.f32 v6, v5;
	v4 =	vmul.f32 $2.000000030e-01, v3  }
0x1f6: {  	vm12 =	vgt.f32 v3, $0.0e+00;
	(erf) = vpow2.f32 v1  }
0x1f7: {  	v1 =	vadd.f32 v7, v2;
	v2 =	vsel vm12, v3, v4;
	v3 =	vmul.f32 $2.000000030e-01, v5  }
0x1f8: {  	vm13 =	vgt.f32 v5, $0.0e+00;
	v4 =	vadd.f32 v10, v59  }
0x1f9: {  	v2 =	vmul.f32 $1.442695020e+00, v2;
	v6 =	vmul.f32 $2.000000030e-01, v1;
	v3 =	vsel vm13, v5, v3  }
0x1fa: {  	vm14 =	vgt.f32 v1, $0.0e+00;
	v5 =	vmul.f32 $2.000000030e-01, v4;
	v3 =	vmul.f32 $1.442695020e+00, v3  }
0x1fb: {  	vm15 =	vgt.f32 v4, $0.0e+00;
	(erf) = vpow2.f32 v2;
	v1 =	vsel vm14, v1, v6  }
0x1fc: {  	v2 =	vsel vm15, v4, v5;
	v1 =	vmul.f32 $1.442695020e+00, v1;
	(erf) = vpow2.f32 v3  }
0x1fd: {  	v2 =	vmul.f32 $1.442695020e+00, v2  }
0x1fe: {  	(erf) = vpow2.f32 v1  }
0x1ff: {  	(erf) = vpow2.f32 v2;
	_ =	sdelay $0x3  }
0x200: {  	v1 =	vpop (erf)  }
0x201: {  	v2 =	vpop (erf)  }
0x202: {  	[tilespmem:$0x8F0] =	vst v1;
	v1 =	vpop (erf)  }
0x203: {  	[tilespmem:$0x910] =	vst v1;
	v1 =	vmov s10  }
0x204: {  	[tilespmem:$0x900] =	vst v2;
	v2 =	vpop (erf);
	v1 =	vadd.s32 $0xF0, v1  }
0x205: {  	[tilespmem:$0x920] =	vst v2;
	v2 =	vpop (erf);
	v1 =	vand.u32 $0xFFFFFFFE, v1  }
0x206: {  	[tilespmem:$0x930] =	vst v2;
	v2 =	vbroadcast v1, $0x0;
	_ =	sdelay $0x2  }
0x207: {  	s12 =	simm.s32 $0x8270;
	s26 =	simm.s32 $0x8F0  }
0x208: {  	[spmem:s11] =	stream.indirect.scatter.add.f32 [tilespmem:s26], [sflag:$0x14], $0x1, s21, s31, $0xb8;
	[tilespmem:$0x1E478] =	vst v63  }
0x209: {  	v5 =	vld [tilespmem:s12+$0xFFFFFF80]  }
0x20a: {  	v6 =	vld.idx.msk [tilespmem:v2+s20+$0x0], $0xffff  }
0x20b: {  	v7 =	vld [tilespmem:s12+$0xFFFFFF10]  }
0x20c: {  	v60 =	vld [tilespmem:s12+$0xFFFFFF30]  }
0x20d: {  	v61 =	vld [tilespmem:s12+$0xFFFFFF40]  }
0x20e: {  	v3 =	vld [tilespmem:s12+$0xFFFFFF60]  }
0x20f: {  	v62 =	vld [tilespmem:s12+$0xFFFFFF70];
	v5 =	vmul.f32 v5, v6  }
0x210: {  	s29 =	simm.s32 $0x1;
	v4 =	vld [tilespmem:s12+$0xFFFFFF50];
	v7 =	vmul.f32 v7, v6  }
0x211: {  	v11 =	vld [tilespmem:s12+$0xFFFFFF20];
	v8 =	vmul.f32 v60, v6;
	[tilespmem:s12+$0xFFFFFF80] =	vst v5;
	v5 =	vmov s29  }
0x212: {  	v9 =	vmul.f32 v61, v6;
	[tilespmem:s12+$0xFFFFFF10] =	vst v7;
	v5 =	vadd.s32 $0xF0, v5  }
0x213: {  	v3 =	vmul.f32 v3, v6;
	[tilespmem:s12+$0xFFFFFF30] =	vst v8;
	v7 =	vbroadcast v5, $0x0  }
0x214: {  	v63 =	vmul.f32 v62, v6;
	[tilespmem:s12+$0xFFFFFF40] =	vst v9  }
0x215: {  	v1 =	vld [tilespmem:s12+$0xFFFFFF90];
	v4 =	vmul.f32 v4, v6;
	[tilespmem:s12+$0xFFFFFF60] =	vst v3  }
0x216: {  	v2 =	vld [tilespmem:s12+$0xFFFFFFA0];
	[tilespmem:s12+$0xFFFFFF70] =	vst v63;
	v5 =	vmul.f32 v11, v6  }
0x217: {  	v3 =	vld [tilespmem:s12+$0xFFFFFFF0];
	[tilespmem:s12+$0xFFFFFF50] =	vst v4  }
0x218: {  	[tilespmem:s12+$0xFFFFFF20] =	vst v5;
	v5 =	vld [tilespmem:s12+$0xFFFFFFE0]  }
0x219: {  	s17 =	simm.s32 $0x200;
	s15 =	simm.s32 $0x2;
	s10 =	simm.s32 $0x8270;
	v4 =	vld.idx.msk [tilespmem:v7+s20+$0x0], $0xffff  }
.LBB2_13:
0x21a: {  	p1 =	slt.u32 s15, $0x4E  }
0x21b: {  	v6 =	vld [tilespmem:s12+$0xFFFFFFC0];
	s10 =	sadd.s32 $0x100, s10;
	s16 =	smov.u32 s15;
	s15 =	sadd.s32 $0x2, s15  }
0x21c: {  	v7 =	vld [tilespmem:s12+$0xFFFFFFB0]  }
0x21d: {  	v8 =	vld [tilespmem:s12+$0xFFFFFFD0]  }
0x21e: {  	v9 =	vld [tilespmem:s12+$0x0];
	_ =	sdelay $0x1  }
0x21f: {  	v1 =	vmul.f32 v1, v4;
	v2 =	vmul.f32 v2, v4  }
0x220: {  	v10 =	vmov s16;
	v6 =	vmul.f32 v6, v4;
	v7 =	vmul.f32 v7, v4  }
0x221: {  	v10 =	vadd.s32 $0xF0, v10;
	v5 =	vmul.f32 v5, v4;
	[tilespmem:s12+$0xFFFFFF90] =	vst v1;
	v8 =	vmul.f32 v8, v4  }
0x222: {  	v10 =	vand.u32 $0xFFFFFFFE, v10;
	v3 =	vmul.f32 v3, v4;
	v1 =	vld [tilespmem:s10+$0xFFFFFF90];
	[tilespmem:s12+$0xFFFFFFC0] =	vst v6;
	v4 =	vmul.f32 v9, v4  }
0x223: {  	v6 =	vbroadcast v10, $0x0;
	[tilespmem:s12+$0xFFFFFFD0] =	vst v8  }
0x224: {  	v8 =	vld [tilespmem:s10+$0xFFFFFF60];
	[tilespmem:s12+$0xFFFFFFE0] =	vst v5  }
0x225: {  	v5 =	vld [tilespmem:s10+$0xFFFFFF50];
	[tilespmem:s12+$0xFFFFFFB0] =	vst v7  }
0x226: {  	v7 =	vld [tilespmem:s10+$0xFFFFFF40];
	[tilespmem:s12+$0x0] =	vst v4  }
0x227: {  	v4 =	vld [tilespmem:s10+$0xFFFFFF70];
	[tilespmem:s12+$0xFFFFFFA0] =	vst v2  }
0x228: {  	v9 =	vld [tilespmem:s10+$0xFFFFFF80];
	[tilespmem:s12+$0xFFFFFFF0] =	vst v3;
	s12 =	smov.u32 s10  }
0x229: {  	v3 =	vld.idx.msk [tilespmem:v6+s20+$0x0], $0xffff  }
0x22a: {  	v6 =	vld [tilespmem:s10+$0xFFFFFF10]  }
0x22b: {  	v10 =	vld [tilespmem:s10+$0xFFFFFF30]  }
0x22c: {  	v11 =	vld [tilespmem:s10+$0xFFFFFF20]  }
0x22d: {  	v2 =	vld [tilespmem:s10+$0xFFFFFFA0];
	_ =	sdelay $0x1  }
0x22e: {  	v9 =	vmul.f32 v9, v3;
	v6 =	vmul.f32 v6, v3  }
0x22f: {  	s16 =	sadd.s32 $0x1, s16;
	v4 =	vmul.f32 v4, v3;
	v10 =	vmul.f32 v10, v3  }
0x230: {  	v7 =	vmul.f32 v7, v3;
	v11 =	vmul.f32 v11, v3;
	[tilespmem:s10+$0xFFFFFF80] =	vst v9;
	v9 =	vmov s16  }
0x231: {  	v5 =	vmul.f32 v5, v3;
	v3 =	vmul.f32 v8, v3;
	[tilespmem:s10+$0xFFFFFF10] =	vst v6;
	v6 =	vadd.s32 $0xF0, v9  }
0x232: {  	[tilespmem:s10+$0xFFFFFF30] =	vst v10;
	v6 =	vbroadcast v6, $0x0  }
0x233: {  	[tilespmem:s10+$0xFFFFFF40] =	vst v7  }
.Ltmp6:
0x234: {  	[tilespmem:s10+$0xFFFFFF60] =	vst v3;
	(pc) =	sbr.rel @p1 .LBB2_13-.Ltmp6, $4  }
0x235: {  	[tilespmem:s10+$0xFFFFFF20] =	vst v11  }
0x236: {  	[tilespmem:s10+$0xFFFFFF70] =	vst v4;
	v3 =	vld [tilespmem:s10+$0xFFFFFFF0]  }
0x237: {  	[tilespmem:s10+$0xFFFFFF50] =	vst v5;
	v5 =	vld [tilespmem:s10+$0xFFFFFFE0]  }
0x238: {  	v4 =	vld.idx.msk [tilespmem:v6+s20+$0x0], $0xffff  }
0x239: {  	_ =	sdelay $0x2  }
0x23a: {  	v6 =	vld [tilespmem:s12+$0xFFFFFFC0]  }
0x23b: {  	v7 =	vld [tilespmem:s12+$0xFFFFFFD0];
	v1 =	vmul.f32 v1, v4  }
0x23c: {  	v8 =	vld [tilespmem:s12+$0xFFFFFFB0];
	v5 =	vmul.f32 v5, v4  }
0x23d: {  	v9 =	vld [tilespmem:s12+$0x0];
	v2 =	vmul.f32 v2, v4;
	[tilespmem:s12+$0xFFFFFF90] =	vst v1  }
0x23e: {  	v3 =	vmul.f32 v3, v4;
	[tilespmem:s12+$0xFFFFFFE0] =	vst v5  }
0x23f: {  	s14 =	sadd.s32 $0x1, s14;
	v6 =	vmul.f32 v6, v4;
	[tilespmem:s12+$0xFFFFFFA0] =	vst v2  }
0x240: {  	p1 =	sne.s32 s14, $0x1F;
	v1 =	vmul.f32 v7, v4;
	[tilespmem:s12+$0xFFFFFFF0] =	vst v3  }
.Ltmp7:
0x241: {  	v63 =	vmul.f32 v8, v4;
	[tilespmem:s12+$0xFFFFFFC0] =	vst v6;
	(pc) =	sbr.rel @p1 .LBB2_6-.Ltmp7, $4  }
0x242: {  	[tilespmem:s12+$0xFFFFFFD0] =	vst v1;
	v1 =	vmul.f32 v9, v4  }
0x243: {  	[tilespmem:s12+$0xFFFFFFB0] =	vst v63  }
0x244: {  	s10 =	simm.s32 $0x8180;
	[tilespmem:s12+$0x0] =	vst v1  }
0x245: {  	[spmem:s3] =	stream.indirect.scatter.add.f32 [tilespmem:s10], [sflag:$0x10], $0x80, s21, s31, $0xb8;
	[tilespmem:$0x1E478] =	vst v63  }
0x246: {  	_ =	swait.ge [sflag:s23], $0x50  }
0x247: {  	[sflag:s23] =	ssyncset.done $0x0  }
0x248: {  	[sflag:s23] =	ssyncadd.s32 $0xFFFFFFB0  }
0x249: {  	_ =	swait.ge [sflag:s23], $0x50  }
0x24a: {  	[sflag:s23] =	ssyncset.done $0x0  }
0x24b: {  	s10 =	simm.s32 $0x9;
	[sflag:s23] =	ssyncadd.s32 $0xFFFFFFB0  }
0x24c: {  	_ =	swait.ge [sflag:s10], $0x2800  }
0x24d: {  	[sflag:s10] =	ssyncset.done $0x0  }
0x24e: {  	[sflag:s10] =	ssyncadd.s32 $0xFFFFD800  }
0x24f: {  	v1 =	vld [tilespmem:$0x400]  }
0x250: {  	v2 =	vld [tilespmem:$0x600]  }
0x251: {  	v3 =	vld [tilespmem:$0x410]  }
0x252: {  	v4 =	vld [tilespmem:$0x610]  }
0x253: {  	v5 =	vld [tilespmem:$0x420]  }
0x254: {  	v6 =	vld [tilespmem:$0x620]  }
0x255: {  	v7 =	vld [tilespmem:$0x630];
	v1 =	vadd.f32 v2, v1  }
0x256: {  	v9 =	vld [tilespmem:$0x440]  }
0x257: {  	v2 =	vld [tilespmem:$0x430];
	v8 =	vmul.f32 $2.000000030e-01, v1  }
0x258: {  	v10 =	vld [tilespmem:$0x640];
	vm0 =	vgt.f32 v1, $0.0e+00  }
0x259: {  	v3 =	vadd.f32 v4, v3;
	v1 =	vsel vm0, v1, v8  }
0x25a: {  	v1 =	vmul.f32 $1.442695020e+00, v1  }
0x25b: {  	v5 =	vadd.f32 v6, v5;
	v4 =	vmul.f32 $2.000000030e-01, v3  }
0x25c: {  	vm12 =	vgt.f32 v3, $0.0e+00;
	(erf) = vpow2.f32 v1;
	v1 =	vadd.f32 v7, v2  }
0x25d: {  	v2 =	vsel vm12, v3, v4;
	v3 =	vmul.f32 $2.000000030e-01, v5;
	v4 =	vadd.f32 v10, v9  }
0x25e: {  	vm13 =	vgt.f32 v5, $0.0e+00;
	v2 =	vmul.f32 $1.442695020e+00, v2;
	v6 =	vmul.f32 $2.000000030e-01, v1  }
0x25f: {  	v3 =	vsel vm13, v5, v3;
	vm14 =	vgt.f32 v1, $0.0e+00;
	v5 =	vmul.f32 $2.000000030e-01, v4  }
0x260: {  	vm15 =	vgt.f32 v4, $0.0e+00;
	v3 =	vmul.f32 $1.442695020e+00, v3;
	v1 =	vsel vm14, v1, v6  }
0x261: {  	(erf) = vpow2.f32 v2;
	v2 =	vsel vm15, v4, v5;
	v1 =	vmul.f32 $1.442695020e+00, v1  }
0x262: {  	(erf) = vpow2.f32 v3;
	v2 =	vmul.f32 $1.442695020e+00, v2  }
0x263: {  	(erf) = vpow2.f32 v1  }
0x264: {  	(erf) = vpow2.f32 v2;
	_ =	sdelay $0x4  }
0x265: {  	v1 =	vpop (erf)  }
0x266: {  	[tilespmem:$0x800] =	vst v1;
	v2 =	vpop (erf)  }
0x267: {  	[tilespmem:$0x810] =	vst v2;
	v1 =	vpop (erf)  }
0x268: {  	s28 =	simm.s32 $0x0;
	[tilespmem:$0x820] =	vst v1;
	v2 =	vpop (erf)  }
0x269: {  	[tilespmem:$0x830] =	vst v2;
	v1 =	vpop (erf);
	v2 =	vmov s28  }
0x26a: {  	[tilespmem:$0x840] =	vst v1;
	v1 =	vand.u32 $0xFFFFFFFE, v2  }
0x26b: {  	v2 =	vbroadcast v1, $0x0;
	_ =	sdelay $0x2  }
0x26c: {  	s12 =	simm.s32 $0xA00  }
0x26d: {  	[spmem:s11] =	stream.indirect.scatter.add.f32 [tilespmem:s20], [sflag:$0x11], $0x1, s28, s31, $0xb8;
	[tilespmem:$0x1E478] =	vst v63  }
0x26e: {  	v5 =	vld [tilespmem:s12+$0xFFFFFFF0]  }
0x26f: {  	v6 =	vld.idx.msk [tilespmem:v2+s20+$0x0], $0xffff  }
0x270: {  	v7 =	vld [tilespmem:s12+$0xFFFFFF80]  }
0x271: {  	v61 =	vld [tilespmem:s12+$0xFFFFFFA0]  }
0x272: {  	v4 =	vld [tilespmem:s12+$0xFFFFFFB0]  }
0x273: {  	v3 =	vld [tilespmem:s12+$0xFFFFFFD0]  }
0x274: {  	v63 =	vld [tilespmem:s12+$0xFFFFFF90];
	v5 =	vmul.f32 v5, v6  }
0x275: {  	v62 =	vld [tilespmem:s12+$0xFFFFFFE0];
	v7 =	vmul.f32 v7, v6  }
0x276: {  	v11 =	vld [tilespmem:s12+$0xFFFFFFC0];
	v8 =	vmul.f32 v61, v6;
	[tilespmem:s12+$0xFFFFFFF0] =	vst v5  }
0x277: {  	v4 =	vmul.f32 v4, v6;
	[tilespmem:s12+$0xFFFFFF80] =	vst v7  }
0x278: {  	s29 =	simm.s32 $0x1;
	v3 =	vmul.f32 v3, v6;
	[tilespmem:s12+$0xFFFFFFA0] =	vst v8  }
0x279: {  	v5 =	vmul.f32 v63, v6;
	[tilespmem:s12+$0xFFFFFFB0] =	vst v4;
	v7 =	vmov s29  }
0x27a: {  	v1 =	vld [tilespmem:s12+$0x0];
	v4 =	vmul.f32 v62, v6;
	[tilespmem:s12+$0xFFFFFFD0] =	vst v3  }
0x27b: {  	v2 =	vld [tilespmem:s12+$0x10];
	v3 =	vmul.f32 v11, v6;
	[tilespmem:s12+$0xFFFFFF90] =	vst v5  }
0x27c: {  	[tilespmem:s12+$0xFFFFFFE0] =	vst v4;
	v5 =	vld [tilespmem:s12+$0x30]  }
0x27d: {  	[tilespmem:s12+$0xFFFFFFC0] =	vst v3;
	v4 =	vld [tilespmem:s12+$0x70]  }
0x27e: {  	s14 =	simm.s32 $0xA00;
	s10 =	simm.s32 $0x2;
	v3 =	vld.idx.msk [tilespmem:v7+s20+$0x0], $0xffff  }
.LBB2_16:
0x27f: {  	p1 =	slt.u32 s10, $0x4E  }
0x280: {  	v6 =	vld [tilespmem:s12+$0x20];
	s14 =	sadd.s32 $0x100, s14;
	s15 =	smov.u32 s10;
	s10 =	sadd.s32 $0x2, s10  }
0x281: {  	v7 =	vld [tilespmem:s12+$0x40]  }
0x282: {  	v8 =	vld [tilespmem:s12+$0x50]  }
0x283: {  	v9 =	vld [tilespmem:s12+$0x60];
	_ =	sdelay $0x1  }
0x284: {  	v1 =	vmul.f32 v1, v3;
	v2 =	vmul.f32 v2, v3  }
0x285: {  	v5 =	vmul.f32 v5, v3;
	v6 =	vmul.f32 v6, v3  }
0x286: {  	v10 =	vmov s15;
	v7 =	vmul.f32 v7, v3;
	[tilespmem:s12+$0x0] =	vst v1;
	v8 =	vmul.f32 v8, v3  }
0x287: {  	v10 =	vand.u32 $0xFFFFFFFE, v10;
	v1 =	vld [tilespmem:s14+$0x0];
	[tilespmem:s12+$0x30] =	vst v5;
	v5 =	vmul.f32 v9, v3;
	v3 =	vmul.f32 v4, v3  }
0x288: {  	v4 =	vbroadcast v10, $0x0;
	[tilespmem:s12+$0x10] =	vst v2  }
0x289: {  	[tilespmem:s12+$0x70] =	vst v3  }
0x28a: {  	v3 =	vld [tilespmem:s14+$0xFFFFFFD0];
	[tilespmem:s12+$0x20] =	vst v6  }
0x28b: {  	v6 =	vld [tilespmem:s14+$0xFFFFFFB0];
	[tilespmem:s12+$0x60] =	vst v5  }
0x28c: {  	v5 =	vld [tilespmem:s14+$0xFFFFFFE0];
	[tilespmem:s12+$0x40] =	vst v7  }
0x28d: {  	v7 =	vld [tilespmem:s14+$0xFFFFFFF0];
	[tilespmem:s12+$0x50] =	vst v8;
	s12 =	smov.u32 s14  }
0x28e: {  	v4 =	vld.idx.msk [tilespmem:v4+s20+$0x0], $0xffff  }
0x28f: {  	v8 =	vld [tilespmem:s14+$0xFFFFFF80]  }
0x290: {  	v9 =	vld [tilespmem:s14+$0xFFFFFFA0]  }
0x291: {  	v10 =	vld [tilespmem:s14+$0xFFFFFF90]  }
0x292: {  	v11 =	vld [tilespmem:s14+$0xFFFFFFC0]  }
0x293: {  	v2 =	vld [tilespmem:s14+$0x10]  }
0x294: {  	v7 =	vmul.f32 v7, v4;
	v8 =	vmul.f32 v8, v4  }
0x295: {  	v5 =	vmul.f32 v5, v4;
	v9 =	vmul.f32 v9, v4  }
0x296: {  	v6 =	vmul.f32 v6, v4;
	v10 =	vmul.f32 v10, v4;
	[tilespmem:s14+$0xFFFFFFF0] =	vst v7  }
0x297: {  	v3 =	vmul.f32 v3, v4;
	[tilespmem:s14+$0xFFFFFF80] =	vst v8;
	v7 =	vmul.f32 v11, v4  }
0x298: {  	s15 =	sadd.s32 $0x1, s15;
	[tilespmem:s14+$0xFFFFFFA0] =	vst v9  }
0x299: {  	[tilespmem:s14+$0xFFFFFFB0] =	vst v6;
	v6 =	vmov s15  }
.Ltmp8:
0x29a: {  	[tilespmem:s14+$0xFFFFFFD0] =	vst v3;
	(pc) =	sbr.rel @p1 .LBB2_16-.Ltmp8, $4  }
0x29b: {  	[tilespmem:s14+$0xFFFFFF90] =	vst v10  }
0x29c: {  	[tilespmem:s14+$0xFFFFFFE0] =	vst v5;
	v5 =	vld [tilespmem:s14+$0x30]  }
0x29d: {  	[tilespmem:s14+$0xFFFFFFC0] =	vst v7;
	v4 =	vld [tilespmem:s14+$0x70]  }
0x29e: {  	v3 =	vld.idx.msk [tilespmem:v6+s20+$0x0], $0xffff  }
0x29f: {  	_ =	sdelay $0x1  }
0x2a0: {  	v6 =	vld [tilespmem:s12+$0x20];
	_ =	sdelay $0x1  }
0x2a1: {  	v7 =	vld [tilespmem:s12+$0x60];
	v1 =	vmul.f32 v1, v3  }
0x2a2: {  	v8 =	vld [tilespmem:s12+$0x40];
	v5 =	vmul.f32 v5, v3  }
0x2a3: {  	v9 =	vld [tilespmem:s12+$0x50];
	v2 =	vmul.f32 v2, v3;
	[tilespmem:s12+$0x0] =	vst v1  }
0x2a4: {  	v63 =	vmul.f32 v6, v3;
	[tilespmem:s12+$0x30] =	vst v5  }
0x2a5: {  	v1 =	vmul.f32 v4, v3;
	[tilespmem:s12+$0x10] =	vst v2  }
0x2a6: {  	v2 =	vmul.f32 v7, v3;
	[tilespmem:s12+$0x20] =	vst v63  }
0x2a7: {  	[tilespmem:s12+$0x70] =	vst v1;
	v1 =	vmul.f32 v8, v3  }
0x2a8: {  	v3 =	vmul.f32 v9, v3;
	[tilespmem:s12+$0x60] =	vst v2  }
0x2a9: {  	[tilespmem:s12+$0x40] =	vst v1  }
0x2aa: {  	s10 =	simm.s32 $0xD;
	[tilespmem:s12+$0x50] =	vst v3  }
0x2ab: {  	[spmem:s3] =	stream.indirect.scatter.add.f32 [tilespmem:s24], [sflag:$0xD], $0x80, s5, s31, $0xb8;
	[tilespmem:$0x1E478] =	vst v63  }
0x2ac: {  	_ =	swait.ge [sflag:s10], $0x2800  }
0x2ad: {  	[sflag:s10] =	ssyncset.done $0x0  }
0x2ae: {  	s29 =	simm.s32 $0x11;
	[sflag:s10] =	ssyncadd.s32 $0xFFFFD800  }
0x2af: {  	_ =	swait.ge [sflag:s29], $0x50  }
0x2b0: {  	[sflag:s29] =	ssyncset.done $0x0  }
0x2b1: {  	s12 =	simm.s32 $0xE;
	[sflag:s29] =	ssyncadd.s32 $0xFFFFFFB0  }
0x2b2: {  	_ =	swait.ge [sflag:s12], $0x2800  }
0x2b3: {  	[sflag:s12] =	ssyncset.done $0x0  }
0x2b4: {  	s14 =	simm.s32 $0x12;
	[sflag:s12] =	ssyncadd.s32 $0xFFFFD800  }
0x2b5: {  	_ =	swait.ge [sflag:s14], $0x50  }
0x2b6: {  	[sflag:s14] =	ssyncset.done $0x0  }
0x2b7: {  	s15 =	simm.s32 $0xF;
	[sflag:s14] =	ssyncadd.s32 $0xFFFFFFB0  }
0x2b8: {  	_ =	swait.ge [sflag:s15], $0x2800  }
0x2b9: {  	[sflag:s15] =	ssyncset.done $0x0  }
0x2ba: {  	s16 =	simm.s32 $0x13;
	[sflag:s15] =	ssyncadd.s32 $0xFFFFD800  }
0x2bb: {  	_ =	swait.ge [sflag:s16], $0x50  }
0x2bc: {  	[sflag:s16] =	ssyncset.done $0x0  }
0x2bd: {  	s17 =	simm.s32 $0x10;
	[sflag:s16] =	ssyncadd.s32 $0xFFFFFFB0  }
0x2be: {  	_ =	swait.ge [sflag:s17], $0x2800  }
0x2bf: {  	[sflag:s17] =	ssyncset.done $0x0  }
0x2c0: {  	s26 =	simm.s32 $0x14;
	[sflag:s17] =	ssyncadd.s32 $0xFFFFD800  }
0x2c1: {  	_ =	swait.ge [sflag:s26], $0x50  }
0x2c2: {  	[sflag:s26] =	ssyncset.done $0x0  }
.Ltmp9:
0x2c3: {  	[sflag:s26] =	ssyncadd.s32 $0xFFFFFFB0;
	(pc) =	sbr.rel @!p0 .LBB2_18-.Ltmp9, $4  }
0x2c4: {  	[bflag:$0x0] =	sbarrier.arrive $0xFFFF  }
0x2c5: {  	s29 =	stileid.u32;
	s15 =	rddreg [dreg:$0xf]  }
0x2c6: {  	p1 =	por $0x0, $0x0;
	s10 =	sshll.u32 s29, $0x6;
	s17 =	rddreg [dreg:$0x5]  }
0x2c7: {  	s14 =	sshrl.u32 s15, $0x3;
	s12 =	sadd.s32 $0xFFFFFFFF, s17;
	s28 =	sadd.s32 $0x2800, s15  }
0x2c8: {  	s15 =	sor.u32 $0x1C15, s10;
	s17 =	rddreg [dreg:$0x11]  }
0x2c9: {  	[hbm:s17], [sflag:s15] =	dma.local [spmem:s14], $0x500  }
0x2ca: {  	_ =	swait.ge [sflag:s25], $0x500  }
0x2cb: {  	[sflag:s25] =	ssyncset.done $0x0  }
0x2cc: {  	s16 =	rddreg [dreg:$0x10];
	[sflag:s25] =	ssyncadd.s32 $0xFFFFFB00  }
0x2cd: {  	[tilespmem:s20], [sflag:$0x15] =	stream.linear.gather [spmem:s16], $0x50, $0x38;
	[tilespmem:$0x1E478] =	vst v63  }
0x2ce: {  	p0 =	sne.s32 s12, $0x1;
	s26 =	sadd.s32 $0xFFFFFFFF, s12;
	_ =	swait.ge [sflag:s25], $0x50  }
.Ltmp10:
0x2cf: {  	p1 =	por $0x1, $0x1;
	[sflag:s25] =	ssyncset.done $0x0;
	(pc) =	sbr.rel @!p0 .LBB2_20-.Ltmp10, $4  }
0x2d0: {  	s14 =	sshrl.u32 s28, $0x3;
	s29 =	rddreg [dreg:$0x12];
	[sflag:s25] =	ssyncadd.s32 $0xFFFFFFB0  }
0x2d1: {  	[hbm4b:s29+s5] =	stream.linear.scatter [tilespmem:s20], [sflag:$0x15], $0x50, $0x38;
	[tilespmem:$0x1E478] =	vst v63  }
0x2d2: {  	s15 =	sadd.s32 $0x500, s17;
	s28 =	sadd.s32 $0x2800, s28;
	_ =	swait.ge [sflag:s25], $0x50  }
0x2d3: {  	s16 =	sadd.s32 $0x50, s16;
	s12 =	sadd.s32 $0xA, s29;
	[sflag:s25] =	ssyncset.done $0x0  }
.LBB2_21:
0x2d4: {  	s29 =	sshrl.u32 s28, $0x3;
	s17 =	sor.u32 $0x1C15, s10;
	[sflag:s25] =	ssyncadd.s32 $0xFFFFFFB0  }
0x2d5: {  	[hbm:s15], [sflag:s17] =	dma.local [spmem:s14], $0x500  }
0x2d6: {  	p0 =	sne.s32 s26, $0x1;
	s26 =	sadd.s32 $0xFFFFFFFF, s26;
	_ =	swait.ge [sflag:s25], $0x500  }
0x2d7: {  	s14 =	smov.u32 s29;
	s17 =	smov.u32 s12;
	[sflag:s25] =	ssyncset.done $0x0  }
0x2d8: {  	[sflag:s25] =	ssyncadd.s32 $0xFFFFFB00  }
0x2d9: {  	[tilespmem:s20], [sflag:$0x15] =	stream.linear.gather [spmem:s16], $0x50, $0x38;
	[tilespmem:$0x1E478] =	vst v63  }
0x2da: {  	_ =	swait.ge [sflag:s25], $0x50  }
.Ltmp11:
0x2db: {  	[sflag:s25] =	ssyncset.done $0x0;
	(pc) =	sbr.rel @p0 .LBB2_21-.Ltmp11, $4  }
0x2dc: {  	s12 =	sadd.s32 $0xA, s12;
	[sflag:s25] =	ssyncadd.s32 $0xFFFFFFB0  }
0x2dd: {  	[hbm4b:s17+s5] =	stream.linear.scatter [tilespmem:s20], [sflag:$0x15], $0x50, $0x38;
	[tilespmem:$0x1E478] =	vst v63  }
0x2de: {  	s15 =	sadd.s32 $0x500, s15;
	s16 =	sadd.s32 $0x50, s16;
	_ =	swait.ge [sflag:s25], $0x50  }
0x2df: {  	s28 =	sadd.s32 $0x2800, s28;
	[sflag:s25] =	ssyncset.done $0x0  }
0x2e0: {  	s17 =	rddreg [dreg:$0x5]  }
0x2e1: {  	s26 =	rddreg [dreg:$0x13]  }
.LBB2_23:
0x2e2: {  	s10 =	sor.u32 $0x1C15, s10;
	[sflag:s25] =	ssyncadd.s32 @p1 $0xFFFFFFB0  }
0x2e3: {  	[hbm:s15], [sflag:s10] =	dma.local [spmem:s14], $0x500  }
0x2e4: {  	_ =	swait.ge [sflag:s25], $0x500  }
0x2e5: {  	[sflag:s25] =	ssyncset.done $0x0  }
0x2e6: {  	[sflag:s25] =	ssyncadd.s32 $0xFFFFFB00  }
0x2e7: {  	[tilespmem:s20], [sflag:$0x15] =	stream.linear.gather [spmem:s16], $0x50, $0x38;
	[tilespmem:$0x1E478] =	vst v63  }
0x2e8: {  	_ =	swait.ge [sflag:s25], $0x50  }
0x2e9: {  	[sflag:s25] =	ssyncset.done $0x0  }
0x2ea: {  	[sflag:s25] =	ssyncadd.s32 $0xFFFFFFB0  }
0x2eb: {  	[hbm4b:s12+s5] =	stream.linear.scatter [tilespmem:s20], [sflag:$0x15], $0x50, $0x38;
	[tilespmem:$0x1E478] =	vst v63  }
0x2ec: {  	_ =	swait.ge [sflag:s25], $0x50  }
0x2ed: {  	s26 =	sadd.s32 $0x1, s26;
	s29 =	rddreg [dreg:$0xd]  }
0x2ee: {  	p0 =	sne.s32 s26, s29  }
.Ltmp12:
0x2ef: {  	_ = 	snop;
	(pc) =	sbr.rel @p0 .LBB2_1-.Ltmp12, $4  }
.Ltmp13:
0x2f0: {  	_ = 	snop;
	(pc) =	sbr.rel @!p0 .LBB2_24-.Ltmp13, $4  }
0x2f1: {  	_ = 	snop  }
0x2f2: {  	[sflag:s25] =	ssyncset.done $0x0  }
0x2f3: {  	[sflag:s25] =	ssyncadd.s32 $0xFFFFFFB0  }
0x2f4: {  	_ = 	snop  }
.LBB2_18:
.Ltmp14:
0x2f5: {  	(pc) =	sbr.rel .LBB2_23-.Ltmp14, $4  }
0x2f6: {  	s15 =	rddreg [dreg:$0x11]  }
0x2f7: {  	s12 =	rddreg [dreg:$0x12]  }
0x2f8: {  	s16 =	rddreg [dreg:$0x10]  }
0x2f9: {  	s26 =	rddreg [dreg:$0x13]  }
.LBB2_20:
.Ltmp15:
0x2fa: {  	(pc) =	sbr.rel .LBB2_23-.Ltmp15, $3  }
0x2fb: {  	_ =	sdelay $0x1  }
0x2fc: {  	s17 =	rddreg [dreg:$0x5]  }
0x2fd: {  	s26 =	rddreg [dreg:$0x13]  }
.LBB2_24:
0x2fe: {  	_ =	sfence.sel $0x180000  }
0x2ff: {  	[bflag:$0x0] =	sbarrier.arrive $0xFFFF  }
0x300: {  	_ =	strace $0x90000047  }
0x301: {  	s0 =	stileid.u32;
	[bflag:$0x2] =	sbarrier.arrive $0xFFFF  }
0x302: {  	p0 =	sne.s32 s0, $0x0;
	s0 =	rddreg [dreg:$0x4]  }
0x303: {  	s0 =	sadd.s32 @!p0 $0x100000, s0  }
0x304: {  	[sflag:s0] =	ssyncadd.tile.s32 @!p0 $0x1;
	_ =	shalt  }
.Lfunc_end2:
_tile_overlayer_lowered:
.L_overlay_start_2:
0x305: {  	(tag) =	ssettag $0x2  }
0x306: {  	s0 =	rddreg [dreg:$0x0];
	s2 =	stileid.u32  }
0x307: {  	s1 =	rddreg [dreg:$0x1];
	p0 =	sne.s32 s2, $0x0  }
0x308: {  	s3 =	rddreg [dreg:$0x2];
	[bflag:$0x3] =	sbarrier.arrive $0xFFFF;
	s2 =	simm.s32 @!p0 $0x1C15  }
0x309: {  	[timem:s3], [sflag:s2] =	dma.local @!p0 [hbm:s0], s1  }
0x30a: {  	s0 =	simm.s32 @!p0 $0x15  }
0x30b: {  	_ =	swait.ge @!p0 [sflag:s0], s1  }
0x30c: {  	s1 =	ssub.s32 @!p0 $0x0, s1;
	[sflag:s0] =	ssyncset.done @!p0 $0x0  }
0x30d: {  	[sflag:s0] =	ssyncadd.s32 @!p0 s1  }
0x30e: {  	[bflag:$0x3] =	sbarrier.arrive $0xFFFF  }
0x30f: {  	_ =	shalt  }

</sc_bundles>
